<compile_context>
chip_gen: v7x
topology: tpu7x:2x2x1
jax: 0.10.2.dev20260603
libtpu: 0.0.44.dev20260713+nightly
codegen_flags: <defaults>
</compile_context>

<pallas_src>
import functools

import jax
import jax.numpy as jnp
from jax import lax
from jax.experimental import pallas as pl
from jax.experimental.pallas import tpu as pltpu
from jax.experimental.pallas import tpu_sc as plsc

N = 10000
E = 320000
D = 128
T = 4
STEPS = 6
G = 128

NTILES = 32
NPAD = 10240
ROWS_PER_TILE = NPAD // 16
E_PAD = 327680
CHUNK = 64
NCHTOT = E_PAD // CHUNK
NCH_H = 280
NCH_L = 40
HEAVY_CORE = 0
SUPER = 40

_HIGH = jax.lax.Precision.HIGHEST




def _sc_body(ht_hbm, gix_hbm, dix_hbm, zz_hbm, m2_hbm, gv, dv, rv0, rv1,
             msh, sem0, sem1):
    c = lax.axis_index("c")
    s = lax.axis_index("s")
    pltpu.sync_copy(zz_hbm, rv0)

    def zstep(i, carry):
        pltpu.sync_copy(rv0, msh.at[pl.ds(s * ROWS_PER_TILE + i * CHUNK, CHUNK)])
        return carry

    lax.fori_loop(0, ROWS_PER_TILE // CHUNK, zstep, 0)
    plsc.subcore_barrier()

    heavy = c == HEAVY_CORE
    nsup = jnp.where(heavy, NCH_H // SUPER, NCH_L // SUPER)
    base = jnp.where(heavy, s * NCH_H, 16 * NCH_H + s * NCH_L)

    def super_step(u, carry):
        row0 = base + u * SUPER
        pltpu.sync_copy(gix_hbm.at[pl.ds(row0, SUPER)], gv)
        pltpu.sync_copy(dix_hbm.at[pl.ds(row0, SUPER)], dv)
        pltpu.async_copy(ht_hbm.at[gv.at[0]], rv0, sem0)

        def step(k, carry2):
            j0 = 2 * k
            j1 = 2 * k + 1
            pltpu.make_async_copy(ht_hbm.at[gv.at[j0]], rv0, sem0).wait()
            pltpu.async_copy(ht_hbm.at[gv.at[j1]], rv1, sem1)
            pltpu.sync_copy(rv0, msh.at[dv.at[j0]], add=True)
            pltpu.make_async_copy(ht_hbm.at[gv.at[j1]], rv1, sem1).wait()

            @pl.when(k < SUPER // 2 - 1)
            def _():
                pltpu.async_copy(ht_hbm.at[gv.at[j0 + 2]], rv0, sem0)

            pltpu.sync_copy(rv1, msh.at[dv.at[j1]], add=True)
            return carry2

        lax.fori_loop(0, SUPER // 2, step, 0)
        return carry

    lax.fori_loop(0, nsup, super_step, 0)
    plsc.subcore_barrier()
    pltpu.sync_copy(
        msh.at[pl.ds(s * ROWS_PER_TILE, ROWS_PER_TILE)],
        m2_hbm.at[c, pl.ds(s * ROWS_PER_TILE, ROWS_PER_TILE)],
    )


@functools.cache
def _get_sc_scatter():
    mesh = plsc.VectorSubcoreMesh(core_axis_name="c", subcore_axis_name="s")
    return pl.kernel(
        _sc_body,
        out_type=jax.ShapeDtypeStruct((2, NPAD, D), jnp.float32),
        mesh=mesh,
        scratch_types=[
            pltpu.VMEM((SUPER, CHUNK), jnp.int32),
            pltpu.VMEM((SUPER, CHUNK), jnp.int32),
            pltpu.VMEM((CHUNK, D), jnp.float32),
            pltpu.VMEM((CHUNK, D), jnp.float32),
            pltpu.VMEM_SHARED((NPAD, D), jnp.float32),
            pltpu.SemaphoreType.DMA,
            pltpu.SemaphoreType.DMA,
        ],
    )



BN = 1024


def _tc_body(with_gru, with_ht, *refs):
    if with_gru:
        m2_ref, h_ref, wih_ref, whh_ref, bih_ref, bhh_ref = refs[:6]
        refs = refs[6:]
    else:
        h_ref = refs[0]
        refs = refs[1:]
    if with_ht:
        we_ref = refs[0]
        refs = refs[1:]
    h = h_ref[...]
    if with_gru:
        m = m2_ref[0] + m2_ref[1]
        gx = jnp.dot(m, wih_ref[...],
                     preferred_element_type=jnp.float32) + bih_ref[...]
        gh = jnp.dot(h, whh_ref[...],
                     preferred_element_type=jnp.float32) + bhh_ref[...]
        r = jax.nn.sigmoid(gx[:, :D] + gh[:, :D])
        z = jax.nn.sigmoid(gx[:, D:2 * D] + gh[:, D:2 * D])
        n = jnp.tanh(gx[:, 2 * D:] + r * gh[:, 2 * D:])
        h = (1.0 - z) * n + z * h
        hout_ref = refs[0]
        refs = refs[1:]
        hout_ref[...] = h
    if with_ht:
        htout_ref = refs[0]
        for e in range(T):
            htout_ref[e] = jnp.dot(h, we_ref[e],
                                   preferred_element_type=jnp.float32)


def _make_tc_step(with_gru, with_ht):
    grid = (NPAD // BN,)
    in_specs = []
    if with_gru:
        in_specs += [
            pl.BlockSpec((2, BN, D), lambda i: (0, i, 0)),
            pl.BlockSpec((BN, D), lambda i: (i, 0)),
            pl.BlockSpec((D, 3 * D), lambda i: (0, 0)),
            pl.BlockSpec((D, 3 * D), lambda i: (0, 0)),
            pl.BlockSpec((1, 3 * D), lambda i: (0, 0)),
            pl.BlockSpec((1, 3 * D), lambda i: (0, 0)),
        ]
    else:
        in_specs += [pl.BlockSpec((BN, D), lambda i: (i, 0))]
    if with_ht:
        in_specs += [pl.BlockSpec((T, D, D), lambda i: (0, 0, 0))]
    out_specs = []
    out_shapes = []
    if with_gru:
        out_specs.append(pl.BlockSpec((BN, D), lambda i: (i, 0)))
        out_shapes.append(jax.ShapeDtypeStruct((NPAD, D), jnp.float32))
    if with_ht:
        out_specs.append(pl.BlockSpec((T, BN, D), lambda i: (0, i, 0)))
        out_shapes.append(jax.ShapeDtypeStruct((T, NPAD, D), jnp.float32))
    if len(out_shapes) == 1:
        out_specs, out_shapes = out_specs[0], out_shapes[0]
    return pl.pallas_call(
        functools.partial(_tc_body, with_gru, with_ht),
        grid=grid,
        in_specs=in_specs,
        out_specs=out_specs,
        out_shape=out_shapes,
    )


_tc_ht0 = _make_tc_step(False, True)
_tc_gru_ht = _make_tc_step(True, True)
_tc_gru = _make_tc_step(True, False)

BNR = 640


def _readout_body(gid_ref, h_ref, out_ref):
    i = pl.program_id(0)
    ids = gid_ref[0]
    iot = lax.broadcasted_iota(jnp.int32, (G, BNR), 0)
    oh = (iot == ids).astype(jnp.float32)
    contrib = lax.dot_general(oh, h_ref[...], (((1,), (0,)), ((), ())),
                              precision=_HIGH,
                              preferred_element_type=jnp.float32)

    @pl.when(i == 0)
    def _():
        out_ref[...] = contrib

    @pl.when(i != 0)
    def _():
        out_ref[...] += contrib


_tc_readout = pl.pallas_call(
    _readout_body,
    grid=(NPAD // BNR,),
    in_specs=[
        pl.BlockSpec((1, 1, BNR), lambda i: (i, 0, 0)),
        pl.BlockSpec((BNR, D), lambda i: (i, 0)),
    ],
    out_specs=pl.BlockSpec((G, D), lambda i: (0, 0)),
    out_shape=jax.ShapeDtypeStruct((G, D), jnp.float32),
)



def kernel(features, edge_index, edge_types, graph_ids, W_edge, W_ih, W_hh, b_ih, b_hh):
    src = edge_index[0]
    dst = edge_index[1]
    pad_e = E_PAD - E
    gidx = edge_types * NPAD + src
    gidx = jnp.concatenate([gidx, jnp.full((pad_e,), N, jnp.int32)])
    didx = jnp.concatenate([dst, jnp.full((pad_e,), N, jnp.int32)])
    gidx3 = gidx.reshape(NCHTOT, CHUNK)
    didx3 = didx.reshape(NCHTOT, CHUNK)

    h = jnp.zeros((NPAD, D), jnp.float32).at[:N].set(features)
    zblk = jnp.zeros((CHUNK, D), jnp.float32)
    b_ih2 = b_ih.reshape(1, 3 * D)
    b_hh2 = b_hh.reshape(1, 3 * D)
    gid3 = (jnp.full((NPAD,), -1, jnp.int32).at[:N].set(graph_ids)
            .reshape(NPAD // BNR, 1, BNR))

    sc_scatter = _get_sc_scatter()
    ht = _tc_ht0(h, W_edge)
    for step in range(STEPS):
        m2 = sc_scatter(ht.reshape(T * NPAD, D), gidx3, didx3, zblk)
        if step < STEPS - 1:
            h, ht = _tc_gru_ht(m2, h, W_ih, W_hh, b_ih2, b_hh2, W_edge)
        else:
            h = _tc_gru(m2, h, W_ih, W_hh, b_ih2, b_hh2)
    return _tc_readout(gid3, h)

# --- scband reference (transcript-rebuilt; emitter-appended) ---
"""Pipeline reference for scband-ggnnsum-mlp-25099788878037 (READ-ONLY COPY).

The authoritative reference and input builder live on the scoring server;
editing this copy changes nothing except your own understanding.
"""

import jax, jax.numpy as jnp
import numpy as np

N = 10000
E = 320000
D = 128
NUM_ETYPES = 4
NUM_STEPS = 6
NUM_GRAPHS = 128


def setup_inputs(seed: int = 0) -> dict:
    key = jax.random.key(seed)
    ks = jax.random.split(key, 10)
    features = jax.random.normal(ks[0], (N, D), dtype=jnp.float32)
    edge_index = jax.random.randint(ks[1], (2, E), 0, N).astype(jnp.int32)
    edge_types = jax.random.randint(ks[2], (E,), 0, NUM_ETYPES).astype(jnp.int32)
    graph_ids = jnp.sort(jax.random.randint(ks[3], (N,), 0, NUM_GRAPHS)).astype(jnp.int32)
    scale = 1.0 / np.sqrt(D)
    W_edge = jax.random.normal(ks[4], (NUM_ETYPES, D, D), dtype=jnp.float32) * scale
    W_ih = jax.random.normal(ks[5], (D, 3 * D), dtype=jnp.float32) * scale
    W_hh = jax.random.normal(ks[6], (D, 3 * D), dtype=jnp.float32) * scale
    b_ih = jax.random.normal(ks[7], (3 * D,), dtype=jnp.float32) * 0.01
    b_hh = jax.random.normal(ks[8], (3 * D,), dtype=jnp.float32) * 0.01
    return {
        "features": features,
        "edge_index": edge_index,
        "edge_types": edge_types,
        "graph_ids": graph_ids,
        "W_edge": W_edge,
        "W_ih": W_ih,
        "W_hh": W_hh,
        "b_ih": b_ih,
        "b_hh": b_hh,
    }


def reference(features, edge_index, edge_types, graph_ids, W_edge, W_ih, W_hh, b_ih, b_hh):
    # GatedGraphConv (GGNN) with per-edge-type message weights + GRU update,
    # followed by per-graph sum readout (h_i.sum(dim=1) after de-batchify).
    src = edge_index[0]
    dst = edge_index[1]
    h = features  # inp_dim == out_dim, no padding needed
    for _ in range(NUM_STEPS):
        h_src = jnp.take(h, src, axis=0)  # gather [E, D]
        m = jnp.zeros_like(h)
        for e in range(NUM_ETYPES):
            msg = h_src @ W_edge[e]  # [E, D]
            msg = jnp.where((edge_types == e)[:, None], msg, 0.0)
            m = m.at[dst].add(msg)  # scatter-add by destination node
        gx = m @ W_ih + b_ih
        gh = h @ W_hh + b_hh
        xr, xz, xn = jnp.split(gx, 3, axis=1)
        hr, hz, hn = jnp.split(gh, 3, axis=1)
        r = jax.nn.sigmoid(xr + hr)
        z = jax.nn.sigmoid(xz + hz)
        n = jnp.tanh(xn + r * hn)
        h = (1.0 - z) * n + z * h
    # graph-level sum readout == segment_sum of node states by graph id
    out = jax.ops.segment_sum(h, graph_ids, num_segments=NUM_GRAPHS)
    return out

if __name__ == "__main__":
    import jax
    _d = setup_inputs()
    print(jax.jit(kernel)(*tuple(_d.values())))

</pallas_src>

<mosaic_0001>
#map = affine_map<(d0, d1) -> (0, 0)>
#map1 = affine_map<(d0, d1) -> (0, 0, 0)>
module attributes {stable_mosaic.version = 14 : i64} {
  func.func @_sc_body(%arg0: i32, %arg1: i32, %arg2: memref<40960x128xf32, #tpu.memory_space<hbm>>, %arg3: memref<5120x64xi32, #tpu.memory_space<hbm>>, %arg4: memref<5120x64xi32, #tpu.memory_space<hbm>>, %arg5: memref<64x128xf32, #tpu.memory_space<hbm>>, %arg6: memref<2x10240x128xf32, #tpu.memory_space<hbm>>, %arg7: memref<40x64xi32, #tpu.memory_space<vmem>>, %arg8: memref<40x64xi32, #tpu.memory_space<vmem>>, %arg9: memref<64x128xf32, #tpu.memory_space<vmem>>, %arg10: memref<64x128xf32, #tpu.memory_space<vmem>>, %arg11: memref<10240x128xf32, #tpu.memory_space<vmem_shared>>, %arg12: memref<!tpu.dma_semaphore, #tpu.memory_space<semaphore_mem>>, %arg13: memref<!tpu.dma_semaphore, #tpu.memory_space<semaphore_mem>>) attributes {dimension_semantics = [#tpu.dimension_semantics<core_parallel>, #tpu.dimension_semantics<subcore_parallel>], iteration_bounds = array<i64: 2, 16>, scalar_prefetch = 0 : i64, scratch_operands = 7 : i64, tpu.core_type = #tpu.core_type<sc_vector_subcore>, window_params = [{transform_indices = #map}, {transform_indices = #map}, {transform_indices = #map}, {transform_indices = #map}, {transform_indices = #map1}]} {
    "tpu.region"() ({
      %run_scoped3A = tpu.sem_alloc : memref<!tpu.dma_semaphore, #tpu.memory_space<semaphore_mem>>
      tpu.enqueue_dma source(%arg5 : memref<64x128xf32, #tpu.memory_space<hbm>>) target(%arg9 : memref<64x128xf32, #tpu.memory_space<vmem>>) target_semaphore(%run_scoped3A : memref<!tpu.dma_semaphore, #tpu.memory_space<semaphore_mem>>)
      tpu.wait_dma2 semaphore(%run_scoped3A : memref<!tpu.dma_semaphore, #tpu.memory_space<semaphore_mem>>) src(%arg5 : memref<64x128xf32, #tpu.memory_space<hbm>>) dst(%arg9 : memref<64x128xf32, #tpu.memory_space<vmem>>)
      tpu.yield
    }) : () -> ()
    %scan3A = arith.constant 0 : i32
    %scan3A_0 = arith.constant 0 : i32
    %scan3A_1 = arith.constant 10 : i32
    %scan3A_2 = arith.addi %scan3A_0, %scan3A_1 : i32
    %scan3A_3 = arith.constant 1 : i32
    scf.for %scan3A_26 = %scan3A_0 to %scan3A_2 step %scan3A_3  : i32 {
      %mul3A_27 = arith.constant 640 : i32
      %mul3A_28 = arith.muli %arg1, %mul3A_27 : i32
      %mul3A_29 = arith.constant 64 : i32
      %mul3A_30 = arith.muli %scan3A_26, %mul3A_29 : i32
      %add3A_31 = arith.addi %mul3A_28, %mul3A_30 : i32
      "tpu.region"() ({
        %run_scoped3A = tpu.sem_alloc : memref<!tpu.dma_semaphore, #tpu.memory_space<semaphore_mem>>
        %dma_start3A = arith.constant 0 : i32
        %dma_start3A_32 = tpu.memref_slice %arg11[%add3A_31, %dma_start3A] : memref<10240x128xf32, #tpu.memory_space<vmem_shared>> -> memref<64x128xf32, #tpu.memory_space<vmem_shared>>
        %dma_start3A_33 = arith.constant 0 : i32
        %dma_start3A_34 = tpu.memref_slice %arg11[%add3A_31, %dma_start3A_33] : memref<10240x128xf32, #tpu.memory_space<vmem_shared>> -> memref<64x128xf32, #tpu.memory_space<vmem_shared>>
        tpu.enqueue_dma source(%arg9 : memref<64x128xf32, #tpu.memory_space<vmem>>) target(%dma_start3A_34 : memref<64x128xf32, #tpu.memory_space<vmem_shared>>) target_semaphore(%run_scoped3A : memref<!tpu.dma_semaphore, #tpu.memory_space<semaphore_mem>>)
        %dma_wait3A = arith.constant 0 : i32
        %dma_wait3A_35 = tpu.memref_slice %arg11[%add3A_31, %dma_wait3A] : memref<10240x128xf32, #tpu.memory_space<vmem_shared>> -> memref<64x128xf32, #tpu.memory_space<vmem_shared>>
        %dma_wait3A_36 = arith.constant 0 : i32
        %dma_wait3A_37 = tpu.memref_slice %arg11[%add3A_31, %dma_wait3A_36] : memref<10240x128xf32, #tpu.memory_space<vmem_shared>> -> memref<64x128xf32, #tpu.memory_space<vmem_shared>>
        tpu.wait_dma2 semaphore(%run_scoped3A : memref<!tpu.dma_semaphore, #tpu.memory_space<semaphore_mem>>) src(%arg9 : memref<64x128xf32, #tpu.memory_space<vmem>>) dst(%dma_wait3A_37 : memref<64x128xf32, #tpu.memory_space<vmem_shared>>)
        tpu.yield
      }) : () -> ()
    }
    %scan3A_4 = arith.constant 10 : i32
    %barrier3A = arith.constant 0 : index
    tpu.barrier barrier_id(%barrier3A)
    %eq3A = arith.constant 0 : i32
    %eq3A_5 = arith.cmpi eq, %arg0, %eq3A : i32
    %jit3A = arith.constant 7 : i32
    %jit3A_6 = arith.constant 1 : i32
    %select_n3A = arith.select %eq3A_5, %jit3A, %jit3A_6 : i32
    %mul3A = arith.constant 280 : i32
    %mul3A_7 = arith.muli %arg1, %mul3A : i32
    %mul3A_8 = arith.constant 40 : i32
    %mul3A_9 = arith.muli %arg1, %mul3A_8 : i32
    %add3A = arith.constant 4480 : i32
    %add3A_10 = arith.addi %add3A, %mul3A_9 : i32
    %select_n3A_11 = arith.select %eq3A_5, %mul3A_7, %add3A_10 : i32
    %while3A = arith.constant 0 : i32
    %while3A_12 = arith.constant 0 : i32
    %while3A_13 = arith.subi %select_n3A, %while3A_12 : i32
    %while3A_14 = arith.addi %while3A_12, %while3A_13 : i32
    %while3A_15 = arith.constant 1 : i32
    %while3A_16 = arith.divsi %while3A_13, %while3A_15 : i32
    %while3A_17 = arith.muli %while3A_16, %while3A_15 : i32
    %while3A_18 = arith.addi %while3A_12, %while3A_17 : i32
    %while3A_19 = arith.constant 1 : i32
    scf.for %while3A_26 = %while3A_12 to %while3A_18 step %while3A_19  : i32 {
      %mul3A_27 = arith.constant 40 : i32
      %mul3A_28 = arith.muli %while3A_26, %mul3A_27 : i32
      %add3A_29 = arith.addi %select_n3A_11, %mul3A_28 : i32
      "tpu.region"() ({
        %run_scoped3A = tpu.sem_alloc : memref<!tpu.dma_semaphore, #tpu.memory_space<semaphore_mem>>
        %dma_start3A_42 = arith.constant 0 : i32
        %dma_start3A_43 = tpu.memref_slice %arg3[%add3A_29, %dma_start3A_42] : memref<5120x64xi32, #tpu.memory_space<hbm>> -> memref<40x64xi32, #tpu.memory_space<hbm>>
        %dma_start3A_44 = arith.constant 0 : i32
        %dma_start3A_45 = tpu.memref_slice %arg3[%add3A_29, %dma_start3A_44] : memref<5120x64xi32, #tpu.memory_space<hbm>> -> memref<40x64xi32, #tpu.memory_space<hbm>>
        tpu.enqueue_dma source(%dma_start3A_45 : memref<40x64xi32, #tpu.memory_space<hbm>>) target(%arg7 : memref<40x64xi32, #tpu.memory_space<vmem>>) target_semaphore(%run_scoped3A : memref<!tpu.dma_semaphore, #tpu.memory_space<semaphore_mem>>)
        %dma_wait3A = arith.constant 0 : i32
        %dma_wait3A_46 = tpu.memref_slice %arg3[%add3A_29, %dma_wait3A] : memref<5120x64xi32, #tpu.memory_space<hbm>> -> memref<40x64xi32, #tpu.memory_space<hbm>>
        %dma_wait3A_47 = arith.constant 0 : i32
        %dma_wait3A_48 = tpu.memref_slice %arg3[%add3A_29, %dma_wait3A_47] : memref<5120x64xi32, #tpu.memory_space<hbm>> -> memref<40x64xi32, #tpu.memory_space<hbm>>
        tpu.wait_dma2 semaphore(%run_scoped3A : memref<!tpu.dma_semaphore, #tpu.memory_space<semaphore_mem>>) src(%dma_wait3A_48 : memref<40x64xi32, #tpu.memory_space<hbm>>) dst(%arg7 : memref<40x64xi32, #tpu.memory_space<vmem>>)
        tpu.yield
      }) : () -> ()
      "tpu.region"() ({
        %run_scoped3A = tpu.sem_alloc : memref<!tpu.dma_semaphore, #tpu.memory_space<semaphore_mem>>
        %dma_start3A_42 = arith.constant 0 : i32
        %dma_start3A_43 = tpu.memref_slice %arg4[%add3A_29, %dma_start3A_42] : memref<5120x64xi32, #tpu.memory_space<hbm>> -> memref<40x64xi32, #tpu.memory_space<hbm>>
        %dma_start3A_44 = arith.constant 0 : i32
        %dma_start3A_45 = tpu.memref_slice %arg4[%add3A_29, %dma_start3A_44] : memref<5120x64xi32, #tpu.memory_space<hbm>> -> memref<40x64xi32, #tpu.memory_space<hbm>>
        tpu.enqueue_dma source(%dma_start3A_45 : memref<40x64xi32, #tpu.memory_space<hbm>>) target(%arg8 : memref<40x64xi32, #tpu.memory_space<vmem>>) target_semaphore(%run_scoped3A : memref<!tpu.dma_semaphore, #tpu.memory_space<semaphore_mem>>)
        %dma_wait3A = arith.constant 0 : i32
        %dma_wait3A_46 = tpu.memref_slice %arg4[%add3A_29, %dma_wait3A] : memref<5120x64xi32, #tpu.memory_space<hbm>> -> memref<40x64xi32, #tpu.memory_space<hbm>>
        %dma_wait3A_47 = arith.constant 0 : i32
        %dma_wait3A_48 = tpu.memref_slice %arg4[%add3A_29, %dma_wait3A_47] : memref<5120x64xi32, #tpu.memory_space<hbm>> -> memref<40x64xi32, #tpu.memory_space<hbm>>
        tpu.wait_dma2 semaphore(%run_scoped3A : memref<!tpu.dma_semaphore, #tpu.memory_space<semaphore_mem>>) src(%dma_wait3A_48 : memref<40x64xi32, #tpu.memory_space<hbm>>) dst(%arg8 : memref<40x64xi32, #tpu.memory_space<vmem>>)
        tpu.yield
      }) : () -> ()
      %dma_start3A = arith.constant 0 : i32
      %dma_start3A_30 = arith.constant 0 : i32
      %dma_start3A_31 = tpu.memref_slice %arg7[%dma_start3A, %dma_start3A_30] : memref<40x64xi32, #tpu.memory_space<vmem>> -> memref<1x64xi32, #tpu.memory_space<vmem>>
      %dma_start3A_32 = tpu.memref_squeeze %dma_start3A_31 : memref<1x64xi32, #tpu.memory_space<vmem>> -> memref<64xi32, #tpu.memory_space<vmem>>
      %dma_start3A_33 = arith.constant 0 : i32
      %dma_start3A_34 = arith.constant 0 : i32
      %dma_start3A_35 = tpu.memref_slice %arg2[%dma_start3A_33, %dma_start3A_34] : memref<40960x128xf32, #tpu.memory_space<hbm>> -> memref<40960x128xf32, #tpu.memory_space<hbm>>
      tpu.enqueue_indirect_dma source(%dma_start3A_35 : memref<40960x128xf32, #tpu.memory_space<hbm>>) target(%arg9 : memref<64x128xf32, #tpu.memory_space<vmem>>) offsets(%dma_start3A_32 : memref<64xi32, #tpu.memory_space<vmem>>) semaphore(%arg12 : memref<!tpu.dma_semaphore, #tpu.memory_space<semaphore_mem>>)
      %scan3A_36 = arith.constant 0 : i32
      %scan3A_37 = arith.constant 0 : i32
      %scan3A_38 = arith.constant 20 : i32
      %scan3A_39 = arith.addi %scan3A_37, %scan3A_38 : i32
      %scan3A_40 = arith.constant 1 : i32
      scf.for %scan3A_42 = %scan3A_37 to %scan3A_39 step %scan3A_40  : i32 {
        %mul3A_43 = arith.constant 2 : i32
        %mul3A_44 = arith.muli %mul3A_43, %scan3A_42 : i32
        %mul3A_45 = arith.constant 2 : i32
        %mul3A_46 = arith.muli %mul3A_45, %scan3A_42 : i32
        %add3A_47 = arith.constant 1 : i32
        %add3A_48 = arith.addi %mul3A_46, %add3A_47 : i32
        %dma_wait3A = arith.constant 0 : i32
        %dma_wait3A_49 = tpu.memref_slice %arg7[%mul3A_44, %dma_wait3A] : memref<40x64xi32, #tpu.memory_space<vmem>> -> memref<1x64xi32, #tpu.memory_space<vmem>>
        %dma_wait3A_50 = tpu.memref_squeeze %dma_wait3A_49 : memref<1x64xi32, #tpu.memory_space<vmem>> -> memref<64xi32, #tpu.memory_space<vmem>>
        %dma_wait3A_51 = arith.constant 0 : i32
        %dma_wait3A_52 = arith.constant 0 : i32
        %dma_wait3A_53 = tpu.memref_slice %arg2[%dma_wait3A_51, %dma_wait3A_52] : memref<40960x128xf32, #tpu.memory_space<hbm>> -> memref<40960x128xf32, #tpu.memory_space<hbm>>
        tpu.wait_indirect_dma semaphore(%arg12 : memref<!tpu.dma_semaphore, #tpu.memory_space<semaphore_mem>>) src(%dma_wait3A_53 : memref<40960x128xf32, #tpu.memory_space<hbm>>) dst(%arg9 : memref<64x128xf32, #tpu.memory_space<vmem>>)
        %dma_start3A_54 = arith.constant 0 : i32
        %dma_start3A_55 = tpu.memref_slice %arg7[%add3A_48, %dma_start3A_54] : memref<40x64xi32, #tpu.memory_space<vmem>> -> memref<1x64xi32, #tpu.memory_space<vmem>>
        %dma_start3A_56 = tpu.memref_squeeze %dma_start3A_55 : memref<1x64xi32, #tpu.memory_space<vmem>> -> memref<64xi32, #tpu.memory_space<vmem>>
        %dma_start3A_57 = arith.constant 0 : i32
        %dma_start3A_58 = arith.constant 0 : i32
        %dma_start3A_59 = tpu.memref_slice %arg2[%dma_start3A_57, %dma_start3A_58] : memref<40960x128xf32, #tpu.memory_space<hbm>> -> memref<40960x128xf32, #tpu.memory_space<hbm>>
        tpu.enqueue_indirect_dma source(%dma_start3A_59 : memref<40960x128xf32, #tpu.memory_space<hbm>>) target(%arg10 : memref<64x128xf32, #tpu.memory_space<vmem>>) offsets(%dma_start3A_56 : memref<64xi32, #tpu.memory_space<vmem>>) semaphore(%arg13 : memref<!tpu.dma_semaphore, #tpu.memory_space<semaphore_mem>>)
        "tpu.region"() ({
          %run_scoped3A = tpu.sem_alloc : memref<!tpu.dma_semaphore, #tpu.memory_space<semaphore_mem>>
          %dma_start3A_68 = arith.constant 0 : i32
          %dma_start3A_69 = tpu.memref_slice %arg8[%mul3A_44, %dma_start3A_68] : memref<40x64xi32, #tpu.memory_space<vmem>> -> memref<1x64xi32, #tpu.memory_space<vmem>>
          %dma_start3A_70 = tpu.memref_squeeze %dma_start3A_69 : memref<1x64xi32, #tpu.memory_space<vmem>> -> memref<64xi32, #tpu.memory_space<vmem>>
          %dma_start3A_71 = arith.constant 0 : i32
          %dma_start3A_72 = arith.constant 0 : i32
          %dma_start3A_73 = tpu.memref_slice %arg11[%dma_start3A_71, %dma_start3A_72] : memref<10240x128xf32, #tpu.memory_space<vmem_shared>> -> memref<10240x128xf32, #tpu.memory_space<vmem_shared>>
          tpu.enqueue_indirect_dma source(%arg9 : memref<64x128xf32, #tpu.memory_space<vmem>>) target(%dma_start3A_73 : memref<10240x128xf32, #tpu.memory_space<vmem_shared>>) offsets(%dma_start3A_70 : memref<64xi32, #tpu.memory_space<vmem>>) semaphore(%run_scoped3A : memref<!tpu.dma_semaphore, #tpu.memory_space<semaphore_mem>>) {add = true}
          %dma_wait3A_74 = arith.constant 0 : i32
          %dma_wait3A_75 = tpu.memref_slice %arg8[%mul3A_44, %dma_wait3A_74] : memref<40x64xi32, #tpu.memory_space<vmem>> -> memref<1x64xi32, #tpu.memory_space<vmem>>
          %dma_wait3A_76 = tpu.memref_squeeze %dma_wait3A_75 : memref<1x64xi32, #tpu.memory_space<vmem>> -> memref<64xi32, #tpu.memory_space<vmem>>
          %dma_wait3A_77 = arith.constant 0 : i32
          %dma_wait3A_78 = arith.constant 0 : i32
          %dma_wait3A_79 = tpu.memref_slice %arg11[%dma_wait3A_77, %dma_wait3A_78] : memref<10240x128xf32, #tpu.memory_space<vmem_shared>> -> memref<10240x128xf32, #tpu.memory_space<vmem_shared>>
          tpu.wait_indirect_dma semaphore(%run_scoped3A : memref<!tpu.dma_semaphore, #tpu.memory_space<semaphore_mem>>) src(%arg9 : memref<64x128xf32, #tpu.memory_space<vmem>>) dst(%dma_wait3A_79 : memref<10240x128xf32, #tpu.memory_space<vmem_shared>>)
          tpu.yield
        }) : () -> ()
        %dma_wait3A_60 = arith.constant 0 : i32
        %dma_wait3A_61 = tpu.memref_slice %arg7[%add3A_48, %dma_wait3A_60] : memref<40x64xi32, #tpu.memory_space<vmem>> -> memref<1x64xi32, #tpu.memory_space<vmem>>
        %dma_wait3A_62 = tpu.memref_squeeze %dma_wait3A_61 : memref<1x64xi32, #tpu.memory_space<vmem>> -> memref<64xi32, #tpu.memory_space<vmem>>
        %dma_wait3A_63 = arith.constant 0 : i32
        %dma_wait3A_64 = arith.constant 0 : i32
        %dma_wait3A_65 = tpu.memref_slice %arg2[%dma_wait3A_63, %dma_wait3A_64] : memref<40960x128xf32, #tpu.memory_space<hbm>> -> memref<40960x128xf32, #tpu.memory_space<hbm>>
        tpu.wait_indirect_dma semaphore(%arg13 : memref<!tpu.dma_semaphore, #tpu.memory_space<semaphore_mem>>) src(%dma_wait3A_65 : memref<40960x128xf32, #tpu.memory_space<hbm>>) dst(%arg10 : memref<64x128xf32, #tpu.memory_space<vmem>>)
        %lt3A = arith.constant 19 : i32
        %lt3A_66 = arith.cmpi slt, %scan3A_42, %lt3A : i32
        %convert_element_type3A = arith.extui %lt3A_66 : i1 to i32
        %cond3A = arith.constant 0 : i32
        %cond3A_67 = arith.cmpi ne, %convert_element_type3A, %cond3A : i32
        scf.if %cond3A_67 {
          %add3A_68 = arith.constant 2 : i32
          %add3A_69 = arith.addi %mul3A_44, %add3A_68 : i32
          %dma_start3A_70 = arith.constant 0 : i32
          %dma_start3A_71 = tpu.memref_slice %arg7[%add3A_69, %dma_start3A_70] : memref<40x64xi32, #tpu.memory_space<vmem>> -> memref<1x64xi32, #tpu.memory_space<vmem>>
          %dma_start3A_72 = tpu.memref_squeeze %dma_start3A_71 : memref<1x64xi32, #tpu.memory_space<vmem>> -> memref<64xi32, #tpu.memory_space<vmem>>
          %dma_start3A_73 = arith.constant 0 : i32
          %dma_start3A_74 = arith.constant 0 : i32
          %dma_start3A_75 = tpu.memref_slice %arg2[%dma_start3A_73, %dma_start3A_74] : memref<40960x128xf32, #tpu.memory_space<hbm>> -> memref<40960x128xf32, #tpu.memory_space<hbm>>
          tpu.enqueue_indirect_dma source(%dma_start3A_75 : memref<40960x128xf32, #tpu.memory_space<hbm>>) target(%arg9 : memref<64x128xf32, #tpu.memory_space<vmem>>) offsets(%dma_start3A_72 : memref<64xi32, #tpu.memory_space<vmem>>) semaphore(%arg12 : memref<!tpu.dma_semaphore, #tpu.memory_space<semaphore_mem>>)
        } else {
        }
        "tpu.region"() ({
          %run_scoped3A = tpu.sem_alloc : memref<!tpu.dma_semaphore, #tpu.memory_space<semaphore_mem>>
          %dma_start3A_68 = arith.constant 0 : i32
          %dma_start3A_69 = tpu.memref_slice %arg8[%add3A_48, %dma_start3A_68] : memref<40x64xi32, #tpu.memory_space<vmem>> -> memref<1x64xi32, #tpu.memory_space<vmem>>
          %dma_start3A_70 = tpu.memref_squeeze %dma_start3A_69 : memref<1x64xi32, #tpu.memory_space<vmem>> -> memref<64xi32, #tpu.memory_space<vmem>>
          %dma_start3A_71 = arith.constant 0 : i32
          %dma_start3A_72 = arith.constant 0 : i32
          %dma_start3A_73 = tpu.memref_slice %arg11[%dma_start3A_71, %dma_start3A_72] : memref<10240x128xf32, #tpu.memory_space<vmem_shared>> -> memref<10240x128xf32, #tpu.memory_space<vmem_shared>>
          tpu.enqueue_indirect_dma source(%arg10 : memref<64x128xf32, #tpu.memory_space<vmem>>) target(%dma_start3A_73 : memref<10240x128xf32, #tpu.memory_space<vmem_shared>>) offsets(%dma_start3A_70 : memref<64xi32, #tpu.memory_space<vmem>>) semaphore(%run_scoped3A : memref<!tpu.dma_semaphore, #tpu.memory_space<semaphore_mem>>) {add = true}
          %dma_wait3A_74 = arith.constant 0 : i32
          %dma_wait3A_75 = tpu.memref_slice %arg8[%add3A_48, %dma_wait3A_74] : memref<40x64xi32, #tpu.memory_space<vmem>> -> memref<1x64xi32, #tpu.memory_space<vmem>>
          %dma_wait3A_76 = tpu.memref_squeeze %dma_wait3A_75 : memref<1x64xi32, #tpu.memory_space<vmem>> -> memref<64xi32, #tpu.memory_space<vmem>>
          %dma_wait3A_77 = arith.constant 0 : i32
          %dma_wait3A_78 = arith.constant 0 : i32
          %dma_wait3A_79 = tpu.memref_slice %arg11[%dma_wait3A_77, %dma_wait3A_78] : memref<10240x128xf32, #tpu.memory_space<vmem_shared>> -> memref<10240x128xf32, #tpu.memory_space<vmem_shared>>
          tpu.wait_indirect_dma semaphore(%run_scoped3A : memref<!tpu.dma_semaphore, #tpu.memory_space<semaphore_mem>>) src(%arg10 : memref<64x128xf32, #tpu.memory_space<vmem>>) dst(%dma_wait3A_79 : memref<10240x128xf32, #tpu.memory_space<vmem_shared>>)
          tpu.yield
        }) : () -> ()
      }
      %scan3A_41 = arith.constant 20 : i32
    }
    %while3A_20 = arith.constant 1 : i32
    scf.for %while3A_26 = %while3A_18 to %while3A_14 step %while3A_20  : i32 {
      %mul3A_27 = arith.constant 40 : i32
      %mul3A_28 = arith.muli %while3A_26, %mul3A_27 : i32
      %add3A_29 = arith.addi %select_n3A_11, %mul3A_28 : i32
      "tpu.region"() ({
        %run_scoped3A = tpu.sem_alloc : memref<!tpu.dma_semaphore, #tpu.memory_space<semaphore_mem>>
        %dma_start3A_42 = arith.constant 0 : i32
        %dma_start3A_43 = tpu.memref_slice %arg3[%add3A_29, %dma_start3A_42] : memref<5120x64xi32, #tpu.memory_space<hbm>> -> memref<40x64xi32, #tpu.memory_space<hbm>>
        %dma_start3A_44 = arith.constant 0 : i32
        %dma_start3A_45 = tpu.memref_slice %arg3[%add3A_29, %dma_start3A_44] : memref<5120x64xi32, #tpu.memory_space<hbm>> -> memref<40x64xi32, #tpu.memory_space<hbm>>
        tpu.enqueue_dma source(%dma_start3A_45 : memref<40x64xi32, #tpu.memory_space<hbm>>) target(%arg7 : memref<40x64xi32, #tpu.memory_space<vmem>>) target_semaphore(%run_scoped3A : memref<!tpu.dma_semaphore, #tpu.memory_space<semaphore_mem>>)
        %dma_wait3A = arith.constant 0 : i32
        %dma_wait3A_46 = tpu.memref_slice %arg3[%add3A_29, %dma_wait3A] : memref<5120x64xi32, #tpu.memory_space<hbm>> -> memref<40x64xi32, #tpu.memory_space<hbm>>
        %dma_wait3A_47 = arith.constant 0 : i32
        %dma_wait3A_48 = tpu.memref_slice %arg3[%add3A_29, %dma_wait3A_47] : memref<5120x64xi32, #tpu.memory_space<hbm>> -> memref<40x64xi32, #tpu.memory_space<hbm>>
        tpu.wait_dma2 semaphore(%run_scoped3A : memref<!tpu.dma_semaphore, #tpu.memory_space<semaphore_mem>>) src(%dma_wait3A_48 : memref<40x64xi32, #tpu.memory_space<hbm>>) dst(%arg7 : memref<40x64xi32, #tpu.memory_space<vmem>>)
        tpu.yield
      }) : () -> ()
      "tpu.region"() ({
        %run_scoped3A = tpu.sem_alloc : memref<!tpu.dma_semaphore, #tpu.memory_space<semaphore_mem>>
        %dma_start3A_42 = arith.constant 0 : i32
        %dma_start3A_43 = tpu.memref_slice %arg4[%add3A_29, %dma_start3A_42] : memref<5120x64xi32, #tpu.memory_space<hbm>> -> memref<40x64xi32, #tpu.memory_space<hbm>>
        %dma_start3A_44 = arith.constant 0 : i32
        %dma_start3A_45 = tpu.memref_slice %arg4[%add3A_29, %dma_start3A_44] : memref<5120x64xi32, #tpu.memory_space<hbm>> -> memref<40x64xi32, #tpu.memory_space<hbm>>
        tpu.enqueue_dma source(%dma_start3A_45 : memref<40x64xi32, #tpu.memory_space<hbm>>) target(%arg8 : memref<40x64xi32, #tpu.memory_space<vmem>>) target_semaphore(%run_scoped3A : memref<!tpu.dma_semaphore, #tpu.memory_space<semaphore_mem>>)
        %dma_wait3A = arith.constant 0 : i32
        %dma_wait3A_46 = tpu.memref_slice %arg4[%add3A_29, %dma_wait3A] : memref<5120x64xi32, #tpu.memory_space<hbm>> -> memref<40x64xi32, #tpu.memory_space<hbm>>
        %dma_wait3A_47 = arith.constant 0 : i32
        %dma_wait3A_48 = tpu.memref_slice %arg4[%add3A_29, %dma_wait3A_47] : memref<5120x64xi32, #tpu.memory_space<hbm>> -> memref<40x64xi32, #tpu.memory_space<hbm>>
        tpu.wait_dma2 semaphore(%run_scoped3A : memref<!tpu.dma_semaphore, #tpu.memory_space<semaphore_mem>>) src(%dma_wait3A_48 : memref<40x64xi32, #tpu.memory_space<hbm>>) dst(%arg8 : memref<40x64xi32, #tpu.memory_space<vmem>>)
        tpu.yield
      }) : () -> ()
      %dma_start3A = arith.constant 0 : i32
      %dma_start3A_30 = arith.constant 0 : i32
      %dma_start3A_31 = tpu.memref_slice %arg7[%dma_start3A, %dma_start3A_30] : memref<40x64xi32, #tpu.memory_space<vmem>> -> memref<1x64xi32, #tpu.memory_space<vmem>>
      %dma_start3A_32 = tpu.memref_squeeze %dma_start3A_31 : memref<1x64xi32, #tpu.memory_space<vmem>> -> memref<64xi32, #tpu.memory_space<vmem>>
      %dma_start3A_33 = arith.constant 0 : i32
      %dma_start3A_34 = arith.constant 0 : i32
      %dma_start3A_35 = tpu.memref_slice %arg2[%dma_start3A_33, %dma_start3A_34] : memref<40960x128xf32, #tpu.memory_space<hbm>> -> memref<40960x128xf32, #tpu.memory_space<hbm>>
      tpu.enqueue_indirect_dma source(%dma_start3A_35 : memref<40960x128xf32, #tpu.memory_space<hbm>>) target(%arg9 : memref<64x128xf32, #tpu.memory_space<vmem>>) offsets(%dma_start3A_32 : memref<64xi32, #tpu.memory_space<vmem>>) semaphore(%arg12 : memref<!tpu.dma_semaphore, #tpu.memory_space<semaphore_mem>>)
      %scan3A_36 = arith.constant 0 : i32
      %scan3A_37 = arith.constant 0 : i32
      %scan3A_38 = arith.constant 20 : i32
      %scan3A_39 = arith.addi %scan3A_37, %scan3A_38 : i32
      %scan3A_40 = arith.constant 1 : i32
      scf.for %scan3A_42 = %scan3A_37 to %scan3A_39 step %scan3A_40  : i32 {
        %mul3A_43 = arith.constant 2 : i32
        %mul3A_44 = arith.muli %mul3A_43, %scan3A_42 : i32
        %mul3A_45 = arith.constant 2 : i32
        %mul3A_46 = arith.muli %mul3A_45, %scan3A_42 : i32
        %add3A_47 = arith.constant 1 : i32
        %add3A_48 = arith.addi %mul3A_46, %add3A_47 : i32
        %dma_wait3A = arith.constant 0 : i32
        %dma_wait3A_49 = tpu.memref_slice %arg7[%mul3A_44, %dma_wait3A] : memref<40x64xi32, #tpu.memory_space<vmem>> -> memref<1x64xi32, #tpu.memory_space<vmem>>
        %dma_wait3A_50 = tpu.memref_squeeze %dma_wait3A_49 : memref<1x64xi32, #tpu.memory_space<vmem>> -> memref<64xi32, #tpu.memory_space<vmem>>
        %dma_wait3A_51 = arith.constant 0 : i32
        %dma_wait3A_52 = arith.constant 0 : i32
        %dma_wait3A_53 = tpu.memref_slice %arg2[%dma_wait3A_51, %dma_wait3A_52] : memref<40960x128xf32, #tpu.memory_space<hbm>> -> memref<40960x128xf32, #tpu.memory_space<hbm>>
        tpu.wait_indirect_dma semaphore(%arg12 : memref<!tpu.dma_semaphore, #tpu.memory_space<semaphore_mem>>) src(%dma_wait3A_53 : memref<40960x128xf32, #tpu.memory_space<hbm>>) dst(%arg9 : memref<64x128xf32, #tpu.memory_space<vmem>>)
        %dma_start3A_54 = arith.constant 0 : i32
        %dma_start3A_55 = tpu.memref_slice %arg7[%add3A_48, %dma_start3A_54] : memref<40x64xi32, #tpu.memory_space<vmem>> -> memref<1x64xi32, #tpu.memory_space<vmem>>
        %dma_start3A_56 = tpu.memref_squeeze %dma_start3A_55 : memref<1x64xi32, #tpu.memory_space<vmem>> -> memref<64xi32, #tpu.memory_space<vmem>>
        %dma_start3A_57 = arith.constant 0 : i32
        %dma_start3A_58 = arith.constant 0 : i32
        %dma_start3A_59 = tpu.memref_slice %arg2[%dma_start3A_57, %dma_start3A_58] : memref<40960x128xf32, #tpu.memory_space<hbm>> -> memref<40960x128xf32, #tpu.memory_space<hbm>>
        tpu.enqueue_indirect_dma source(%dma_start3A_59 : memref<40960x128xf32, #tpu.memory_space<hbm>>) target(%arg10 : memref<64x128xf32, #tpu.memory_space<vmem>>) offsets(%dma_start3A_56 : memref<64xi32, #tpu.memory_space<vmem>>) semaphore(%arg13 : memref<!tpu.dma_semaphore, #tpu.memory_space<semaphore_mem>>)
        "tpu.region"() ({
          %run_scoped3A = tpu.sem_alloc : memref<!tpu.dma_semaphore, #tpu.memory_space<semaphore_mem>>
          %dma_start3A_68 = arith.constant 0 : i32
          %dma_start3A_69 = tpu.memref_slice %arg8[%mul3A_44, %dma_start3A_68] : memref<40x64xi32, #tpu.memory_space<vmem>> -> memref<1x64xi32, #tpu.memory_space<vmem>>
          %dma_start3A_70 = tpu.memref_squeeze %dma_start3A_69 : memref<1x64xi32, #tpu.memory_space<vmem>> -> memref<64xi32, #tpu.memory_space<vmem>>
          %dma_start3A_71 = arith.constant 0 : i32
          %dma_start3A_72 = arith.constant 0 : i32
          %dma_start3A_73 = tpu.memref_slice %arg11[%dma_start3A_71, %dma_start3A_72] : memref<10240x128xf32, #tpu.memory_space<vmem_shared>> -> memref<10240x128xf32, #tpu.memory_space<vmem_shared>>
          tpu.enqueue_indirect_dma source(%arg9 : memref<64x128xf32, #tpu.memory_space<vmem>>) target(%dma_start3A_73 : memref<10240x128xf32, #tpu.memory_space<vmem_shared>>) offsets(%dma_start3A_70 : memref<64xi32, #tpu.memory_space<vmem>>) semaphore(%run_scoped3A : memref<!tpu.dma_semaphore, #tpu.memory_space<semaphore_mem>>) {add = true}
          %dma_wait3A_74 = arith.constant 0 : i32
          %dma_wait3A_75 = tpu.memref_slice %arg8[%mul3A_44, %dma_wait3A_74] : memref<40x64xi32, #tpu.memory_space<vmem>> -> memref<1x64xi32, #tpu.memory_space<vmem>>
          %dma_wait3A_76 = tpu.memref_squeeze %dma_wait3A_75 : memref<1x64xi32, #tpu.memory_space<vmem>> -> memref<64xi32, #tpu.memory_space<vmem>>
          %dma_wait3A_77 = arith.constant 0 : i32
          %dma_wait3A_78 = arith.constant 0 : i32
          %dma_wait3A_79 = tpu.memref_slice %arg11[%dma_wait3A_77, %dma_wait3A_78] : memref<10240x128xf32, #tpu.memory_space<vmem_shared>> -> memref<10240x128xf32, #tpu.memory_space<vmem_shared>>
          tpu.wait_indirect_dma semaphore(%run_scoped3A : memref<!tpu.dma_semaphore, #tpu.memory_space<semaphore_mem>>) src(%arg9 : memref<64x128xf32, #tpu.memory_space<vmem>>) dst(%dma_wait3A_79 : memref<10240x128xf32, #tpu.memory_space<vmem_shared>>)
          tpu.yield
        }) : () -> ()
        %dma_wait3A_60 = arith.constant 0 : i32
        %dma_wait3A_61 = tpu.memref_slice %arg7[%add3A_48, %dma_wait3A_60] : memref<40x64xi32, #tpu.memory_space<vmem>> -> memref<1x64xi32, #tpu.memory_space<vmem>>
        %dma_wait3A_62 = tpu.memref_squeeze %dma_wait3A_61 : memref<1x64xi32, #tpu.memory_space<vmem>> -> memref<64xi32, #tpu.memory_space<vmem>>
        %dma_wait3A_63 = arith.constant 0 : i32
        %dma_wait3A_64 = arith.constant 0 : i32
        %dma_wait3A_65 = tpu.memref_slice %arg2[%dma_wait3A_63, %dma_wait3A_64] : memref<40960x128xf32, #tpu.memory_space<hbm>> -> memref<40960x128xf32, #tpu.memory_space<hbm>>
        tpu.wait_indirect_dma semaphore(%arg13 : memref<!tpu.dma_semaphore, #tpu.memory_space<semaphore_mem>>) src(%dma_wait3A_65 : memref<40960x128xf32, #tpu.memory_space<hbm>>) dst(%arg10 : memref<64x128xf32, #tpu.memory_space<vmem>>)
        %lt3A = arith.constant 19 : i32
        %lt3A_66 = arith.cmpi slt, %scan3A_42, %lt3A : i32
        %convert_element_type3A = arith.extui %lt3A_66 : i1 to i32
        %cond3A = arith.constant 0 : i32
        %cond3A_67 = arith.cmpi ne, %convert_element_type3A, %cond3A : i32
        scf.if %cond3A_67 {
          %add3A_68 = arith.constant 2 : i32
          %add3A_69 = arith.addi %mul3A_44, %add3A_68 : i32
          %dma_start3A_70 = arith.constant 0 : i32
          %dma_start3A_71 = tpu.memref_slice %arg7[%add3A_69, %dma_start3A_70] : memref<40x64xi32, #tpu.memory_space<vmem>> -> memref<1x64xi32, #tpu.memory_space<vmem>>
          %dma_start3A_72 = tpu.memref_squeeze %dma_start3A_71 : memref<1x64xi32, #tpu.memory_space<vmem>> -> memref<64xi32, #tpu.memory_space<vmem>>
          %dma_start3A_73 = arith.constant 0 : i32
          %dma_start3A_74 = arith.constant 0 : i32
          %dma_start3A_75 = tpu.memref_slice %arg2[%dma_start3A_73, %dma_start3A_74] : memref<40960x128xf32, #tpu.memory_space<hbm>> -> memref<40960x128xf32, #tpu.memory_space<hbm>>
          tpu.enqueue_indirect_dma source(%dma_start3A_75 : memref<40960x128xf32, #tpu.memory_space<hbm>>) target(%arg9 : memref<64x128xf32, #tpu.memory_space<vmem>>) offsets(%dma_start3A_72 : memref<64xi32, #tpu.memory_space<vmem>>) semaphore(%arg12 : memref<!tpu.dma_semaphore, #tpu.memory_space<semaphore_mem>>)
        } else {
        }
        "tpu.region"() ({
          %run_scoped3A = tpu.sem_alloc : memref<!tpu.dma_semaphore, #tpu.memory_space<semaphore_mem>>
          %dma_start3A_68 = arith.constant 0 : i32
          %dma_start3A_69 = tpu.memref_slice %arg8[%add3A_48, %dma_start3A_68] : memref<40x64xi32, #tpu.memory_space<vmem>> -> memref<1x64xi32, #tpu.memory_space<vmem>>
          %dma_start3A_70 = tpu.memref_squeeze %dma_start3A_69 : memref<1x64xi32, #tpu.memory_space<vmem>> -> memref<64xi32, #tpu.memory_space<vmem>>
          %dma_start3A_71 = arith.constant 0 : i32
          %dma_start3A_72 = arith.constant 0 : i32
          %dma_start3A_73 = tpu.memref_slice %arg11[%dma_start3A_71, %dma_start3A_72] : memref<10240x128xf32, #tpu.memory_space<vmem_shared>> -> memref<10240x128xf32, #tpu.memory_space<vmem_shared>>
          tpu.enqueue_indirect_dma source(%arg10 : memref<64x128xf32, #tpu.memory_space<vmem>>) target(%dma_start3A_73 : memref<10240x128xf32, #tpu.memory_space<vmem_shared>>) offsets(%dma_start3A_70 : memref<64xi32, #tpu.memory_space<vmem>>) semaphore(%run_scoped3A : memref<!tpu.dma_semaphore, #tpu.memory_space<semaphore_mem>>) {add = true}
          %dma_wait3A_74 = arith.constant 0 : i32
          %dma_wait3A_75 = tpu.memref_slice %arg8[%add3A_48, %dma_wait3A_74] : memref<40x64xi32, #tpu.memory_space<vmem>> -> memref<1x64xi32, #tpu.memory_space<vmem>>
          %dma_wait3A_76 = tpu.memref_squeeze %dma_wait3A_75 : memref<1x64xi32, #tpu.memory_space<vmem>> -> memref<64xi32, #tpu.memory_space<vmem>>
          %dma_wait3A_77 = arith.constant 0 : i32
          %dma_wait3A_78 = arith.constant 0 : i32
          %dma_wait3A_79 = tpu.memref_slice %arg11[%dma_wait3A_77, %dma_wait3A_78] : memref<10240x128xf32, #tpu.memory_space<vmem_shared>> -> memref<10240x128xf32, #tpu.memory_space<vmem_shared>>
          tpu.wait_indirect_dma semaphore(%run_scoped3A : memref<!tpu.dma_semaphore, #tpu.memory_space<semaphore_mem>>) src(%arg10 : memref<64x128xf32, #tpu.memory_space<vmem>>) dst(%dma_wait3A_79 : memref<10240x128xf32, #tpu.memory_space<vmem_shared>>)
          tpu.yield
        }) : () -> ()
      }
      %scan3A_41 = arith.constant 20 : i32
    }
    %barrier3A_21 = arith.constant 0 : index
    tpu.barrier barrier_id(%barrier3A_21)
    %mul3A_22 = arith.constant 640 : i32
    %mul3A_23 = arith.muli %arg1, %mul3A_22 : i32
    %mul3A_24 = arith.constant 640 : i32
    %mul3A_25 = arith.muli %arg1, %mul3A_24 : i32
    "tpu.region"() ({
      %run_scoped3A = tpu.sem_alloc : memref<!tpu.dma_semaphore, #tpu.memory_space<semaphore_mem>>
      %dma_start3A = arith.constant 0 : i32
      %dma_start3A_26 = tpu.memref_slice %arg6[%arg0, %mul3A_25, %dma_start3A] : memref<2x10240x128xf32, #tpu.memory_space<hbm>> -> memref<1x640x128xf32, #tpu.memory_space<hbm>>
      %dma_start3A_27 = tpu.memref_squeeze %dma_start3A_26 : memref<1x640x128xf32, #tpu.memory_space<hbm>> -> memref<640x128xf32, #tpu.memory_space<hbm>>
      %dma_start3A_28 = arith.constant 0 : i32
      %dma_start3A_29 = tpu.memref_slice %arg11[%mul3A_23, %dma_start3A_28] : memref<10240x128xf32, #tpu.memory_space<vmem_shared>> -> memref<640x128xf32, #tpu.memory_space<vmem_shared>>
      tpu.enqueue_dma source(%dma_start3A_29 : memref<640x128xf32, #tpu.memory_space<vmem_shared>>) target(%dma_start3A_27 : memref<640x128xf32, #tpu.memory_space<hbm>>) target_semaphore(%run_scoped3A : memref<!tpu.dma_semaphore, #tpu.memory_space<semaphore_mem>>)
      %dma_wait3A = arith.constant 0 : i32
      %dma_wait3A_30 = tpu.memref_slice %arg6[%arg0, %mul3A_25, %dma_wait3A] : memref<2x10240x128xf32, #tpu.memory_space<hbm>> -> memref<1x640x128xf32, #tpu.memory_space<hbm>>
      %dma_wait3A_31 = tpu.memref_squeeze %dma_wait3A_30 : memref<1x640x128xf32, #tpu.memory_space<hbm>> -> memref<640x128xf32, #tpu.memory_space<hbm>>
      %dma_wait3A_32 = arith.constant 0 : i32
      %dma_wait3A_33 = tpu.memref_slice %arg11[%mul3A_23, %dma_wait3A_32] : memref<10240x128xf32, #tpu.memory_space<vmem_shared>> -> memref<640x128xf32, #tpu.memory_space<vmem_shared>>
      tpu.wait_dma2 semaphore(%run_scoped3A : memref<!tpu.dma_semaphore, #tpu.memory_space<semaphore_mem>>) src(%dma_wait3A_33 : memref<640x128xf32, #tpu.memory_space<vmem_shared>>) dst(%dma_wait3A_31 : memref<640x128xf32, #tpu.memory_space<hbm>>)
      tpu.yield
    }) : () -> ()
    return
  }
}

#map = affine_map<(d0, d1) -> (0, 0)>
#map1 = affine_map<(d0, d1) -> (0, 0, 0)>
module attributes {stable_mosaic.version = 14 : i64} {
  func.func @_sc_body(%arg0: i32, %arg1: i32, %arg2: memref<40960x128xf32, #tpu.memory_space<hbm>>, %arg3: memref<5120x64xi32, #tpu.memory_space<hbm>>, %arg4: memref<5120x64xi32, #tpu.memory_space<hbm>>, %arg5: memref<64x128xf32, #tpu.memory_space<hbm>>, %arg6: memref<2x10240x128xf32, #tpu.memory_space<hbm>>, %arg7: memref<40x64xi32, #tpu.memory_space<vmem>>, %arg8: memref<40x64xi32, #tpu.memory_space<vmem>>, %arg9: memref<64x128xf32, #tpu.memory_space<vmem>>, %arg10: memref<64x128xf32, #tpu.memory_space<vmem>>, %arg11: memref<10240x128xf32, #tpu.memory_space<vmem_shared>>, %arg12: memref<!tpu.dma_semaphore, #tpu.memory_space<semaphore_mem>>, %arg13: memref<!tpu.dma_semaphore, #tpu.memory_space<semaphore_mem>>) attributes {dimension_semantics = [#tpu.dimension_semantics<core_parallel>, #tpu.dimension_semantics<subcore_parallel>], iteration_bounds = array<i64: 2, 16>, scalar_prefetch = 0 : i64, scratch_operands = 7 : i64, tpu.core_type = #tpu.core_type<sc_vector_subcore>, window_params = [{transform_indices = #map}, {transform_indices = #map}, {transform_indices = #map}, {transform_indices = #map}, {transform_indices = #map1}]} {
    "tpu.region"() ({
      %run_scoped3A = tpu.sem_alloc : memref<!tpu.dma_semaphore, #tpu.memory_space<semaphore_mem>>
      tpu.enqueue_dma source(%arg5 : memref<64x128xf32, #tpu.memory_space<hbm>>) target(%arg9 : memref<64x128xf32, #tpu.memory_space<vmem>>) target_semaphore(%run_scoped3A : memref<!tpu.dma_semaphore, #tpu.memory_space<semaphore_mem>>)
      tpu.wait_dma2 semaphore(%run_scoped3A : memref<!tpu.dma_semaphore, #tpu.memory_space<semaphore_mem>>) src(%arg5 : memref<64x128xf32, #tpu.memory_space<hbm>>) dst(%arg9 : memref<64x128xf32, #tpu.memory_space<vmem>>)
      tpu.yield
    }) : () -> ()
    %scan3A = arith.constant 0 : i32
    %scan3A_0 = arith.constant 0 : i32
    %scan3A_1 = arith.constant 10 : i32
    %scan3A_2 = arith.addi %scan3A_0, %scan3A_1 : i32
    %scan3A_3 = arith.constant 1 : i32
    scf.for %scan3A_26 = %scan3A_0 to %scan3A_2 step %scan3A_3  : i32 {
      %mul3A_27 = arith.constant 640 : i32
      %mul3A_28 = arith.muli %arg1, %mul3A_27 : i32
      %mul3A_29 = arith.constant 64 : i32
      %mul3A_30 = arith.muli %scan3A_26, %mul3A_29 : i32
      %add3A_31 = arith.addi %mul3A_28, %mul3A_30 : i32
      "tpu.region"() ({
        %run_scoped3A = tpu.sem_alloc : memref<!tpu.dma_semaphore, #tpu.memory_space<semaphore_mem>>
        %dma_start3A = arith.constant 0 : i32
        %dma_start3A_32 = tpu.memref_slice %arg11[%add3A_31, %dma_start3A] : memref<10240x128xf32, #tpu.memory_space<vmem_shared>> -> memref<64x128xf32, #tpu.memory_space<vmem_shared>>
        %dma_start3A_33 = arith.constant 0 : i32
        %dma_start3A_34 = tpu.memref_slice %arg11[%add3A_31, %dma_start3A_33] : memref<10240x128xf32, #tpu.memory_space<vmem_shared>> -> memref<64x128xf32, #tpu.memory_space<vmem_shared>>
        tpu.enqueue_dma source(%arg9 : memref<64x128xf32, #tpu.memory_space<vmem>>) target(%dma_start3A_34 : memref<64x128xf32, #tpu.memory_space<vmem_shared>>) target_semaphore(%run_scoped3A : memref<!tpu.dma_semaphore, #tpu.memory_space<semaphore_mem>>)
        %dma_wait3A = arith.constant 0 : i32
        %dma_wait3A_35 = tpu.memref_slice %arg11[%add3A_31, %dma_wait3A] : memref<10240x128xf32, #tpu.memory_space<vmem_shared>> -> memref<64x128xf32, #tpu.memory_space<vmem_shared>>
        %dma_wait3A_36 = arith.constant 0 : i32
        %dma_wait3A_37 = tpu.memref_slice %arg11[%add3A_31, %dma_wait3A_36] : memref<10240x128xf32, #tpu.memory_space<vmem_shared>> -> memref<64x128xf32, #tpu.memory_space<vmem_shared>>
        tpu.wait_dma2 semaphore(%run_scoped3A : memref<!tpu.dma_semaphore, #tpu.memory_space<semaphore_mem>>) src(%arg9 : memref<64x128xf32, #tpu.memory_space<vmem>>) dst(%dma_wait3A_37 : memref<64x128xf32, #tpu.memory_space<vmem_shared>>)
        tpu.yield
      }) : () -> ()
    }
    %scan3A_4 = arith.constant 10 : i32
    %barrier3A = arith.constant 0 : index
    tpu.barrier barrier_id(%barrier3A)
    %eq3A = arith.constant 0 : i32
    %eq3A_5 = arith.cmpi eq, %arg0, %eq3A : i32
    %jit3A = arith.constant 7 : i32
    %jit3A_6 = arith.constant 1 : i32
    %select_n3A = arith.select %eq3A_5, %jit3A, %jit3A_6 : i32
    %mul3A = arith.constant 280 : i32
    %mul3A_7 = arith.muli %arg1, %mul3A : i32
    %mul3A_8 = arith.constant 40 : i32
    %mul3A_9 = arith.muli %arg1, %mul3A_8 : i32
    %add3A = arith.constant 4480 : i32
    %add3A_10 = arith.addi %add3A, %mul3A_9 : i32
    %select_n3A_11 = arith.select %eq3A_5, %mul3A_7, %add3A_10 : i32
    %while3A = arith.constant 0 : i32
    %while3A_12 = arith.constant 0 : i32
    %while3A_13 = arith.subi %select_n3A, %while3A_12 : i32
    %while3A_14 = arith.addi %while3A_12, %while3A_13 : i32
    %while3A_15 = arith.constant 1 : i32
    %while3A_16 = arith.divsi %while3A_13, %while3A_15 : i32
    %while3A_17 = arith.muli %while3A_16, %while3A_15 : i32
    %while3A_18 = arith.addi %while3A_12, %while3A_17 : i32
    %while3A_19 = arith.constant 1 : i32
    scf.for %while3A_26 = %while3A_12 to %while3A_18 step %while3A_19  : i32 {
      %mul3A_27 = arith.constant 40 : i32
      %mul3A_28 = arith.muli %while3A_26, %mul3A_27 : i32
      %add3A_29 = arith.addi %select_n3A_11, %mul3A_28 : i32
      "tpu.region"() ({
        %run_scoped3A = tpu.sem_alloc : memref<!tpu.dma_semaphore, #tpu.memory_space<semaphore_mem>>
        %dma_start3A_42 = arith.constant 0 : i32
        %dma_start3A_43 = tpu.memref_slice %arg3[%add3A_29, %dma_start3A_42] : memref<5120x64xi32, #tpu.memory_space<hbm>> -> memref<40x64xi32, #tpu.memory_space<hbm>>
        %dma_start3A_44 = arith.constant 0 : i32
        %dma_start3A_45 = tpu.memref_slice %arg3[%add3A_29, %dma_start3A_44] : memref<5120x64xi32, #tpu.memory_space<hbm>> -> memref<40x64xi32, #tpu.memory_space<hbm>>
        tpu.enqueue_dma source(%dma_start3A_45 : memref<40x64xi32, #tpu.memory_space<hbm>>) target(%arg7 : memref<40x64xi32, #tpu.memory_space<vmem>>) target_semaphore(%run_scoped3A : memref<!tpu.dma_semaphore, #tpu.memory_space<semaphore_mem>>)
        %dma_wait3A = arith.constant 0 : i32
        %dma_wait3A_46 = tpu.memref_slice %arg3[%add3A_29, %dma_wait3A] : memref<5120x64xi32, #tpu.memory_space<hbm>> -> memref<40x64xi32, #tpu.memory_space<hbm>>
        %dma_wait3A_47 = arith.constant 0 : i32
        %dma_wait3A_48 = tpu.memref_slice %arg3[%add3A_29, %dma_wait3A_47] : memref<5120x64xi32, #tpu.memory_space<hbm>> -> memref<40x64xi32, #tpu.memory_space<hbm>>
        tpu.wait_dma2 semaphore(%run_scoped3A : memref<!tpu.dma_semaphore, #tpu.memory_space<semaphore_mem>>) src(%dma_wait3A_48 : memref<40x64xi32, #tpu.memory_space<hbm>>) dst(%arg7 : memref<40x64xi32, #tpu.memory_space<vmem>>)
        tpu.yield
      }) : () -> ()
      "tpu.region"() ({
        %run_scoped3A = tpu.sem_alloc : memref<!tpu.dma_semaphore, #tpu.memory_space<semaphore_mem>>
        %dma_start3A_42 = arith.constant 0 : i32
        %dma_start3A_43 = tpu.memref_slice %arg4[%add3A_29, %dma_start3A_42] : memref<5120x64xi32, #tpu.memory_space<hbm>> -> memref<40x64xi32, #tpu.memory_space<hbm>>
        %dma_start3A_44 = arith.constant 0 : i32
        %dma_start3A_45 = tpu.memref_slice %arg4[%add3A_29, %dma_start3A_44] : memref<5120x64xi32, #tpu.memory_space<hbm>> -> memref<40x64xi32, #tpu.memory_space<hbm>>
        tpu.enqueue_dma source(%dma_start3A_45 : memref<40x64xi32, #tpu.memory_space<hbm>>) target(%arg8 : memref<40x64xi32, #tpu.memory_space<vmem>>) target_semaphore(%run_scoped3A : memref<!tpu.dma_semaphore, #tpu.memory_space<semaphore_mem>>)
        %dma_wait3A = arith.constant 0 : i32
        %dma_wait3A_46 = tpu.memref_slice %arg4[%add3A_29, %dma_wait3A] : memref<5120x64xi32, #tpu.memory_space<hbm>> -> memref<40x64xi32, #tpu.memory_space<hbm>>
        %dma_wait3A_47 = arith.constant 0 : i32
        %dma_wait3A_48 = tpu.memref_slice %arg4[%add3A_29, %dma_wait3A_47] : memref<5120x64xi32, #tpu.memory_space<hbm>> -> memref<40x64xi32, #tpu.memory_space<hbm>>
        tpu.wait_dma2 semaphore(%run_scoped3A : memref<!tpu.dma_semaphore, #tpu.memory_space<semaphore_mem>>) src(%dma_wait3A_48 : memref<40x64xi32, #tpu.memory_space<hbm>>) dst(%arg8 : memref<40x64xi32, #tpu.memory_space<vmem>>)
        tpu.yield
      }) : () -> ()
      %dma_start3A = arith.constant 0 : i32
      %dma_start3A_30 = arith.constant 0 : i32
      %dma_start3A_31 = tpu.memref_slice %arg7[%dma_start3A, %dma_start3A_30] : memref<40x64xi32, #tpu.memory_space<vmem>> -> memref<1x64xi32, #tpu.memory_space<vmem>>
      %dma_start3A_32 = tpu.memref_squeeze %dma_start3A_31 : memref<1x64xi32, #tpu.memory_space<vmem>> -> memref<64xi32, #tpu.memory_space<vmem>>
      %dma_start3A_33 = arith.constant 0 : i32
      %dma_start3A_34 = arith.constant 0 : i32
      %dma_start3A_35 = tpu.memref_slice %arg2[%dma_start3A_33, %dma_start3A_34] : memref<40960x128xf32, #tpu.memory_space<hbm>> -> memref<40960x128xf32, #tpu.memory_space<hbm>>
      tpu.enqueue_indirect_dma source(%dma_start3A_35 : memref<40960x128xf32, #tpu.memory_space<hbm>>) target(%arg9 : memref<64x128xf32, #tpu.memory_space<vmem>>) offsets(%dma_start3A_32 : memref<64xi32, #tpu.memory_space<vmem>>) semaphore(%arg12 : memref<!tpu.dma_semaphore, #tpu.memory_space<semaphore_mem>>)
      %scan3A_36 = arith.constant 0 : i32
      %scan3A_37 = arith.constant 0 : i32
      %scan3A_38 = arith.constant 20 : i32
      %scan3A_39 = arith.addi %scan3A_37, %scan3A_38 : i32
      %scan3A_40 = arith.constant 1 : i32
      scf.for %scan3A_42 = %scan3A_37 to %scan3A_39 step %scan3A_40  : i32 {
        %mul3A_43 = arith.constant 2 : i32
        %mul3A_44 = arith.muli %mul3A_43, %scan3A_42 : i32
        %mul3A_45 = arith.constant 2 : i32
        %mul3A_46 = arith.muli %mul3A_45, %scan3A_42 : i32
        %add3A_47 = arith.constant 1 : i32
        %add3A_48 = arith.addi %mul3A_46, %add3A_47 : i32
        %dma_wait3A = arith.constant 0 : i32
        %dma_wait3A_49 = tpu.memref_slice %arg7[%mul3A_44, %dma_wait3A] : memref<40x64xi32, #tpu.memory_space<vmem>> -> memref<1x64xi32, #tpu.memory_space<vmem>>
        %dma_wait3A_50 = tpu.memref_squeeze %dma_wait3A_49 : memref<1x64xi32, #tpu.memory_space<vmem>> -> memref<64xi32, #tpu.memory_space<vmem>>
        %dma_wait3A_51 = arith.constant 0 : i32
        %dma_wait3A_52 = arith.constant 0 : i32
        %dma_wait3A_53 = tpu.memref_slice %arg2[%dma_wait3A_51, %dma_wait3A_52] : memref<40960x128xf32, #tpu.memory_space<hbm>> -> memref<40960x128xf32, #tpu.memory_space<hbm>>
        tpu.wait_indirect_dma semaphore(%arg12 : memref<!tpu.dma_semaphore, #tpu.memory_space<semaphore_mem>>) src(%dma_wait3A_53 : memref<40960x128xf32, #tpu.memory_space<hbm>>) dst(%arg9 : memref<64x128xf32, #tpu.memory_space<vmem>>)
        %dma_start3A_54 = arith.constant 0 : i32
        %dma_start3A_55 = tpu.memref_slice %arg7[%add3A_48, %dma_start3A_54] : memref<40x64xi32, #tpu.memory_space<vmem>> -> memref<1x64xi32, #tpu.memory_space<vmem>>
        %dma_start3A_56 = tpu.memref_squeeze %dma_start3A_55 : memref<1x64xi32, #tpu.memory_space<vmem>> -> memref<64xi32, #tpu.memory_space<vmem>>
        %dma_start3A_57 = arith.constant 0 : i32
        %dma_start3A_58 = arith.constant 0 : i32
        %dma_start3A_59 = tpu.memref_slice %arg2[%dma_start3A_57, %dma_start3A_58] : memref<40960x128xf32, #tpu.memory_space<hbm>> -> memref<40960x128xf32, #tpu.memory_space<hbm>>
        tpu.enqueue_indirect_dma source(%dma_start3A_59 : memref<40960x128xf32, #tpu.memory_space<hbm>>) target(%arg10 : memref<64x128xf32, #tpu.memory_space<vmem>>) offsets(%dma_start3A_56 : memref<64xi32, #tpu.memory_space<vmem>>) semaphore(%arg13 : memref<!tpu.dma_semaphore, #tpu.memory_space<semaphore_mem>>)
        "tpu.region"() ({
          %run_scoped3A = tpu.sem_alloc : memref<!tpu.dma_semaphore, #tpu.memory_space<semaphore_mem>>
          %dma_start3A_68 = arith.constant 0 : i32
          %dma_start3A_69 = tpu.memref_slice %arg8[%mul3A_44, %dma_start3A_68] : memref<40x64xi32, #tpu.memory_space<vmem>> -> memref<1x64xi32, #tpu.memory_space<vmem>>
          %dma_start3A_70 = tpu.memref_squeeze %dma_start3A_69 : memref<1x64xi32, #tpu.memory_space<vmem>> -> memref<64xi32, #tpu.memory_space<vmem>>
          %dma_start3A_71 = arith.constant 0 : i32
          %dma_start3A_72 = arith.constant 0 : i32
          %dma_start3A_73 = tpu.memref_slice %arg11[%dma_start3A_71, %dma_start3A_72] : memref<10240x128xf32, #tpu.memory_space<vmem_shared>> -> memref<10240x128xf32, #tpu.memory_space<vmem_shared>>
          tpu.enqueue_indirect_dma source(%arg9 : memref<64x128xf32, #tpu.memory_space<vmem>>) target(%dma_start3A_73 : memref<10240x128xf32, #tpu.memory_space<vmem_shared>>) offsets(%dma_start3A_70 : memref<64xi32, #tpu.memory_space<vmem>>) semaphore(%run_scoped3A : memref<!tpu.dma_semaphore, #tpu.memory_space<semaphore_mem>>) {add = true}
          %dma_wait3A_74 = arith.constant 0 : i32
          %dma_wait3A_75 = tpu.memref_slice %arg8[%mul3A_44, %dma_wait3A_74] : memref<40x64xi32, #tpu.memory_space<vmem>> -> memref<1x64xi32, #tpu.memory_space<vmem>>
          %dma_wait3A_76 = tpu.memref_squeeze %dma_wait3A_75 : memref<1x64xi32, #tpu.memory_space<vmem>> -> memref<64xi32, #tpu.memory_space<vmem>>
          %dma_wait3A_77 = arith.constant 0 : i32
          %dma_wait3A_78 = arith.constant 0 : i32
          %dma_wait3A_79 = tpu.memref_slice %arg11[%dma_wait3A_77, %dma_wait3A_78] : memref<10240x128xf32, #tpu.memory_space<vmem_shared>> -> memref<10240x128xf32, #tpu.memory_space<vmem_shared>>
          tpu.wait_indirect_dma semaphore(%run_scoped3A : memref<!tpu.dma_semaphore, #tpu.memory_space<semaphore_mem>>) src(%arg9 : memref<64x128xf32, #tpu.memory_space<vmem>>) dst(%dma_wait3A_79 : memref<10240x128xf32, #tpu.memory_space<vmem_shared>>)
          tpu.yield
        }) : () -> ()
        %dma_wait3A_60 = arith.constant 0 : i32
        %dma_wait3A_61 = tpu.memref_slice %arg7[%add3A_48, %dma_wait3A_60] : memref<40x64xi32, #tpu.memory_space<vmem>> -> memref<1x64xi32, #tpu.memory_space<vmem>>
        %dma_wait3A_62 = tpu.memref_squeeze %dma_wait3A_61 : memref<1x64xi32, #tpu.memory_space<vmem>> -> memref<64xi32, #tpu.memory_space<vmem>>
        %dma_wait3A_63 = arith.constant 0 : i32
        %dma_wait3A_64 = arith.constant 0 : i32
        %dma_wait3A_65 = tpu.memref_slice %arg2[%dma_wait3A_63, %dma_wait3A_64] : memref<40960x128xf32, #tpu.memory_space<hbm>> -> memref<40960x128xf32, #tpu.memory_space<hbm>>
        tpu.wait_indirect_dma semaphore(%arg13 : memref<!tpu.dma_semaphore, #tpu.memory_space<semaphore_mem>>) src(%dma_wait3A_65 : memref<40960x128xf32, #tpu.memory_space<hbm>>) dst(%arg10 : memref<64x128xf32, #tpu.memory_space<vmem>>)
        %lt3A = arith.constant 19 : i32
        %lt3A_66 = arith.cmpi slt, %scan3A_42, %lt3A : i32
        %convert_element_type3A = arith.extui %lt3A_66 : i1 to i32
        %cond3A = arith.constant 0 : i32
        %cond3A_67 = arith.cmpi ne, %convert_element_type3A, %cond3A : i32
        scf.if %cond3A_67 {
          %add3A_68 = arith.constant 2 : i32
          %add3A_69 = arith.addi %mul3A_44, %add3A_68 : i32
          %dma_start3A_70 = arith.constant 0 : i32
          %dma_start3A_71 = tpu.memref_slice %arg7[%add3A_69, %dma_start3A_70] : memref<40x64xi32, #tpu.memory_space<vmem>> -> memref<1x64xi32, #tpu.memory_space<vmem>>
          %dma_start3A_72 = tpu.memref_squeeze %dma_start3A_71 : memref<1x64xi32, #tpu.memory_space<vmem>> -> memref<64xi32, #tpu.memory_space<vmem>>
          %dma_start3A_73 = arith.constant 0 : i32
          %dma_start3A_74 = arith.constant 0 : i32
          %dma_start3A_75 = tpu.memref_slice %arg2[%dma_start3A_73, %dma_start3A_74] : memref<40960x128xf32, #tpu.memory_space<hbm>> -> memref<40960x128xf32, #tpu.memory_space<hbm>>
          tpu.enqueue_indirect_dma source(%dma_start3A_75 : memref<40960x128xf32, #tpu.memory_space<hbm>>) target(%arg9 : memref<64x128xf32, #tpu.memory_space<vmem>>) offsets(%dma_start3A_72 : memref<64xi32, #tpu.memory_space<vmem>>) semaphore(%arg12 : memref<!tpu.dma_semaphore, #tpu.memory_space<semaphore_mem>>)
        } else {
        }
        "tpu.region"() ({
          %run_scoped3A = tpu.sem_alloc : memref<!tpu.dma_semaphore, #tpu.memory_space<semaphore_mem>>
          %dma_start3A_68 = arith.constant 0 : i32
          %dma_start3A_69 = tpu.memref_slice %arg8[%add3A_48, %dma_start3A_68] : memref<40x64xi32, #tpu.memory_space<vmem>> -> memref<1x64xi32, #tpu.memory_space<vmem>>
          %dma_start3A_70 = tpu.memref_squeeze %dma_start3A_69 : memref<1x64xi32, #tpu.memory_space<vmem>> -> memref<64xi32, #tpu.memory_space<vmem>>
          %dma_start3A_71 = arith.constant 0 : i32
          %dma_start3A_72 = arith.constant 0 : i32
          %dma_start3A_73 = tpu.memref_slice %arg11[%dma_start3A_71, %dma_start3A_72] : memref<10240x128xf32, #tpu.memory_space<vmem_shared>> -> memref<10240x128xf32, #tpu.memory_space<vmem_shared>>
          tpu.enqueue_indirect_dma source(%arg10 : memref<64x128xf32, #tpu.memory_space<vmem>>) target(%dma_start3A_73 : memref<10240x128xf32, #tpu.memory_space<vmem_shared>>) offsets(%dma_start3A_70 : memref<64xi32, #tpu.memory_space<vmem>>) semaphore(%run_scoped3A : memref<!tpu.dma_semaphore, #tpu.memory_space<semaphore_mem>>) {add = true}
          %dma_wait3A_74 = arith.constant 0 : i32
          %dma_wait3A_75 = tpu.memref_slice %arg8[%add3A_48, %dma_wait3A_74] : memref<40x64xi32, #tpu.memory_space<vmem>> -> memref<1x64xi32, #tpu.memory_space<vmem>>
          %dma_wait3A_76 = tpu.memref_squeeze %dma_wait3A_75 : memref<1x64xi32, #tpu.memory_space<vmem>> -> memref<64xi32, #tpu.memory_space<vmem>>
          %dma_wait3A_77 = arith.constant 0 : i32
          %dma_wait3A_78 = arith.constant 0 : i32
          %dma_wait3A_79 = tpu.memref_slice %arg11[%dma_wait3A_77, %dma_wait3A_78] : memref<10240x128xf32, #tpu.memory_space<vmem_shared>> -> memref<10240x128xf32, #tpu.memory_space<vmem_shared>>
          tpu.wait_indirect_dma semaphore(%run_scoped3A : memref<!tpu.dma_semaphore, #tpu.memory_space<semaphore_mem>>) src(%arg10 : memref<64x128xf32, #tpu.memory_space<vmem>>) dst(%dma_wait3A_79 : memref<10240x128xf32, #tpu.memory_space<vmem_shared>>)
          tpu.yield
        }) : () -> ()
      }
      %scan3A_41 = arith.constant 20 : i32
    }
    %while3A_20 = arith.constant 1 : i32
    scf.for %while3A_26 = %while3A_18 to %while3A_14 step %while3A_20  : i32 {
      %mul3A_27 = arith.constant 40 : i32
      %mul3A_28 = arith.muli %while3A_26, %mul3A_27 : i32
      %add3A_29 = arith.addi %select_n3A_11, %mul3A_28 : i32
      "tpu.region"() ({
        %run_scoped3A = tpu.sem_alloc : memref<!tpu.dma_semaphore, #tpu.memory_space<semaphore_mem>>
        %dma_start3A_42 = arith.constant 0 : i32
        %dma_start3A_43 = tpu.memref_slice %arg3[%add3A_29, %dma_start3A_42] : memref<5120x64xi32, #tpu.memory_space<hbm>> -> memref<40x64xi32, #tpu.memory_space<hbm>>
        %dma_start3A_44 = arith.constant 0 : i32
        %dma_start3A_45 = tpu.memref_slice %arg3[%add3A_29, %dma_start3A_44] : memref<5120x64xi32, #tpu.memory_space<hbm>> -> memref<40x64xi32, #tpu.memory_space<hbm>>
        tpu.enqueue_dma source(%dma_start3A_45 : memref<40x64xi32, #tpu.memory_space<hbm>>) target(%arg7 : memref<40x64xi32, #tpu.memory_space<vmem>>) target_semaphore(%run_scoped3A : memref<!tpu.dma_semaphore, #tpu.memory_space<semaphore_mem>>)
        %dma_wait3A = arith.constant 0 : i32
        %dma_wait3A_46 = tpu.memref_slice %arg3[%add3A_29, %dma_wait3A] : memref<5120x64xi32, #tpu.memory_space<hbm>> -> memref<40x64xi32, #tpu.memory_space<hbm>>
        %dma_wait3A_47 = arith.constant 0 : i32
        %dma_wait3A_48 = tpu.memref_slice %arg3[%add3A_29, %dma_wait3A_47] : memref<5120x64xi32, #tpu.memory_space<hbm>> -> memref<40x64xi32, #tpu.memory_space<hbm>>
        tpu.wait_dma2 semaphore(%run_scoped3A : memref<!tpu.dma_semaphore, #tpu.memory_space<semaphore_mem>>) src(%dma_wait3A_48 : memref<40x64xi32, #tpu.memory_space<hbm>>) dst(%arg7 : memref<40x64xi32, #tpu.memory_space<vmem>>)
        tpu.yield
      }) : () -> ()
      "tpu.region"() ({
        %run_scoped3A = tpu.sem_alloc : memref<!tpu.dma_semaphore, #tpu.memory_space<semaphore_mem>>
        %dma_start3A_42 = arith.constant 0 : i32
        %dma_start3A_43 = tpu.memref_slice %arg4[%add3A_29, %dma_start3A_42] : memref<5120x64xi32, #tpu.memory_space<hbm>> -> memref<40x64xi32, #tpu.memory_space<hbm>>
        %dma_start3A_44 = arith.constant 0 : i32
        %dma_start3A_45 = tpu.memref_slice %arg4[%add3A_29, %dma_start3A_44] : memref<5120x64xi32, #tpu.memory_space<hbm>> -> memref<40x64xi32, #tpu.memory_space<hbm>>
        tpu.enqueue_dma source(%dma_start3A_45 : memref<40x64xi32, #tpu.memory_space<hbm>>) target(%arg8 : memref<40x64xi32, #tpu.memory_space<vmem>>) target_semaphore(%run_scoped3A : memref<!tpu.dma_semaphore, #tpu.memory_space<semaphore_mem>>)
        %dma_wait3A = arith.constant 0 : i32
        %dma_wait3A_46 = tpu.memref_slice %arg4[%add3A_29, %dma_wait3A] : memref<5120x64xi32, #tpu.memory_space<hbm>> -> memref<40x64xi32, #tpu.memory_space<hbm>>
        %dma_wait3A_47 = arith.constant 0 : i32
        %dma_wait3A_48 = tpu.memref_slice %arg4[%add3A_29, %dma_wait3A_47] : memref<5120x64xi32, #tpu.memory_space<hbm>> -> memref<40x64xi32, #tpu.memory_space<hbm>>
        tpu.wait_dma2 semaphore(%run_scoped3A : memref<!tpu.dma_semaphore, #tpu.memory_space<semaphore_mem>>) src(%dma_wait3A_48 : memref<40x64xi32, #tpu.memory_space<hbm>>) dst(%arg8 : memref<40x64xi32, #tpu.memory_space<vmem>>)
        tpu.yield
      }) : () -> ()
      %dma_start3A = arith.constant 0 : i32
      %dma_start3A_30 = arith.constant 0 : i32
      %dma_start3A_31 = tpu.memref_slice %arg7[%dma_start3A, %dma_start3A_30] : memref<40x64xi32, #tpu.memory_space<vmem>> -> memref<1x64xi32, #tpu.memory_space<vmem>>
      %dma_start3A_32 = tpu.memref_squeeze %dma_start3A_31 : memref<1x64xi32, #tpu.memory_space<vmem>> -> memref<64xi32, #tpu.memory_space<vmem>>
      %dma_start3A_33 = arith.constant 0 : i32
      %dma_start3A_34 = arith.constant 0 : i32
      %dma_start3A_35 = tpu.memref_slice %arg2[%dma_start3A_33, %dma_start3A_34] : memref<40960x128xf32, #tpu.memory_space<hbm>> -> memref<40960x128xf32, #tpu.memory_space<hbm>>
      tpu.enqueue_indirect_dma source(%dma_start3A_35 : memref<40960x128xf32, #tpu.memory_space<hbm>>) target(%arg9 : memref<64x128xf32, #tpu.memory_space<vmem>>) offsets(%dma_start3A_32 : memref<64xi32, #tpu.memory_space<vmem>>) semaphore(%arg12 : memref<!tpu.dma_semaphore, #tpu.memory_space<semaphore_mem>>)
      %scan3A_36 = arith.constant 0 : i32
      %scan3A_37 = arith.constant 0 : i32
      %scan3A_38 = arith.constant 20 : i32
      %scan3A_39 = arith.addi %scan3A_37, %scan3A_38 : i32
      %scan3A_40 = arith.constant 1 : i32
      scf.for %scan3A_42 = %scan3A_37 to %scan3A_39 step %scan3A_40  : i32 {
        %mul3A_43 = arith.constant 2 : i32
        %mul3A_44 = arith.muli %mul3A_43, %scan3A_42 : i32
        %mul3A_45 = arith.constant 2 : i32
        %mul3A_46 = arith.muli %mul3A_45, %scan3A_42 : i32
        %add3A_47 = arith.constant 1 : i32
        %add3A_48 = arith.addi %mul3A_46, %add3A_47 : i32
        %dma_wait3A = arith.constant 0 : i32
        %dma_wait3A_49 = tpu.memref_slice %arg7[%mul3A_44, %dma_wait3A] : memref<40x64xi32, #tpu.memory_space<vmem>> -> memref<1x64xi32, #tpu.memory_space<vmem>>
        %dma_wait3A_50 = tpu.memref_squeeze %dma_wait3A_49 : memref<1x64xi32, #tpu.memory_space<vmem>> -> memref<64xi32, #tpu.memory_space<vmem>>
        %dma_wait3A_51 = arith.constant 0 : i32
        %dma_wait3A_52 = arith.constant 0 : i32
        %dma_wait3A_53 = tpu.memref_slice %arg2[%dma_wait3A_51, %dma_wait3A_52] : memref<40960x128xf32, #tpu.memory_space<hbm>> -> memref<40960x128xf32, #tpu.memory_space<hbm>>
        tpu.wait_indirect_dma semaphore(%arg12 : memref<!tpu.dma_semaphore, #tpu.memory_space<semaphore_mem>>) src(%dma_wait3A_53 : memref<40960x128xf32, #tpu.memory_space<hbm>>) dst(%arg9 : memref<64x128xf32, #tpu.memory_space<vmem>>)
        %dma_start3A_54 = arith.constant 0 : i32
        %dma_start3A_55 = tpu.memref_slice %arg7[%add3A_48, %dma_start3A_54] : memref<40x64xi32, #tpu.memory_space<vmem>> -> memref<1x64xi32, #tpu.memory_space<vmem>>
        %dma_start3A_56 = tpu.memref_squeeze %dma_start3A_55 : memref<1x64xi32, #tpu.memory_space<vmem>> -> memref<64xi32, #tpu.memory_space<vmem>>
        %dma_start3A_57 = arith.constant 0 : i32
        %dma_start3A_58 = arith.constant 0 : i32
        %dma_start3A_59 = tpu.memref_slice %arg2[%dma_start3A_57, %dma_start3A_58] : memref<40960x128xf32, #tpu.memory_space<hbm>> -> memref<40960x128xf32, #tpu.memory_space<hbm>>
        tpu.enqueue_indirect_dma source(%dma_start3A_59 : memref<40960x128xf32, #tpu.memory_space<hbm>>) target(%arg10 : memref<64x128xf32, #tpu.memory_space<vmem>>) offsets(%dma_start3A_56 : memref<64xi32, #tpu.memory_space<vmem>>) semaphore(%arg13 : memref<!tpu.dma_semaphore, #tpu.memory_space<semaphore_mem>>)
        "tpu.region"() ({
          %run_scoped3A = tpu.sem_alloc : memref<!tpu.dma_semaphore, #tpu.memory_space<semaphore_mem>>
          %dma_start3A_68 = arith.constant 0 : i32
          %dma_start3A_69 = tpu.memref_slice %arg8[%mul3A_44, %dma_start3A_68] : memref<40x64xi32, #tpu.memory_space<vmem>> -> memref<1x64xi32, #tpu.memory_space<vmem>>
          %dma_start3A_70 = tpu.memref_squeeze %dma_start3A_69 : memref<1x64xi32, #tpu.memory_space<vmem>> -> memref<64xi32, #tpu.memory_space<vmem>>
          %dma_start3A_71 = arith.constant 0 : i32
          %dma_start3A_72 = arith.constant 0 : i32
          %dma_start3A_73 = tpu.memref_slice %arg11[%dma_start3A_71, %dma_start3A_72] : memref<10240x128xf32, #tpu.memory_space<vmem_shared>> -> memref<10240x128xf32, #tpu.memory_space<vmem_shared>>
          tpu.enqueue_indirect_dma source(%arg9 : memref<64x128xf32, #tpu.memory_space<vmem>>) target(%dma_start3A_73 : memref<10240x128xf32, #tpu.memory_space<vmem_shared>>) offsets(%dma_start3A_70 : memref<64xi32, #tpu.memory_space<vmem>>) semaphore(%run_scoped3A : memref<!tpu.dma_semaphore, #tpu.memory_space<semaphore_mem>>) {add = true}
          %dma_wait3A_74 = arith.constant 0 : i32
          %dma_wait3A_75 = tpu.memref_slice %arg8[%mul3A_44, %dma_wait3A_74] : memref<40x64xi32, #tpu.memory_space<vmem>> -> memref<1x64xi32, #tpu.memory_space<vmem>>
          %dma_wait3A_76 = tpu.memref_squeeze %dma_wait3A_75 : memref<1x64xi32, #tpu.memory_space<vmem>> -> memref<64xi32, #tpu.memory_space<vmem>>
          %dma_wait3A_77 = arith.constant 0 : i32
          %dma_wait3A_78 = arith.constant 0 : i32
          %dma_wait3A_79 = tpu.memref_slice %arg11[%dma_wait3A_77, %dma_wait3A_78] : memref<10240x128xf32, #tpu.memory_space<vmem_shared>> -> memref<10240x128xf32, #tpu.memory_space<vmem_shared>>
          tpu.wait_indirect_dma semaphore(%run_scoped3A : memref<!tpu.dma_semaphore, #tpu.memory_space<semaphore_mem>>) src(%arg9 : memref<64x128xf32, #tpu.memory_space<vmem>>) dst(%dma_wait3A_79 : memref<10240x128xf32, #tpu.memory_space<vmem_shared>>)
          tpu.yield
        }) : () -> ()
        %dma_wait3A_60 = arith.constant 0 : i32
        %dma_wait3A_61 = tpu.memref_slice %arg7[%add3A_48, %dma_wait3A_60] : memref<40x64xi32, #tpu.memory_space<vmem>> -> memref<1x64xi32, #tpu.memory_space<vmem>>
        %dma_wait3A_62 = tpu.memref_squeeze %dma_wait3A_61 : memref<1x64xi32, #tpu.memory_space<vmem>> -> memref<64xi32, #tpu.memory_space<vmem>>
        %dma_wait3A_63 = arith.constant 0 : i32
        %dma_wait3A_64 = arith.constant 0 : i32
        %dma_wait3A_65 = tpu.memref_slice %arg2[%dma_wait3A_63, %dma_wait3A_64] : memref<40960x128xf32, #tpu.memory_space<hbm>> -> memref<40960x128xf32, #tpu.memory_space<hbm>>
        tpu.wait_indirect_dma semaphore(%arg13 : memref<!tpu.dma_semaphore, #tpu.memory_space<semaphore_mem>>) src(%dma_wait3A_65 : memref<40960x128xf32, #tpu.memory_space<hbm>>) dst(%arg10 : memref<64x128xf32, #tpu.memory_space<vmem>>)
        %lt3A = arith.constant 19 : i32
        %lt3A_66 = arith.cmpi slt, %scan3A_42, %lt3A : i32
        %convert_element_type3A = arith.extui %lt3A_66 : i1 to i32
        %cond3A = arith.constant 0 : i32
        %cond3A_67 = arith.cmpi ne, %convert_element_type3A, %cond3A : i32
        scf.if %cond3A_67 {
          %add3A_68 = arith.constant 2 : i32
          %add3A_69 = arith.addi %mul3A_44, %add3A_68 : i32
          %dma_start3A_70 = arith.constant 0 : i32
          %dma_start3A_71 = tpu.memref_slice %arg7[%add3A_69, %dma_start3A_70] : memref<40x64xi32, #tpu.memory_space<vmem>> -> memref<1x64xi32, #tpu.memory_space<vmem>>
          %dma_start3A_72 = tpu.memref_squeeze %dma_start3A_71 : memref<1x64xi32, #tpu.memory_space<vmem>> -> memref<64xi32, #tpu.memory_space<vmem>>
          %dma_start3A_73 = arith.constant 0 : i32
          %dma_start3A_74 = arith.constant 0 : i32
          %dma_start3A_75 = tpu.memref_slice %arg2[%dma_start3A_73, %dma_start3A_74] : memref<40960x128xf32, #tpu.memory_space<hbm>> -> memref<40960x128xf32, #tpu.memory_space<hbm>>
          tpu.enqueue_indirect_dma source(%dma_start3A_75 : memref<40960x128xf32, #tpu.memory_space<hbm>>) target(%arg9 : memref<64x128xf32, #tpu.memory_space<vmem>>) offsets(%dma_start3A_72 : memref<64xi32, #tpu.memory_space<vmem>>) semaphore(%arg12 : memref<!tpu.dma_semaphore, #tpu.memory_space<semaphore_mem>>)
        } else {
        }
        "tpu.region"() ({
          %run_scoped3A = tpu.sem_alloc : memref<!tpu.dma_semaphore, #tpu.memory_space<semaphore_mem>>
          %dma_start3A_68 = arith.constant 0 : i32
          %dma_start3A_69 = tpu.memref_slice %arg8[%add3A_48, %dma_start3A_68] : memref<40x64xi32, #tpu.memory_space<vmem>> -> memref<1x64xi32, #tpu.memory_space<vmem>>
          %dma_start3A_70 = tpu.memref_squeeze %dma_start3A_69 : memref<1x64xi32, #tpu.memory_space<vmem>> -> memref<64xi32, #tpu.memory_space<vmem>>
          %dma_start3A_71 = arith.constant 0 : i32
          %dma_start3A_72 = arith.constant 0 : i32
          %dma_start3A_73 = tpu.memref_slice %arg11[%dma_start3A_71, %dma_start3A_72] : memref<10240x128xf32, #tpu.memory_space<vmem_shared>> -> memref<10240x128xf32, #tpu.memory_space<vmem_shared>>
          tpu.enqueue_indirect_dma source(%arg10 : memref<64x128xf32, #tpu.memory_space<vmem>>) target(%dma_start3A_73 : memref<10240x128xf32, #tpu.memory_space<vmem_shared>>) offsets(%dma_start3A_70 : memref<64xi32, #tpu.memory_space<vmem>>) semaphore(%run_scoped3A : memref<!tpu.dma_semaphore, #tpu.memory_space<semaphore_mem>>) {add = true}
          %dma_wait3A_74 = arith.constant 0 : i32
          %dma_wait3A_75 = tpu.memref_slice %arg8[%add3A_48, %dma_wait3A_74] : memref<40x64xi32, #tpu.memory_space<vmem>> -> memref<1x64xi32, #tpu.memory_space<vmem>>
          %dma_wait3A_76 = tpu.memref_squeeze %dma_wait3A_75 : memref<1x64xi32, #tpu.memory_space<vmem>> -> memref<64xi32, #tpu.memory_space<vmem>>
          %dma_wait3A_77 = arith.constant 0 : i32
          %dma_wait3A_78 = arith.constant 0 : i32
          %dma_wait3A_79 = tpu.memref_slice %arg11[%dma_wait3A_77, %dma_wait3A_78] : memref<10240x128xf32, #tpu.memory_space<vmem_shared>> -> memref<10240x128xf32, #tpu.memory_space<vmem_shared>>
          tpu.wait_indirect_dma semaphore(%run_scoped3A : memref<!tpu.dma_semaphore, #tpu.memory_space<semaphore_mem>>) src(%arg10 : memref<64x128xf32, #tpu.memory_space<vmem>>) dst(%dma_wait3A_79 : memref<10240x128xf32, #tpu.memory_space<vmem_shared>>)
          tpu.yield
        }) : () -> ()
      }
      %scan3A_41 = arith.constant 20 : i32
    }
    %barrier3A_21 = arith.constant 0 : index
    tpu.barrier barrier_id(%barrier3A_21)
    %mul3A_22 = arith.constant 640 : i32
    %mul3A_23 = arith.muli %arg1, %mul3A_22 : i32
    %mul3A_24 = arith.constant 640 : i32
    %mul3A_25 = arith.muli %arg1, %mul3A_24 : i32
    "tpu.region"() ({
      %run_scoped3A = tpu.sem_alloc : memref<!tpu.dma_semaphore, #tpu.memory_space<semaphore_mem>>
      %dma_start3A = arith.constant 0 : i32
      %dma_start3A_26 = tpu.memref_slice %arg6[%arg0, %mul3A_25, %dma_start3A] : memref<2x10240x128xf32, #tpu.memory_space<hbm>> -> memref<1x640x128xf32, #tpu.memory_space<hbm>>
      %dma_start3A_27 = tpu.memref_squeeze %dma_start3A_26 : memref<1x640x128xf32, #tpu.memory_space<hbm>> -> memref<640x128xf32, #tpu.memory_space<hbm>>
      %dma_start3A_28 = arith.constant 0 : i32
      %dma_start3A_29 = tpu.memref_slice %arg11[%mul3A_23, %dma_start3A_28] : memref<10240x128xf32, #tpu.memory_space<vmem_shared>> -> memref<640x128xf32, #tpu.memory_space<vmem_shared>>
      tpu.enqueue_dma source(%dma_start3A_29 : memref<640x128xf32, #tpu.memory_space<vmem_shared>>) target(%dma_start3A_27 : memref<640x128xf32, #tpu.memory_space<hbm>>) target_semaphore(%run_scoped3A : memref<!tpu.dma_semaphore, #tpu.memory_space<semaphore_mem>>)
      %dma_wait3A = arith.constant 0 : i32
      %dma_wait3A_30 = tpu.memref_slice %arg6[%arg0, %mul3A_25, %dma_wait3A] : memref<2x10240x128xf32, #tpu.memory_space<hbm>> -> memref<1x640x128xf32, #tpu.memory_space<hbm>>
      %dma_wait3A_31 = tpu.memref_squeeze %dma_wait3A_30 : memref<1x640x128xf32, #tpu.memory_space<hbm>> -> memref<640x128xf32, #tpu.memory_space<hbm>>
      %dma_wait3A_32 = arith.constant 0 : i32
      %dma_wait3A_33 = tpu.memref_slice %arg11[%mul3A_23, %dma_wait3A_32] : memref<10240x128xf32, #tpu.memory_space<vmem_shared>> -> memref<640x128xf32, #tpu.memory_space<vmem_shared>>
      tpu.wait_dma2 semaphore(%run_scoped3A : memref<!tpu.dma_semaphore, #tpu.memory_space<semaphore_mem>>) src(%dma_wait3A_33 : memref<640x128xf32, #tpu.memory_space<vmem_shared>>) dst(%dma_wait3A_31 : memref<640x128xf32, #tpu.memory_space<hbm>>)
      tpu.yield
    }) : () -> ()
    return
  }
}

#map = affine_map<(d0, d1) -> (0, 0)>
#map1 = affine_map<(d0, d1) -> (0, 0, 0)>
module attributes {stable_mosaic.version = 14 : i64} {
  func.func @_sc_body(%arg0: i32, %arg1: i32, %arg2: memref<40960x128xf32, #tpu.memory_space<hbm>>, %arg3: memref<5120x64xi32, #tpu.memory_space<hbm>>, %arg4: memref<5120x64xi32, #tpu.memory_space<hbm>>, %arg5: memref<64x128xf32, #tpu.memory_space<hbm>>, %arg6: memref<2x10240x128xf32, #tpu.memory_space<hbm>>, %arg7: memref<40x64xi32, #tpu.memory_space<vmem>>, %arg8: memref<40x64xi32, #tpu.memory_space<vmem>>, %arg9: memref<64x128xf32, #tpu.memory_space<vmem>>, %arg10: memref<64x128xf32, #tpu.memory_space<vmem>>, %arg11: memref<10240x128xf32, #tpu.memory_space<vmem_shared>>, %arg12: memref<!tpu.dma_semaphore, #tpu.memory_space<semaphore_mem>>, %arg13: memref<!tpu.dma_semaphore, #tpu.memory_space<semaphore_mem>>) attributes {dimension_semantics = [#tpu.dimension_semantics<core_parallel>, #tpu.dimension_semantics<subcore_parallel>], iteration_bounds = array<i64: 2, 16>, scalar_prefetch = 0 : i64, scratch_operands = 7 : i64, tpu.core_type = #tpu.core_type<sc_vector_subcore>, window_params = [{transform_indices = #map}, {transform_indices = #map}, {transform_indices = #map}, {transform_indices = #map}, {transform_indices = #map1}]} {
    "tpu.region"() ({
      %run_scoped3A = tpu.sem_alloc : memref<!tpu.dma_semaphore, #tpu.memory_space<semaphore_mem>>
      tpu.enqueue_dma source(%arg5 : memref<64x128xf32, #tpu.memory_space<hbm>>) target(%arg9 : memref<64x128xf32, #tpu.memory_space<vmem>>) target_semaphore(%run_scoped3A : memref<!tpu.dma_semaphore, #tpu.memory_space<semaphore_mem>>)
      tpu.wait_dma2 semaphore(%run_scoped3A : memref<!tpu.dma_semaphore, #tpu.memory_space<semaphore_mem>>) src(%arg5 : memref<64x128xf32, #tpu.memory_space<hbm>>) dst(%arg9 : memref<64x128xf32, #tpu.memory_space<vmem>>)
      tpu.yield
    }) : () -> ()
    %scan3A = arith.constant 0 : i32
    %scan3A_0 = arith.constant 0 : i32
    %scan3A_1 = arith.constant 10 : i32
    %scan3A_2 = arith.addi %scan3A_0, %scan3A_1 : i32
    %scan3A_3 = arith.constant 1 : i32
    scf.for %scan3A_26 = %scan3A_0 to %scan3A_2 step %scan3A_3  : i32 {
      %mul3A_27 = arith.constant 640 : i32
      %mul3A_28 = arith.muli %arg1, %mul3A_27 : i32
      %mul3A_29 = arith.constant 64 : i32
      %mul3A_30 = arith.muli %scan3A_26, %mul3A_29 : i32
      %add3A_31 = arith.addi %mul3A_28, %mul3A_30 : i32
      "tpu.region"() ({
        %run_scoped3A = tpu.sem_alloc : memref<!tpu.dma_semaphore, #tpu.memory_space<semaphore_mem>>
        %dma_start3A = arith.constant 0 : i32
        %dma_start3A_32 = tpu.memref_slice %arg11[%add3A_31, %dma_start3A] : memref<10240x128xf32, #tpu.memory_space<vmem_shared>> -> memref<64x128xf32, #tpu.memory_space<vmem_shared>>
        %dma_start3A_33 = arith.constant 0 : i32
        %dma_start3A_34 = tpu.memref_slice %arg11[%add3A_31, %dma_start3A_33] : memref<10240x128xf32, #tpu.memory_space<vmem_shared>> -> memref<64x128xf32, #tpu.memory_space<vmem_shared>>
        tpu.enqueue_dma source(%arg9 : memref<64x128xf32, #tpu.memory_space<vmem>>) target(%dma_start3A_34 : memref<64x128xf32, #tpu.memory_space<vmem_shared>>) target_semaphore(%run_scoped3A : memref<!tpu.dma_semaphore, #tpu.memory_space<semaphore_mem>>)
        %dma_wait3A = arith.constant 0 : i32
        %dma_wait3A_35 = tpu.memref_slice %arg11[%add3A_31, %dma_wait3A] : memref<10240x128xf32, #tpu.memory_space<vmem_shared>> -> memref<64x128xf32, #tpu.memory_space<vmem_shared>>
        %dma_wait3A_36 = arith.constant 0 : i32
        %dma_wait3A_37 = tpu.memref_slice %arg11[%add3A_31, %dma_wait3A_36] : memref<10240x128xf32, #tpu.memory_space<vmem_shared>> -> memref<64x128xf32, #tpu.memory_space<vmem_shared>>
        tpu.wait_dma2 semaphore(%run_scoped3A : memref<!tpu.dma_semaphore, #tpu.memory_space<semaphore_mem>>) src(%arg9 : memref<64x128xf32, #tpu.memory_space<vmem>>) dst(%dma_wait3A_37 : memref<64x128xf32, #tpu.memory_space<vmem_shared>>)
        tpu.yield
      }) : () -> ()
    }
    %scan3A_4 = arith.constant 10 : i32
    %barrier3A = arith.constant 0 : index
    tpu.barrier barrier_id(%barrier3A)
    %eq3A = arith.constant 0 : i32
    %eq3A_5 = arith.cmpi eq, %arg0, %eq3A : i32
    %jit3A = arith.constant 7 : i32
    %jit3A_6 = arith.constant 1 : i32
    %select_n3A = arith.select %eq3A_5, %jit3A, %jit3A_6 : i32
    %mul3A = arith.constant 280 : i32
    %mul3A_7 = arith.muli %arg1, %mul3A : i32
    %mul3A_8 = arith.constant 40 : i32
    %mul3A_9 = arith.muli %arg1, %mul3A_8 : i32
    %add3A = arith.constant 4480 : i32
    %add3A_10 = arith.addi %add3A, %mul3A_9 : i32
    %select_n3A_11 = arith.select %eq3A_5, %mul3A_7, %add3A_10 : i32
    %while3A = arith.constant 0 : i32
    %while3A_12 = arith.constant 0 : i32
    %while3A_13 = arith.subi %select_n3A, %while3A_12 : i32
    %while3A_14 = arith.addi %while3A_12, %while3A_13 : i32
    %while3A_15 = arith.constant 1 : i32
    %while3A_16 = arith.divsi %while3A_13, %while3A_15 : i32
    %while3A_17 = arith.muli %while3A_16, %while3A_15 : i32
    %while3A_18 = arith.addi %while3A_12, %while3A_17 : i32
    %while3A_19 = arith.constant 1 : i32
    scf.for %while3A_26 = %while3A_12 to %while3A_18 step %while3A_19  : i32 {
      %mul3A_27 = arith.constant 40 : i32
      %mul3A_28 = arith.muli %while3A_26, %mul3A_27 : i32
      %add3A_29 = arith.addi %select_n3A_11, %mul3A_28 : i32
      "tpu.region"() ({
        %run_scoped3A = tpu.sem_alloc : memref<!tpu.dma_semaphore, #tpu.memory_space<semaphore_mem>>
        %dma_start3A_42 = arith.constant 0 : i32
        %dma_start3A_43 = tpu.memref_slice %arg3[%add3A_29, %dma_start3A_42] : memref<5120x64xi32, #tpu.memory_space<hbm>> -> memref<40x64xi32, #tpu.memory_space<hbm>>
        %dma_start3A_44 = arith.constant 0 : i32
        %dma_start3A_45 = tpu.memref_slice %arg3[%add3A_29, %dma_start3A_44] : memref<5120x64xi32, #tpu.memory_space<hbm>> -> memref<40x64xi32, #tpu.memory_space<hbm>>
        tpu.enqueue_dma source(%dma_start3A_45 : memref<40x64xi32, #tpu.memory_space<hbm>>) target(%arg7 : memref<40x64xi32, #tpu.memory_space<vmem>>) target_semaphore(%run_scoped3A : memref<!tpu.dma_semaphore, #tpu.memory_space<semaphore_mem>>)
        %dma_wait3A = arith.constant 0 : i32
        %dma_wait3A_46 = tpu.memref_slice %arg3[%add3A_29, %dma_wait3A] : memref<5120x64xi32, #tpu.memory_space<hbm>> -> memref<40x64xi32, #tpu.memory_space<hbm>>
        %dma_wait3A_47 = arith.constant 0 : i32
        %dma_wait3A_48 = tpu.memref_slice %arg3[%add3A_29, %dma_wait3A_47] : memref<5120x64xi32, #tpu.memory_space<hbm>> -> memref<40x64xi32, #tpu.memory_space<hbm>>
        tpu.wait_dma2 semaphore(%run_scoped3A : memref<!tpu.dma_semaphore, #tpu.memory_space<semaphore_mem>>) src(%dma_wait3A_48 : memref<40x64xi32, #tpu.memory_space<hbm>>) dst(%arg7 : memref<40x64xi32, #tpu.memory_space<vmem>>)
        tpu.yield
      }) : () -> ()
      "tpu.region"() ({
        %run_scoped3A = tpu.sem_alloc : memref<!tpu.dma_semaphore, #tpu.memory_space<semaphore_mem>>
        %dma_start3A_42 = arith.constant 0 : i32
        %dma_start3A_43 = tpu.memref_slice %arg4[%add3A_29, %dma_start3A_42] : memref<5120x64xi32, #tpu.memory_space<hbm>> -> memref<40x64xi32, #tpu.memory_space<hbm>>
        %dma_start3A_44 = arith.constant 0 : i32
        %dma_start3A_45 = tpu.memref_slice %arg4[%add3A_29, %dma_start3A_44] : memref<5120x64xi32, #tpu.memory_space<hbm>> -> memref<40x64xi32, #tpu.memory_space<hbm>>
        tpu.enqueue_dma source(%dma_start3A_45 : memref<40x64xi32, #tpu.memory_space<hbm>>) target(%arg8 : memref<40x64xi32, #tpu.memory_space<vmem>>) target_semaphore(%run_scoped3A : memref<!tpu.dma_semaphore, #tpu.memory_space<semaphore_mem>>)
        %dma_wait3A = arith.constant 0 : i32
        %dma_wait3A_46 = tpu.memref_slice %arg4[%add3A_29, %dma_wait3A] : memref<5120x64xi32, #tpu.memory_space<hbm>> -> memref<40x64xi32, #tpu.memory_space<hbm>>
        %dma_wait3A_47 = arith.constant 0 : i32
        %dma_wait3A_48 = tpu.memref_slice %arg4[%add3A_29, %dma_wait3A_47] : memref<5120x64xi32, #tpu.memory_space<hbm>> -> memref<40x64xi32, #tpu.memory_space<hbm>>
        tpu.wait_dma2 semaphore(%run_scoped3A : memref<!tpu.dma_semaphore, #tpu.memory_space<semaphore_mem>>) src(%dma_wait3A_48 : memref<40x64xi32, #tpu.memory_space<hbm>>) dst(%arg8 : memref<40x64xi32, #tpu.memory_space<vmem>>)
        tpu.yield
      }) : () -> ()
      %dma_start3A = arith.constant 0 : i32
      %dma_start3A_30 = arith.constant 0 : i32
      %dma_start3A_31 = tpu.memref_slice %arg7[%dma_start3A, %dma_start3A_30] : memref<40x64xi32, #tpu.memory_space<vmem>> -> memref<1x64xi32, #tpu.memory_space<vmem>>
      %dma_start3A_32 = tpu.memref_squeeze %dma_start3A_31 : memref<1x64xi32, #tpu.memory_space<vmem>> -> memref<64xi32, #tpu.memory_space<vmem>>
      %dma_start3A_33 = arith.constant 0 : i32
      %dma_start3A_34 = arith.constant 0 : i32
      %dma_start3A_35 = tpu.memref_slice %arg2[%dma_start3A_33, %dma_start3A_34] : memref<40960x128xf32, #tpu.memory_space<hbm>> -> memref<40960x128xf32, #tpu.memory_space<hbm>>
      tpu.enqueue_indirect_dma source(%dma_start3A_35 : memref<40960x128xf32, #tpu.memory_space<hbm>>) target(%arg9 : memref<64x128xf32, #tpu.memory_space<vmem>>) offsets(%dma_start3A_32 : memref<64xi32, #tpu.memory_space<vmem>>) semaphore(%arg12 : memref<!tpu.dma_semaphore, #tpu.memory_space<semaphore_mem>>)
      %scan3A_36 = arith.constant 0 : i32
      %scan3A_37 = arith.constant 0 : i32
      %scan3A_38 = arith.constant 20 : i32
      %scan3A_39 = arith.addi %scan3A_37, %scan3A_38 : i32
      %scan3A_40 = arith.constant 1 : i32
      scf.for %scan3A_42 = %scan3A_37 to %scan3A_39 step %scan3A_40  : i32 {
        %mul3A_43 = arith.constant 2 : i32
        %mul3A_44 = arith.muli %mul3A_43, %scan3A_42 : i32
        %mul3A_45 = arith.constant 2 : i32
        %mul3A_46 = arith.muli %mul3A_45, %scan3A_42 : i32
        %add3A_47 = arith.constant 1 : i32
        %add3A_48 = arith.addi %mul3A_46, %add3A_47 : i32
        %dma_wait3A = arith.constant 0 : i32
        %dma_wait3A_49 = tpu.memref_slice %arg7[%mul3A_44, %dma_wait3A] : memref<40x64xi32, #tpu.memory_space<vmem>> -> memref<1x64xi32, #tpu.memory_space<vmem>>
        %dma_wait3A_50 = tpu.memref_squeeze %dma_wait3A_49 : memref<1x64xi32, #tpu.memory_space<vmem>> -> memref<64xi32, #tpu.memory_space<vmem>>
        %dma_wait3A_51 = arith.constant 0 : i32
        %dma_wait3A_52 = arith.constant 0 : i32
        %dma_wait3A_53 = tpu.memref_slice %arg2[%dma_wait3A_51, %dma_wait3A_52] : memref<40960x128xf32, #tpu.memory_space<hbm>> -> memref<40960x128xf32, #tpu.memory_space<hbm>>
        tpu.wait_indirect_dma semaphore(%arg12 : memref<!tpu.dma_semaphore, #tpu.memory_space<semaphore_mem>>) src(%dma_wait3A_53 : memref<40960x128xf32, #tpu.memory_space<hbm>>) dst(%arg9 : memref<64x128xf32, #tpu.memory_space<vmem>>)
        %dma_start3A_54 = arith.constant 0 : i32
        %dma_start3A_55 = tpu.memref_slice %arg7[%add3A_48, %dma_start3A_54] : memref<40x64xi32, #tpu.memory_space<vmem>> -> memref<1x64xi32, #tpu.memory_space<vmem>>
        %dma_start3A_56 = tpu.memref_squeeze %dma_start3A_55 : memref<1x64xi32, #tpu.memory_space<vmem>> -> memref<64xi32, #tpu.memory_space<vmem>>
        %dma_start3A_57 = arith.constant 0 : i32
        %dma_start3A_58 = arith.constant 0 : i32
        %dma_start3A_59 = tpu.memref_slice %arg2[%dma_start3A_57, %dma_start3A_58] : memref<40960x128xf32, #tpu.memory_space<hbm>> -> memref<40960x128xf32, #tpu.memory_space<hbm>>
        tpu.enqueue_indirect_dma source(%dma_start3A_59 : memref<40960x128xf32, #tpu.memory_space<hbm>>) target(%arg10 : memref<64x128xf32, #tpu.memory_space<vmem>>) offsets(%dma_start3A_56 : memref<64xi32, #tpu.memory_space<vmem>>) semaphore(%arg13 : memref<!tpu.dma_semaphore, #tpu.memory_space<semaphore_mem>>)
        "tpu.region"() ({
          %run_scoped3A = tpu.sem_alloc : memref<!tpu.dma_semaphore, #tpu.memory_space<semaphore_mem>>
          %dma_start3A_68 = arith.constant 0 : i32
          %dma_start3A_69 = tpu.memref_slice %arg8[%mul3A_44, %dma_start3A_68] : memref<40x64xi32, #tpu.memory_space<vmem>> -> memref<1x64xi32, #tpu.memory_space<vmem>>
          %dma_start3A_70 = tpu.memref_squeeze %dma_start3A_69 : memref<1x64xi32, #tpu.memory_space<vmem>> -> memref<64xi32, #tpu.memory_space<vmem>>
          %dma_start3A_71 = arith.constant 0 : i32
          %dma_start3A_72 = arith.constant 0 : i32
          %dma_start3A_73 = tpu.memref_slice %arg11[%dma_start3A_71, %dma_start3A_72] : memref<10240x128xf32, #tpu.memory_space<vmem_shared>> -> memref<10240x128xf32, #tpu.memory_space<vmem_shared>>
          tpu.enqueue_indirect_dma source(%arg9 : memref<64x128xf32, #tpu.memory_space<vmem>>) target(%dma_start3A_73 : memref<10240x128xf32, #tpu.memory_space<vmem_shared>>) offsets(%dma_start3A_70 : memref<64xi32, #tpu.memory_space<vmem>>) semaphore(%run_scoped3A : memref<!tpu.dma_semaphore, #tpu.memory_space<semaphore_mem>>) {add = true}
          %dma_wait3A_74 = arith.constant 0 : i32
          %dma_wait3A_75 = tpu.memref_slice %arg8[%mul3A_44, %dma_wait3A_74] : memref<40x64xi32, #tpu.memory_space<vmem>> -> memref<1x64xi32, #tpu.memory_space<vmem>>
          %dma_wait3A_76 = tpu.memref_squeeze %dma_wait3A_75 : memref<1x64xi32, #tpu.memory_space<vmem>> -> memref<64xi32, #tpu.memory_space<vmem>>
          %dma_wait3A_77 = arith.constant 0 : i32
          %dma_wait3A_78 = arith.constant 0 : i32
          %dma_wait3A_79 = tpu.memref_slice %arg11[%dma_wait3A_77, %dma_wait3A_78] : memref<10240x128xf32, #tpu.memory_space<vmem_shared>> -> memref<10240x128xf32, #tpu.memory_space<vmem_shared>>
          tpu.wait_indirect_dma semaphore(%run_scoped3A : memref<!tpu.dma_semaphore, #tpu.memory_space<semaphore_mem>>) src(%arg9 : memref<64x128xf32, #tpu.memory_space<vmem>>) dst(%dma_wait3A_79 : memref<10240x128xf32, #tpu.memory_space<vmem_shared>>)
          tpu.yield
        }) : () -> ()
        %dma_wait3A_60 = arith.constant 0 : i32
        %dma_wait3A_61 = tpu.memref_slice %arg7[%add3A_48, %dma_wait3A_60] : memref<40x64xi32, #tpu.memory_space<vmem>> -> memref<1x64xi32, #tpu.memory_space<vmem>>
        %dma_wait3A_62 = tpu.memref_squeeze %dma_wait3A_61 : memref<1x64xi32, #tpu.memory_space<vmem>> -> memref<64xi32, #tpu.memory_space<vmem>>
        %dma_wait3A_63 = arith.constant 0 : i32
        %dma_wait3A_64 = arith.constant 0 : i32
        %dma_wait3A_65 = tpu.memref_slice %arg2[%dma_wait3A_63, %dma_wait3A_64] : memref<40960x128xf32, #tpu.memory_space<hbm>> -> memref<40960x128xf32, #tpu.memory_space<hbm>>
        tpu.wait_indirect_dma semaphore(%arg13 : memref<!tpu.dma_semaphore, #tpu.memory_space<semaphore_mem>>) src(%dma_wait3A_65 : memref<40960x128xf32, #tpu.memory_space<hbm>>) dst(%arg10 : memref<64x128xf32, #tpu.memory_space<vmem>>)
        %lt3A = arith.constant 19 : i32
        %lt3A_66 = arith.cmpi slt, %scan3A_42, %lt3A : i32
        %convert_element_type3A = arith.extui %lt3A_66 : i1 to i32
        %cond3A = arith.constant 0 : i32
        %cond3A_67 = arith.cmpi ne, %convert_element_type3A, %cond3A : i32
        scf.if %cond3A_67 {
          %add3A_68 = arith.constant 2 : i32
          %add3A_69 = arith.addi %mul3A_44, %add3A_68 : i32
          %dma_start3A_70 = arith.constant 0 : i32
          %dma_start3A_71 = tpu.memref_slice %arg7[%add3A_69, %dma_start3A_70] : memref<40x64xi32, #tpu.memory_space<vmem>> -> memref<1x64xi32, #tpu.memory_space<vmem>>
          %dma_start3A_72 = tpu.memref_squeeze %dma_start3A_71 : memref<1x64xi32, #tpu.memory_space<vmem>> -> memref<64xi32, #tpu.memory_space<vmem>>
          %dma_start3A_73 = arith.constant 0 : i32
          %dma_start3A_74 = arith.constant 0 : i32
          %dma_start3A_75 = tpu.memref_slice %arg2[%dma_start3A_73, %dma_start3A_74] : memref<40960x128xf32, #tpu.memory_space<hbm>> -> memref<40960x128xf32, #tpu.memory_space<hbm>>
          tpu.enqueue_indirect_dma source(%dma_start3A_75 : memref<40960x128xf32, #tpu.memory_space<hbm>>) target(%arg9 : memref<64x128xf32, #tpu.memory_space<vmem>>) offsets(%dma_start3A_72 : memref<64xi32, #tpu.memory_space<vmem>>) semaphore(%arg12 : memref<!tpu.dma_semaphore, #tpu.memory_space<semaphore_mem>>)
        } else {
        }
        "tpu.region"() ({
          %run_scoped3A = tpu.sem_alloc : memref<!tpu.dma_semaphore, #tpu.memory_space<semaphore_mem>>
          %dma_start3A_68 = arith.constant 0 : i32
          %dma_start3A_69 = tpu.memref_slice %arg8[%add3A_48, %dma_start3A_68] : memref<40x64xi32, #tpu.memory_space<vmem>> -> memref<1x64xi32, #tpu.memory_space<vmem>>
          %dma_start3A_70 = tpu.memref_squeeze %dma_start3A_69 : memref<1x64xi32, #tpu.memory_space<vmem>> -> memref<64xi32, #tpu.memory_space<vmem>>
          %dma_start3A_71 = arith.constant 0 : i32
          %dma_start3A_72 = arith.constant 0 : i32
          %dma_start3A_73 = tpu.memref_slice %arg11[%dma_start3A_71, %dma_start3A_72] : memref<10240x128xf32, #tpu.memory_space<vmem_shared>> -> memref<10240x128xf32, #tpu.memory_space<vmem_shared>>
          tpu.enqueue_indirect_dma source(%arg10 : memref<64x128xf32, #tpu.memory_space<vmem>>) target(%dma_start3A_73 : memref<10240x128xf32, #tpu.memory_space<vmem_shared>>) offsets(%dma_start3A_70 : memref<64xi32, #tpu.memory_space<vmem>>) semaphore(%run_scoped3A : memref<!tpu.dma_semaphore, #tpu.memory_space<semaphore_mem>>) {add = true}
          %dma_wait3A_74 = arith.constant 0 : i32
          %dma_wait3A_75 = tpu.memref_slice %arg8[%add3A_48, %dma_wait3A_74] : memref<40x64xi32, #tpu.memory_space<vmem>> -> memref<1x64xi32, #tpu.memory_space<vmem>>
          %dma_wait3A_76 = tpu.memref_squeeze %dma_wait3A_75 : memref<1x64xi32, #tpu.memory_space<vmem>> -> memref<64xi32, #tpu.memory_space<vmem>>
          %dma_wait3A_77 = arith.constant 0 : i32
          %dma_wait3A_78 = arith.constant 0 : i32
          %dma_wait3A_79 = tpu.memref_slice %arg11[%dma_wait3A_77, %dma_wait3A_78] : memref<10240x128xf32, #tpu.memory_space<vmem_shared>> -> memref<10240x128xf32, #tpu.memory_space<vmem_shared>>
          tpu.wait_indirect_dma semaphore(%run_scoped3A : memref<!tpu.dma_semaphore, #tpu.memory_space<semaphore_mem>>) src(%arg10 : memref<64x128xf32, #tpu.memory_space<vmem>>) dst(%dma_wait3A_79 : memref<10240x128xf32, #tpu.memory_space<vmem_shared>>)
          tpu.yield
        }) : () -> ()
      }
      %scan3A_41 = arith.constant 20 : i32
    }
    %while3A_20 = arith.constant 1 : i32
    scf.for %while3A_26 = %while3A_18 to %while3A_14 step %while3A_20  : i32 {
      %mul3A_27 = arith.constant 40 : i32
      %mul3A_28 = arith.muli %while3A_26, %mul3A_27 : i32
      %add3A_29 = arith.addi %select_n3A_11, %mul3A_28 : i32
      "tpu.region"() ({
        %run_scoped3A = tpu.sem_alloc : memref<!tpu.dma_semaphore, #tpu.memory_space<semaphore_mem>>
        %dma_start3A_42 = arith.constant 0 : i32
        %dma_start3A_43 = tpu.memref_slice %arg3[%add3A_29, %dma_start3A_42] : memref<5120x64xi32, #tpu.memory_space<hbm>> -> memref<40x64xi32, #tpu.memory_space<hbm>>
        %dma_start3A_44 = arith.constant 0 : i32
        %dma_start3A_45 = tpu.memref_slice %arg3[%add3A_29, %dma_start3A_44] : memref<5120x64xi32, #tpu.memory_space<hbm>> -> memref<40x64xi32, #tpu.memory_space<hbm>>
        tpu.enqueue_dma source(%dma_start3A_45 : memref<40x64xi32, #tpu.memory_space<hbm>>) target(%arg7 : memref<40x64xi32, #tpu.memory_space<vmem>>) target_semaphore(%run_scoped3A : memref<!tpu.dma_semaphore, #tpu.memory_space<semaphore_mem>>)
        %dma_wait3A = arith.constant 0 : i32
        %dma_wait3A_46 = tpu.memref_slice %arg3[%add3A_29, %dma_wait3A] : memref<5120x64xi32, #tpu.memory_space<hbm>> -> memref<40x64xi32, #tpu.memory_space<hbm>>
        %dma_wait3A_47 = arith.constant 0 : i32
        %dma_wait3A_48 = tpu.memref_slice %arg3[%add3A_29, %dma_wait3A_47] : memref<5120x64xi32, #tpu.memory_space<hbm>> -> memref<40x64xi32, #tpu.memory_space<hbm>>
        tpu.wait_dma2 semaphore(%run_scoped3A : memref<!tpu.dma_semaphore, #tpu.memory_space<semaphore_mem>>) src(%dma_wait3A_48 : memref<40x64xi32, #tpu.memory_space<hbm>>) dst(%arg7 : memref<40x64xi32, #tpu.memory_space<vmem>>)
        tpu.yield
      }) : () -> ()
      "tpu.region"() ({
        %run_scoped3A = tpu.sem_alloc : memref<!tpu.dma_semaphore, #tpu.memory_space<semaphore_mem>>
        %dma_start3A_42 = arith.constant 0 : i32
        %dma_start3A_43 = tpu.memref_slice %arg4[%add3A_29, %dma_start3A_42] : memref<5120x64xi32, #tpu.memory_space<hbm>> -> memref<40x64xi32, #tpu.memory_space<hbm>>
        %dma_start3A_44 = arith.constant 0 : i32
        %dma_start3A_45 = tpu.memref_slice %arg4[%add3A_29, %dma_start3A_44] : memref<5120x64xi32, #tpu.memory_space<hbm>> -> memref<40x64xi32, #tpu.memory_space<hbm>>
        tpu.enqueue_dma source(%dma_start3A_45 : memref<40x64xi32, #tpu.memory_space<hbm>>) target(%arg8 : memref<40x64xi32, #tpu.memory_space<vmem>>) target_semaphore(%run_scoped3A : memref<!tpu.dma_semaphore, #tpu.memory_space<semaphore_mem>>)
        %dma_wait3A = arith.constant 0 : i32
        %dma_wait3A_46 = tpu.memref_slice %arg4[%add3A_29, %dma_wait3A] : memref<5120x64xi32, #tpu.memory_space<hbm>> -> memref<40x64xi32, #tpu.memory_space<hbm>>
        %dma_wait3A_47 = arith.constant 0 : i32
        %dma_wait3A_48 = tpu.memref_slice %arg4[%add3A_29, %dma_wait3A_47] : memref<5120x64xi32, #tpu.memory_space<hbm>> -> memref<40x64xi32, #tpu.memory_space<hbm>>
        tpu.wait_dma2 semaphore(%run_scoped3A : memref<!tpu.dma_semaphore, #tpu.memory_space<semaphore_mem>>) src(%dma_wait3A_48 : memref<40x64xi32, #tpu.memory_space<hbm>>) dst(%arg8 : memref<40x64xi32, #tpu.memory_space<vmem>>)
        tpu.yield
      }) : () -> ()
      %dma_start3A = arith.constant 0 : i32
      %dma_start3A_30 = arith.constant 0 : i32
      %dma_start3A_31 = tpu.memref_slice %arg7[%dma_start3A, %dma_start3A_30] : memref<40x64xi32, #tpu.memory_space<vmem>> -> memref<1x64xi32, #tpu.memory_space<vmem>>
      %dma_start3A_32 = tpu.memref_squeeze %dma_start3A_31 : memref<1x64xi32, #tpu.memory_space<vmem>> -> memref<64xi32, #tpu.memory_space<vmem>>
      %dma_start3A_33 = arith.constant 0 : i32
      %dma_start3A_34 = arith.constant 0 : i32
      %dma_start3A_35 = tpu.memref_slice %arg2[%dma_start3A_33, %dma_start3A_34] : memref<40960x128xf32, #tpu.memory_space<hbm>> -> memref<40960x128xf32, #tpu.memory_space<hbm>>
      tpu.enqueue_indirect_dma source(%dma_start3A_35 : memref<40960x128xf32, #tpu.memory_space<hbm>>) target(%arg9 : memref<64x128xf32, #tpu.memory_space<vmem>>) offsets(%dma_start3A_32 : memref<64xi32, #tpu.memory_space<vmem>>) semaphore(%arg12 : memref<!tpu.dma_semaphore, #tpu.memory_space<semaphore_mem>>)
      %scan3A_36 = arith.constant 0 : i32
      %scan3A_37 = arith.constant 0 : i32
      %scan3A_38 = arith.constant 20 : i32
      %scan3A_39 = arith.addi %scan3A_37, %scan3A_38 : i32
      %scan3A_40 = arith.constant 1 : i32
      scf.for %scan3A_42 = %scan3A_37 to %scan3A_39 step %scan3A_40  : i32 {
        %mul3A_43 = arith.constant 2 : i32
        %mul3A_44 = arith.muli %mul3A_43, %scan3A_42 : i32
        %mul3A_45 = arith.constant 2 : i32
        %mul3A_46 = arith.muli %mul3A_45, %scan3A_42 : i32
        %add3A_47 = arith.constant 1 : i32
        %add3A_48 = arith.addi %mul3A_46, %add3A_47 : i32
        %dma_wait3A = arith.constant 0 : i32
        %dma_wait3A_49 = tpu.memref_slice %arg7[%mul3A_44, %dma_wait3A] : memref<40x64xi32, #tpu.memory_space<vmem>> -> memref<1x64xi32, #tpu.memory_space<vmem>>
        %dma_wait3A_50 = tpu.memref_squeeze %dma_wait3A_49 : memref<1x64xi32, #tpu.memory_space<vmem>> -> memref<64xi32, #tpu.memory_space<vmem>>
        %dma_wait3A_51 = arith.constant 0 : i32
        %dma_wait3A_52 = arith.constant 0 : i32
        %dma_wait3A_53 = tpu.memref_slice %arg2[%dma_wait3A_51, %dma_wait3A_52] : memref<40960x128xf32, #tpu.memory_space<hbm>> -> memref<40960x128xf32, #tpu.memory_space<hbm>>
        tpu.wait_indirect_dma semaphore(%arg12 : memref<!tpu.dma_semaphore, #tpu.memory_space<semaphore_mem>>) src(%dma_wait3A_53 : memref<40960x128xf32, #tpu.memory_space<hbm>>) dst(%arg9 : memref<64x128xf32, #tpu.memory_space<vmem>>)
        %dma_start3A_54 = arith.constant 0 : i32
        %dma_start3A_55 = tpu.memref_slice %arg7[%add3A_48, %dma_start3A_54] : memref<40x64xi32, #tpu.memory_space<vmem>> -> memref<1x64xi32, #tpu.memory_space<vmem>>
        %dma_start3A_56 = tpu.memref_squeeze %dma_start3A_55 : memref<1x64xi32, #tpu.memory_space<vmem>> -> memref<64xi32, #tpu.memory_space<vmem>>
        %dma_start3A_57 = arith.constant 0 : i32
        %dma_start3A_58 = arith.constant 0 : i32
        %dma_start3A_59 = tpu.memref_slice %arg2[%dma_start3A_57, %dma_start3A_58] : memref<40960x128xf32, #tpu.memory_space<hbm>> -> memref<40960x128xf32, #tpu.memory_space<hbm>>
        tpu.enqueue_indirect_dma source(%dma_start3A_59 : memref<40960x128xf32, #tpu.memory_space<hbm>>) target(%arg10 : memref<64x128xf32, #tpu.memory_space<vmem>>) offsets(%dma_start3A_56 : memref<64xi32, #tpu.memory_space<vmem>>) semaphore(%arg13 : memref<!tpu.dma_semaphore, #tpu.memory_space<semaphore_mem>>)
        "tpu.region"() ({
          %run_scoped3A = tpu.sem_alloc : memref<!tpu.dma_semaphore, #tpu.memory_space<semaphore_mem>>
          %dma_start3A_68 = arith.constant 0 : i32
          %dma_start3A_69 = tpu.memref_slice %arg8[%mul3A_44, %dma_start3A_68] : memref<40x64xi32, #tpu.memory_space<vmem>> -> memref<1x64xi32, #tpu.memory_space<vmem>>
          %dma_start3A_70 = tpu.memref_squeeze %dma_start3A_69 : memref<1x64xi32, #tpu.memory_space<vmem>> -> memref<64xi32, #tpu.memory_space<vmem>>
          %dma_start3A_71 = arith.constant 0 : i32
          %dma_start3A_72 = arith.constant 0 : i32
          %dma_start3A_73 = tpu.memref_slice %arg11[%dma_start3A_71, %dma_start3A_72] : memref<10240x128xf32, #tpu.memory_space<vmem_shared>> -> memref<10240x128xf32, #tpu.memory_space<vmem_shared>>
          tpu.enqueue_indirect_dma source(%arg9 : memref<64x128xf32, #tpu.memory_space<vmem>>) target(%dma_start3A_73 : memref<10240x128xf32, #tpu.memory_space<vmem_shared>>) offsets(%dma_start3A_70 : memref<64xi32, #tpu.memory_space<vmem>>) semaphore(%run_scoped3A : memref<!tpu.dma_semaphore, #tpu.memory_space<semaphore_mem>>) {add = true}
          %dma_wait3A_74 = arith.constant 0 : i32
          %dma_wait3A_75 = tpu.memref_slice %arg8[%mul3A_44, %dma_wait3A_74] : memref<40x64xi32, #tpu.memory_space<vmem>> -> memref<1x64xi32, #tpu.memory_space<vmem>>
          %dma_wait3A_76 = tpu.memref_squeeze %dma_wait3A_75 : memref<1x64xi32, #tpu.memory_space<vmem>> -> memref<64xi32, #tpu.memory_space<vmem>>
          %dma_wait3A_77 = arith.constant 0 : i32
          %dma_wait3A_78 = arith.constant 0 : i32
          %dma_wait3A_79 = tpu.memref_slice %arg11[%dma_wait3A_77, %dma_wait3A_78] : memref<10240x128xf32, #tpu.memory_space<vmem_shared>> -> memref<10240x128xf32, #tpu.memory_space<vmem_shared>>
          tpu.wait_indirect_dma semaphore(%run_scoped3A : memref<!tpu.dma_semaphore, #tpu.memory_space<semaphore_mem>>) src(%arg9 : memref<64x128xf32, #tpu.memory_space<vmem>>) dst(%dma_wait3A_79 : memref<10240x128xf32, #tpu.memory_space<vmem_shared>>)
          tpu.yield
        }) : () -> ()
        %dma_wait3A_60 = arith.constant 0 : i32
        %dma_wait3A_61 = tpu.memref_slice %arg7[%add3A_48, %dma_wait3A_60] : memref<40x64xi32, #tpu.memory_space<vmem>> -> memref<1x64xi32, #tpu.memory_space<vmem>>
        %dma_wait3A_62 = tpu.memref_squeeze %dma_wait3A_61 : memref<1x64xi32, #tpu.memory_space<vmem>> -> memref<64xi32, #tpu.memory_space<vmem>>
        %dma_wait3A_63 = arith.constant 0 : i32
        %dma_wait3A_64 = arith.constant 0 : i32
        %dma_wait3A_65 = tpu.memref_slice %arg2[%dma_wait3A_63, %dma_wait3A_64] : memref<40960x128xf32, #tpu.memory_space<hbm>> -> memref<40960x128xf32, #tpu.memory_space<hbm>>
        tpu.wait_indirect_dma semaphore(%arg13 : memref<!tpu.dma_semaphore, #tpu.memory_space<semaphore_mem>>) src(%dma_wait3A_65 : memref<40960x128xf32, #tpu.memory_space<hbm>>) dst(%arg10 : memref<64x128xf32, #tpu.memory_space<vmem>>)
        %lt3A = arith.constant 19 : i32
        %lt3A_66 = arith.cmpi slt, %scan3A_42, %lt3A : i32
        %convert_element_type3A = arith.extui %lt3A_66 : i1 to i32
        %cond3A = arith.constant 0 : i32
        %cond3A_67 = arith.cmpi ne, %convert_element_type3A, %cond3A : i32
        scf.if %cond3A_67 {
          %add3A_68 = arith.constant 2 : i32
          %add3A_69 = arith.addi %mul3A_44, %add3A_68 : i32
          %dma_start3A_70 = arith.constant 0 : i32
          %dma_start3A_71 = tpu.memref_slice %arg7[%add3A_69, %dma_start3A_70] : memref<40x64xi32, #tpu.memory_space<vmem>> -> memref<1x64xi32, #tpu.memory_space<vmem>>
          %dma_start3A_72 = tpu.memref_squeeze %dma_start3A_71 : memref<1x64xi32, #tpu.memory_space<vmem>> -> memref<64xi32, #tpu.memory_space<vmem>>
          %dma_start3A_73 = arith.constant 0 : i32
          %dma_start3A_74 = arith.constant 0 : i32
          %dma_start3A_75 = tpu.memref_slice %arg2[%dma_start3A_73, %dma_start3A_74] : memref<40960x128xf32, #tpu.memory_space<hbm>> -> memref<40960x128xf32, #tpu.memory_space<hbm>>
          tpu.enqueue_indirect_dma source(%dma_start3A_75 : memref<40960x128xf32, #tpu.memory_space<hbm>>) target(%arg9 : memref<64x128xf32, #tpu.memory_space<vmem>>) offsets(%dma_start3A_72 : memref<64xi32, #tpu.memory_space<vmem>>) semaphore(%arg12 : memref<!tpu.dma_semaphore, #tpu.memory_space<semaphore_mem>>)
        } else {
        }
        "tpu.region"() ({
          %run_scoped3A = tpu.sem_alloc : memref<!tpu.dma_semaphore, #tpu.memory_space<semaphore_mem>>
          %dma_start3A_68 = arith.constant 0 : i32
          %dma_start3A_69 = tpu.memref_slice %arg8[%add3A_48, %dma_start3A_68] : memref<40x64xi32, #tpu.memory_space<vmem>> -> memref<1x64xi32, #tpu.memory_space<vmem>>
          %dma_start3A_70 = tpu.memref_squeeze %dma_start3A_69 : memref<1x64xi32, #tpu.memory_space<vmem>> -> memref<64xi32, #tpu.memory_space<vmem>>
          %dma_start3A_71 = arith.constant 0 : i32
          %dma_start3A_72 = arith.constant 0 : i32
          %dma_start3A_73 = tpu.memref_slice %arg11[%dma_start3A_71, %dma_start3A_72] : memref<10240x128xf32, #tpu.memory_space<vmem_shared>> -> memref<10240x128xf32, #tpu.memory_space<vmem_shared>>
          tpu.enqueue_indirect_dma source(%arg10 : memref<64x128xf32, #tpu.memory_space<vmem>>) target(%dma_start3A_73 : memref<10240x128xf32, #tpu.memory_space<vmem_shared>>) offsets(%dma_start3A_70 : memref<64xi32, #tpu.memory_space<vmem>>) semaphore(%run_scoped3A : memref<!tpu.dma_semaphore, #tpu.memory_space<semaphore_mem>>) {add = true}
          %dma_wait3A_74 = arith.constant 0 : i32
          %dma_wait3A_75 = tpu.memref_slice %arg8[%add3A_48, %dma_wait3A_74] : memref<40x64xi32, #tpu.memory_space<vmem>> -> memref<1x64xi32, #tpu.memory_space<vmem>>
          %dma_wait3A_76 = tpu.memref_squeeze %dma_wait3A_75 : memref<1x64xi32, #tpu.memory_space<vmem>> -> memref<64xi32, #tpu.memory_space<vmem>>
          %dma_wait3A_77 = arith.constant 0 : i32
          %dma_wait3A_78 = arith.constant 0 : i32
          %dma_wait3A_79 = tpu.memref_slice %arg11[%dma_wait3A_77, %dma_wait3A_78] : memref<10240x128xf32, #tpu.memory_space<vmem_shared>> -> memref<10240x128xf32, #tpu.memory_space<vmem_shared>>
          tpu.wait_indirect_dma semaphore(%run_scoped3A : memref<!tpu.dma_semaphore, #tpu.memory_space<semaphore_mem>>) src(%arg10 : memref<64x128xf32, #tpu.memory_space<vmem>>) dst(%dma_wait3A_79 : memref<10240x128xf32, #tpu.memory_space<vmem_shared>>)
          tpu.yield
        }) : () -> ()
      }
      %scan3A_41 = arith.constant 20 : i32
    }
    %barrier3A_21 = arith.constant 0 : index
    tpu.barrier barrier_id(%barrier3A_21)
    %mul3A_22 = arith.constant 640 : i32
    %mul3A_23 = arith.muli %arg1, %mul3A_22 : i32
    %mul3A_24 = arith.constant 640 : i32
    %mul3A_25 = arith.muli %arg1, %mul3A_24 : i32
    "tpu.region"() ({
      %run_scoped3A = tpu.sem_alloc : memref<!tpu.dma_semaphore, #tpu.memory_space<semaphore_mem>>
      %dma_start3A = arith.constant 0 : i32
      %dma_start3A_26 = tpu.memref_slice %arg6[%arg0, %mul3A_25, %dma_start3A] : memref<2x10240x128xf32, #tpu.memory_space<hbm>> -> memref<1x640x128xf32, #tpu.memory_space<hbm>>
      %dma_start3A_27 = tpu.memref_squeeze %dma_start3A_26 : memref<1x640x128xf32, #tpu.memory_space<hbm>> -> memref<640x128xf32, #tpu.memory_space<hbm>>
      %dma_start3A_28 = arith.constant 0 : i32
      %dma_start3A_29 = tpu.memref_slice %arg11[%mul3A_23, %dma_start3A_28] : memref<10240x128xf32, #tpu.memory_space<vmem_shared>> -> memref<640x128xf32, #tpu.memory_space<vmem_shared>>
      tpu.enqueue_dma source(%dma_start3A_29 : memref<640x128xf32, #tpu.memory_space<vmem_shared>>) target(%dma_start3A_27 : memref<640x128xf32, #tpu.memory_space<hbm>>) target_semaphore(%run_scoped3A : memref<!tpu.dma_semaphore, #tpu.memory_space<semaphore_mem>>)
      %dma_wait3A = arith.constant 0 : i32
      %dma_wait3A_30 = tpu.memref_slice %arg6[%arg0, %mul3A_25, %dma_wait3A] : memref<2x10240x128xf32, #tpu.memory_space<hbm>> -> memref<1x640x128xf32, #tpu.memory_space<hbm>>
      %dma_wait3A_31 = tpu.memref_squeeze %dma_wait3A_30 : memref<1x640x128xf32, #tpu.memory_space<hbm>> -> memref<640x128xf32, #tpu.memory_space<hbm>>
      %dma_wait3A_32 = arith.constant 0 : i32
      %dma_wait3A_33 = tpu.memref_slice %arg11[%mul3A_23, %dma_wait3A_32] : memref<10240x128xf32, #tpu.memory_space<vmem_shared>> -> memref<640x128xf32, #tpu.memory_space<vmem_shared>>
      tpu.wait_dma2 semaphore(%run_scoped3A : memref<!tpu.dma_semaphore, #tpu.memory_space<semaphore_mem>>) src(%dma_wait3A_33 : memref<640x128xf32, #tpu.memory_space<vmem_shared>>) dst(%dma_wait3A_31 : memref<640x128xf32, #tpu.memory_space<hbm>>)
      tpu.yield
    }) : () -> ()
    return
  }
}

#map = affine_map<(d0, d1) -> (0, 0)>
#map1 = affine_map<(d0, d1) -> (0, 0, 0)>
module attributes {stable_mosaic.version = 14 : i64} {
  func.func @_sc_body(%arg0: i32, %arg1: i32, %arg2: memref<40960x128xf32, #tpu.memory_space<hbm>>, %arg3: memref<5120x64xi32, #tpu.memory_space<hbm>>, %arg4: memref<5120x64xi32, #tpu.memory_space<hbm>>, %arg5: memref<64x128xf32, #tpu.memory_space<hbm>>, %arg6: memref<2x10240x128xf32, #tpu.memory_space<hbm>>, %arg7: memref<40x64xi32, #tpu.memory_space<vmem>>, %arg8: memref<40x64xi32, #tpu.memory_space<vmem>>, %arg9: memref<64x128xf32, #tpu.memory_space<vmem>>, %arg10: memref<64x128xf32, #tpu.memory_space<vmem>>, %arg11: memref<10240x128xf32, #tpu.memory_space<vmem_shared>>, %arg12: memref<!tpu.dma_semaphore, #tpu.memory_space<semaphore_mem>>, %arg13: memref<!tpu.dma_semaphore, #tpu.memory_space<semaphore_mem>>) attributes {dimension_semantics = [#tpu.dimension_semantics<core_parallel>, #tpu.dimension_semantics<subcore_parallel>], iteration_bounds = array<i64: 2, 16>, scalar_prefetch = 0 : i64, scratch_operands = 7 : i64, tpu.core_type = #tpu.core_type<sc_vector_subcore>, window_params = [{transform_indices = #map}, {transform_indices = #map}, {transform_indices = #map}, {transform_indices = #map}, {transform_indices = #map1}]} {
    "tpu.region"() ({
      %run_scoped3A = tpu.sem_alloc : memref<!tpu.dma_semaphore, #tpu.memory_space<semaphore_mem>>
      tpu.enqueue_dma source(%arg5 : memref<64x128xf32, #tpu.memory_space<hbm>>) target(%arg9 : memref<64x128xf32, #tpu.memory_space<vmem>>) target_semaphore(%run_scoped3A : memref<!tpu.dma_semaphore, #tpu.memory_space<semaphore_mem>>)
      tpu.wait_dma2 semaphore(%run_scoped3A : memref<!tpu.dma_semaphore, #tpu.memory_space<semaphore_mem>>) src(%arg5 : memref<64x128xf32, #tpu.memory_space<hbm>>) dst(%arg9 : memref<64x128xf32, #tpu.memory_space<vmem>>)
      tpu.yield
    }) : () -> ()
    %scan3A = arith.constant 0 : i32
    %scan3A_0 = arith.constant 0 : i32
    %scan3A_1 = arith.constant 10 : i32
    %scan3A_2 = arith.addi %scan3A_0, %scan3A_1 : i32
    %scan3A_3 = arith.constant 1 : i32
    scf.for %scan3A_26 = %scan3A_0 to %scan3A_2 step %scan3A_3  : i32 {
      %mul3A_27 = arith.constant 640 : i32
      %mul3A_28 = arith.muli %arg1, %mul3A_27 : i32
      %mul3A_29 = arith.constant 64 : i32
      %mul3A_30 = arith.muli %scan3A_26, %mul3A_29 : i32
      %add3A_31 = arith.addi %mul3A_28, %mul3A_30 : i32
      "tpu.region"() ({
        %run_scoped3A = tpu.sem_alloc : memref<!tpu.dma_semaphore, #tpu.memory_space<semaphore_mem>>
        %dma_start3A = arith.constant 0 : i32
        %dma_start3A_32 = tpu.memref_slice %arg11[%add3A_31, %dma_start3A] : memref<10240x128xf32, #tpu.memory_space<vmem_shared>> -> memref<64x128xf32, #tpu.memory_space<vmem_shared>>
        %dma_start3A_33 = arith.constant 0 : i32
        %dma_start3A_34 = tpu.memref_slice %arg11[%add3A_31, %dma_start3A_33] : memref<10240x128xf32, #tpu.memory_space<vmem_shared>> -> memref<64x128xf32, #tpu.memory_space<vmem_shared>>
        tpu.enqueue_dma source(%arg9 : memref<64x128xf32, #tpu.memory_space<vmem>>) target(%dma_start3A_34 : memref<64x128xf32, #tpu.memory_space<vmem_shared>>) target_semaphore(%run_scoped3A : memref<!tpu.dma_semaphore, #tpu.memory_space<semaphore_mem>>)
        %dma_wait3A = arith.constant 0 : i32
        %dma_wait3A_35 = tpu.memref_slice %arg11[%add3A_31, %dma_wait3A] : memref<10240x128xf32, #tpu.memory_space<vmem_shared>> -> memref<64x128xf32, #tpu.memory_space<vmem_shared>>
        %dma_wait3A_36 = arith.constant 0 : i32
        %dma_wait3A_37 = tpu.memref_slice %arg11[%add3A_31, %dma_wait3A_36] : memref<10240x128xf32, #tpu.memory_space<vmem_shared>> -> memref<64x128xf32, #tpu.memory_space<vmem_shared>>
        tpu.wait_dma2 semaphore(%run_scoped3A : memref<!tpu.dma_semaphore, #tpu.memory_space<semaphore_mem>>) src(%arg9 : memref<64x128xf32, #tpu.memory_space<vmem>>) dst(%dma_wait3A_37 : memref<64x128xf32, #tpu.memory_space<vmem_shared>>)
        tpu.yield
      }) : () -> ()
    }
    %scan3A_4 = arith.constant 10 : i32
    %barrier3A = arith.constant 0 : index
    tpu.barrier barrier_id(%barrier3A)
    %eq3A = arith.constant 0 : i32
    %eq3A_5 = arith.cmpi eq, %arg0, %eq3A : i32
    %jit3A = arith.constant 7 : i32
    %jit3A_6 = arith.constant 1 : i32
    %select_n3A = arith.select %eq3A_5, %jit3A, %jit3A_6 : i32
    %mul3A = arith.constant 280 : i32
    %mul3A_7 = arith.muli %arg1, %mul3A : i32
    %mul3A_8 = arith.constant 40 : i32
    %mul3A_9 = arith.muli %arg1, %mul3A_8 : i32
    %add3A = arith.constant 4480 : i32
    %add3A_10 = arith.addi %add3A, %mul3A_9 : i32
    %select_n3A_11 = arith.select %eq3A_5, %mul3A_7, %add3A_10 : i32
    %while3A = arith.constant 0 : i32
    %while3A_12 = arith.constant 0 : i32
    %while3A_13 = arith.subi %select_n3A, %while3A_12 : i32
    %while3A_14 = arith.addi %while3A_12, %while3A_13 : i32
    %while3A_15 = arith.constant 1 : i32
    %while3A_16 = arith.divsi %while3A_13, %while3A_15 : i32
    %while3A_17 = arith.muli %while3A_16, %while3A_15 : i32
    %while3A_18 = arith.addi %while3A_12, %while3A_17 : i32
    %while3A_19 = arith.constant 1 : i32
    scf.for %while3A_26 = %while3A_12 to %while3A_18 step %while3A_19  : i32 {
      %mul3A_27 = arith.constant 40 : i32
      %mul3A_28 = arith.muli %while3A_26, %mul3A_27 : i32
      %add3A_29 = arith.addi %select_n3A_11, %mul3A_28 : i32
      "tpu.region"() ({
        %run_scoped3A = tpu.sem_alloc : memref<!tpu.dma_semaphore, #tpu.memory_space<semaphore_mem>>
        %dma_start3A_42 = arith.constant 0 : i32
        %dma_start3A_43 = tpu.memref_slice %arg3[%add3A_29, %dma_start3A_42] : memref<5120x64xi32, #tpu.memory_space<hbm>> -> memref<40x64xi32, #tpu.memory_space<hbm>>
        %dma_start3A_44 = arith.constant 0 : i32
        %dma_start3A_45 = tpu.memref_slice %arg3[%add3A_29, %dma_start3A_44] : memref<5120x64xi32, #tpu.memory_space<hbm>> -> memref<40x64xi32, #tpu.memory_space<hbm>>
        tpu.enqueue_dma source(%dma_start3A_45 : memref<40x64xi32, #tpu.memory_space<hbm>>) target(%arg7 : memref<40x64xi32, #tpu.memory_space<vmem>>) target_semaphore(%run_scoped3A : memref<!tpu.dma_semaphore, #tpu.memory_space<semaphore_mem>>)
        %dma_wait3A = arith.constant 0 : i32
        %dma_wait3A_46 = tpu.memref_slice %arg3[%add3A_29, %dma_wait3A] : memref<5120x64xi32, #tpu.memory_space<hbm>> -> memref<40x64xi32, #tpu.memory_space<hbm>>
        %dma_wait3A_47 = arith.constant 0 : i32
        %dma_wait3A_48 = tpu.memref_slice %arg3[%add3A_29, %dma_wait3A_47] : memref<5120x64xi32, #tpu.memory_space<hbm>> -> memref<40x64xi32, #tpu.memory_space<hbm>>
        tpu.wait_dma2 semaphore(%run_scoped3A : memref<!tpu.dma_semaphore, #tpu.memory_space<semaphore_mem>>) src(%dma_wait3A_48 : memref<40x64xi32, #tpu.memory_space<hbm>>) dst(%arg7 : memref<40x64xi32, #tpu.memory_space<vmem>>)
        tpu.yield
      }) : () -> ()
      "tpu.region"() ({
        %run_scoped3A = tpu.sem_alloc : memref<!tpu.dma_semaphore, #tpu.memory_space<semaphore_mem>>
        %dma_start3A_42 = arith.constant 0 : i32
        %dma_start3A_43 = tpu.memref_slice %arg4[%add3A_29, %dma_start3A_42] : memref<5120x64xi32, #tpu.memory_space<hbm>> -> memref<40x64xi32, #tpu.memory_space<hbm>>
        %dma_start3A_44 = arith.constant 0 : i32
        %dma_start3A_45 = tpu.memref_slice %arg4[%add3A_29, %dma_start3A_44] : memref<5120x64xi32, #tpu.memory_space<hbm>> -> memref<40x64xi32, #tpu.memory_space<hbm>>
        tpu.enqueue_dma source(%dma_start3A_45 : memref<40x64xi32, #tpu.memory_space<hbm>>) target(%arg8 : memref<40x64xi32, #tpu.memory_space<vmem>>) target_semaphore(%run_scoped3A : memref<!tpu.dma_semaphore, #tpu.memory_space<semaphore_mem>>)
        %dma_wait3A = arith.constant 0 : i32
        %dma_wait3A_46 = tpu.memref_slice %arg4[%add3A_29, %dma_wait3A] : memref<5120x64xi32, #tpu.memory_space<hbm>> -> memref<40x64xi32, #tpu.memory_space<hbm>>
        %dma_wait3A_47 = arith.constant 0 : i32
        %dma_wait3A_48 = tpu.memref_slice %arg4[%add3A_29, %dma_wait3A_47] : memref<5120x64xi32, #tpu.memory_space<hbm>> -> memref<40x64xi32, #tpu.memory_space<hbm>>
        tpu.wait_dma2 semaphore(%run_scoped3A : memref<!tpu.dma_semaphore, #tpu.memory_space<semaphore_mem>>) src(%dma_wait3A_48 : memref<40x64xi32, #tpu.memory_space<hbm>>) dst(%arg8 : memref<40x64xi32, #tpu.memory_space<vmem>>)
        tpu.yield
      }) : () -> ()
      %dma_start3A = arith.constant 0 : i32
      %dma_start3A_30 = arith.constant 0 : i32
      %dma_start3A_31 = tpu.memref_slice %arg7[%dma_start3A, %dma_start3A_30] : memref<40x64xi32, #tpu.memory_space<vmem>> -> memref<1x64xi32, #tpu.memory_space<vmem>>
      %dma_start3A_32 = tpu.memref_squeeze %dma_start3A_31 : memref<1x64xi32, #tpu.memory_space<vmem>> -> memref<64xi32, #tpu.memory_space<vmem>>
      %dma_start3A_33 = arith.constant 0 : i32
      %dma_start3A_34 = arith.constant 0 : i32
      %dma_start3A_35 = tpu.memref_slice %arg2[%dma_start3A_33, %dma_start3A_34] : memref<40960x128xf32, #tpu.memory_space<hbm>> -> memref<40960x128xf32, #tpu.memory_space<hbm>>
      tpu.enqueue_indirect_dma source(%dma_start3A_35 : memref<40960x128xf32, #tpu.memory_space<hbm>>) target(%arg9 : memref<64x128xf32, #tpu.memory_space<vmem>>) offsets(%dma_start3A_32 : memref<64xi32, #tpu.memory_space<vmem>>) semaphore(%arg12 : memref<!tpu.dma_semaphore, #tpu.memory_space<semaphore_mem>>)
      %scan3A_36 = arith.constant 0 : i32
      %scan3A_37 = arith.constant 0 : i32
      %scan3A_38 = arith.constant 20 : i32
      %scan3A_39 = arith.addi %scan3A_37, %scan3A_38 : i32
      %scan3A_40 = arith.constant 1 : i32
      scf.for %scan3A_42 = %scan3A_37 to %scan3A_39 step %scan3A_40  : i32 {
        %mul3A_43 = arith.constant 2 : i32
        %mul3A_44 = arith.muli %mul3A_43, %scan3A_42 : i32
        %mul3A_45 = arith.constant 2 : i32
        %mul3A_46 = arith.muli %mul3A_45, %scan3A_42 : i32
        %add3A_47 = arith.constant 1 : i32
        %add3A_48 = arith.addi %mul3A_46, %add3A_47 : i32
        %dma_wait3A = arith.constant 0 : i32
        %dma_wait3A_49 = tpu.memref_slice %arg7[%mul3A_44, %dma_wait3A] : memref<40x64xi32, #tpu.memory_space<vmem>> -> memref<1x64xi32, #tpu.memory_space<vmem>>
        %dma_wait3A_50 = tpu.memref_squeeze %dma_wait3A_49 : memref<1x64xi32, #tpu.memory_space<vmem>> -> memref<64xi32, #tpu.memory_space<vmem>>
        %dma_wait3A_51 = arith.constant 0 : i32
        %dma_wait3A_52 = arith.constant 0 : i32
        %dma_wait3A_53 = tpu.memref_slice %arg2[%dma_wait3A_51, %dma_wait3A_52] : memref<40960x128xf32, #tpu.memory_space<hbm>> -> memref<40960x128xf32, #tpu.memory_space<hbm>>
        tpu.wait_indirect_dma semaphore(%arg12 : memref<!tpu.dma_semaphore, #tpu.memory_space<semaphore_mem>>) src(%dma_wait3A_53 : memref<40960x128xf32, #tpu.memory_space<hbm>>) dst(%arg9 : memref<64x128xf32, #tpu.memory_space<vmem>>)
        %dma_start3A_54 = arith.constant 0 : i32
        %dma_start3A_55 = tpu.memref_slice %arg7[%add3A_48, %dma_start3A_54] : memref<40x64xi32, #tpu.memory_space<vmem>> -> memref<1x64xi32, #tpu.memory_space<vmem>>
        %dma_start3A_56 = tpu.memref_squeeze %dma_start3A_55 : memref<1x64xi32, #tpu.memory_space<vmem>> -> memref<64xi32, #tpu.memory_space<vmem>>
        %dma_start3A_57 = arith.constant 0 : i32
        %dma_start3A_58 = arith.constant 0 : i32
        %dma_start3A_59 = tpu.memref_slice %arg2[%dma_start3A_57, %dma_start3A_58] : memref<40960x128xf32, #tpu.memory_space<hbm>> -> memref<40960x128xf32, #tpu.memory_space<hbm>>
        tpu.enqueue_indirect_dma source(%dma_start3A_59 : memref<40960x128xf32, #tpu.memory_space<hbm>>) target(%arg10 : memref<64x128xf32, #tpu.memory_space<vmem>>) offsets(%dma_start3A_56 : memref<64xi32, #tpu.memory_space<vmem>>) semaphore(%arg13 : memref<!tpu.dma_semaphore, #tpu.memory_space<semaphore_mem>>)
        "tpu.region"() ({
          %run_scoped3A = tpu.sem_alloc : memref<!tpu.dma_semaphore, #tpu.memory_space<semaphore_mem>>
          %dma_start3A_68 = arith.constant 0 : i32
          %dma_start3A_69 = tpu.memref_slice %arg8[%mul3A_44, %dma_start3A_68] : memref<40x64xi32, #tpu.memory_space<vmem>> -> memref<1x64xi32, #tpu.memory_space<vmem>>
          %dma_start3A_70 = tpu.memref_squeeze %dma_start3A_69 : memref<1x64xi32, #tpu.memory_space<vmem>> -> memref<64xi32, #tpu.memory_space<vmem>>
          %dma_start3A_71 = arith.constant 0 : i32
          %dma_start3A_72 = arith.constant 0 : i32
          %dma_start3A_73 = tpu.memref_slice %arg11[%dma_start3A_71, %dma_start3A_72] : memref<10240x128xf32, #tpu.memory_space<vmem_shared>> -> memref<10240x128xf32, #tpu.memory_space<vmem_shared>>
          tpu.enqueue_indirect_dma source(%arg9 : memref<64x128xf32, #tpu.memory_space<vmem>>) target(%dma_start3A_73 : memref<10240x128xf32, #tpu.memory_space<vmem_shared>>) offsets(%dma_start3A_70 : memref<64xi32, #tpu.memory_space<vmem>>) semaphore(%run_scoped3A : memref<!tpu.dma_semaphore, #tpu.memory_space<semaphore_mem>>) {add = true}
          %dma_wait3A_74 = arith.constant 0 : i32
          %dma_wait3A_75 = tpu.memref_slice %arg8[%mul3A_44, %dma_wait3A_74] : memref<40x64xi32, #tpu.memory_space<vmem>> -> memref<1x64xi32, #tpu.memory_space<vmem>>
          %dma_wait3A_76 = tpu.memref_squeeze %dma_wait3A_75 : memref<1x64xi32, #tpu.memory_space<vmem>> -> memref<64xi32, #tpu.memory_space<vmem>>
          %dma_wait3A_77 = arith.constant 0 : i32
          %dma_wait3A_78 = arith.constant 0 : i32
          %dma_wait3A_79 = tpu.memref_slice %arg11[%dma_wait3A_77, %dma_wait3A_78] : memref<10240x128xf32, #tpu.memory_space<vmem_shared>> -> memref<10240x128xf32, #tpu.memory_space<vmem_shared>>
          tpu.wait_indirect_dma semaphore(%run_scoped3A : memref<!tpu.dma_semaphore, #tpu.memory_space<semaphore_mem>>) src(%arg9 : memref<64x128xf32, #tpu.memory_space<vmem>>) dst(%dma_wait3A_79 : memref<10240x128xf32, #tpu.memory_space<vmem_shared>>)
          tpu.yield
        }) : () -> ()
        %dma_wait3A_60 = arith.constant 0 : i32
        %dma_wait3A_61 = tpu.memref_slice %arg7[%add3A_48, %dma_wait3A_60] : memref<40x64xi32, #tpu.memory_space<vmem>> -> memref<1x64xi32, #tpu.memory_space<vmem>>
        %dma_wait3A_62 = tpu.memref_squeeze %dma_wait3A_61 : memref<1x64xi32, #tpu.memory_space<vmem>> -> memref<64xi32, #tpu.memory_space<vmem>>
        %dma_wait3A_63 = arith.constant 0 : i32
        %dma_wait3A_64 = arith.constant 0 : i32
        %dma_wait3A_65 = tpu.memref_slice %arg2[%dma_wait3A_63, %dma_wait3A_64] : memref<40960x128xf32, #tpu.memory_space<hbm>> -> memref<40960x128xf32, #tpu.memory_space<hbm>>
        tpu.wait_indirect_dma semaphore(%arg13 : memref<!tpu.dma_semaphore, #tpu.memory_space<semaphore_mem>>) src(%dma_wait3A_65 : memref<40960x128xf32, #tpu.memory_space<hbm>>) dst(%arg10 : memref<64x128xf32, #tpu.memory_space<vmem>>)
        %lt3A = arith.constant 19 : i32
        %lt3A_66 = arith.cmpi slt, %scan3A_42, %lt3A : i32
        %convert_element_type3A = arith.extui %lt3A_66 : i1 to i32
        %cond3A = arith.constant 0 : i32
        %cond3A_67 = arith.cmpi ne, %convert_element_type3A, %cond3A : i32
        scf.if %cond3A_67 {
          %add3A_68 = arith.constant 2 : i32
          %add3A_69 = arith.addi %mul3A_44, %add3A_68 : i32
          %dma_start3A_70 = arith.constant 0 : i32
          %dma_start3A_71 = tpu.memref_slice %arg7[%add3A_69, %dma_start3A_70] : memref<40x64xi32, #tpu.memory_space<vmem>> -> memref<1x64xi32, #tpu.memory_space<vmem>>
          %dma_start3A_72 = tpu.memref_squeeze %dma_start3A_71 : memref<1x64xi32, #tpu.memory_space<vmem>> -> memref<64xi32, #tpu.memory_space<vmem>>
          %dma_start3A_73 = arith.constant 0 : i32
          %dma_start3A_74 = arith.constant 0 : i32
          %dma_start3A_75 = tpu.memref_slice %arg2[%dma_start3A_73, %dma_start3A_74] : memref<40960x128xf32, #tpu.memory_space<hbm>> -> memref<40960x128xf32, #tpu.memory_space<hbm>>
          tpu.enqueue_indirect_dma source(%dma_start3A_75 : memref<40960x128xf32, #tpu.memory_space<hbm>>) target(%arg9 : memref<64x128xf32, #tpu.memory_space<vmem>>) offsets(%dma_start3A_72 : memref<64xi32, #tpu.memory_space<vmem>>) semaphore(%arg12 : memref<!tpu.dma_semaphore, #tpu.memory_space<semaphore_mem>>)
        } else {
        }
        "tpu.region"() ({
          %run_scoped3A = tpu.sem_alloc : memref<!tpu.dma_semaphore, #tpu.memory_space<semaphore_mem>>
          %dma_start3A_68 = arith.constant 0 : i32
          %dma_start3A_69 = tpu.memref_slice %arg8[%add3A_48, %dma_start3A_68] : memref<40x64xi32, #tpu.memory_space<vmem>> -> memref<1x64xi32, #tpu.memory_space<vmem>>
          %dma_start3A_70 = tpu.memref_squeeze %dma_start3A_69 : memref<1x64xi32, #tpu.memory_space<vmem>> -> memref<64xi32, #tpu.memory_space<vmem>>
          %dma_start3A_71 = arith.constant 0 : i32
          %dma_start3A_72 = arith.constant 0 : i32
          %dma_start3A_73 = tpu.memref_slice %arg11[%dma_start3A_71, %dma_start3A_72] : memref<10240x128xf32, #tpu.memory_space<vmem_shared>> -> memref<10240x128xf32, #tpu.memory_space<vmem_shared>>
          tpu.enqueue_indirect_dma source(%arg10 : memref<64x128xf32, #tpu.memory_space<vmem>>) target(%dma_start3A_73 : memref<10240x128xf32, #tpu.memory_space<vmem_shared>>) offsets(%dma_start3A_70 : memref<64xi32, #tpu.memory_space<vmem>>) semaphore(%run_scoped3A : memref<!tpu.dma_semaphore, #tpu.memory_space<semaphore_mem>>) {add = true}
          %dma_wait3A_74 = arith.constant 0 : i32
          %dma_wait3A_75 = tpu.memref_slice %arg8[%add3A_48, %dma_wait3A_74] : memref<40x64xi32, #tpu.memory_space<vmem>> -> memref<1x64xi32, #tpu.memory_space<vmem>>
          %dma_wait3A_76 = tpu.memref_squeeze %dma_wait3A_75 : memref<1x64xi32, #tpu.memory_space<vmem>> -> memref<64xi32, #tpu.memory_space<vmem>>
          %dma_wait3A_77 = arith.constant 0 : i32
          %dma_wait3A_78 = arith.constant 0 : i32
          %dma_wait3A_79 = tpu.memref_slice %arg11[%dma_wait3A_77, %dma_wait3A_78] : memref<10240x128xf32, #tpu.memory_space<vmem_shared>> -> memref<10240x128xf32, #tpu.memory_space<vmem_shared>>
          tpu.wait_indirect_dma semaphore(%run_scoped3A : memref<!tpu.dma_semaphore, #tpu.memory_space<semaphore_mem>>) src(%arg10 : memref<64x128xf32, #tpu.memory_space<vmem>>) dst(%dma_wait3A_79 : memref<10240x128xf32, #tpu.memory_space<vmem_shared>>)
          tpu.yield
        }) : () -> ()
      }
      %scan3A_41 = arith.constant 20 : i32
    }
    %while3A_20 = arith.constant 1 : i32
    scf.for %while3A_26 = %while3A_18 to %while3A_14 step %while3A_20  : i32 {
      %mul3A_27 = arith.constant 40 : i32
      %mul3A_28 = arith.muli %while3A_26, %mul3A_27 : i32
      %add3A_29 = arith.addi %select_n3A_11, %mul3A_28 : i32
      "tpu.region"() ({
        %run_scoped3A = tpu.sem_alloc : memref<!tpu.dma_semaphore, #tpu.memory_space<semaphore_mem>>
        %dma_start3A_42 = arith.constant 0 : i32
        %dma_start3A_43 = tpu.memref_slice %arg3[%add3A_29, %dma_start3A_42] : memref<5120x64xi32, #tpu.memory_space<hbm>> -> memref<40x64xi32, #tpu.memory_space<hbm>>
        %dma_start3A_44 = arith.constant 0 : i32
        %dma_start3A_45 = tpu.memref_slice %arg3[%add3A_29, %dma_start3A_44] : memref<5120x64xi32, #tpu.memory_space<hbm>> -> memref<40x64xi32, #tpu.memory_space<hbm>>
        tpu.enqueue_dma source(%dma_start3A_45 : memref<40x64xi32, #tpu.memory_space<hbm>>) target(%arg7 : memref<40x64xi32, #tpu.memory_space<vmem>>) target_semaphore(%run_scoped3A : memref<!tpu.dma_semaphore, #tpu.memory_space<semaphore_mem>>)
        %dma_wait3A = arith.constant 0 : i32
        %dma_wait3A_46 = tpu.memref_slice %arg3[%add3A_29, %dma_wait3A] : memref<5120x64xi32, #tpu.memory_space<hbm>> -> memref<40x64xi32, #tpu.memory_space<hbm>>
        %dma_wait3A_47 = arith.constant 0 : i32
        %dma_wait3A_48 = tpu.memref_slice %arg3[%add3A_29, %dma_wait3A_47] : memref<5120x64xi32, #tpu.memory_space<hbm>> -> memref<40x64xi32, #tpu.memory_space<hbm>>
        tpu.wait_dma2 semaphore(%run_scoped3A : memref<!tpu.dma_semaphore, #tpu.memory_space<semaphore_mem>>) src(%dma_wait3A_48 : memref<40x64xi32, #tpu.memory_space<hbm>>) dst(%arg7 : memref<40x64xi32, #tpu.memory_space<vmem>>)
        tpu.yield
      }) : () -> ()
      "tpu.region"() ({
        %run_scoped3A = tpu.sem_alloc : memref<!tpu.dma_semaphore, #tpu.memory_space<semaphore_mem>>
        %dma_start3A_42 = arith.constant 0 : i32
        %dma_start3A_43 = tpu.memref_slice %arg4[%add3A_29, %dma_start3A_42] : memref<5120x64xi32, #tpu.memory_space<hbm>> -> memref<40x64xi32, #tpu.memory_space<hbm>>
        %dma_start3A_44 = arith.constant 0 : i32
        %dma_start3A_45 = tpu.memref_slice %arg4[%add3A_29, %dma_start3A_44] : memref<5120x64xi32, #tpu.memory_space<hbm>> -> memref<40x64xi32, #tpu.memory_space<hbm>>
        tpu.enqueue_dma source(%dma_start3A_45 : memref<40x64xi32, #tpu.memory_space<hbm>>) target(%arg8 : memref<40x64xi32, #tpu.memory_space<vmem>>) target_semaphore(%run_scoped3A : memref<!tpu.dma_semaphore, #tpu.memory_space<semaphore_mem>>)
        %dma_wait3A = arith.constant 0 : i32
        %dma_wait3A_46 = tpu.memref_slice %arg4[%add3A_29, %dma_wait3A] : memref<5120x64xi32, #tpu.memory_space<hbm>> -> memref<40x64xi32, #tpu.memory_space<hbm>>
        %dma_wait3A_47 = arith.constant 0 : i32
        %dma_wait3A_48 = tpu.memref_slice %arg4[%add3A_29, %dma_wait3A_47] : memref<5120x64xi32, #tpu.memory_space<hbm>> -> memref<40x64xi32, #tpu.memory_space<hbm>>
        tpu.wait_dma2 semaphore(%run_scoped3A : memref<!tpu.dma_semaphore, #tpu.memory_space<semaphore_mem>>) src(%dma_wait3A_48 : memref<40x64xi32, #tpu.memory_space<hbm>>) dst(%arg8 : memref<40x64xi32, #tpu.memory_space<vmem>>)
        tpu.yield
      }) : () -> ()
      %dma_start3A = arith.constant 0 : i32
      %dma_start3A_30 = arith.constant 0 : i32
      %dma_start3A_31 = tpu.memref_slice %arg7[%dma_start3A, %dma_start3A_30] : memref<40x64xi32, #tpu.memory_space<vmem>> -> memref<1x64xi32, #tpu.memory_space<vmem>>
      %dma_start3A_32 = tpu.memref_squeeze %dma_start3A_31 : memref<1x64xi32, #tpu.memory_space<vmem>> -> memref<64xi32, #tpu.memory_space<vmem>>
      %dma_start3A_33 = arith.constant 0 : i32
      %dma_start3A_34 = arith.constant 0 : i32
      %dma_start3A_35 = tpu.memref_slice %arg2[%dma_start3A_33, %dma_start3A_34] : memref<40960x128xf32, #tpu.memory_space<hbm>> -> memref<40960x128xf32, #tpu.memory_space<hbm>>
      tpu.enqueue_indirect_dma source(%dma_start3A_35 : memref<40960x128xf32, #tpu.memory_space<hbm>>) target(%arg9 : memref<64x128xf32, #tpu.memory_space<vmem>>) offsets(%dma_start3A_32 : memref<64xi32, #tpu.memory_space<vmem>>) semaphore(%arg12 : memref<!tpu.dma_semaphore, #tpu.memory_space<semaphore_mem>>)
      %scan3A_36 = arith.constant 0 : i32
      %scan3A_37 = arith.constant 0 : i32
      %scan3A_38 = arith.constant 20 : i32
      %scan3A_39 = arith.addi %scan3A_37, %scan3A_38 : i32
      %scan3A_40 = arith.constant 1 : i32
      scf.for %scan3A_42 = %scan3A_37 to %scan3A_39 step %scan3A_40  : i32 {
        %mul3A_43 = arith.constant 2 : i32
        %mul3A_44 = arith.muli %mul3A_43, %scan3A_42 : i32
        %mul3A_45 = arith.constant 2 : i32
        %mul3A_46 = arith.muli %mul3A_45, %scan3A_42 : i32
        %add3A_47 = arith.constant 1 : i32
        %add3A_48 = arith.addi %mul3A_46, %add3A_47 : i32
        %dma_wait3A = arith.constant 0 : i32
        %dma_wait3A_49 = tpu.memref_slice %arg7[%mul3A_44, %dma_wait3A] : memref<40x64xi32, #tpu.memory_space<vmem>> -> memref<1x64xi32, #tpu.memory_space<vmem>>
        %dma_wait3A_50 = tpu.memref_squeeze %dma_wait3A_49 : memref<1x64xi32, #tpu.memory_space<vmem>> -> memref<64xi32, #tpu.memory_space<vmem>>
        %dma_wait3A_51 = arith.constant 0 : i32
        %dma_wait3A_52 = arith.constant 0 : i32
        %dma_wait3A_53 = tpu.memref_slice %arg2[%dma_wait3A_51, %dma_wait3A_52] : memref<40960x128xf32, #tpu.memory_space<hbm>> -> memref<40960x128xf32, #tpu.memory_space<hbm>>
        tpu.wait_indirect_dma semaphore(%arg12 : memref<!tpu.dma_semaphore, #tpu.memory_space<semaphore_mem>>) src(%dma_wait3A_53 : memref<40960x128xf32, #tpu.memory_space<hbm>>) dst(%arg9 : memref<64x128xf32, #tpu.memory_space<vmem>>)
        %dma_start3A_54 = arith.constant 0 : i32
        %dma_start3A_55 = tpu.memref_slice %arg7[%add3A_48, %dma_start3A_54] : memref<40x64xi32, #tpu.memory_space<vmem>> -> memref<1x64xi32, #tpu.memory_space<vmem>>
        %dma_start3A_56 = tpu.memref_squeeze %dma_start3A_55 : memref<1x64xi32, #tpu.memory_space<vmem>> -> memref<64xi32, #tpu.memory_space<vmem>>
        %dma_start3A_57 = arith.constant 0 : i32
        %dma_start3A_58 = arith.constant 0 : i32
        %dma_start3A_59 = tpu.memref_slice %arg2[%dma_start3A_57, %dma_start3A_58] : memref<40960x128xf32, #tpu.memory_space<hbm>> -> memref<40960x128xf32, #tpu.memory_space<hbm>>
        tpu.enqueue_indirect_dma source(%dma_start3A_59 : memref<40960x128xf32, #tpu.memory_space<hbm>>) target(%arg10 : memref<64x128xf32, #tpu.memory_space<vmem>>) offsets(%dma_start3A_56 : memref<64xi32, #tpu.memory_space<vmem>>) semaphore(%arg13 : memref<!tpu.dma_semaphore, #tpu.memory_space<semaphore_mem>>)
        "tpu.region"() ({
          %run_scoped3A = tpu.sem_alloc : memref<!tpu.dma_semaphore, #tpu.memory_space<semaphore_mem>>
          %dma_start3A_68 = arith.constant 0 : i32
          %dma_start3A_69 = tpu.memref_slice %arg8[%mul3A_44, %dma_start3A_68] : memref<40x64xi32, #tpu.memory_space<vmem>> -> memref<1x64xi32, #tpu.memory_space<vmem>>
          %dma_start3A_70 = tpu.memref_squeeze %dma_start3A_69 : memref<1x64xi32, #tpu.memory_space<vmem>> -> memref<64xi32, #tpu.memory_space<vmem>>
          %dma_start3A_71 = arith.constant 0 : i32
          %dma_start3A_72 = arith.constant 0 : i32
          %dma_start3A_73 = tpu.memref_slice %arg11[%dma_start3A_71, %dma_start3A_72] : memref<10240x128xf32, #tpu.memory_space<vmem_shared>> -> memref<10240x128xf32, #tpu.memory_space<vmem_shared>>
          tpu.enqueue_indirect_dma source(%arg9 : memref<64x128xf32, #tpu.memory_space<vmem>>) target(%dma_start3A_73 : memref<10240x128xf32, #tpu.memory_space<vmem_shared>>) offsets(%dma_start3A_70 : memref<64xi32, #tpu.memory_space<vmem>>) semaphore(%run_scoped3A : memref<!tpu.dma_semaphore, #tpu.memory_space<semaphore_mem>>) {add = true}
          %dma_wait3A_74 = arith.constant 0 : i32
          %dma_wait3A_75 = tpu.memref_slice %arg8[%mul3A_44, %dma_wait3A_74] : memref<40x64xi32, #tpu.memory_space<vmem>> -> memref<1x64xi32, #tpu.memory_space<vmem>>
          %dma_wait3A_76 = tpu.memref_squeeze %dma_wait3A_75 : memref<1x64xi32, #tpu.memory_space<vmem>> -> memref<64xi32, #tpu.memory_space<vmem>>
          %dma_wait3A_77 = arith.constant 0 : i32
          %dma_wait3A_78 = arith.constant 0 : i32
          %dma_wait3A_79 = tpu.memref_slice %arg11[%dma_wait3A_77, %dma_wait3A_78] : memref<10240x128xf32, #tpu.memory_space<vmem_shared>> -> memref<10240x128xf32, #tpu.memory_space<vmem_shared>>
          tpu.wait_indirect_dma semaphore(%run_scoped3A : memref<!tpu.dma_semaphore, #tpu.memory_space<semaphore_mem>>) src(%arg9 : memref<64x128xf32, #tpu.memory_space<vmem>>) dst(%dma_wait3A_79 : memref<10240x128xf32, #tpu.memory_space<vmem_shared>>)
          tpu.yield
        }) : () -> ()
        %dma_wait3A_60 = arith.constant 0 : i32
        %dma_wait3A_61 = tpu.memref_slice %arg7[%add3A_48, %dma_wait3A_60] : memref<40x64xi32, #tpu.memory_space<vmem>> -> memref<1x64xi32, #tpu.memory_space<vmem>>
        %dma_wait3A_62 = tpu.memref_squeeze %dma_wait3A_61 : memref<1x64xi32, #tpu.memory_space<vmem>> -> memref<64xi32, #tpu.memory_space<vmem>>
        %dma_wait3A_63 = arith.constant 0 : i32
        %dma_wait3A_64 = arith.constant 0 : i32
        %dma_wait3A_65 = tpu.memref_slice %arg2[%dma_wait3A_63, %dma_wait3A_64] : memref<40960x128xf32, #tpu.memory_space<hbm>> -> memref<40960x128xf32, #tpu.memory_space<hbm>>
        tpu.wait_indirect_dma semaphore(%arg13 : memref<!tpu.dma_semaphore, #tpu.memory_space<semaphore_mem>>) src(%dma_wait3A_65 : memref<40960x128xf32, #tpu.memory_space<hbm>>) dst(%arg10 : memref<64x128xf32, #tpu.memory_space<vmem>>)
        %lt3A = arith.constant 19 : i32
        %lt3A_66 = arith.cmpi slt, %scan3A_42, %lt3A : i32
        %convert_element_type3A = arith.extui %lt3A_66 : i1 to i32
        %cond3A = arith.constant 0 : i32
        %cond3A_67 = arith.cmpi ne, %convert_element_type3A, %cond3A : i32
        scf.if %cond3A_67 {
          %add3A_68 = arith.constant 2 : i32
          %add3A_69 = arith.addi %mul3A_44, %add3A_68 : i32
          %dma_start3A_70 = arith.constant 0 : i32
          %dma_start3A_71 = tpu.memref_slice %arg7[%add3A_69, %dma_start3A_70] : memref<40x64xi32, #tpu.memory_space<vmem>> -> memref<1x64xi32, #tpu.memory_space<vmem>>
          %dma_start3A_72 = tpu.memref_squeeze %dma_start3A_71 : memref<1x64xi32, #tpu.memory_space<vmem>> -> memref<64xi32, #tpu.memory_space<vmem>>
          %dma_start3A_73 = arith.constant 0 : i32
          %dma_start3A_74 = arith.constant 0 : i32
          %dma_start3A_75 = tpu.memref_slice %arg2[%dma_start3A_73, %dma_start3A_74] : memref<40960x128xf32, #tpu.memory_space<hbm>> -> memref<40960x128xf32, #tpu.memory_space<hbm>>
          tpu.enqueue_indirect_dma source(%dma_start3A_75 : memref<40960x128xf32, #tpu.memory_space<hbm>>) target(%arg9 : memref<64x128xf32, #tpu.memory_space<vmem>>) offsets(%dma_start3A_72 : memref<64xi32, #tpu.memory_space<vmem>>) semaphore(%arg12 : memref<!tpu.dma_semaphore, #tpu.memory_space<semaphore_mem>>)
        } else {
        }
        "tpu.region"() ({
          %run_scoped3A = tpu.sem_alloc : memref<!tpu.dma_semaphore, #tpu.memory_space<semaphore_mem>>
          %dma_start3A_68 = arith.constant 0 : i32
          %dma_start3A_69 = tpu.memref_slice %arg8[%add3A_48, %dma_start3A_68] : memref<40x64xi32, #tpu.memory_space<vmem>> -> memref<1x64xi32, #tpu.memory_space<vmem>>
          %dma_start3A_70 = tpu.memref_squeeze %dma_start3A_69 : memref<1x64xi32, #tpu.memory_space<vmem>> -> memref<64xi32, #tpu.memory_space<vmem>>
          %dma_start3A_71 = arith.constant 0 : i32
          %dma_start3A_72 = arith.constant 0 : i32
          %dma_start3A_73 = tpu.memref_slice %arg11[%dma_start3A_71, %dma_start3A_72] : memref<10240x128xf32, #tpu.memory_space<vmem_shared>> -> memref<10240x128xf32, #tpu.memory_space<vmem_shared>>
          tpu.enqueue_indirect_dma source(%arg10 : memref<64x128xf32, #tpu.memory_space<vmem>>) target(%dma_start3A_73 : memref<10240x128xf32, #tpu.memory_space<vmem_shared>>) offsets(%dma_start3A_70 : memref<64xi32, #tpu.memory_space<vmem>>) semaphore(%run_scoped3A : memref<!tpu.dma_semaphore, #tpu.memory_space<semaphore_mem>>) {add = true}
          %dma_wait3A_74 = arith.constant 0 : i32
          %dma_wait3A_75 = tpu.memref_slice %arg8[%add3A_48, %dma_wait3A_74] : memref<40x64xi32, #tpu.memory_space<vmem>> -> memref<1x64xi32, #tpu.memory_space<vmem>>
          %dma_wait3A_76 = tpu.memref_squeeze %dma_wait3A_75 : memref<1x64xi32, #tpu.memory_space<vmem>> -> memref<64xi32, #tpu.memory_space<vmem>>
          %dma_wait3A_77 = arith.constant 0 : i32
          %dma_wait3A_78 = arith.constant 0 : i32
          %dma_wait3A_79 = tpu.memref_slice %arg11[%dma_wait3A_77, %dma_wait3A_78] : memref<10240x128xf32, #tpu.memory_space<vmem_shared>> -> memref<10240x128xf32, #tpu.memory_space<vmem_shared>>
          tpu.wait_indirect_dma semaphore(%run_scoped3A : memref<!tpu.dma_semaphore, #tpu.memory_space<semaphore_mem>>) src(%arg10 : memref<64x128xf32, #tpu.memory_space<vmem>>) dst(%dma_wait3A_79 : memref<10240x128xf32, #tpu.memory_space<vmem_shared>>)
          tpu.yield
        }) : () -> ()
      }
      %scan3A_41 = arith.constant 20 : i32
    }
    %barrier3A_21 = arith.constant 0 : index
    tpu.barrier barrier_id(%barrier3A_21)
    %mul3A_22 = arith.constant 640 : i32
    %mul3A_23 = arith.muli %arg1, %mul3A_22 : i32
    %mul3A_24 = arith.constant 640 : i32
    %mul3A_25 = arith.muli %arg1, %mul3A_24 : i32
    "tpu.region"() ({
      %run_scoped3A = tpu.sem_alloc : memref<!tpu.dma_semaphore, #tpu.memory_space<semaphore_mem>>
      %dma_start3A = arith.constant 0 : i32
      %dma_start3A_26 = tpu.memref_slice %arg6[%arg0, %mul3A_25, %dma_start3A] : memref<2x10240x128xf32, #tpu.memory_space<hbm>> -> memref<1x640x128xf32, #tpu.memory_space<hbm>>
      %dma_start3A_27 = tpu.memref_squeeze %dma_start3A_26 : memref<1x640x128xf32, #tpu.memory_space<hbm>> -> memref<640x128xf32, #tpu.memory_space<hbm>>
      %dma_start3A_28 = arith.constant 0 : i32
      %dma_start3A_29 = tpu.memref_slice %arg11[%mul3A_23, %dma_start3A_28] : memref<10240x128xf32, #tpu.memory_space<vmem_shared>> -> memref<640x128xf32, #tpu.memory_space<vmem_shared>>
      tpu.enqueue_dma source(%dma_start3A_29 : memref<640x128xf32, #tpu.memory_space<vmem_shared>>) target(%dma_start3A_27 : memref<640x128xf32, #tpu.memory_space<hbm>>) target_semaphore(%run_scoped3A : memref<!tpu.dma_semaphore, #tpu.memory_space<semaphore_mem>>)
      %dma_wait3A = arith.constant 0 : i32
      %dma_wait3A_30 = tpu.memref_slice %arg6[%arg0, %mul3A_25, %dma_wait3A] : memref<2x10240x128xf32, #tpu.memory_space<hbm>> -> memref<1x640x128xf32, #tpu.memory_space<hbm>>
      %dma_wait3A_31 = tpu.memref_squeeze %dma_wait3A_30 : memref<1x640x128xf32, #tpu.memory_space<hbm>> -> memref<640x128xf32, #tpu.memory_space<hbm>>
      %dma_wait3A_32 = arith.constant 0 : i32
      %dma_wait3A_33 = tpu.memref_slice %arg11[%mul3A_23, %dma_wait3A_32] : memref<10240x128xf32, #tpu.memory_space<vmem_shared>> -> memref<640x128xf32, #tpu.memory_space<vmem_shared>>
      tpu.wait_dma2 semaphore(%run_scoped3A : memref<!tpu.dma_semaphore, #tpu.memory_space<semaphore_mem>>) src(%dma_wait3A_33 : memref<640x128xf32, #tpu.memory_space<vmem_shared>>) dst(%dma_wait3A_31 : memref<640x128xf32, #tpu.memory_space<hbm>>)
      tpu.yield
    }) : () -> ()
    return
  }
}

#map = affine_map<(d0, d1) -> (0, 0)>
#map1 = affine_map<(d0, d1) -> (0, 0, 0)>
module attributes {stable_mosaic.version = 14 : i64} {
  func.func @_sc_body(%arg0: i32, %arg1: i32, %arg2: memref<40960x128xf32, #tpu.memory_space<hbm>>, %arg3: memref<5120x64xi32, #tpu.memory_space<hbm>>, %arg4: memref<5120x64xi32, #tpu.memory_space<hbm>>, %arg5: memref<64x128xf32, #tpu.memory_space<hbm>>, %arg6: memref<2x10240x128xf32, #tpu.memory_space<hbm>>, %arg7: memref<40x64xi32, #tpu.memory_space<vmem>>, %arg8: memref<40x64xi32, #tpu.memory_space<vmem>>, %arg9: memref<64x128xf32, #tpu.memory_space<vmem>>, %arg10: memref<64x128xf32, #tpu.memory_space<vmem>>, %arg11: memref<10240x128xf32, #tpu.memory_space<vmem_shared>>, %arg12: memref<!tpu.dma_semaphore, #tpu.memory_space<semaphore_mem>>, %arg13: memref<!tpu.dma_semaphore, #tpu.memory_space<semaphore_mem>>) attributes {dimension_semantics = [#tpu.dimension_semantics<core_parallel>, #tpu.dimension_semantics<subcore_parallel>], iteration_bounds = array<i64: 2, 16>, scalar_prefetch = 0 : i64, scratch_operands = 7 : i64, tpu.core_type = #tpu.core_type<sc_vector_subcore>, window_params = [{transform_indices = #map}, {transform_indices = #map}, {transform_indices = #map}, {transform_indices = #map}, {transform_indices = #map1}]} {
    "tpu.region"() ({
      %run_scoped3A = tpu.sem_alloc : memref<!tpu.dma_semaphore, #tpu.memory_space<semaphore_mem>>
      tpu.enqueue_dma source(%arg5 : memref<64x128xf32, #tpu.memory_space<hbm>>) target(%arg9 : memref<64x128xf32, #tpu.memory_space<vmem>>) target_semaphore(%run_scoped3A : memref<!tpu.dma_semaphore, #tpu.memory_space<semaphore_mem>>)
      tpu.wait_dma2 semaphore(%run_scoped3A : memref<!tpu.dma_semaphore, #tpu.memory_space<semaphore_mem>>) src(%arg5 : memref<64x128xf32, #tpu.memory_space<hbm>>) dst(%arg9 : memref<64x128xf32, #tpu.memory_space<vmem>>)
      tpu.yield
    }) : () -> ()
    %scan3A = arith.constant 0 : i32
    %scan3A_0 = arith.constant 0 : i32
    %scan3A_1 = arith.constant 10 : i32
    %scan3A_2 = arith.addi %scan3A_0, %scan3A_1 : i32
    %scan3A_3 = arith.constant 1 : i32
    scf.for %scan3A_26 = %scan3A_0 to %scan3A_2 step %scan3A_3  : i32 {
      %mul3A_27 = arith.constant 640 : i32
      %mul3A_28 = arith.muli %arg1, %mul3A_27 : i32
      %mul3A_29 = arith.constant 64 : i32
      %mul3A_30 = arith.muli %scan3A_26, %mul3A_29 : i32
      %add3A_31 = arith.addi %mul3A_28, %mul3A_30 : i32
      "tpu.region"() ({
        %run_scoped3A = tpu.sem_alloc : memref<!tpu.dma_semaphore, #tpu.memory_space<semaphore_mem>>
        %dma_start3A = arith.constant 0 : i32
        %dma_start3A_32 = tpu.memref_slice %arg11[%add3A_31, %dma_start3A] : memref<10240x128xf32, #tpu.memory_space<vmem_shared>> -> memref<64x128xf32, #tpu.memory_space<vmem_shared>>
        %dma_start3A_33 = arith.constant 0 : i32
        %dma_start3A_34 = tpu.memref_slice %arg11[%add3A_31, %dma_start3A_33] : memref<10240x128xf32, #tpu.memory_space<vmem_shared>> -> memref<64x128xf32, #tpu.memory_space<vmem_shared>>
        tpu.enqueue_dma source(%arg9 : memref<64x128xf32, #tpu.memory_space<vmem>>) target(%dma_start3A_34 : memref<64x128xf32, #tpu.memory_space<vmem_shared>>) target_semaphore(%run_scoped3A : memref<!tpu.dma_semaphore, #tpu.memory_space<semaphore_mem>>)
        %dma_wait3A = arith.constant 0 : i32
        %dma_wait3A_35 = tpu.memref_slice %arg11[%add3A_31, %dma_wait3A] : memref<10240x128xf32, #tpu.memory_space<vmem_shared>> -> memref<64x128xf32, #tpu.memory_space<vmem_shared>>
        %dma_wait3A_36 = arith.constant 0 : i32
        %dma_wait3A_37 = tpu.memref_slice %arg11[%add3A_31, %dma_wait3A_36] : memref<10240x128xf32, #tpu.memory_space<vmem_shared>> -> memref<64x128xf32, #tpu.memory_space<vmem_shared>>
        tpu.wait_dma2 semaphore(%run_scoped3A : memref<!tpu.dma_semaphore, #tpu.memory_space<semaphore_mem>>) src(%arg9 : memref<64x128xf32, #tpu.memory_space<vmem>>) dst(%dma_wait3A_37 : memref<64x128xf32, #tpu.memory_space<vmem_shared>>)
        tpu.yield
      }) : () -> ()
    }
    %scan3A_4 = arith.constant 10 : i32
    %barrier3A = arith.constant 0 : index
    tpu.barrier barrier_id(%barrier3A)
    %eq3A = arith.constant 0 : i32
    %eq3A_5 = arith.cmpi eq, %arg0, %eq3A : i32
    %jit3A = arith.constant 7 : i32
    %jit3A_6 = arith.constant 1 : i32
    %select_n3A = arith.select %eq3A_5, %jit3A, %jit3A_6 : i32
    %mul3A = arith.constant 280 : i32
    %mul3A_7 = arith.muli %arg1, %mul3A : i32
    %mul3A_8 = arith.constant 40 : i32
    %mul3A_9 = arith.muli %arg1, %mul3A_8 : i32
    %add3A = arith.constant 4480 : i32
    %add3A_10 = arith.addi %add3A, %mul3A_9 : i32
    %select_n3A_11 = arith.select %eq3A_5, %mul3A_7, %add3A_10 : i32
    %while3A = arith.constant 0 : i32
    %while3A_12 = arith.constant 0 : i32
    %while3A_13 = arith.subi %select_n3A, %while3A_12 : i32
    %while3A_14 = arith.addi %while3A_12, %while3A_13 : i32
    %while3A_15 = arith.constant 1 : i32
    %while3A_16 = arith.divsi %while3A_13, %while3A_15 : i32
    %while3A_17 = arith.muli %while3A_16, %while3A_15 : i32
    %while3A_18 = arith.addi %while3A_12, %while3A_17 : i32
    %while3A_19 = arith.constant 1 : i32
    scf.for %while3A_26 = %while3A_12 to %while3A_18 step %while3A_19  : i32 {
      %mul3A_27 = arith.constant 40 : i32
      %mul3A_28 = arith.muli %while3A_26, %mul3A_27 : i32
      %add3A_29 = arith.addi %select_n3A_11, %mul3A_28 : i32
      "tpu.region"() ({
        %run_scoped3A = tpu.sem_alloc : memref<!tpu.dma_semaphore, #tpu.memory_space<semaphore_mem>>
        %dma_start3A_42 = arith.constant 0 : i32
        %dma_start3A_43 = tpu.memref_slice %arg3[%add3A_29, %dma_start3A_42] : memref<5120x64xi32, #tpu.memory_space<hbm>> -> memref<40x64xi32, #tpu.memory_space<hbm>>
        %dma_start3A_44 = arith.constant 0 : i32
        %dma_start3A_45 = tpu.memref_slice %arg3[%add3A_29, %dma_start3A_44] : memref<5120x64xi32, #tpu.memory_space<hbm>> -> memref<40x64xi32, #tpu.memory_space<hbm>>
        tpu.enqueue_dma source(%dma_start3A_45 : memref<40x64xi32, #tpu.memory_space<hbm>>) target(%arg7 : memref<40x64xi32, #tpu.memory_space<vmem>>) target_semaphore(%run_scoped3A : memref<!tpu.dma_semaphore, #tpu.memory_space<semaphore_mem>>)
        %dma_wait3A = arith.constant 0 : i32
        %dma_wait3A_46 = tpu.memref_slice %arg3[%add3A_29, %dma_wait3A] : memref<5120x64xi32, #tpu.memory_space<hbm>> -> memref<40x64xi32, #tpu.memory_space<hbm>>
        %dma_wait3A_47 = arith.constant 0 : i32
        %dma_wait3A_48 = tpu.memref_slice %arg3[%add3A_29, %dma_wait3A_47] : memref<5120x64xi32, #tpu.memory_space<hbm>> -> memref<40x64xi32, #tpu.memory_space<hbm>>
        tpu.wait_dma2 semaphore(%run_scoped3A : memref<!tpu.dma_semaphore, #tpu.memory_space<semaphore_mem>>) src(%dma_wait3A_48 : memref<40x64xi32, #tpu.memory_space<hbm>>) dst(%arg7 : memref<40x64xi32, #tpu.memory_space<vmem>>)
        tpu.yield
      }) : () -> ()
      "tpu.region"() ({
        %run_scoped3A = tpu.sem_alloc : memref<!tpu.dma_semaphore, #tpu.memory_space<semaphore_mem>>
        %dma_start3A_42 = arith.constant 0 : i32
        %dma_start3A_43 = tpu.memref_slice %arg4[%add3A_29, %dma_start3A_42] : memref<5120x64xi32, #tpu.memory_space<hbm>> -> memref<40x64xi32, #tpu.memory_space<hbm>>
        %dma_start3A_44 = arith.constant 0 : i32
        %dma_start3A_45 = tpu.memref_slice %arg4[%add3A_29, %dma_start3A_44] : memref<5120x64xi32, #tpu.memory_space<hbm>> -> memref<40x64xi32, #tpu.memory_space<hbm>>
        tpu.enqueue_dma source(%dma_start3A_45 : memref<40x64xi32, #tpu.memory_space<hbm>>) target(%arg8 : memref<40x64xi32, #tpu.memory_space<vmem>>) target_semaphore(%run_scoped3A : memref<!tpu.dma_semaphore, #tpu.memory_space<semaphore_mem>>)
        %dma_wait3A = arith.constant 0 : i32
        %dma_wait3A_46 = tpu.memref_slice %arg4[%add3A_29, %dma_wait3A] : memref<5120x64xi32, #tpu.memory_space<hbm>> -> memref<40x64xi32, #tpu.memory_space<hbm>>
        %dma_wait3A_47 = arith.constant 0 : i32
        %dma_wait3A_48 = tpu.memref_slice %arg4[%add3A_29, %dma_wait3A_47] : memref<5120x64xi32, #tpu.memory_space<hbm>> -> memref<40x64xi32, #tpu.memory_space<hbm>>
        tpu.wait_dma2 semaphore(%run_scoped3A : memref<!tpu.dma_semaphore, #tpu.memory_space<semaphore_mem>>) src(%dma_wait3A_48 : memref<40x64xi32, #tpu.memory_space<hbm>>) dst(%arg8 : memref<40x64xi32, #tpu.memory_space<vmem>>)
        tpu.yield
      }) : () -> ()
      %dma_start3A = arith.constant 0 : i32
      %dma_start3A_30 = arith.constant 0 : i32
      %dma_start3A_31 = tpu.memref_slice %arg7[%dma_start3A, %dma_start3A_30] : memref<40x64xi32, #tpu.memory_space<vmem>> -> memref<1x64xi32, #tpu.memory_space<vmem>>
      %dma_start3A_32 = tpu.memref_squeeze %dma_start3A_31 : memref<1x64xi32, #tpu.memory_space<vmem>> -> memref<64xi32, #tpu.memory_space<vmem>>
      %dma_start3A_33 = arith.constant 0 : i32
      %dma_start3A_34 = arith.constant 0 : i32
      %dma_start3A_35 = tpu.memref_slice %arg2[%dma_start3A_33, %dma_start3A_34] : memref<40960x128xf32, #tpu.memory_space<hbm>> -> memref<40960x128xf32, #tpu.memory_space<hbm>>
      tpu.enqueue_indirect_dma source(%dma_start3A_35 : memref<40960x128xf32, #tpu.memory_space<hbm>>) target(%arg9 : memref<64x128xf32, #tpu.memory_space<vmem>>) offsets(%dma_start3A_32 : memref<64xi32, #tpu.memory_space<vmem>>) semaphore(%arg12 : memref<!tpu.dma_semaphore, #tpu.memory_space<semaphore_mem>>)
      %scan3A_36 = arith.constant 0 : i32
      %scan3A_37 = arith.constant 0 : i32
      %scan3A_38 = arith.constant 20 : i32
      %scan3A_39 = arith.addi %scan3A_37, %scan3A_38 : i32
      %scan3A_40 = arith.constant 1 : i32
      scf.for %scan3A_42 = %scan3A_37 to %scan3A_39 step %scan3A_40  : i32 {
        %mul3A_43 = arith.constant 2 : i32
        %mul3A_44 = arith.muli %mul3A_43, %scan3A_42 : i32
        %mul3A_45 = arith.constant 2 : i32
        %mul3A_46 = arith.muli %mul3A_45, %scan3A_42 : i32
        %add3A_47 = arith.constant 1 : i32
        %add3A_48 = arith.addi %mul3A_46, %add3A_47 : i32
        %dma_wait3A = arith.constant 0 : i32
        %dma_wait3A_49 = tpu.memref_slice %arg7[%mul3A_44, %dma_wait3A] : memref<40x64xi32, #tpu.memory_space<vmem>> -> memref<1x64xi32, #tpu.memory_space<vmem>>
        %dma_wait3A_50 = tpu.memref_squeeze %dma_wait3A_49 : memref<1x64xi32, #tpu.memory_space<vmem>> -> memref<64xi32, #tpu.memory_space<vmem>>
        %dma_wait3A_51 = arith.constant 0 : i32
        %dma_wait3A_52 = arith.constant 0 : i32
        %dma_wait3A_53 = tpu.memref_slice %arg2[%dma_wait3A_51, %dma_wait3A_52] : memref<40960x128xf32, #tpu.memory_space<hbm>> -> memref<40960x128xf32, #tpu.memory_space<hbm>>
        tpu.wait_indirect_dma semaphore(%arg12 : memref<!tpu.dma_semaphore, #tpu.memory_space<semaphore_mem>>) src(%dma_wait3A_53 : memref<40960x128xf32, #tpu.memory_space<hbm>>) dst(%arg9 : memref<64x128xf32, #tpu.memory_space<vmem>>)
        %dma_start3A_54 = arith.constant 0 : i32
        %dma_start3A_55 = tpu.memref_slice %arg7[%add3A_48, %dma_start3A_54] : memref<40x64xi32, #tpu.memory_space<vmem>> -> memref<1x64xi32, #tpu.memory_space<vmem>>
        %dma_start3A_56 = tpu.memref_squeeze %dma_start3A_55 : memref<1x64xi32, #tpu.memory_space<vmem>> -> memref<64xi32, #tpu.memory_space<vmem>>
        %dma_start3A_57 = arith.constant 0 : i32
        %dma_start3A_58 = arith.constant 0 : i32
        %dma_start3A_59 = tpu.memref_slice %arg2[%dma_start3A_57, %dma_start3A_58] : memref<40960x128xf32, #tpu.memory_space<hbm>> -> memref<40960x128xf32, #tpu.memory_space<hbm>>
        tpu.enqueue_indirect_dma source(%dma_start3A_59 : memref<40960x128xf32, #tpu.memory_space<hbm>>) target(%arg10 : memref<64x128xf32, #tpu.memory_space<vmem>>) offsets(%dma_start3A_56 : memref<64xi32, #tpu.memory_space<vmem>>) semaphore(%arg13 : memref<!tpu.dma_semaphore, #tpu.memory_space<semaphore_mem>>)
        "tpu.region"() ({
          %run_scoped3A = tpu.sem_alloc : memref<!tpu.dma_semaphore, #tpu.memory_space<semaphore_mem>>
          %dma_start3A_68 = arith.constant 0 : i32
          %dma_start3A_69 = tpu.memref_slice %arg8[%mul3A_44, %dma_start3A_68] : memref<40x64xi32, #tpu.memory_space<vmem>> -> memref<1x64xi32, #tpu.memory_space<vmem>>
          %dma_start3A_70 = tpu.memref_squeeze %dma_start3A_69 : memref<1x64xi32, #tpu.memory_space<vmem>> -> memref<64xi32, #tpu.memory_space<vmem>>
          %dma_start3A_71 = arith.constant 0 : i32
          %dma_start3A_72 = arith.constant 0 : i32
          %dma_start3A_73 = tpu.memref_slice %arg11[%dma_start3A_71, %dma_start3A_72] : memref<10240x128xf32, #tpu.memory_space<vmem_shared>> -> memref<10240x128xf32, #tpu.memory_space<vmem_shared>>
          tpu.enqueue_indirect_dma source(%arg9 : memref<64x128xf32, #tpu.memory_space<vmem>>) target(%dma_start3A_73 : memref<10240x128xf32, #tpu.memory_space<vmem_shared>>) offsets(%dma_start3A_70 : memref<64xi32, #tpu.memory_space<vmem>>) semaphore(%run_scoped3A : memref<!tpu.dma_semaphore, #tpu.memory_space<semaphore_mem>>) {add = true}
          %dma_wait3A_74 = arith.constant 0 : i32
          %dma_wait3A_75 = tpu.memref_slice %arg8[%mul3A_44, %dma_wait3A_74] : memref<40x64xi32, #tpu.memory_space<vmem>> -> memref<1x64xi32, #tpu.memory_space<vmem>>
          %dma_wait3A_76 = tpu.memref_squeeze %dma_wait3A_75 : memref<1x64xi32, #tpu.memory_space<vmem>> -> memref<64xi32, #tpu.memory_space<vmem>>
          %dma_wait3A_77 = arith.constant 0 : i32
          %dma_wait3A_78 = arith.constant 0 : i32
          %dma_wait3A_79 = tpu.memref_slice %arg11[%dma_wait3A_77, %dma_wait3A_78] : memref<10240x128xf32, #tpu.memory_space<vmem_shared>> -> memref<10240x128xf32, #tpu.memory_space<vmem_shared>>
          tpu.wait_indirect_dma semaphore(%run_scoped3A : memref<!tpu.dma_semaphore, #tpu.memory_space<semaphore_mem>>) src(%arg9 : memref<64x128xf32, #tpu.memory_space<vmem>>) dst(%dma_wait3A_79 : memref<10240x128xf32, #tpu.memory_space<vmem_shared>>)
          tpu.yield
        }) : () -> ()
        %dma_wait3A_60 = arith.constant 0 : i32
        %dma_wait3A_61 = tpu.memref_slice %arg7[%add3A_48, %dma_wait3A_60] : memref<40x64xi32, #tpu.memory_space<vmem>> -> memref<1x64xi32, #tpu.memory_space<vmem>>
        %dma_wait3A_62 = tpu.memref_squeeze %dma_wait3A_61 : memref<1x64xi32, #tpu.memory_space<vmem>> -> memref<64xi32, #tpu.memory_space<vmem>>
        %dma_wait3A_63 = arith.constant 0 : i32
        %dma_wait3A_64 = arith.constant 0 : i32
        %dma_wait3A_65 = tpu.memref_slice %arg2[%dma_wait3A_63, %dma_wait3A_64] : memref<40960x128xf32, #tpu.memory_space<hbm>> -> memref<40960x128xf32, #tpu.memory_space<hbm>>
        tpu.wait_indirect_dma semaphore(%arg13 : memref<!tpu.dma_semaphore, #tpu.memory_space<semaphore_mem>>) src(%dma_wait3A_65 : memref<40960x128xf32, #tpu.memory_space<hbm>>) dst(%arg10 : memref<64x128xf32, #tpu.memory_space<vmem>>)
        %lt3A = arith.constant 19 : i32
        %lt3A_66 = arith.cmpi slt, %scan3A_42, %lt3A : i32
        %convert_element_type3A = arith.extui %lt3A_66 : i1 to i32
        %cond3A = arith.constant 0 : i32
        %cond3A_67 = arith.cmpi ne, %convert_element_type3A, %cond3A : i32
        scf.if %cond3A_67 {
          %add3A_68 = arith.constant 2 : i32
          %add3A_69 = arith.addi %mul3A_44, %add3A_68 : i32
          %dma_start3A_70 = arith.constant 0 : i32
          %dma_start3A_71 = tpu.memref_slice %arg7[%add3A_69, %dma_start3A_70] : memref<40x64xi32, #tpu.memory_space<vmem>> -> memref<1x64xi32, #tpu.memory_space<vmem>>
          %dma_start3A_72 = tpu.memref_squeeze %dma_start3A_71 : memref<1x64xi32, #tpu.memory_space<vmem>> -> memref<64xi32, #tpu.memory_space<vmem>>
          %dma_start3A_73 = arith.constant 0 : i32
          %dma_start3A_74 = arith.constant 0 : i32
          %dma_start3A_75 = tpu.memref_slice %arg2[%dma_start3A_73, %dma_start3A_74] : memref<40960x128xf32, #tpu.memory_space<hbm>> -> memref<40960x128xf32, #tpu.memory_space<hbm>>
          tpu.enqueue_indirect_dma source(%dma_start3A_75 : memref<40960x128xf32, #tpu.memory_space<hbm>>) target(%arg9 : memref<64x128xf32, #tpu.memory_space<vmem>>) offsets(%dma_start3A_72 : memref<64xi32, #tpu.memory_space<vmem>>) semaphore(%arg12 : memref<!tpu.dma_semaphore, #tpu.memory_space<semaphore_mem>>)
        } else {
        }
        "tpu.region"() ({
          %run_scoped3A = tpu.sem_alloc : memref<!tpu.dma_semaphore, #tpu.memory_space<semaphore_mem>>
          %dma_start3A_68 = arith.constant 0 : i32
          %dma_start3A_69 = tpu.memref_slice %arg8[%add3A_48, %dma_start3A_68] : memref<40x64xi32, #tpu.memory_space<vmem>> -> memref<1x64xi32, #tpu.memory_space<vmem>>
          %dma_start3A_70 = tpu.memref_squeeze %dma_start3A_69 : memref<1x64xi32, #tpu.memory_space<vmem>> -> memref<64xi32, #tpu.memory_space<vmem>>
          %dma_start3A_71 = arith.constant 0 : i32
          %dma_start3A_72 = arith.constant 0 : i32
          %dma_start3A_73 = tpu.memref_slice %arg11[%dma_start3A_71, %dma_start3A_72] : memref<10240x128xf32, #tpu.memory_space<vmem_shared>> -> memref<10240x128xf32, #tpu.memory_space<vmem_shared>>
          tpu.enqueue_indirect_dma source(%arg10 : memref<64x128xf32, #tpu.memory_space<vmem>>) target(%dma_start3A_73 : memref<10240x128xf32, #tpu.memory_space<vmem_shared>>) offsets(%dma_start3A_70 : memref<64xi32, #tpu.memory_space<vmem>>) semaphore(%run_scoped3A : memref<!tpu.dma_semaphore, #tpu.memory_space<semaphore_mem>>) {add = true}
          %dma_wait3A_74 = arith.constant 0 : i32
          %dma_wait3A_75 = tpu.memref_slice %arg8[%add3A_48, %dma_wait3A_74] : memref<40x64xi32, #tpu.memory_space<vmem>> -> memref<1x64xi32, #tpu.memory_space<vmem>>
          %dma_wait3A_76 = tpu.memref_squeeze %dma_wait3A_75 : memref<1x64xi32, #tpu.memory_space<vmem>> -> memref<64xi32, #tpu.memory_space<vmem>>
          %dma_wait3A_77 = arith.constant 0 : i32
          %dma_wait3A_78 = arith.constant 0 : i32
          %dma_wait3A_79 = tpu.memref_slice %arg11[%dma_wait3A_77, %dma_wait3A_78] : memref<10240x128xf32, #tpu.memory_space<vmem_shared>> -> memref<10240x128xf32, #tpu.memory_space<vmem_shared>>
          tpu.wait_indirect_dma semaphore(%run_scoped3A : memref<!tpu.dma_semaphore, #tpu.memory_space<semaphore_mem>>) src(%arg10 : memref<64x128xf32, #tpu.memory_space<vmem>>) dst(%dma_wait3A_79 : memref<10240x128xf32, #tpu.memory_space<vmem_shared>>)
          tpu.yield
        }) : () -> ()
      }
      %scan3A_41 = arith.constant 20 : i32
    }
    %while3A_20 = arith.constant 1 : i32
    scf.for %while3A_26 = %while3A_18 to %while3A_14 step %while3A_20  : i32 {
      %mul3A_27 = arith.constant 40 : i32
      %mul3A_28 = arith.muli %while3A_26, %mul3A_27 : i32
      %add3A_29 = arith.addi %select_n3A_11, %mul3A_28 : i32
      "tpu.region"() ({
        %run_scoped3A = tpu.sem_alloc : memref<!tpu.dma_semaphore, #tpu.memory_space<semaphore_mem>>
        %dma_start3A_42 = arith.constant 0 : i32
        %dma_start3A_43 = tpu.memref_slice %arg3[%add3A_29, %dma_start3A_42] : memref<5120x64xi32, #tpu.memory_space<hbm>> -> memref<40x64xi32, #tpu.memory_space<hbm>>
        %dma_start3A_44 = arith.constant 0 : i32
        %dma_start3A_45 = tpu.memref_slice %arg3[%add3A_29, %dma_start3A_44] : memref<5120x64xi32, #tpu.memory_space<hbm>> -> memref<40x64xi32, #tpu.memory_space<hbm>>
        tpu.enqueue_dma source(%dma_start3A_45 : memref<40x64xi32, #tpu.memory_space<hbm>>) target(%arg7 : memref<40x64xi32, #tpu.memory_space<vmem>>) target_semaphore(%run_scoped3A : memref<!tpu.dma_semaphore, #tpu.memory_space<semaphore_mem>>)
        %dma_wait3A = arith.constant 0 : i32
        %dma_wait3A_46 = tpu.memref_slice %arg3[%add3A_29, %dma_wait3A] : memref<5120x64xi32, #tpu.memory_space<hbm>> -> memref<40x64xi32, #tpu.memory_space<hbm>>
        %dma_wait3A_47 = arith.constant 0 : i32
        %dma_wait3A_48 = tpu.memref_slice %arg3[%add3A_29, %dma_wait3A_47] : memref<5120x64xi32, #tpu.memory_space<hbm>> -> memref<40x64xi32, #tpu.memory_space<hbm>>
        tpu.wait_dma2 semaphore(%run_scoped3A : memref<!tpu.dma_semaphore, #tpu.memory_space<semaphore_mem>>) src(%dma_wait3A_48 : memref<40x64xi32, #tpu.memory_space<hbm>>) dst(%arg7 : memref<40x64xi32, #tpu.memory_space<vmem>>)
        tpu.yield
      }) : () -> ()
      "tpu.region"() ({
        %run_scoped3A = tpu.sem_alloc : memref<!tpu.dma_semaphore, #tpu.memory_space<semaphore_mem>>
        %dma_start3A_42 = arith.constant 0 : i32
        %dma_start3A_43 = tpu.memref_slice %arg4[%add3A_29, %dma_start3A_42] : memref<5120x64xi32, #tpu.memory_space<hbm>> -> memref<40x64xi32, #tpu.memory_space<hbm>>
        %dma_start3A_44 = arith.constant 0 : i32
        %dma_start3A_45 = tpu.memref_slice %arg4[%add3A_29, %dma_start3A_44] : memref<5120x64xi32, #tpu.memory_space<hbm>> -> memref<40x64xi32, #tpu.memory_space<hbm>>
        tpu.enqueue_dma source(%dma_start3A_45 : memref<40x64xi32, #tpu.memory_space<hbm>>) target(%arg8 : memref<40x64xi32, #tpu.memory_space<vmem>>) target_semaphore(%run_scoped3A : memref<!tpu.dma_semaphore, #tpu.memory_space<semaphore_mem>>)
        %dma_wait3A = arith.constant 0 : i32
        %dma_wait3A_46 = tpu.memref_slice %arg4[%add3A_29, %dma_wait3A] : memref<5120x64xi32, #tpu.memory_space<hbm>> -> memref<40x64xi32, #tpu.memory_space<hbm>>
        %dma_wait3A_47 = arith.constant 0 : i32
        %dma_wait3A_48 = tpu.memref_slice %arg4[%add3A_29, %dma_wait3A_47] : memref<5120x64xi32, #tpu.memory_space<hbm>> -> memref<40x64xi32, #tpu.memory_space<hbm>>
        tpu.wait_dma2 semaphore(%run_scoped3A : memref<!tpu.dma_semaphore, #tpu.memory_space<semaphore_mem>>) src(%dma_wait3A_48 : memref<40x64xi32, #tpu.memory_space<hbm>>) dst(%arg8 : memref<40x64xi32, #tpu.memory_space<vmem>>)
        tpu.yield
      }) : () -> ()
      %dma_start3A = arith.constant 0 : i32
      %dma_start3A_30 = arith.constant 0 : i32
      %dma_start3A_31 = tpu.memref_slice %arg7[%dma_start3A, %dma_start3A_30] : memref<40x64xi32, #tpu.memory_space<vmem>> -> memref<1x64xi32, #tpu.memory_space<vmem>>
      %dma_start3A_32 = tpu.memref_squeeze %dma_start3A_31 : memref<1x64xi32, #tpu.memory_space<vmem>> -> memref<64xi32, #tpu.memory_space<vmem>>
      %dma_start3A_33 = arith.constant 0 : i32
      %dma_start3A_34 = arith.constant 0 : i32
      %dma_start3A_35 = tpu.memref_slice %arg2[%dma_start3A_33, %dma_start3A_34] : memref<40960x128xf32, #tpu.memory_space<hbm>> -> memref<40960x128xf32, #tpu.memory_space<hbm>>
      tpu.enqueue_indirect_dma source(%dma_start3A_35 : memref<40960x128xf32, #tpu.memory_space<hbm>>) target(%arg9 : memref<64x128xf32, #tpu.memory_space<vmem>>) offsets(%dma_start3A_32 : memref<64xi32, #tpu.memory_space<vmem>>) semaphore(%arg12 : memref<!tpu.dma_semaphore, #tpu.memory_space<semaphore_mem>>)
      %scan3A_36 = arith.constant 0 : i32
      %scan3A_37 = arith.constant 0 : i32
      %scan3A_38 = arith.constant 20 : i32
      %scan3A_39 = arith.addi %scan3A_37, %scan3A_38 : i32
      %scan3A_40 = arith.constant 1 : i32
      scf.for %scan3A_42 = %scan3A_37 to %scan3A_39 step %scan3A_40  : i32 {
        %mul3A_43 = arith.constant 2 : i32
        %mul3A_44 = arith.muli %mul3A_43, %scan3A_42 : i32
        %mul3A_45 = arith.constant 2 : i32
        %mul3A_46 = arith.muli %mul3A_45, %scan3A_42 : i32
        %add3A_47 = arith.constant 1 : i32
        %add3A_48 = arith.addi %mul3A_46, %add3A_47 : i32
        %dma_wait3A = arith.constant 0 : i32
        %dma_wait3A_49 = tpu.memref_slice %arg7[%mul3A_44, %dma_wait3A] : memref<40x64xi32, #tpu.memory_space<vmem>> -> memref<1x64xi32, #tpu.memory_space<vmem>>
        %dma_wait3A_50 = tpu.memref_squeeze %dma_wait3A_49 : memref<1x64xi32, #tpu.memory_space<vmem>> -> memref<64xi32, #tpu.memory_space<vmem>>
        %dma_wait3A_51 = arith.constant 0 : i32
        %dma_wait3A_52 = arith.constant 0 : i32
        %dma_wait3A_53 = tpu.memref_slice %arg2[%dma_wait3A_51, %dma_wait3A_52] : memref<40960x128xf32, #tpu.memory_space<hbm>> -> memref<40960x128xf32, #tpu.memory_space<hbm>>
        tpu.wait_indirect_dma semaphore(%arg12 : memref<!tpu.dma_semaphore, #tpu.memory_space<semaphore_mem>>) src(%dma_wait3A_53 : memref<40960x128xf32, #tpu.memory_space<hbm>>) dst(%arg9 : memref<64x128xf32, #tpu.memory_space<vmem>>)
        %dma_start3A_54 = arith.constant 0 : i32
        %dma_start3A_55 = tpu.memref_slice %arg7[%add3A_48, %dma_start3A_54] : memref<40x64xi32, #tpu.memory_space<vmem>> -> memref<1x64xi32, #tpu.memory_space<vmem>>
        %dma_start3A_56 = tpu.memref_squeeze %dma_start3A_55 : memref<1x64xi32, #tpu.memory_space<vmem>> -> memref<64xi32, #tpu.memory_space<vmem>>
        %dma_start3A_57 = arith.constant 0 : i32
        %dma_start3A_58 = arith.constant 0 : i32
        %dma_start3A_59 = tpu.memref_slice %arg2[%dma_start3A_57, %dma_start3A_58] : memref<40960x128xf32, #tpu.memory_space<hbm>> -> memref<40960x128xf32, #tpu.memory_space<hbm>>
        tpu.enqueue_indirect_dma source(%dma_start3A_59 : memref<40960x128xf32, #tpu.memory_space<hbm>>) target(%arg10 : memref<64x128xf32, #tpu.memory_space<vmem>>) offsets(%dma_start3A_56 : memref<64xi32, #tpu.memory_space<vmem>>) semaphore(%arg13 : memref<!tpu.dma_semaphore, #tpu.memory_space<semaphore_mem>>)
        "tpu.region"() ({
          %run_scoped3A = tpu.sem_alloc : memref<!tpu.dma_semaphore, #tpu.memory_space<semaphore_mem>>
          %dma_start3A_68 = arith.constant 0 : i32
          %dma_start3A_69 = tpu.memref_slice %arg8[%mul3A_44, %dma_start3A_68] : memref<40x64xi32, #tpu.memory_space<vmem>> -> memref<1x64xi32, #tpu.memory_space<vmem>>
          %dma_start3A_70 = tpu.memref_squeeze %dma_start3A_69 : memref<1x64xi32, #tpu.memory_space<vmem>> -> memref<64xi32, #tpu.memory_space<vmem>>
          %dma_start3A_71 = arith.constant 0 : i32
          %dma_start3A_72 = arith.constant 0 : i32
          %dma_start3A_73 = tpu.memref_slice %arg11[%dma_start3A_71, %dma_start3A_72] : memref<10240x128xf32, #tpu.memory_space<vmem_shared>> -> memref<10240x128xf32, #tpu.memory_space<vmem_shared>>
          tpu.enqueue_indirect_dma source(%arg9 : memref<64x128xf32, #tpu.memory_space<vmem>>) target(%dma_start3A_73 : memref<10240x128xf32, #tpu.memory_space<vmem_shared>>) offsets(%dma_start3A_70 : memref<64xi32, #tpu.memory_space<vmem>>) semaphore(%run_scoped3A : memref<!tpu.dma_semaphore, #tpu.memory_space<semaphore_mem>>) {add = true}
          %dma_wait3A_74 = arith.constant 0 : i32
          %dma_wait3A_75 = tpu.memref_slice %arg8[%mul3A_44, %dma_wait3A_74] : memref<40x64xi32, #tpu.memory_space<vmem>> -> memref<1x64xi32, #tpu.memory_space<vmem>>
          %dma_wait3A_76 = tpu.memref_squeeze %dma_wait3A_75 : memref<1x64xi32, #tpu.memory_space<vmem>> -> memref<64xi32, #tpu.memory_space<vmem>>
          %dma_wait3A_77 = arith.constant 0 : i32
          %dma_wait3A_78 = arith.constant 0 : i32
          %dma_wait3A_79 = tpu.memref_slice %arg11[%dma_wait3A_77, %dma_wait3A_78] : memref<10240x128xf32, #tpu.memory_space<vmem_shared>> -> memref<10240x128xf32, #tpu.memory_space<vmem_shared>>
          tpu.wait_indirect_dma semaphore(%run_scoped3A : memref<!tpu.dma_semaphore, #tpu.memory_space<semaphore_mem>>) src(%arg9 : memref<64x128xf32, #tpu.memory_space<vmem>>) dst(%dma_wait3A_79 : memref<10240x128xf32, #tpu.memory_space<vmem_shared>>)
          tpu.yield
        }) : () -> ()
        %dma_wait3A_60 = arith.constant 0 : i32
        %dma_wait3A_61 = tpu.memref_slice %arg7[%add3A_48, %dma_wait3A_60] : memref<40x64xi32, #tpu.memory_space<vmem>> -> memref<1x64xi32, #tpu.memory_space<vmem>>
        %dma_wait3A_62 = tpu.memref_squeeze %dma_wait3A_61 : memref<1x64xi32, #tpu.memory_space<vmem>> -> memref<64xi32, #tpu.memory_space<vmem>>
        %dma_wait3A_63 = arith.constant 0 : i32
        %dma_wait3A_64 = arith.constant 0 : i32
        %dma_wait3A_65 = tpu.memref_slice %arg2[%dma_wait3A_63, %dma_wait3A_64] : memref<40960x128xf32, #tpu.memory_space<hbm>> -> memref<40960x128xf32, #tpu.memory_space<hbm>>
        tpu.wait_indirect_dma semaphore(%arg13 : memref<!tpu.dma_semaphore, #tpu.memory_space<semaphore_mem>>) src(%dma_wait3A_65 : memref<40960x128xf32, #tpu.memory_space<hbm>>) dst(%arg10 : memref<64x128xf32, #tpu.memory_space<vmem>>)
        %lt3A = arith.constant 19 : i32
        %lt3A_66 = arith.cmpi slt, %scan3A_42, %lt3A : i32
        %convert_element_type3A = arith.extui %lt3A_66 : i1 to i32
        %cond3A = arith.constant 0 : i32
        %cond3A_67 = arith.cmpi ne, %convert_element_type3A, %cond3A : i32
        scf.if %cond3A_67 {
          %add3A_68 = arith.constant 2 : i32
          %add3A_69 = arith.addi %mul3A_44, %add3A_68 : i32
          %dma_start3A_70 = arith.constant 0 : i32
          %dma_start3A_71 = tpu.memref_slice %arg7[%add3A_69, %dma_start3A_70] : memref<40x64xi32, #tpu.memory_space<vmem>> -> memref<1x64xi32, #tpu.memory_space<vmem>>
          %dma_start3A_72 = tpu.memref_squeeze %dma_start3A_71 : memref<1x64xi32, #tpu.memory_space<vmem>> -> memref<64xi32, #tpu.memory_space<vmem>>
          %dma_start3A_73 = arith.constant 0 : i32
          %dma_start3A_74 = arith.constant 0 : i32
          %dma_start3A_75 = tpu.memref_slice %arg2[%dma_start3A_73, %dma_start3A_74] : memref<40960x128xf32, #tpu.memory_space<hbm>> -> memref<40960x128xf32, #tpu.memory_space<hbm>>
          tpu.enqueue_indirect_dma source(%dma_start3A_75 : memref<40960x128xf32, #tpu.memory_space<hbm>>) target(%arg9 : memref<64x128xf32, #tpu.memory_space<vmem>>) offsets(%dma_start3A_72 : memref<64xi32, #tpu.memory_space<vmem>>) semaphore(%arg12 : memref<!tpu.dma_semaphore, #tpu.memory_space<semaphore_mem>>)
        } else {
        }
        "tpu.region"() ({
          %run_scoped3A = tpu.sem_alloc : memref<!tpu.dma_semaphore, #tpu.memory_space<semaphore_mem>>
          %dma_start3A_68 = arith.constant 0 : i32
          %dma_start3A_69 = tpu.memref_slice %arg8[%add3A_48, %dma_start3A_68] : memref<40x64xi32, #tpu.memory_space<vmem>> -> memref<1x64xi32, #tpu.memory_space<vmem>>
          %dma_start3A_70 = tpu.memref_squeeze %dma_start3A_69 : memref<1x64xi32, #tpu.memory_space<vmem>> -> memref<64xi32, #tpu.memory_space<vmem>>
          %dma_start3A_71 = arith.constant 0 : i32
          %dma_start3A_72 = arith.constant 0 : i32
          %dma_start3A_73 = tpu.memref_slice %arg11[%dma_start3A_71, %dma_start3A_72] : memref<10240x128xf32, #tpu.memory_space<vmem_shared>> -> memref<10240x128xf32, #tpu.memory_space<vmem_shared>>
          tpu.enqueue_indirect_dma source(%arg10 : memref<64x128xf32, #tpu.memory_space<vmem>>) target(%dma_start3A_73 : memref<10240x128xf32, #tpu.memory_space<vmem_shared>>) offsets(%dma_start3A_70 : memref<64xi32, #tpu.memory_space<vmem>>) semaphore(%run_scoped3A : memref<!tpu.dma_semaphore, #tpu.memory_space<semaphore_mem>>) {add = true}
          %dma_wait3A_74 = arith.constant 0 : i32
          %dma_wait3A_75 = tpu.memref_slice %arg8[%add3A_48, %dma_wait3A_74] : memref<40x64xi32, #tpu.memory_space<vmem>> -> memref<1x64xi32, #tpu.memory_space<vmem>>
          %dma_wait3A_76 = tpu.memref_squeeze %dma_wait3A_75 : memref<1x64xi32, #tpu.memory_space<vmem>> -> memref<64xi32, #tpu.memory_space<vmem>>
          %dma_wait3A_77 = arith.constant 0 : i32
          %dma_wait3A_78 = arith.constant 0 : i32
          %dma_wait3A_79 = tpu.memref_slice %arg11[%dma_wait3A_77, %dma_wait3A_78] : memref<10240x128xf32, #tpu.memory_space<vmem_shared>> -> memref<10240x128xf32, #tpu.memory_space<vmem_shared>>
          tpu.wait_indirect_dma semaphore(%run_scoped3A : memref<!tpu.dma_semaphore, #tpu.memory_space<semaphore_mem>>) src(%arg10 : memref<64x128xf32, #tpu.memory_space<vmem>>) dst(%dma_wait3A_79 : memref<10240x128xf32, #tpu.memory_space<vmem_shared>>)
          tpu.yield
        }) : () -> ()
      }
      %scan3A_41 = arith.constant 20 : i32
    }
    %barrier3A_21 = arith.constant 0 : index
    tpu.barrier barrier_id(%barrier3A_21)
    %mul3A_22 = arith.constant 640 : i32
    %mul3A_23 = arith.muli %arg1, %mul3A_22 : i32
    %mul3A_24 = arith.constant 640 : i32
    %mul3A_25 = arith.muli %arg1, %mul3A_24 : i32
    "tpu.region"() ({
      %run_scoped3A = tpu.sem_alloc : memref<!tpu.dma_semaphore, #tpu.memory_space<semaphore_mem>>
      %dma_start3A = arith.constant 0 : i32
      %dma_start3A_26 = tpu.memref_slice %arg6[%arg0, %mul3A_25, %dma_start3A] : memref<2x10240x128xf32, #tpu.memory_space<hbm>> -> memref<1x640x128xf32, #tpu.memory_space<hbm>>
      %dma_start3A_27 = tpu.memref_squeeze %dma_start3A_26 : memref<1x640x128xf32, #tpu.memory_space<hbm>> -> memref<640x128xf32, #tpu.memory_space<hbm>>
      %dma_start3A_28 = arith.constant 0 : i32
      %dma_start3A_29 = tpu.memref_slice %arg11[%mul3A_23, %dma_start3A_28] : memref<10240x128xf32, #tpu.memory_space<vmem_shared>> -> memref<640x128xf32, #tpu.memory_space<vmem_shared>>
      tpu.enqueue_dma source(%dma_start3A_29 : memref<640x128xf32, #tpu.memory_space<vmem_shared>>) target(%dma_start3A_27 : memref<640x128xf32, #tpu.memory_space<hbm>>) target_semaphore(%run_scoped3A : memref<!tpu.dma_semaphore, #tpu.memory_space<semaphore_mem>>)
      %dma_wait3A = arith.constant 0 : i32
      %dma_wait3A_30 = tpu.memref_slice %arg6[%arg0, %mul3A_25, %dma_wait3A] : memref<2x10240x128xf32, #tpu.memory_space<hbm>> -> memref<1x640x128xf32, #tpu.memory_space<hbm>>
      %dma_wait3A_31 = tpu.memref_squeeze %dma_wait3A_30 : memref<1x640x128xf32, #tpu.memory_space<hbm>> -> memref<640x128xf32, #tpu.memory_space<hbm>>
      %dma_wait3A_32 = arith.constant 0 : i32
      %dma_wait3A_33 = tpu.memref_slice %arg11[%mul3A_23, %dma_wait3A_32] : memref<10240x128xf32, #tpu.memory_space<vmem_shared>> -> memref<640x128xf32, #tpu.memory_space<vmem_shared>>
      tpu.wait_dma2 semaphore(%run_scoped3A : memref<!tpu.dma_semaphore, #tpu.memory_space<semaphore_mem>>) src(%dma_wait3A_33 : memref<640x128xf32, #tpu.memory_space<vmem_shared>>) dst(%dma_wait3A_31 : memref<640x128xf32, #tpu.memory_space<hbm>>)
      tpu.yield
    }) : () -> ()
    return
  }
}

#map = affine_map<(d0, d1) -> (0, 0)>
#map1 = affine_map<(d0, d1) -> (0, 0, 0)>
module attributes {stable_mosaic.version = 14 : i64} {
  func.func @_sc_body(%arg0: i32, %arg1: i32, %arg2: memref<40960x128xf32, #tpu.memory_space<hbm>>, %arg3: memref<5120x64xi32, #tpu.memory_space<hbm>>, %arg4: memref<5120x64xi32, #tpu.memory_space<hbm>>, %arg5: memref<64x128xf32, #tpu.memory_space<hbm>>, %arg6: memref<2x10240x128xf32, #tpu.memory_space<hbm>>, %arg7: memref<40x64xi32, #tpu.memory_space<vmem>>, %arg8: memref<40x64xi32, #tpu.memory_space<vmem>>, %arg9: memref<64x128xf32, #tpu.memory_space<vmem>>, %arg10: memref<64x128xf32, #tpu.memory_space<vmem>>, %arg11: memref<10240x128xf32, #tpu.memory_space<vmem_shared>>, %arg12: memref<!tpu.dma_semaphore, #tpu.memory_space<semaphore_mem>>, %arg13: memref<!tpu.dma_semaphore, #tpu.memory_space<semaphore_mem>>) attributes {dimension_semantics = [#tpu.dimension_semantics<core_parallel>, #tpu.dimension_semantics<subcore_parallel>], iteration_bounds = array<i64: 2, 16>, scalar_prefetch = 0 : i64, scratch_operands = 7 : i64, tpu.core_type = #tpu.core_type<sc_vector_subcore>, window_params = [{transform_indices = #map}, {transform_indices = #map}, {transform_indices = #map}, {transform_indices = #map}, {transform_indices = #map1}]} {
    "tpu.region"() ({
      %run_scoped3A = tpu.sem_alloc : memref<!tpu.dma_semaphore, #tpu.memory_space<semaphore_mem>>
      tpu.enqueue_dma source(%arg5 : memref<64x128xf32, #tpu.memory_space<hbm>>) target(%arg9 : memref<64x128xf32, #tpu.memory_space<vmem>>) target_semaphore(%run_scoped3A : memref<!tpu.dma_semaphore, #tpu.memory_space<semaphore_mem>>)
      tpu.wait_dma2 semaphore(%run_scoped3A : memref<!tpu.dma_semaphore, #tpu.memory_space<semaphore_mem>>) src(%arg5 : memref<64x128xf32, #tpu.memory_space<hbm>>) dst(%arg9 : memref<64x128xf32, #tpu.memory_space<vmem>>)
      tpu.yield
    }) : () -> ()
    %scan3A = arith.constant 0 : i32
    %scan3A_0 = arith.constant 0 : i32
    %scan3A_1 = arith.constant 10 : i32
    %scan3A_2 = arith.addi %scan3A_0, %scan3A_1 : i32
    %scan3A_3 = arith.constant 1 : i32
    scf.for %scan3A_26 = %scan3A_0 to %scan3A_2 step %scan3A_3  : i32 {
      %mul3A_27 = arith.constant 640 : i32
      %mul3A_28 = arith.muli %arg1, %mul3A_27 : i32
      %mul3A_29 = arith.constant 64 : i32
      %mul3A_30 = arith.muli %scan3A_26, %mul3A_29 : i32
      %add3A_31 = arith.addi %mul3A_28, %mul3A_30 : i32
      "tpu.region"() ({
        %run_scoped3A = tpu.sem_alloc : memref<!tpu.dma_semaphore, #tpu.memory_space<semaphore_mem>>
        %dma_start3A = arith.constant 0 : i32
        %dma_start3A_32 = tpu.memref_slice %arg11[%add3A_31, %dma_start3A] : memref<10240x128xf32, #tpu.memory_space<vmem_shared>> -> memref<64x128xf32, #tpu.memory_space<vmem_shared>>
        %dma_start3A_33 = arith.constant 0 : i32
        %dma_start3A_34 = tpu.memref_slice %arg11[%add3A_31, %dma_start3A_33] : memref<10240x128xf32, #tpu.memory_space<vmem_shared>> -> memref<64x128xf32, #tpu.memory_space<vmem_shared>>
        tpu.enqueue_dma source(%arg9 : memref<64x128xf32, #tpu.memory_space<vmem>>) target(%dma_start3A_34 : memref<64x128xf32, #tpu.memory_space<vmem_shared>>) target_semaphore(%run_scoped3A : memref<!tpu.dma_semaphore, #tpu.memory_space<semaphore_mem>>)
        %dma_wait3A = arith.constant 0 : i32
        %dma_wait3A_35 = tpu.memref_slice %arg11[%add3A_31, %dma_wait3A] : memref<10240x128xf32, #tpu.memory_space<vmem_shared>> -> memref<64x128xf32, #tpu.memory_space<vmem_shared>>
        %dma_wait3A_36 = arith.constant 0 : i32
        %dma_wait3A_37 = tpu.memref_slice %arg11[%add3A_31, %dma_wait3A_36] : memref<10240x128xf32, #tpu.memory_space<vmem_shared>> -> memref<64x128xf32, #tpu.memory_space<vmem_shared>>
        tpu.wait_dma2 semaphore(%run_scoped3A : memref<!tpu.dma_semaphore, #tpu.memory_space<semaphore_mem>>) src(%arg9 : memref<64x128xf32, #tpu.memory_space<vmem>>) dst(%dma_wait3A_37 : memref<64x128xf32, #tpu.memory_space<vmem_shared>>)
        tpu.yield
      }) : () -> ()
    }
    %scan3A_4 = arith.constant 10 : i32
    %barrier3A = arith.constant 0 : index
    tpu.barrier barrier_id(%barrier3A)
    %eq3A = arith.constant 0 : i32
    %eq3A_5 = arith.cmpi eq, %arg0, %eq3A : i32
    %jit3A = arith.constant 7 : i32
    %jit3A_6 = arith.constant 1 : i32
    %select_n3A = arith.select %eq3A_5, %jit3A, %jit3A_6 : i32
    %mul3A = arith.constant 280 : i32
    %mul3A_7 = arith.muli %arg1, %mul3A : i32
    %mul3A_8 = arith.constant 40 : i32
    %mul3A_9 = arith.muli %arg1, %mul3A_8 : i32
    %add3A = arith.constant 4480 : i32
    %add3A_10 = arith.addi %add3A, %mul3A_9 : i32
    %select_n3A_11 = arith.select %eq3A_5, %mul3A_7, %add3A_10 : i32
    %while3A = arith.constant 0 : i32
    %while3A_12 = arith.constant 0 : i32
    %while3A_13 = arith.subi %select_n3A, %while3A_12 : i32
    %while3A_14 = arith.addi %while3A_12, %while3A_13 : i32
    %while3A_15 = arith.constant 1 : i32
    %while3A_16 = arith.divsi %while3A_13, %while3A_15 : i32
    %while3A_17 = arith.muli %while3A_16, %while3A_15 : i32
    %while3A_18 = arith.addi %while3A_12, %while3A_17 : i32
    %while3A_19 = arith.constant 1 : i32
    scf.for %while3A_26 = %while3A_12 to %while3A_18 step %while3A_19  : i32 {
      %mul3A_27 = arith.constant 40 : i32
      %mul3A_28 = arith.muli %while3A_26, %mul3A_27 : i32
      %add3A_29 = arith.addi %select_n3A_11, %mul3A_28 : i32
      "tpu.region"() ({
        %run_scoped3A = tpu.sem_alloc : memref<!tpu.dma_semaphore, #tpu.memory_space<semaphore_mem>>
        %dma_start3A_42 = arith.constant 0 : i32
        %dma_start3A_43 = tpu.memref_slice %arg3[%add3A_29, %dma_start3A_42] : memref<5120x64xi32, #tpu.memory_space<hbm>> -> memref<40x64xi32, #tpu.memory_space<hbm>>
        %dma_start3A_44 = arith.constant 0 : i32
        %dma_start3A_45 = tpu.memref_slice %arg3[%add3A_29, %dma_start3A_44] : memref<5120x64xi32, #tpu.memory_space<hbm>> -> memref<40x64xi32, #tpu.memory_space<hbm>>
        tpu.enqueue_dma source(%dma_start3A_45 : memref<40x64xi32, #tpu.memory_space<hbm>>) target(%arg7 : memref<40x64xi32, #tpu.memory_space<vmem>>) target_semaphore(%run_scoped3A : memref<!tpu.dma_semaphore, #tpu.memory_space<semaphore_mem>>)
        %dma_wait3A = arith.constant 0 : i32
        %dma_wait3A_46 = tpu.memref_slice %arg3[%add3A_29, %dma_wait3A] : memref<5120x64xi32, #tpu.memory_space<hbm>> -> memref<40x64xi32, #tpu.memory_space<hbm>>
        %dma_wait3A_47 = arith.constant 0 : i32
        %dma_wait3A_48 = tpu.memref_slice %arg3[%add3A_29, %dma_wait3A_47] : memref<5120x64xi32, #tpu.memory_space<hbm>> -> memref<40x64xi32, #tpu.memory_space<hbm>>
        tpu.wait_dma2 semaphore(%run_scoped3A : memref<!tpu.dma_semaphore, #tpu.memory_space<semaphore_mem>>) src(%dma_wait3A_48 : memref<40x64xi32, #tpu.memory_space<hbm>>) dst(%arg7 : memref<40x64xi32, #tpu.memory_space<vmem>>)
        tpu.yield
      }) : () -> ()
      "tpu.region"() ({
        %run_scoped3A = tpu.sem_alloc : memref<!tpu.dma_semaphore, #tpu.memory_space<semaphore_mem>>
        %dma_start3A_42 = arith.constant 0 : i32
        %dma_start3A_43 = tpu.memref_slice %arg4[%add3A_29, %dma_start3A_42] : memref<5120x64xi32, #tpu.memory_space<hbm>> -> memref<40x64xi32, #tpu.memory_space<hbm>>
        %dma_start3A_44 = arith.constant 0 : i32
        %dma_start3A_45 = tpu.memref_slice %arg4[%add3A_29, %dma_start3A_44] : memref<5120x64xi32, #tpu.memory_space<hbm>> -> memref<40x64xi32, #tpu.memory_space<hbm>>
        tpu.enqueue_dma source(%dma_start3A_45 : memref<40x64xi32, #tpu.memory_space<hbm>>) target(%arg8 : memref<40x64xi32, #tpu.memory_space<vmem>>) target_semaphore(%run_scoped3A : memref<!tpu.dma_semaphore, #tpu.memory_space<semaphore_mem>>)
        %dma_wait3A = arith.constant 0 : i32
        %dma_wait3A_46 = tpu.memref_slice %arg4[%add3A_29, %dma_wait3A] : memref<5120x64xi32, #tpu.memory_space<hbm>> -> memref<40x64xi32, #tpu.memory_space<hbm>>
        %dma_wait3A_47 = arith.constant 0 : i32
        %dma_wait3A_48 = tpu.memref_slice %arg4[%add3A_29, %dma_wait3A_47] : memref<5120x64xi32, #tpu.memory_space<hbm>> -> memref<40x64xi32, #tpu.memory_space<hbm>>
        tpu.wait_dma2 semaphore(%run_scoped3A : memref<!tpu.dma_semaphore, #tpu.memory_space<semaphore_mem>>) src(%dma_wait3A_48 : memref<40x64xi32, #tpu.memory_space<hbm>>) dst(%arg8 : memref<40x64xi32, #tpu.memory_space<vmem>>)
        tpu.yield
      }) : () -> ()
      %dma_start3A = arith.constant 0 : i32
      %dma_start3A_30 = arith.constant 0 : i32
      %dma_start3A_31 = tpu.memref_slice %arg7[%dma_start3A, %dma_start3A_30] : memref<40x64xi32, #tpu.memory_space<vmem>> -> memref<1x64xi32, #tpu.memory_space<vmem>>
      %dma_start3A_32 = tpu.memref_squeeze %dma_start3A_31 : memref<1x64xi32, #tpu.memory_space<vmem>> -> memref<64xi32, #tpu.memory_space<vmem>>
      %dma_start3A_33 = arith.constant 0 : i32
      %dma_start3A_34 = arith.constant 0 : i32
      %dma_start3A_35 = tpu.memref_slice %arg2[%dma_start3A_33, %dma_start3A_34] : memref<40960x128xf32, #tpu.memory_space<hbm>> -> memref<40960x128xf32, #tpu.memory_space<hbm>>
      tpu.enqueue_indirect_dma source(%dma_start3A_35 : memref<40960x128xf32, #tpu.memory_space<hbm>>) target(%arg9 : memref<64x128xf32, #tpu.memory_space<vmem>>) offsets(%dma_start3A_32 : memref<64xi32, #tpu.memory_space<vmem>>) semaphore(%arg12 : memref<!tpu.dma_semaphore, #tpu.memory_space<semaphore_mem>>)
      %scan3A_36 = arith.constant 0 : i32
      %scan3A_37 = arith.constant 0 : i32
      %scan3A_38 = arith.constant 20 : i32
      %scan3A_39 = arith.addi %scan3A_37, %scan3A_38 : i32
      %scan3A_40 = arith.constant 1 : i32
      scf.for %scan3A_42 = %scan3A_37 to %scan3A_39 step %scan3A_40  : i32 {
        %mul3A_43 = arith.constant 2 : i32
        %mul3A_44 = arith.muli %mul3A_43, %scan3A_42 : i32
        %mul3A_45 = arith.constant 2 : i32
        %mul3A_46 = arith.muli %mul3A_45, %scan3A_42 : i32
        %add3A_47 = arith.constant 1 : i32
        %add3A_48 = arith.addi %mul3A_46, %add3A_47 : i32
        %dma_wait3A = arith.constant 0 : i32
        %dma_wait3A_49 = tpu.memref_slice %arg7[%mul3A_44, %dma_wait3A] : memref<40x64xi32, #tpu.memory_space<vmem>> -> memref<1x64xi32, #tpu.memory_space<vmem>>
        %dma_wait3A_50 = tpu.memref_squeeze %dma_wait3A_49 : memref<1x64xi32, #tpu.memory_space<vmem>> -> memref<64xi32, #tpu.memory_space<vmem>>
        %dma_wait3A_51 = arith.constant 0 : i32
        %dma_wait3A_52 = arith.constant 0 : i32
        %dma_wait3A_53 = tpu.memref_slice %arg2[%dma_wait3A_51, %dma_wait3A_52] : memref<40960x128xf32, #tpu.memory_space<hbm>> -> memref<40960x128xf32, #tpu.memory_space<hbm>>
        tpu.wait_indirect_dma semaphore(%arg12 : memref<!tpu.dma_semaphore, #tpu.memory_space<semaphore_mem>>) src(%dma_wait3A_53 : memref<40960x128xf32, #tpu.memory_space<hbm>>) dst(%arg9 : memref<64x128xf32, #tpu.memory_space<vmem>>)
        %dma_start3A_54 = arith.constant 0 : i32
        %dma_start3A_55 = tpu.memref_slice %arg7[%add3A_48, %dma_start3A_54] : memref<40x64xi32, #tpu.memory_space<vmem>> -> memref<1x64xi32, #tpu.memory_space<vmem>>
        %dma_start3A_56 = tpu.memref_squeeze %dma_start3A_55 : memref<1x64xi32, #tpu.memory_space<vmem>> -> memref<64xi32, #tpu.memory_space<vmem>>
        %dma_start3A_57 = arith.constant 0 : i32
        %dma_start3A_58 = arith.constant 0 : i32
        %dma_start3A_59 = tpu.memref_slice %arg2[%dma_start3A_57, %dma_start3A_58] : memref<40960x128xf32, #tpu.memory_space<hbm>> -> memref<40960x128xf32, #tpu.memory_space<hbm>>
        tpu.enqueue_indirect_dma source(%dma_start3A_59 : memref<40960x128xf32, #tpu.memory_space<hbm>>) target(%arg10 : memref<64x128xf32, #tpu.memory_space<vmem>>) offsets(%dma_start3A_56 : memref<64xi32, #tpu.memory_space<vmem>>) semaphore(%arg13 : memref<!tpu.dma_semaphore, #tpu.memory_space<semaphore_mem>>)
        "tpu.region"() ({
          %run_scoped3A = tpu.sem_alloc : memref<!tpu.dma_semaphore, #tpu.memory_space<semaphore_mem>>
          %dma_start3A_68 = arith.constant 0 : i32
          %dma_start3A_69 = tpu.memref_slice %arg8[%mul3A_44, %dma_start3A_68] : memref<40x64xi32, #tpu.memory_space<vmem>> -> memref<1x64xi32, #tpu.memory_space<vmem>>
          %dma_start3A_70 = tpu.memref_squeeze %dma_start3A_69 : memref<1x64xi32, #tpu.memory_space<vmem>> -> memref<64xi32, #tpu.memory_space<vmem>>
          %dma_start3A_71 = arith.constant 0 : i32
          %dma_start3A_72 = arith.constant 0 : i32
          %dma_start3A_73 = tpu.memref_slice %arg11[%dma_start3A_71, %dma_start3A_72] : memref<10240x128xf32, #tpu.memory_space<vmem_shared>> -> memref<10240x128xf32, #tpu.memory_space<vmem_shared>>
          tpu.enqueue_indirect_dma source(%arg9 : memref<64x128xf32, #tpu.memory_space<vmem>>) target(%dma_start3A_73 : memref<10240x128xf32, #tpu.memory_space<vmem_shared>>) offsets(%dma_start3A_70 : memref<64xi32, #tpu.memory_space<vmem>>) semaphore(%run_scoped3A : memref<!tpu.dma_semaphore, #tpu.memory_space<semaphore_mem>>) {add = true}
          %dma_wait3A_74 = arith.constant 0 : i32
          %dma_wait3A_75 = tpu.memref_slice %arg8[%mul3A_44, %dma_wait3A_74] : memref<40x64xi32, #tpu.memory_space<vmem>> -> memref<1x64xi32, #tpu.memory_space<vmem>>
          %dma_wait3A_76 = tpu.memref_squeeze %dma_wait3A_75 : memref<1x64xi32, #tpu.memory_space<vmem>> -> memref<64xi32, #tpu.memory_space<vmem>>
          %dma_wait3A_77 = arith.constant 0 : i32
          %dma_wait3A_78 = arith.constant 0 : i32
          %dma_wait3A_79 = tpu.memref_slice %arg11[%dma_wait3A_77, %dma_wait3A_78] : memref<10240x128xf32, #tpu.memory_space<vmem_shared>> -> memref<10240x128xf32, #tpu.memory_space<vmem_shared>>
          tpu.wait_indirect_dma semaphore(%run_scoped3A : memref<!tpu.dma_semaphore, #tpu.memory_space<semaphore_mem>>) src(%arg9 : memref<64x128xf32, #tpu.memory_space<vmem>>) dst(%dma_wait3A_79 : memref<10240x128xf32, #tpu.memory_space<vmem_shared>>)
          tpu.yield
        }) : () -> ()
        %dma_wait3A_60 = arith.constant 0 : i32
        %dma_wait3A_61 = tpu.memref_slice %arg7[%add3A_48, %dma_wait3A_60] : memref<40x64xi32, #tpu.memory_space<vmem>> -> memref<1x64xi32, #tpu.memory_space<vmem>>
        %dma_wait3A_62 = tpu.memref_squeeze %dma_wait3A_61 : memref<1x64xi32, #tpu.memory_space<vmem>> -> memref<64xi32, #tpu.memory_space<vmem>>
        %dma_wait3A_63 = arith.constant 0 : i32
        %dma_wait3A_64 = arith.constant 0 : i32
        %dma_wait3A_65 = tpu.memref_slice %arg2[%dma_wait3A_63, %dma_wait3A_64] : memref<40960x128xf32, #tpu.memory_space<hbm>> -> memref<40960x128xf32, #tpu.memory_space<hbm>>
        tpu.wait_indirect_dma semaphore(%arg13 : memref<!tpu.dma_semaphore, #tpu.memory_space<semaphore_mem>>) src(%dma_wait3A_65 : memref<40960x128xf32, #tpu.memory_space<hbm>>) dst(%arg10 : memref<64x128xf32, #tpu.memory_space<vmem>>)
        %lt3A = arith.constant 19 : i32
        %lt3A_66 = arith.cmpi slt, %scan3A_42, %lt3A : i32
        %convert_element_type3A = arith.extui %lt3A_66 : i1 to i32
        %cond3A = arith.constant 0 : i32
        %cond3A_67 = arith.cmpi ne, %convert_element_type3A, %cond3A : i32
        scf.if %cond3A_67 {
          %add3A_68 = arith.constant 2 : i32
          %add3A_69 = arith.addi %mul3A_44, %add3A_68 : i32
          %dma_start3A_70 = arith.constant 0 : i32
          %dma_start3A_71 = tpu.memref_slice %arg7[%add3A_69, %dma_start3A_70] : memref<40x64xi32, #tpu.memory_space<vmem>> -> memref<1x64xi32, #tpu.memory_space<vmem>>
          %dma_start3A_72 = tpu.memref_squeeze %dma_start3A_71 : memref<1x64xi32, #tpu.memory_space<vmem>> -> memref<64xi32, #tpu.memory_space<vmem>>
          %dma_start3A_73 = arith.constant 0 : i32
          %dma_start3A_74 = arith.constant 0 : i32
          %dma_start3A_75 = tpu.memref_slice %arg2[%dma_start3A_73, %dma_start3A_74] : memref<40960x128xf32, #tpu.memory_space<hbm>> -> memref<40960x128xf32, #tpu.memory_space<hbm>>
          tpu.enqueue_indirect_dma source(%dma_start3A_75 : memref<40960x128xf32, #tpu.memory_space<hbm>>) target(%arg9 : memref<64x128xf32, #tpu.memory_space<vmem>>) offsets(%dma_start3A_72 : memref<64xi32, #tpu.memory_space<vmem>>) semaphore(%arg12 : memref<!tpu.dma_semaphore, #tpu.memory_space<semaphore_mem>>)
        } else {
        }
        "tpu.region"() ({
          %run_scoped3A = tpu.sem_alloc : memref<!tpu.dma_semaphore, #tpu.memory_space<semaphore_mem>>
          %dma_start3A_68 = arith.constant 0 : i32
          %dma_start3A_69 = tpu.memref_slice %arg8[%add3A_48, %dma_start3A_68] : memref<40x64xi32, #tpu.memory_space<vmem>> -> memref<1x64xi32, #tpu.memory_space<vmem>>
          %dma_start3A_70 = tpu.memref_squeeze %dma_start3A_69 : memref<1x64xi32, #tpu.memory_space<vmem>> -> memref<64xi32, #tpu.memory_space<vmem>>
          %dma_start3A_71 = arith.constant 0 : i32
          %dma_start3A_72 = arith.constant 0 : i32
          %dma_start3A_73 = tpu.memref_slice %arg11[%dma_start3A_71, %dma_start3A_72] : memref<10240x128xf32, #tpu.memory_space<vmem_shared>> -> memref<10240x128xf32, #tpu.memory_space<vmem_shared>>
          tpu.enqueue_indirect_dma source(%arg10 : memref<64x128xf32, #tpu.memory_space<vmem>>) target(%dma_start3A_73 : memref<10240x128xf32, #tpu.memory_space<vmem_shared>>) offsets(%dma_start3A_70 : memref<64xi32, #tpu.memory_space<vmem>>) semaphore(%run_scoped3A : memref<!tpu.dma_semaphore, #tpu.memory_space<semaphore_mem>>) {add = true}
          %dma_wait3A_74 = arith.constant 0 : i32
          %dma_wait3A_75 = tpu.memref_slice %arg8[%add3A_48, %dma_wait3A_74] : memref<40x64xi32, #tpu.memory_space<vmem>> -> memref<1x64xi32, #tpu.memory_space<vmem>>
          %dma_wait3A_76 = tpu.memref_squeeze %dma_wait3A_75 : memref<1x64xi32, #tpu.memory_space<vmem>> -> memref<64xi32, #tpu.memory_space<vmem>>
          %dma_wait3A_77 = arith.constant 0 : i32
          %dma_wait3A_78 = arith.constant 0 : i32
          %dma_wait3A_79 = tpu.memref_slice %arg11[%dma_wait3A_77, %dma_wait3A_78] : memref<10240x128xf32, #tpu.memory_space<vmem_shared>> -> memref<10240x128xf32, #tpu.memory_space<vmem_shared>>
          tpu.wait_indirect_dma semaphore(%run_scoped3A : memref<!tpu.dma_semaphore, #tpu.memory_space<semaphore_mem>>) src(%arg10 : memref<64x128xf32, #tpu.memory_space<vmem>>) dst(%dma_wait3A_79 : memref<10240x128xf32, #tpu.memory_space<vmem_shared>>)
          tpu.yield
        }) : () -> ()
      }
      %scan3A_41 = arith.constant 20 : i32
    }
    %while3A_20 = arith.constant 1 : i32
    scf.for %while3A_26 = %while3A_18 to %while3A_14 step %while3A_20  : i32 {
      %mul3A_27 = arith.constant 40 : i32
      %mul3A_28 = arith.muli %while3A_26, %mul3A_27 : i32
      %add3A_29 = arith.addi %select_n3A_11, %mul3A_28 : i32
      "tpu.region"() ({
        %run_scoped3A = tpu.sem_alloc : memref<!tpu.dma_semaphore, #tpu.memory_space<semaphore_mem>>
        %dma_start3A_42 = arith.constant 0 : i32
        %dma_start3A_43 = tpu.memref_slice %arg3[%add3A_29, %dma_start3A_42] : memref<5120x64xi32, #tpu.memory_space<hbm>> -> memref<40x64xi32, #tpu.memory_space<hbm>>
        %dma_start3A_44 = arith.constant 0 : i32
        %dma_start3A_45 = tpu.memref_slice %arg3[%add3A_29, %dma_start3A_44] : memref<5120x64xi32, #tpu.memory_space<hbm>> -> memref<40x64xi32, #tpu.memory_space<hbm>>
        tpu.enqueue_dma source(%dma_start3A_45 : memref<40x64xi32, #tpu.memory_space<hbm>>) target(%arg7 : memref<40x64xi32, #tpu.memory_space<vmem>>) target_semaphore(%run_scoped3A : memref<!tpu.dma_semaphore, #tpu.memory_space<semaphore_mem>>)
        %dma_wait3A = arith.constant 0 : i32
        %dma_wait3A_46 = tpu.memref_slice %arg3[%add3A_29, %dma_wait3A] : memref<5120x64xi32, #tpu.memory_space<hbm>> -> memref<40x64xi32, #tpu.memory_space<hbm>>
        %dma_wait3A_47 = arith.constant 0 : i32
        %dma_wait3A_48 = tpu.memref_slice %arg3[%add3A_29, %dma_wait3A_47] : memref<5120x64xi32, #tpu.memory_space<hbm>> -> memref<40x64xi32, #tpu.memory_space<hbm>>
        tpu.wait_dma2 semaphore(%run_scoped3A : memref<!tpu.dma_semaphore, #tpu.memory_space<semaphore_mem>>) src(%dma_wait3A_48 : memref<40x64xi32, #tpu.memory_space<hbm>>) dst(%arg7 : memref<40x64xi32, #tpu.memory_space<vmem>>)
        tpu.yield
      }) : () -> ()
      "tpu.region"() ({
        %run_scoped3A = tpu.sem_alloc : memref<!tpu.dma_semaphore, #tpu.memory_space<semaphore_mem>>
        %dma_start3A_42 = arith.constant 0 : i32
        %dma_start3A_43 = tpu.memref_slice %arg4[%add3A_29, %dma_start3A_42] : memref<5120x64xi32, #tpu.memory_space<hbm>> -> memref<40x64xi32, #tpu.memory_space<hbm>>
        %dma_start3A_44 = arith.constant 0 : i32
        %dma_start3A_45 = tpu.memref_slice %arg4[%add3A_29, %dma_start3A_44] : memref<5120x64xi32, #tpu.memory_space<hbm>> -> memref<40x64xi32, #tpu.memory_space<hbm>>
        tpu.enqueue_dma source(%dma_start3A_45 : memref<40x64xi32, #tpu.memory_space<hbm>>) target(%arg8 : memref<40x64xi32, #tpu.memory_space<vmem>>) target_semaphore(%run_scoped3A : memref<!tpu.dma_semaphore, #tpu.memory_space<semaphore_mem>>)
        %dma_wait3A = arith.constant 0 : i32
        %dma_wait3A_46 = tpu.memref_slice %arg4[%add3A_29, %dma_wait3A] : memref<5120x64xi32, #tpu.memory_space<hbm>> -> memref<40x64xi32, #tpu.memory_space<hbm>>
        %dma_wait3A_47 = arith.constant 0 : i32
        %dma_wait3A_48 = tpu.memref_slice %arg4[%add3A_29, %dma_wait3A_47] : memref<5120x64xi32, #tpu.memory_space<hbm>> -> memref<40x64xi32, #tpu.memory_space<hbm>>
        tpu.wait_dma2 semaphore(%run_scoped3A : memref<!tpu.dma_semaphore, #tpu.memory_space<semaphore_mem>>) src(%dma_wait3A_48 : memref<40x64xi32, #tpu.memory_space<hbm>>) dst(%arg8 : memref<40x64xi32, #tpu.memory_space<vmem>>)
        tpu.yield
      }) : () -> ()
      %dma_start3A = arith.constant 0 : i32
      %dma_start3A_30 = arith.constant 0 : i32
      %dma_start3A_31 = tpu.memref_slice %arg7[%dma_start3A, %dma_start3A_30] : memref<40x64xi32, #tpu.memory_space<vmem>> -> memref<1x64xi32, #tpu.memory_space<vmem>>
      %dma_start3A_32 = tpu.memref_squeeze %dma_start3A_31 : memref<1x64xi32, #tpu.memory_space<vmem>> -> memref<64xi32, #tpu.memory_space<vmem>>
      %dma_start3A_33 = arith.constant 0 : i32
      %dma_start3A_34 = arith.constant 0 : i32
      %dma_start3A_35 = tpu.memref_slice %arg2[%dma_start3A_33, %dma_start3A_34] : memref<40960x128xf32, #tpu.memory_space<hbm>> -> memref<40960x128xf32, #tpu.memory_space<hbm>>
      tpu.enqueue_indirect_dma source(%dma_start3A_35 : memref<40960x128xf32, #tpu.memory_space<hbm>>) target(%arg9 : memref<64x128xf32, #tpu.memory_space<vmem>>) offsets(%dma_start3A_32 : memref<64xi32, #tpu.memory_space<vmem>>) semaphore(%arg12 : memref<!tpu.dma_semaphore, #tpu.memory_space<semaphore_mem>>)
      %scan3A_36 = arith.constant 0 : i32
      %scan3A_37 = arith.constant 0 : i32
      %scan3A_38 = arith.constant 20 : i32
      %scan3A_39 = arith.addi %scan3A_37, %scan3A_38 : i32
      %scan3A_40 = arith.constant 1 : i32
      scf.for %scan3A_42 = %scan3A_37 to %scan3A_39 step %scan3A_40  : i32 {
        %mul3A_43 = arith.constant 2 : i32
        %mul3A_44 = arith.muli %mul3A_43, %scan3A_42 : i32
        %mul3A_45 = arith.constant 2 : i32
        %mul3A_46 = arith.muli %mul3A_45, %scan3A_42 : i32
        %add3A_47 = arith.constant 1 : i32
        %add3A_48 = arith.addi %mul3A_46, %add3A_47 : i32
        %dma_wait3A = arith.constant 0 : i32
        %dma_wait3A_49 = tpu.memref_slice %arg7[%mul3A_44, %dma_wait3A] : memref<40x64xi32, #tpu.memory_space<vmem>> -> memref<1x64xi32, #tpu.memory_space<vmem>>
        %dma_wait3A_50 = tpu.memref_squeeze %dma_wait3A_49 : memref<1x64xi32, #tpu.memory_space<vmem>> -> memref<64xi32, #tpu.memory_space<vmem>>
        %dma_wait3A_51 = arith.constant 0 : i32
        %dma_wait3A_52 = arith.constant 0 : i32
        %dma_wait3A_53 = tpu.memref_slice %arg2[%dma_wait3A_51, %dma_wait3A_52] : memref<40960x128xf32, #tpu.memory_space<hbm>> -> memref<40960x128xf32, #tpu.memory_space<hbm>>
        tpu.wait_indirect_dma semaphore(%arg12 : memref<!tpu.dma_semaphore, #tpu.memory_space<semaphore_mem>>) src(%dma_wait3A_53 : memref<40960x128xf32, #tpu.memory_space<hbm>>) dst(%arg9 : memref<64x128xf32, #tpu.memory_space<vmem>>)
        %dma_start3A_54 = arith.constant 0 : i32
        %dma_start3A_55 = tpu.memref_slice %arg7[%add3A_48, %dma_start3A_54] : memref<40x64xi32, #tpu.memory_space<vmem>> -> memref<1x64xi32, #tpu.memory_space<vmem>>
        %dma_start3A_56 = tpu.memref_squeeze %dma_start3A_55 : memref<1x64xi32, #tpu.memory_space<vmem>> -> memref<64xi32, #tpu.memory_space<vmem>>
        %dma_start3A_57 = arith.constant 0 : i32
        %dma_start3A_58 = arith.constant 0 : i32
        %dma_start3A_59 = tpu.memref_slice %arg2[%dma_start3A_57, %dma_start3A_58] : memref<40960x128xf32, #tpu.memory_space<hbm>> -> memref<40960x128xf32, #tpu.memory_space<hbm>>
        tpu.enqueue_indirect_dma source(%dma_start3A_59 : memref<40960x128xf32, #tpu.memory_space<hbm>>) target(%arg10 : memref<64x128xf32, #tpu.memory_space<vmem>>) offsets(%dma_start3A_56 : memref<64xi32, #tpu.memory_space<vmem>>) semaphore(%arg13 : memref<!tpu.dma_semaphore, #tpu.memory_space<semaphore_mem>>)
        "tpu.region"() ({
          %run_scoped3A = tpu.sem_alloc : memref<!tpu.dma_semaphore, #tpu.memory_space<semaphore_mem>>
          %dma_start3A_68 = arith.constant 0 : i32
          %dma_start3A_69 = tpu.memref_slice %arg8[%mul3A_44, %dma_start3A_68] : memref<40x64xi32, #tpu.memory_space<vmem>> -> memref<1x64xi32, #tpu.memory_space<vmem>>
          %dma_start3A_70 = tpu.memref_squeeze %dma_start3A_69 : memref<1x64xi32, #tpu.memory_space<vmem>> -> memref<64xi32, #tpu.memory_space<vmem>>
          %dma_start3A_71 = arith.constant 0 : i32
          %dma_start3A_72 = arith.constant 0 : i32
          %dma_start3A_73 = tpu.memref_slice %arg11[%dma_start3A_71, %dma_start3A_72] : memref<10240x128xf32, #tpu.memory_space<vmem_shared>> -> memref<10240x128xf32, #tpu.memory_space<vmem_shared>>
          tpu.enqueue_indirect_dma source(%arg9 : memref<64x128xf32, #tpu.memory_space<vmem>>) target(%dma_start3A_73 : memref<10240x128xf32, #tpu.memory_space<vmem_shared>>) offsets(%dma_start3A_70 : memref<64xi32, #tpu.memory_space<vmem>>) semaphore(%run_scoped3A : memref<!tpu.dma_semaphore, #tpu.memory_space<semaphore_mem>>) {add = true}
          %dma_wait3A_74 = arith.constant 0 : i32
          %dma_wait3A_75 = tpu.memref_slice %arg8[%mul3A_44, %dma_wait3A_74] : memref<40x64xi32, #tpu.memory_space<vmem>> -> memref<1x64xi32, #tpu.memory_space<vmem>>
          %dma_wait3A_76 = tpu.memref_squeeze %dma_wait3A_75 : memref<1x64xi32, #tpu.memory_space<vmem>> -> memref<64xi32, #tpu.memory_space<vmem>>
          %dma_wait3A_77 = arith.constant 0 : i32
          %dma_wait3A_78 = arith.constant 0 : i32
          %dma_wait3A_79 = tpu.memref_slice %arg11[%dma_wait3A_77, %dma_wait3A_78] : memref<10240x128xf32, #tpu.memory_space<vmem_shared>> -> memref<10240x128xf32, #tpu.memory_space<vmem_shared>>
          tpu.wait_indirect_dma semaphore(%run_scoped3A : memref<!tpu.dma_semaphore, #tpu.memory_space<semaphore_mem>>) src(%arg9 : memref<64x128xf32, #tpu.memory_space<vmem>>) dst(%dma_wait3A_79 : memref<10240x128xf32, #tpu.memory_space<vmem_shared>>)
          tpu.yield
        }) : () -> ()
        %dma_wait3A_60 = arith.constant 0 : i32
        %dma_wait3A_61 = tpu.memref_slice %arg7[%add3A_48, %dma_wait3A_60] : memref<40x64xi32, #tpu.memory_space<vmem>> -> memref<1x64xi32, #tpu.memory_space<vmem>>
        %dma_wait3A_62 = tpu.memref_squeeze %dma_wait3A_61 : memref<1x64xi32, #tpu.memory_space<vmem>> -> memref<64xi32, #tpu.memory_space<vmem>>
        %dma_wait3A_63 = arith.constant 0 : i32
        %dma_wait3A_64 = arith.constant 0 : i32
        %dma_wait3A_65 = tpu.memref_slice %arg2[%dma_wait3A_63, %dma_wait3A_64] : memref<40960x128xf32, #tpu.memory_space<hbm>> -> memref<40960x128xf32, #tpu.memory_space<hbm>>
        tpu.wait_indirect_dma semaphore(%arg13 : memref<!tpu.dma_semaphore, #tpu.memory_space<semaphore_mem>>) src(%dma_wait3A_65 : memref<40960x128xf32, #tpu.memory_space<hbm>>) dst(%arg10 : memref<64x128xf32, #tpu.memory_space<vmem>>)
        %lt3A = arith.constant 19 : i32
        %lt3A_66 = arith.cmpi slt, %scan3A_42, %lt3A : i32
        %convert_element_type3A = arith.extui %lt3A_66 : i1 to i32
        %cond3A = arith.constant 0 : i32
        %cond3A_67 = arith.cmpi ne, %convert_element_type3A, %cond3A : i32
        scf.if %cond3A_67 {
          %add3A_68 = arith.constant 2 : i32
          %add3A_69 = arith.addi %mul3A_44, %add3A_68 : i32
          %dma_start3A_70 = arith.constant 0 : i32
          %dma_start3A_71 = tpu.memref_slice %arg7[%add3A_69, %dma_start3A_70] : memref<40x64xi32, #tpu.memory_space<vmem>> -> memref<1x64xi32, #tpu.memory_space<vmem>>
          %dma_start3A_72 = tpu.memref_squeeze %dma_start3A_71 : memref<1x64xi32, #tpu.memory_space<vmem>> -> memref<64xi32, #tpu.memory_space<vmem>>
          %dma_start3A_73 = arith.constant 0 : i32
          %dma_start3A_74 = arith.constant 0 : i32
          %dma_start3A_75 = tpu.memref_slice %arg2[%dma_start3A_73, %dma_start3A_74] : memref<40960x128xf32, #tpu.memory_space<hbm>> -> memref<40960x128xf32, #tpu.memory_space<hbm>>
          tpu.enqueue_indirect_dma source(%dma_start3A_75 : memref<40960x128xf32, #tpu.memory_space<hbm>>) target(%arg9 : memref<64x128xf32, #tpu.memory_space<vmem>>) offsets(%dma_start3A_72 : memref<64xi32, #tpu.memory_space<vmem>>) semaphore(%arg12 : memref<!tpu.dma_semaphore, #tpu.memory_space<semaphore_mem>>)
        } else {
        }
        "tpu.region"() ({
          %run_scoped3A = tpu.sem_alloc : memref<!tpu.dma_semaphore, #tpu.memory_space<semaphore_mem>>
          %dma_start3A_68 = arith.constant 0 : i32
          %dma_start3A_69 = tpu.memref_slice %arg8[%add3A_48, %dma_start3A_68] : memref<40x64xi32, #tpu.memory_space<vmem>> -> memref<1x64xi32, #tpu.memory_space<vmem>>
          %dma_start3A_70 = tpu.memref_squeeze %dma_start3A_69 : memref<1x64xi32, #tpu.memory_space<vmem>> -> memref<64xi32, #tpu.memory_space<vmem>>
          %dma_start3A_71 = arith.constant 0 : i32
          %dma_start3A_72 = arith.constant 0 : i32
          %dma_start3A_73 = tpu.memref_slice %arg11[%dma_start3A_71, %dma_start3A_72] : memref<10240x128xf32, #tpu.memory_space<vmem_shared>> -> memref<10240x128xf32, #tpu.memory_space<vmem_shared>>
          tpu.enqueue_indirect_dma source(%arg10 : memref<64x128xf32, #tpu.memory_space<vmem>>) target(%dma_start3A_73 : memref<10240x128xf32, #tpu.memory_space<vmem_shared>>) offsets(%dma_start3A_70 : memref<64xi32, #tpu.memory_space<vmem>>) semaphore(%run_scoped3A : memref<!tpu.dma_semaphore, #tpu.memory_space<semaphore_mem>>) {add = true}
          %dma_wait3A_74 = arith.constant 0 : i32
          %dma_wait3A_75 = tpu.memref_slice %arg8[%add3A_48, %dma_wait3A_74] : memref<40x64xi32, #tpu.memory_space<vmem>> -> memref<1x64xi32, #tpu.memory_space<vmem>>
          %dma_wait3A_76 = tpu.memref_squeeze %dma_wait3A_75 : memref<1x64xi32, #tpu.memory_space<vmem>> -> memref<64xi32, #tpu.memory_space<vmem>>
          %dma_wait3A_77 = arith.constant 0 : i32
          %dma_wait3A_78 = arith.constant 0 : i32
          %dma_wait3A_79 = tpu.memref_slice %arg11[%dma_wait3A_77, %dma_wait3A_78] : memref<10240x128xf32, #tpu.memory_space<vmem_shared>> -> memref<10240x128xf32, #tpu.memory_space<vmem_shared>>
          tpu.wait_indirect_dma semaphore(%run_scoped3A : memref<!tpu.dma_semaphore, #tpu.memory_space<semaphore_mem>>) src(%arg10 : memref<64x128xf32, #tpu.memory_space<vmem>>) dst(%dma_wait3A_79 : memref<10240x128xf32, #tpu.memory_space<vmem_shared>>)
          tpu.yield
        }) : () -> ()
      }
      %scan3A_41 = arith.constant 20 : i32
    }
    %barrier3A_21 = arith.constant 0 : index
    tpu.barrier barrier_id(%barrier3A_21)
    %mul3A_22 = arith.constant 640 : i32
    %mul3A_23 = arith.muli %arg1, %mul3A_22 : i32
    %mul3A_24 = arith.constant 640 : i32
    %mul3A_25 = arith.muli %arg1, %mul3A_24 : i32
    "tpu.region"() ({
      %run_scoped3A = tpu.sem_alloc : memref<!tpu.dma_semaphore, #tpu.memory_space<semaphore_mem>>
      %dma_start3A = arith.constant 0 : i32
      %dma_start3A_26 = tpu.memref_slice %arg6[%arg0, %mul3A_25, %dma_start3A] : memref<2x10240x128xf32, #tpu.memory_space<hbm>> -> memref<1x640x128xf32, #tpu.memory_space<hbm>>
      %dma_start3A_27 = tpu.memref_squeeze %dma_start3A_26 : memref<1x640x128xf32, #tpu.memory_space<hbm>> -> memref<640x128xf32, #tpu.memory_space<hbm>>
      %dma_start3A_28 = arith.constant 0 : i32
      %dma_start3A_29 = tpu.memref_slice %arg11[%mul3A_23, %dma_start3A_28] : memref<10240x128xf32, #tpu.memory_space<vmem_shared>> -> memref<640x128xf32, #tpu.memory_space<vmem_shared>>
      tpu.enqueue_dma source(%dma_start3A_29 : memref<640x128xf32, #tpu.memory_space<vmem_shared>>) target(%dma_start3A_27 : memref<640x128xf32, #tpu.memory_space<hbm>>) target_semaphore(%run_scoped3A : memref<!tpu.dma_semaphore, #tpu.memory_space<semaphore_mem>>)
      %dma_wait3A = arith.constant 0 : i32
      %dma_wait3A_30 = tpu.memref_slice %arg6[%arg0, %mul3A_25, %dma_wait3A] : memref<2x10240x128xf32, #tpu.memory_space<hbm>> -> memref<1x640x128xf32, #tpu.memory_space<hbm>>
      %dma_wait3A_31 = tpu.memref_squeeze %dma_wait3A_30 : memref<1x640x128xf32, #tpu.memory_space<hbm>> -> memref<640x128xf32, #tpu.memory_space<hbm>>
      %dma_wait3A_32 = arith.constant 0 : i32
      %dma_wait3A_33 = tpu.memref_slice %arg11[%mul3A_23, %dma_wait3A_32] : memref<10240x128xf32, #tpu.memory_space<vmem_shared>> -> memref<640x128xf32, #tpu.memory_space<vmem_shared>>
      tpu.wait_dma2 semaphore(%run_scoped3A : memref<!tpu.dma_semaphore, #tpu.memory_space<semaphore_mem>>) src(%dma_wait3A_33 : memref<640x128xf32, #tpu.memory_space<vmem_shared>>) dst(%dma_wait3A_31 : memref<640x128xf32, #tpu.memory_space<hbm>>)
      tpu.yield
    }) : () -> ()
    return
  }
}

module attributes {stable_mosaic.version = 14 : i64} {
  func.func @_tc_body(%arg0: i32, %arg1: memref<1024x128xf32, #tpu.memory_space<vmem>>, %arg2: memref<4x128x128xf32, #tpu.memory_space<vmem>>, %arg3: memref<4x1024x128xf32, #tpu.memory_space<vmem>>) attributes {dimension_semantics = [#tpu.dimension_semantics<arbitrary>], iteration_bounds = array<i64: 10>, scalar_prefetch = 0 : i64, scratch_operands = 0 : i64, tpu.core_type = #tpu.core_type<tc>, window_params = [{transform_indices = @transform_0, window_bounds = array<i64: 1024, 128>}, {pipeline_mode = #tpu.pipeline_mode<synchronous>, transform_indices = @transform_1, window_bounds = array<i64: 4, 128, 128>}, {transform_indices = @transform_2, window_bounds = array<i64: 4, 1024, 128>}]} {
    %get3A = arith.constant 0 : index
    %get3A_0 = arith.constant 0 : index
    %get3A_1 = vector.load %arg1[%get3A, %get3A_0] : memref<1024x128xf32, #tpu.memory_space<vmem>>, vector<1024x128xf32>
    %get3A_2 = arith.constant 0 : index
    %get3A_3 = arith.constant 0 : index
    %get3A_4 = arith.constant 0 : index
    %get3A_5 = vector.load %arg2[%get3A_2, %get3A_3, %get3A_4] : memref<4x128x128xf32, #tpu.memory_space<vmem>>, vector<1x128x128xf32>
    %get3A_6 = vector.shape_cast %get3A_5 : vector<1x128x128xf32> to vector<128x128xf32>
    %dot_general3A = arith.constant dense<0.000000e+00> : vector<1024x128xf32>
    %dot_general3A_7 = tpu.matmul %get3A_1, %get3A_6, %dot_general3A {dimension_numbers = #tpu.dot_dimension_numbers<[1], [0], [0], [1], [0, 0, 1, 1], [], []>, transpose_lhs_hint = false} : vector<1024x128xf32>, vector<128x128xf32>, vector<1024x128xf32> -> vector<1024x128xf32>
    %swap3A = arith.constant 0 : index
    %swap3A_8 = arith.constant 0 : index
    %swap3A_9 = arith.constant 0 : index
    %swap3A_10 = vector.load %arg3[%swap3A, %swap3A_8, %swap3A_9] : memref<4x1024x128xf32, #tpu.memory_space<vmem>>, vector<1x1024x128xf32>
    %swap3A_11 = vector.shape_cast %swap3A_10 : vector<1x1024x128xf32> to vector<1024x128xf32>
    %swap3A_12 = vector.shape_cast %dot_general3A_7 : vector<1024x128xf32> to vector<1x1024x128xf32>
    tpu.vector_store %arg3[%swap3A, %swap3A_8, %swap3A_9], %swap3A_12 {strides = array<i32>} : memref<4x1024x128xf32, #tpu.memory_space<vmem>>, vector<1x1024x128xf32>,
    %get3A_13 = arith.constant 1 : index
    %get3A_14 = arith.constant 0 : index
    %get3A_15 = arith.constant 0 : index
    %get3A_16 = vector.load %arg2[%get3A_13, %get3A_14, %get3A_15] : memref<4x128x128xf32, #tpu.memory_space<vmem>>, vector<1x128x128xf32>
    %get3A_17 = vector.shape_cast %get3A_16 : vector<1x128x128xf32> to vector<128x128xf32>
    %dot_general3A_18 = arith.constant dense<0.000000e+00> : vector<1024x128xf32>
    %dot_general3A_19 = tpu.matmul %get3A_1, %get3A_17, %dot_general3A_18 {dimension_numbers = #tpu.dot_dimension_numbers<[1], [0], [0], [1], [0, 0, 1, 1], [], []>, transpose_lhs_hint = false} : vector<1024x128xf32>, vector<128x128xf32>, vector<1024x128xf32> -> vector<1024x128xf32>
    %swap3A_20 = arith.constant 1 : index
    %swap3A_21 = arith.constant 0 : index
    %swap3A_22 = arith.constant 0 : index
    %swap3A_23 = vector.load %arg3[%swap3A_20, %swap3A_21, %swap3A_22] : memref<4x1024x128xf32, #tpu.memory_space<vmem>>, vector<1x1024x128xf32>
    %swap3A_24 = vector.shape_cast %swap3A_23 : vector<1x1024x128xf32> to vector<1024x128xf32>
    %swap3A_25 = vector.shape_cast %dot_general3A_19 : vector<1024x128xf32> to vector<1x1024x128xf32>
    tpu.vector_store %arg3[%swap3A_20, %swap3A_21, %swap3A_22], %swap3A_25 {strides = array<i32>} : memref<4x1024x128xf32, #tpu.memory_space<vmem>>, vector<1x1024x128xf32>,
    %get3A_26 = arith.constant 2 : index
    %get3A_27 = arith.constant 0 : index
    %get3A_28 = arith.constant 0 : index
    %get3A_29 = vector.load %arg2[%get3A_26, %get3A_27, %get3A_28] : memref<4x128x128xf32, #tpu.memory_space<vmem>>, vector<1x128x128xf32>
    %get3A_30 = vector.shape_cast %get3A_29 : vector<1x128x128xf32> to vector<128x128xf32>
    %dot_general3A_31 = arith.constant dense<0.000000e+00> : vector<1024x128xf32>
    %dot_general3A_32 = tpu.matmul %get3A_1, %get3A_30, %dot_general3A_31 {dimension_numbers = #tpu.dot_dimension_numbers<[1], [0], [0], [1], [0, 0, 1, 1], [], []>, transpose_lhs_hint = false} : vector<1024x128xf32>, vector<128x128xf32>, vector<1024x128xf32> -> vector<1024x128xf32>
    %swap3A_33 = arith.constant 2 : index
    %swap3A_34 = arith.constant 0 : index
    %swap3A_35 = arith.constant 0 : index
    %swap3A_36 = vector.load %arg3[%swap3A_33, %swap3A_34, %swap3A_35] : memref<4x1024x128xf32, #tpu.memory_space<vmem>>, vector<1x1024x128xf32>
    %swap3A_37 = vector.shape_cast %swap3A_36 : vector<1x1024x128xf32> to vector<1024x128xf32>
    %swap3A_38 = vector.shape_cast %dot_general3A_32 : vector<1024x128xf32> to vector<1x1024x128xf32>
    tpu.vector_store %arg3[%swap3A_33, %swap3A_34, %swap3A_35], %swap3A_38 {strides = array<i32>} : memref<4x1024x128xf32, #tpu.memory_space<vmem>>, vector<1x1024x128xf32>,
    %get3A_39 = arith.constant 3 : index
    %get3A_40 = arith.constant 0 : index
    %get3A_41 = arith.constant 0 : index
    %get3A_42 = vector.load %arg2[%get3A_39, %get3A_40, %get3A_41] : memref<4x128x128xf32, #tpu.memory_space<vmem>>, vector<1x128x128xf32>
    %get3A_43 = vector.shape_cast %get3A_42 : vector<1x128x128xf32> to vector<128x128xf32>
    %dot_general3A_44 = arith.constant dense<0.000000e+00> : vector<1024x128xf32>
    %dot_general3A_45 = tpu.matmul %get3A_1, %get3A_43, %dot_general3A_44 {dimension_numbers = #tpu.dot_dimension_numbers<[1], [0], [0], [1], [0, 0, 1, 1], [], []>, transpose_lhs_hint = false} : vector<1024x128xf32>, vector<128x128xf32>, vector<1024x128xf32> -> vector<1024x128xf32>
    %swap3A_46 = arith.constant 3 : index
    %swap3A_47 = arith.constant 0 : index
    %swap3A_48 = arith.constant 0 : index
    %swap3A_49 = vector.load %arg3[%swap3A_46, %swap3A_47, %swap3A_48] : memref<4x1024x128xf32, #tpu.memory_space<vmem>>, vector<1x1024x128xf32>
    %swap3A_50 = vector.shape_cast %swap3A_49 : vector<1x1024x128xf32> to vector<1024x128xf32>
    %swap3A_51 = vector.shape_cast %dot_general3A_45 : vector<1024x128xf32> to vector<1x1024x128xf32>
    tpu.vector_store %arg3[%swap3A_46, %swap3A_47, %swap3A_48], %swap3A_51 {strides = array<i32>} : memref<4x1024x128xf32, #tpu.memory_space<vmem>>, vector<1x1024x128xf32>,
    return
  }
  func.func @transform_0(%arg0: i32) -> (i32, i32) {
    %c0_i32 = arith.constant 0 : i32
    %c0_i32_0 = arith.constant 0 : i32
    return %arg0, %c0_i32 : i32, i32
  }
  func.func @transform_1(%arg0: i32) -> (i32, i32, i32) {
    %c0_i32 = arith.constant 0 : i32
    %c0_i32_0 = arith.constant 0 : i32
    %c0_i32_1 = arith.constant 0 : i32
    %c0_i32_2 = arith.constant 0 : i32
    return %c0_i32, %c0_i32_0, %c0_i32_1 : i32, i32, i32
  }
  func.func @transform_2(%arg0: i32) -> (i32, i32, i32) {
    %c0_i32 = arith.constant 0 : i32
    %c0_i32_0 = arith.constant 0 : i32
    %c0_i32_1 = arith.constant 0 : i32
    return %c0_i32, %arg0, %c0_i32_0 : i32, i32, i32
  }
}

module attributes {stable_mosaic.version = 14 : i64} {
  func.func @_tc_body(%arg0: i32, %arg1: memref<2x1024x128xf32, #tpu.memory_space<vmem>>, %arg2: memref<1024x128xf32, #tpu.memory_space<vmem>>, %arg3: memref<128x384xf32, #tpu.memory_space<vmem>>, %arg4: memref<128x384xf32, #tpu.memory_space<vmem>>, %arg5: memref<1x384xf32, #tpu.memory_space<vmem>>, %arg6: memref<1x384xf32, #tpu.memory_space<vmem>>, %arg7: memref<1024x128xf32, #tpu.memory_space<vmem>>) attributes {dimension_semantics = [#tpu.dimension_semantics<arbitrary>], iteration_bounds = array<i64: 10>, scalar_prefetch = 0 : i64, scratch_operands = 0 : i64, tpu.core_type = #tpu.core_type<tc>, window_params = [{transform_indices = @transform_0, window_bounds = array<i64: 2, 1024, 128>}, {transform_indices = @transform_1, window_bounds = array<i64: 1024, 128>}, {pipeline_mode = #tpu.pipeline_mode<synchronous>, transform_indices = @transform_2, window_bounds = array<i64: 128, 384>}, {pipeline_mode = #tpu.pipeline_mode<synchronous>, transform_indices = @transform_3, window_bounds = array<i64: 128, 384>}, {pipeline_mode = #tpu.pipeline_mode<synchronous>, transform_indices = @transform_4, window_bounds = array<i64: 1, 384>}, {pipeline_mode = #tpu.pipeline_mode<synchronous>, transform_indices = @transform_5, window_bounds = array<i64: 1, 384>}, {transform_indices = @transform_6, window_bounds = array<i64: 1024, 128>}]} {
    %get3A = arith.constant 0 : index
    %get3A_0 = arith.constant 0 : index
    %get3A_1 = vector.load %arg2[%get3A, %get3A_0] : memref<1024x128xf32, #tpu.memory_space<vmem>>, vector<1024x128xf32>
    %get3A_2 = arith.constant 0 : index
    %get3A_3 = arith.constant 0 : index
    %get3A_4 = arith.constant 0 : index
    %get3A_5 = vector.load %arg1[%get3A_2, %get3A_3, %get3A_4] : memref<2x1024x128xf32, #tpu.memory_space<vmem>>, vector<1x1024x128xf32>
    %get3A_6 = vector.shape_cast %get3A_5 : vector<1x1024x128xf32> to vector<1024x128xf32>
    %get3A_7 = arith.constant 1 : index
    %get3A_8 = arith.constant 0 : index
    %get3A_9 = arith.constant 0 : index
    %get3A_10 = vector.load %arg1[%get3A_7, %get3A_8, %get3A_9] : memref<2x1024x128xf32, #tpu.memory_space<vmem>>, vector<1x1024x128xf32>
    %get3A_11 = vector.shape_cast %get3A_10 : vector<1x1024x128xf32> to vector<1024x128xf32>
    %add3A = arith.addf %get3A_6, %get3A_11 : vector<1024x128xf32>
    %get3A_12 = arith.constant 0 : index
    %get3A_13 = arith.constant 0 : index
    %get3A_14 = vector.load %arg3[%get3A_12, %get3A_13] : memref<128x384xf32, #tpu.memory_space<vmem>>, vector<128x384xf32>
    %dot_general3A = arith.constant dense<0.000000e+00> : vector<1024x384xf32>
    %dot_general3A_15 = tpu.matmul %add3A, %get3A_14, %dot_general3A {dimension_numbers = #tpu.dot_dimension_numbers<[1], [0], [0], [1], [0, 0, 1, 1], [], []>, transpose_lhs_hint = false} : vector<1024x128xf32>, vector<128x384xf32>, vector<1024x384xf32> -> vector<1024x384xf32>
    %get3A_16 = arith.constant 0 : index
    %get3A_17 = arith.constant 0 : index
    %get3A_18 = vector.load %arg5[%get3A_16, %get3A_17] : memref<1x384xf32, #tpu.memory_space<vmem>>, vector<1x384xf32>
    %add3A_19 = vector.broadcast %get3A_18 : vector<1x384xf32> to vector<1024x384xf32>
    %add3A_20 = arith.addf %dot_general3A_15, %add3A_19 : vector<1024x384xf32>
    %get3A_21 = arith.constant 0 : index
    %get3A_22 = arith.constant 0 : index
    %get3A_23 = vector.load %arg4[%get3A_21, %get3A_22] : memref<128x384xf32, #tpu.memory_space<vmem>>, vector<128x384xf32>
    %dot_general3A_24 = arith.constant dense<0.000000e+00> : vector<1024x384xf32>
    %dot_general3A_25 = tpu.matmul %get3A_1, %get3A_23, %dot_general3A_24 {dimension_numbers = #tpu.dot_dimension_numbers<[1], [0], [0], [1], [0, 0, 1, 1], [], []>, transpose_lhs_hint = false} : vector<1024x128xf32>, vector<128x384xf32>, vector<1024x384xf32> -> vector<1024x384xf32>
    %get3A_26 = arith.constant 0 : index
    %get3A_27 = arith.constant 0 : index
    %get3A_28 = vector.load %arg6[%get3A_26, %get3A_27] : memref<1x384xf32, #tpu.memory_space<vmem>>, vector<1x384xf32>
    %add3A_29 = vector.broadcast %get3A_28 : vector<1x384xf32> to vector<1024x384xf32>
    %add3A_30 = arith.addf %dot_general3A_25, %add3A_29 : vector<1024x384xf32>
    %slice3A = vector.extract_strided_slice %add3A_20 {offsets = [0, 0], sizes = [1024, 128], strides = [1, 1]} : vector<1024x384xf32> to vector<1024x128xf32>
    %slice3A_31 = vector.extract_strided_slice %add3A_30 {offsets = [0, 0], sizes = [1024, 128], strides = [1, 1]} : vector<1024x384xf32> to vector<1024x128xf32>
    %add3A_32 = arith.addf %slice3A, %slice3A_31 : vector<1024x128xf32>
    %logistic3A = arith.negf %add3A_32 : vector<1024x128xf32>
    %logistic3A_33 = math.exp %logistic3A : vector<1024x128xf32>
    %logistic3A_34 = arith.constant 1.000000e+00 : f32
    %logistic3A_35 = vector.broadcast %logistic3A_34 : f32 to vector<1024x128xf32>
    %logistic3A_36 = arith.addf %logistic3A_35, %logistic3A_33 : vector<1024x128xf32>
    %logistic3A_37 = arith.divf %logistic3A_35, %logistic3A_36 : vector<1024x128xf32>
    %slice3A_38 = vector.extract_strided_slice %add3A_20 {offsets = [0, 128], sizes = [1024, 128], strides = [1, 1]} : vector<1024x384xf32> to vector<1024x128xf32>
    %slice3A_39 = vector.extract_strided_slice %add3A_30 {offsets = [0, 128], sizes = [1024, 128], strides = [1, 1]} : vector<1024x384xf32> to vector<1024x128xf32>
    %add3A_40 = arith.addf %slice3A_38, %slice3A_39 : vector<1024x128xf32>
    %logistic3A_41 = arith.negf %add3A_40 : vector<1024x128xf32>
    %logistic3A_42 = math.exp %logistic3A_41 : vector<1024x128xf32>
    %logistic3A_43 = arith.constant 1.000000e+00 : f32
    %logistic3A_44 = vector.broadcast %logistic3A_43 : f32 to vector<1024x128xf32>
    %logistic3A_45 = arith.addf %logistic3A_44, %logistic3A_42 : vector<1024x128xf32>
    %logistic3A_46 = arith.divf %logistic3A_44, %logistic3A_45 : vector<1024x128xf32>
    %slice3A_47 = vector.extract_strided_slice %add3A_20 {offsets = [0, 256], sizes = [1024, 128], strides = [1, 1]} : vector<1024x384xf32> to vector<1024x128xf32>
    %slice3A_48 = vector.extract_strided_slice %add3A_30 {offsets = [0, 256], sizes = [1024, 128], strides = [1, 1]} : vector<1024x384xf32> to vector<1024x128xf32>
    %mul3A = arith.mulf %logistic3A_37, %slice3A_48 : vector<1024x128xf32>
    %add3A_49 = arith.addf %slice3A_47, %mul3A : vector<1024x128xf32>
    %tanh3A = math.tanh %add3A_49 : vector<1024x128xf32>
    %sub3A = arith.constant 1.000000e+00 : f32
    %sub3A_50 = vector.broadcast %sub3A : f32 to vector<1024x128xf32>
    %sub3A_51 = arith.subf %sub3A_50, %logistic3A_46 : vector<1024x128xf32>
    %mul3A_52 = arith.mulf %sub3A_51, %tanh3A : vector<1024x128xf32>
    %mul3A_53 = arith.mulf %logistic3A_46, %get3A_1 : vector<1024x128xf32>
    %add3A_54 = arith.addf %mul3A_52, %mul3A_53 : vector<1024x128xf32>
    %swap3A = arith.constant 0 : index
    %swap3A_55 = arith.constant 0 : index
    %swap3A_56 = vector.load %arg7[%swap3A, %swap3A_55] : memref<1024x128xf32, #tpu.memory_space<vmem>>, vector<1024x128xf32>
    tpu.vector_store %arg7[%swap3A, %swap3A_55], %add3A_54 {strides = array<i32>} : memref<1024x128xf32, #tpu.memory_space<vmem>>, vector<1024x128xf32>,
    return
  }
  func.func @transform_0(%arg0: i32) -> (i32, i32, i32) {
    %c0_i32 = arith.constant 0 : i32
    %c0_i32_0 = arith.constant 0 : i32
    %c0_i32_1 = arith.constant 0 : i32
    return %c0_i32, %arg0, %c0_i32_0 : i32, i32, i32
  }
  func.func @transform_1(%arg0: i32) -> (i32, i32) {
    %c0_i32 = arith.constant 0 : i32
    %c0_i32_0 = arith.constant 0 : i32
    return %arg0, %c0_i32 : i32, i32
  }
  func.func @transform_2(%arg0: i32) -> (i32, i32) {
    %c0_i32 = arith.constant 0 : i32
    %c0_i32_0 = arith.constant 0 : i32
    %c0_i32_1 = arith.constant 0 : i32
    return %c0_i32, %c0_i32_0 : i32, i32
  }
  func.func @transform_3(%arg0: i32) -> (i32, i32) {
    %c0_i32 = arith.constant 0 : i32
    %c0_i32_0 = arith.constant 0 : i32
    %c0_i32_1 = arith.constant 0 : i32
    return %c0_i32, %c0_i32_0 : i32, i32
  }
  func.func @transform_4(%arg0: i32) -> (i32, i32) {
    %c0_i32 = arith.constant 0 : i32
    %c0_i32_0 = arith.constant 0 : i32
    %c0_i32_1 = arith.constant 0 : i32
    return %c0_i32, %c0_i32_0 : i32, i32
  }
  func.func @transform_5(%arg0: i32) -> (i32, i32) {
    %c0_i32 = arith.constant 0 : i32
    %c0_i32_0 = arith.constant 0 : i32
    %c0_i32_1 = arith.constant 0 : i32
    return %c0_i32, %c0_i32_0 : i32, i32
  }
  func.func @transform_6(%arg0: i32) -> (i32, i32) {
    %c0_i32 = arith.constant 0 : i32
    %c0_i32_0 = arith.constant 0 : i32
    return %arg0, %c0_i32 : i32, i32
  }
}

module attributes {stable_mosaic.version = 14 : i64} {
  func.func @_tc_body(%arg0: i32, %arg1: memref<2x1024x128xf32, #tpu.memory_space<vmem>>, %arg2: memref<1024x128xf32, #tpu.memory_space<vmem>>, %arg3: memref<128x384xf32, #tpu.memory_space<vmem>>, %arg4: memref<128x384xf32, #tpu.memory_space<vmem>>, %arg5: memref<1x384xf32, #tpu.memory_space<vmem>>, %arg6: memref<1x384xf32, #tpu.memory_space<vmem>>, %arg7: memref<4x128x128xf32, #tpu.memory_space<vmem>>, %arg8: memref<1024x128xf32, #tpu.memory_space<vmem>>, %arg9: memref<4x1024x128xf32, #tpu.memory_space<vmem>>) attributes {dimension_semantics = [#tpu.dimension_semantics<arbitrary>], iteration_bounds = array<i64: 10>, scalar_prefetch = 0 : i64, scratch_operands = 0 : i64, tpu.core_type = #tpu.core_type<tc>, window_params = [{transform_indices = @transform_0, window_bounds = array<i64: 2, 1024, 128>}, {transform_indices = @transform_1, window_bounds = array<i64: 1024, 128>}, {pipeline_mode = #tpu.pipeline_mode<synchronous>, transform_indices = @transform_2, window_bounds = array<i64: 128, 384>}, {pipeline_mode = #tpu.pipeline_mode<synchronous>, transform_indices = @transform_3, window_bounds = array<i64: 128, 384>}, {pipeline_mode = #tpu.pipeline_mode<synchronous>, transform_indices = @transform_4, window_bounds = array<i64: 1, 384>}, {pipeline_mode = #tpu.pipeline_mode<synchronous>, transform_indices = @transform_5, window_bounds = array<i64: 1, 384>}, {pipeline_mode = #tpu.pipeline_mode<synchronous>, transform_indices = @transform_6, window_bounds = array<i64: 4, 128, 128>}, {transform_indices = @transform_7, window_bounds = array<i64: 1024, 128>}, {transform_indices = @transform_8, window_bounds = array<i64: 4, 1024, 128>}]} {
    %get3A = arith.constant 0 : index
    %get3A_0 = arith.constant 0 : index
    %get3A_1 = vector.load %arg2[%get3A, %get3A_0] : memref<1024x128xf32, #tpu.memory_space<vmem>>, vector<1024x128xf32>
    %get3A_2 = arith.constant 0 : index
    %get3A_3 = arith.constant 0 : index
    %get3A_4 = arith.constant 0 : index
    %get3A_5 = vector.load %arg1[%get3A_2, %get3A_3, %get3A_4] : memref<2x1024x128xf32, #tpu.memory_space<vmem>>, vector<1x1024x128xf32>
    %get3A_6 = vector.shape_cast %get3A_5 : vector<1x1024x128xf32> to vector<1024x128xf32>
    %get3A_7 = arith.constant 1 : index
    %get3A_8 = arith.constant 0 : index
    %get3A_9 = arith.constant 0 : index
    %get3A_10 = vector.load %arg1[%get3A_7, %get3A_8, %get3A_9] : memref<2x1024x128xf32, #tpu.memory_space<vmem>>, vector<1x1024x128xf32>
    %get3A_11 = vector.shape_cast %get3A_10 : vector<1x1024x128xf32> to vector<1024x128xf32>
    %add3A = arith.addf %get3A_6, %get3A_11 : vector<1024x128xf32>
    %get3A_12 = arith.constant 0 : index
    %get3A_13 = arith.constant 0 : index
    %get3A_14 = vector.load %arg3[%get3A_12, %get3A_13] : memref<128x384xf32, #tpu.memory_space<vmem>>, vector<128x384xf32>
    %dot_general3A = arith.constant dense<0.000000e+00> : vector<1024x384xf32>
    %dot_general3A_15 = tpu.matmul %add3A, %get3A_14, %dot_general3A {dimension_numbers = #tpu.dot_dimension_numbers<[1], [0], [0], [1], [0, 0, 1, 1], [], []>, transpose_lhs_hint = false} : vector<1024x128xf32>, vector<128x384xf32>, vector<1024x384xf32> -> vector<1024x384xf32>
    %get3A_16 = arith.constant 0 : index
    %get3A_17 = arith.constant 0 : index
    %get3A_18 = vector.load %arg5[%get3A_16, %get3A_17] : memref<1x384xf32, #tpu.memory_space<vmem>>, vector<1x384xf32>
    %add3A_19 = vector.broadcast %get3A_18 : vector<1x384xf32> to vector<1024x384xf32>
    %add3A_20 = arith.addf %dot_general3A_15, %add3A_19 : vector<1024x384xf32>
    %get3A_21 = arith.constant 0 : index
    %get3A_22 = arith.constant 0 : index
    %get3A_23 = vector.load %arg4[%get3A_21, %get3A_22] : memref<128x384xf32, #tpu.memory_space<vmem>>, vector<128x384xf32>
    %dot_general3A_24 = arith.constant dense<0.000000e+00> : vector<1024x384xf32>
    %dot_general3A_25 = tpu.matmul %get3A_1, %get3A_23, %dot_general3A_24 {dimension_numbers = #tpu.dot_dimension_numbers<[1], [0], [0], [1], [0, 0, 1, 1], [], []>, transpose_lhs_hint = false} : vector<1024x128xf32>, vector<128x384xf32>, vector<1024x384xf32> -> vector<1024x384xf32>
    %get3A_26 = arith.constant 0 : index
    %get3A_27 = arith.constant 0 : index
    %get3A_28 = vector.load %arg6[%get3A_26, %get3A_27] : memref<1x384xf32, #tpu.memory_space<vmem>>, vector<1x384xf32>
    %add3A_29 = vector.broadcast %get3A_28 : vector<1x384xf32> to vector<1024x384xf32>
    %add3A_30 = arith.addf %dot_general3A_25, %add3A_29 : vector<1024x384xf32>
    %slice3A = vector.extract_strided_slice %add3A_20 {offsets = [0, 0], sizes = [1024, 128], strides = [1, 1]} : vector<1024x384xf32> to vector<1024x128xf32>
    %slice3A_31 = vector.extract_strided_slice %add3A_30 {offsets = [0, 0], sizes = [1024, 128], strides = [1, 1]} : vector<1024x384xf32> to vector<1024x128xf32>
    %add3A_32 = arith.addf %slice3A, %slice3A_31 : vector<1024x128xf32>
    %logistic3A = arith.negf %add3A_32 : vector<1024x128xf32>
    %logistic3A_33 = math.exp %logistic3A : vector<1024x128xf32>
    %logistic3A_34 = arith.constant 1.000000e+00 : f32
    %logistic3A_35 = vector.broadcast %logistic3A_34 : f32 to vector<1024x128xf32>
    %logistic3A_36 = arith.addf %logistic3A_35, %logistic3A_33 : vector<1024x128xf32>
    %logistic3A_37 = arith.divf %logistic3A_35, %logistic3A_36 : vector<1024x128xf32>
    %slice3A_38 = vector.extract_strided_slice %add3A_20 {offsets = [0, 128], sizes = [1024, 128], strides = [1, 1]} : vector<1024x384xf32> to vector<1024x128xf32>
    %slice3A_39 = vector.extract_strided_slice %add3A_30 {offsets = [0, 128], sizes = [1024, 128], strides = [1, 1]} : vector<1024x384xf32> to vector<1024x128xf32>
    %add3A_40 = arith.addf %slice3A_38, %slice3A_39 : vector<1024x128xf32>
    %logistic3A_41 = arith.negf %add3A_40 : vector<1024x128xf32>
    %logistic3A_42 = math.exp %logistic3A_41 : vector<1024x128xf32>
    %logistic3A_43 = arith.constant 1.000000e+00 : f32
    %logistic3A_44 = vector.broadcast %logistic3A_43 : f32 to vector<1024x128xf32>
    %logistic3A_45 = arith.addf %logistic3A_44, %logistic3A_42 : vector<1024x128xf32>
    %logistic3A_46 = arith.divf %logistic3A_44, %logistic3A_45 : vector<1024x128xf32>
    %slice3A_47 = vector.extract_strided_slice %add3A_20 {offsets = [0, 256], sizes = [1024, 128], strides = [1, 1]} : vector<1024x384xf32> to vector<1024x128xf32>
    %slice3A_48 = vector.extract_strided_slice %add3A_30 {offsets = [0, 256], sizes = [1024, 128], strides = [1, 1]} : vector<1024x384xf32> to vector<1024x128xf32>
    %mul3A = arith.mulf %logistic3A_37, %slice3A_48 : vector<1024x128xf32>
    %add3A_49 = arith.addf %slice3A_47, %mul3A : vector<1024x128xf32>
    %tanh3A = math.tanh %add3A_49 : vector<1024x128xf32>
    %sub3A = arith.constant 1.000000e+00 : f32
    %sub3A_50 = vector.broadcast %sub3A : f32 to vector<1024x128xf32>
    %sub3A_51 = arith.subf %sub3A_50, %logistic3A_46 : vector<1024x128xf32>
    %mul3A_52 = arith.mulf %sub3A_51, %tanh3A : vector<1024x128xf32>
    %mul3A_53 = arith.mulf %logistic3A_46, %get3A_1 : vector<1024x128xf32>
    %add3A_54 = arith.addf %mul3A_52, %mul3A_53 : vector<1024x128xf32>
    %swap3A = arith.constant 0 : index
    %swap3A_55 = arith.constant 0 : index
    %swap3A_56 = vector.load %arg8[%swap3A, %swap3A_55] : memref<1024x128xf32, #tpu.memory_space<vmem>>, vector<1024x128xf32>
    tpu.vector_store %arg8[%swap3A, %swap3A_55], %add3A_54 {strides = array<i32>} : memref<1024x128xf32, #tpu.memory_space<vmem>>, vector<1024x128xf32>,
    %get3A_57 = arith.constant 0 : index
    %get3A_58 = arith.constant 0 : index
    %get3A_59 = arith.constant 0 : index
    %get3A_60 = vector.load %arg7[%get3A_57, %get3A_58, %get3A_59] : memref<4x128x128xf32, #tpu.memory_space<vmem>>, vector<1x128x128xf32>
    %get3A_61 = vector.shape_cast %get3A_60 : vector<1x128x128xf32> to vector<128x128xf32>
    %dot_general3A_62 = arith.constant dense<0.000000e+00> : vector<1024x128xf32>
    %dot_general3A_63 = tpu.matmul %add3A_54, %get3A_61, %dot_general3A_62 {dimension_numbers = #tpu.dot_dimension_numbers<[1], [0], [0], [1], [0, 0, 1, 1], [], []>, transpose_lhs_hint = false} : vector<1024x128xf32>, vector<128x128xf32>, vector<1024x128xf32> -> vector<1024x128xf32>
    %swap3A_64 = arith.constant 0 : index
    %swap3A_65 = arith.constant 0 : index
    %swap3A_66 = arith.constant 0 : index
    %swap3A_67 = vector.load %arg9[%swap3A_64, %swap3A_65, %swap3A_66] : memref<4x1024x128xf32, #tpu.memory_space<vmem>>, vector<1x1024x128xf32>
    %swap3A_68 = vector.shape_cast %swap3A_67 : vector<1x1024x128xf32> to vector<1024x128xf32>
    %swap3A_69 = vector.shape_cast %dot_general3A_63 : vector<1024x128xf32> to vector<1x1024x128xf32>
    tpu.vector_store %arg9[%swap3A_64, %swap3A_65, %swap3A_66], %swap3A_69 {strides = array<i32>} : memref<4x1024x128xf32, #tpu.memory_space<vmem>>, vector<1x1024x128xf32>,
    %get3A_70 = arith.constant 1 : index
    %get3A_71 = arith.constant 0 : index
    %get3A_72 = arith.constant 0 : index
    %get3A_73 = vector.load %arg7[%get3A_70, %get3A_71, %get3A_72] : memref<4x128x128xf32, #tpu.memory_space<vmem>>, vector<1x128x128xf32>
    %get3A_74 = vector.shape_cast %get3A_73 : vector<1x128x128xf32> to vector<128x128xf32>
    %dot_general3A_75 = arith.constant dense<0.000000e+00> : vector<1024x128xf32>
    %dot_general3A_76 = tpu.matmul %add3A_54, %get3A_74, %dot_general3A_75 {dimension_numbers = #tpu.dot_dimension_numbers<[1], [0], [0], [1], [0, 0, 1, 1], [], []>, transpose_lhs_hint = false} : vector<1024x128xf32>, vector<128x128xf32>, vector<1024x128xf32> -> vector<1024x128xf32>
    %swap3A_77 = arith.constant 1 : index
    %swap3A_78 = arith.constant 0 : index
    %swap3A_79 = arith.constant 0 : index
    %swap3A_80 = vector.load %arg9[%swap3A_77, %swap3A_78, %swap3A_79] : memref<4x1024x128xf32, #tpu.memory_space<vmem>>, vector<1x1024x128xf32>
    %swap3A_81 = vector.shape_cast %swap3A_80 : vector<1x1024x128xf32> to vector<1024x128xf32>
    %swap3A_82 = vector.shape_cast %dot_general3A_76 : vector<1024x128xf32> to vector<1x1024x128xf32>
    tpu.vector_store %arg9[%swap3A_77, %swap3A_78, %swap3A_79], %swap3A_82 {strides = array<i32>} : memref<4x1024x128xf32, #tpu.memory_space<vmem>>, vector<1x1024x128xf32>,
    %get3A_83 = arith.constant 2 : index
    %get3A_84 = arith.constant 0 : index
    %get3A_85 = arith.constant 0 : index
    %get3A_86 = vector.load %arg7[%get3A_83, %get3A_84, %get3A_85] : memref<4x128x128xf32, #tpu.memory_space<vmem>>, vector<1x128x128xf32>
    %get3A_87 = vector.shape_cast %get3A_86 : vector<1x128x128xf32> to vector<128x128xf32>
    %dot_general3A_88 = arith.constant dense<0.000000e+00> : vector<1024x128xf32>
    %dot_general3A_89 = tpu.matmul %add3A_54, %get3A_87, %dot_general3A_88 {dimension_numbers = #tpu.dot_dimension_numbers<[1], [0], [0], [1], [0, 0, 1, 1], [], []>, transpose_lhs_hint = false} : vector<1024x128xf32>, vector<128x128xf32>, vector<1024x128xf32> -> vector<1024x128xf32>
    %swap3A_90 = arith.constant 2 : index
    %swap3A_91 = arith.constant 0 : index
    %swap3A_92 = arith.constant 0 : index
    %swap3A_93 = vector.load %arg9[%swap3A_90, %swap3A_91, %swap3A_92] : memref<4x1024x128xf32, #tpu.memory_space<vmem>>, vector<1x1024x128xf32>
    %swap3A_94 = vector.shape_cast %swap3A_93 : vector<1x1024x128xf32> to vector<1024x128xf32>
    %swap3A_95 = vector.shape_cast %dot_general3A_89 : vector<1024x128xf32> to vector<1x1024x128xf32>
    tpu.vector_store %arg9[%swap3A_90, %swap3A_91, %swap3A_92], %swap3A_95 {strides = array<i32>} : memref<4x1024x128xf32, #tpu.memory_space<vmem>>, vector<1x1024x128xf32>,
    %get3A_96 = arith.constant 3 : index
    %get3A_97 = arith.constant 0 : index
    %get3A_98 = arith.constant 0 : index
    %get3A_99 = vector.load %arg7[%get3A_96, %get3A_97, %get3A_98] : memref<4x128x128xf32, #tpu.memory_space<vmem>>, vector<1x128x128xf32>
    %get3A_100 = vector.shape_cast %get3A_99 : vector<1x128x128xf32> to vector<128x128xf32>
    %dot_general3A_101 = arith.constant dense<0.000000e+00> : vector<1024x128xf32>
    %dot_general3A_102 = tpu.matmul %add3A_54, %get3A_100, %dot_general3A_101 {dimension_numbers = #tpu.dot_dimension_numbers<[1], [0], [0], [1], [0, 0, 1, 1], [], []>, transpose_lhs_hint = false} : vector<1024x128xf32>, vector<128x128xf32>, vector<1024x128xf32> -> vector<1024x128xf32>
    %swap3A_103 = arith.constant 3 : index
    %swap3A_104 = arith.constant 0 : index
    %swap3A_105 = arith.constant 0 : index
    %swap3A_106 = vector.load %arg9[%swap3A_103, %swap3A_104, %swap3A_105] : memref<4x1024x128xf32, #tpu.memory_space<vmem>>, vector<1x1024x128xf32>
    %swap3A_107 = vector.shape_cast %swap3A_106 : vector<1x1024x128xf32> to vector<1024x128xf32>
    %swap3A_108 = vector.shape_cast %dot_general3A_102 : vector<1024x128xf32> to vector<1x1024x128xf32>
    tpu.vector_store %arg9[%swap3A_103, %swap3A_104, %swap3A_105], %swap3A_108 {strides = array<i32>} : memref<4x1024x128xf32, #tpu.memory_space<vmem>>, vector<1x1024x128xf32>,
    return
  }
  func.func @transform_0(%arg0: i32) -> (i32, i32, i32) {
    %c0_i32 = arith.constant 0 : i32
    %c0_i32_0 = arith.constant 0 : i32
    %c0_i32_1 = arith.constant 0 : i32
    return %c0_i32, %arg0, %c0_i32_0 : i32, i32, i32
  }
  func.func @transform_1(%arg0: i32) -> (i32, i32) {
    %c0_i32 = arith.constant 0 : i32
    %c0_i32_0 = arith.constant 0 : i32
    return %arg0, %c0_i32 : i32, i32
  }
  func.func @transform_2(%arg0: i32) -> (i32, i32) {
    %c0_i32 = arith.constant 0 : i32
    %c0_i32_0 = arith.constant 0 : i32
    %c0_i32_1 = arith.constant 0 : i32
    return %c0_i32, %c0_i32_0 : i32, i32
  }
  func.func @transform_3(%arg0: i32) -> (i32, i32) {
    %c0_i32 = arith.constant 0 : i32
    %c0_i32_0 = arith.constant 0 : i32
    %c0_i32_1 = arith.constant 0 : i32
    return %c0_i32, %c0_i32_0 : i32, i32
  }
  func.func @transform_4(%arg0: i32) -> (i32, i32) {
    %c0_i32 = arith.constant 0 : i32
    %c0_i32_0 = arith.constant 0 : i32
    %c0_i32_1 = arith.constant 0 : i32
    return %c0_i32, %c0_i32_0 : i32, i32
  }
  func.func @transform_5(%arg0: i32) -> (i32, i32) {
    %c0_i32 = arith.constant 0 : i32
    %c0_i32_0 = arith.constant 0 : i32
    %c0_i32_1 = arith.constant 0 : i32
    return %c0_i32, %c0_i32_0 : i32, i32
  }
  func.func @transform_6(%arg0: i32) -> (i32, i32, i32) {
    %c0_i32 = arith.constant 0 : i32
    %c0_i32_0 = arith.constant 0 : i32
    %c0_i32_1 = arith.constant 0 : i32
    %c0_i32_2 = arith.constant 0 : i32
    return %c0_i32, %c0_i32_0, %c0_i32_1 : i32, i32, i32
  }
  func.func @transform_7(%arg0: i32) -> (i32, i32) {
    %c0_i32 = arith.constant 0 : i32
    %c0_i32_0 = arith.constant 0 : i32
    return %arg0, %c0_i32 : i32, i32
  }
  func.func @transform_8(%arg0: i32) -> (i32, i32, i32) {
    %c0_i32 = arith.constant 0 : i32
    %c0_i32_0 = arith.constant 0 : i32
    %c0_i32_1 = arith.constant 0 : i32
    return %c0_i32, %arg0, %c0_i32_0 : i32, i32, i32
  }
}

module attributes {stable_mosaic.version = 14 : i64} {
  func.func @_readout_body(%arg0: i32, %arg1: memref<1x1x640xi32, #tpu.memory_space<vmem>>, %arg2: memref<640x128xf32, #tpu.memory_space<vmem>>, %arg3: memref<128x128xf32, #tpu.memory_space<vmem>>) attributes {dimension_semantics = [#tpu.dimension_semantics<arbitrary>], iteration_bounds = array<i64: 16>, scalar_prefetch = 0 : i64, scratch_operands = 0 : i64, tpu.core_type = #tpu.core_type<tc>, window_params = [{transform_indices = @transform_0, window_bounds = array<i64: 1, 1, 640>}, {transform_indices = @transform_1, window_bounds = array<i64: 640, 128>}, {pipeline_mode = #tpu.pipeline_mode<synchronous>, transform_indices = @transform_2, window_bounds = array<i64: 128, 128>}]} {
    %get3A = arith.constant 0 : index
    %get3A_0 = arith.constant 0 : index
    %get3A_1 = arith.constant 0 : index
    %get3A_2 = vector.load %arg1[%get3A, %get3A_0, %get3A_1] : memref<1x1x640xi32, #tpu.memory_space<vmem>>, vector<1x1x640xi32>
    %get3A_3 = vector.shape_cast %get3A_2 : vector<1x1x640xi32> to vector<1x640xi32>
    %iota3A = tpu.iota {dimensions = array<i32: 0>} : vector<128x640xi32>
    %eq3A = vector.broadcast %get3A_3 : vector<1x640xi32> to vector<128x640xi32>
    %eq3A_4 = arith.cmpi eq, %iota3A, %eq3A : vector<128x640xi32>
    %convert_element_type3A = arith.extui %eq3A_4 : vector<128x640xi1> to vector<128x640xi32>
    %convert_element_type3A_5 = arith.sitofp %convert_element_type3A : vector<128x640xi32> to vector<128x640xf32>
    %get3A_6 = arith.constant 0 : index
    %get3A_7 = arith.constant 0 : index
    %get3A_8 = vector.load %arg2[%get3A_6, %get3A_7] : memref<640x128xf32, #tpu.memory_space<vmem>>, vector<640x128xf32>
    %dot_general3A = arith.constant dense<0.000000e+00> : vector<128x128xf32>
    %dot_general3A_9 = tpu.matmul %convert_element_type3A_5, %get3A_8, %dot_general3A {dimension_numbers = #tpu.dot_dimension_numbers<[1], [0], [0], [1], [0, 0, 1, 1], [], []>, precision = #tpu.contract_precision<fp32>, transpose_lhs_hint = false} : vector<128x640xf32>, vector<640x128xf32>, vector<128x128xf32> -> vector<128x128xf32>
    %eq3A_10 = arith.constant 0 : i32
    %eq3A_11 = arith.cmpi eq, %arg0, %eq3A_10 : i32
    %convert_element_type3A_12 = arith.extui %eq3A_11 : i1 to i32
    %cond3A = arith.constant 0 : i32
    %cond3A_13 = arith.cmpi ne, %convert_element_type3A_12, %cond3A : i32
    scf.if %cond3A_13 {
      %swap3A = arith.constant 0 : index
      %swap3A_18 = arith.constant 0 : index
      %swap3A_19 = vector.load %arg3[%swap3A, %swap3A_18] : memref<128x128xf32, #tpu.memory_space<vmem>>, vector<128x128xf32>
      tpu.vector_store %arg3[%swap3A, %swap3A_18], %dot_general3A_9 {strides = array<i32>} : memref<128x128xf32, #tpu.memory_space<vmem>>, vector<128x128xf32>,
    } else {
    }
    %ne3A = arith.constant 0 : i32
    %ne3A_14 = arith.cmpi ne, %arg0, %ne3A : i32
    %convert_element_type3A_15 = arith.extui %ne3A_14 : i1 to i32
    %cond3A_16 = arith.constant 0 : i32
    %cond3A_17 = arith.cmpi ne, %convert_element_type3A_15, %cond3A_16 : i32
    scf.if %cond3A_17 {
      %get3A_18 = arith.constant 0 : index
      %get3A_19 = arith.constant 0 : index
      %get3A_20 = vector.load %arg3[%get3A_18, %get3A_19] : memref<128x128xf32, #tpu.memory_space<vmem>>, vector<128x128xf32>
      %add3A = arith.addf %get3A_20, %dot_general3A_9 : vector<128x128xf32>
      %swap3A = arith.constant 0 : index
      %swap3A_21 = arith.constant 0 : index
      %swap3A_22 = vector.load %arg3[%swap3A, %swap3A_21] : memref<128x128xf32, #tpu.memory_space<vmem>>, vector<128x128xf32>
      tpu.vector_store %arg3[%swap3A, %swap3A_21], %add3A {strides = array<i32>} : memref<128x128xf32, #tpu.memory_space<vmem>>, vector<128x128xf32>,
    } else {
    }
    return
  }
  func.func @transform_0(%arg0: i32) -> (i32, i32, i32) {
    %c0_i32 = arith.constant 0 : i32
    %c0_i32_0 = arith.constant 0 : i32
    %c0_i32_1 = arith.constant 0 : i32
    return %arg0, %c0_i32, %c0_i32_0 : i32, i32, i32
  }
  func.func @transform_1(%arg0: i32) -> (i32, i32) {
    %c0_i32 = arith.constant 0 : i32
    %c0_i32_0 = arith.constant 0 : i32
    return %arg0, %c0_i32 : i32, i32
  }
  func.func @transform_2(%arg0: i32) -> (i32, i32) {
    %c0_i32 = arith.constant 0 : i32
    %c0_i32_0 = arith.constant 0 : i32
    %c0_i32_1 = arith.constant 0 : i32
    return %c0_i32, %c0_i32_0 : i32, i32
  }
}

</mosaic_0001>

<sc_bundles>
// kernel: kernel.16.cloned.1.call-start
scs
__scs_entry_jumppad:
0x0: {  	(pc) =	sbr.rel $0x88, $3  }
0x1: {  	(tag) =	ssettag $0x0;
	lr =	simm.s32 $0x1  }
0x2: {  	[smem:$0x3F98] =	sst lr;
	_ =	strace $0xD0000000  }
0x3: {  	_ = 	snop  }
0x4: {  	_ = 	snop  }
0x5: {  	_ = 	snop  }
0x6: {  	_ = 	snop  }
0x7: {  	_ = 	snop  }
__scs_overlays_trampoline_lowered:
0x8: {  	[smem:$0x3FA7] =	sst s0  }
0x9: {  	[smem:$0x3FA8] =	sst s1  }
0xa: {  	[smem:$0x3FA9] =	sst s2  }
0xb: {  	[smem:$0x3FAA] =	sst s3  }
0xc: {  	[smem:$0x3FAB] =	sst s4  }
0xd: {  	[smem:$0x3FAC] =	sst s5  }
0xe: {  	[smem:$0x3FAD] =	sst s6  }
0xf: {  	[smem:$0x3FAE] =	sst s7  }
0x10: {  	[smem:$0x3FAF] =	sst s8  }
0x11: {  	[smem:$0x3FB0] =	sst s9;
	s0 =	simm.s32 @!p0 $0x0  }
0x12: {  	s1 =	sld [smem:$0x3F96];
	s0 =	simm.s32 @p0 $0x1  }
0x13: {  	[smem:$0x3FB1] =	sst s0;
	s0 =	simm.s32 @!p1 $0x0  }
0x14: {  	s2 =	sld [smem:$0x3F95];
	s0 =	simm.s32 @p1 $0x1  }
0x15: {  	[smem:$0x3FB2] =	sst s0;
	s0 =	simm.s32 @!p2 $0x0  }
0x16: {  	s3 =	sld [smem:$0x3FDB];
	s0 =	simm.s32 @p2 $0x1  }
0x17: {  	s4 =	simm.s32 $0x1BF5;
	[smem:$0x3FB4] =	sst s0  }
0x18: {  	s0 =	sld [smem:$0x3F97];
	_ =	swait.ge [sflag:s4], $0x0  }
0x19: {  	s7 =	sld [smem:$0x3F98]  }
0x1a: {  	s8 =	sadd.s32 $0xFFFFE003, lr  }
0x1b: {  	s9 =	sadd.s32 $0xFFFFFEF7, lr;
	s5 =	simm.s32 $0xFFFFFFFF;
	p2 =	slt.u32 s8, $0xFFFFF086  }
0x1c: {  	p1 =	slt.u32 s9, $0xF7A;
	s5 =	simm.s32 @!p2 $0x0  }
0x1d: {  	s5 =	simm.s32 @p1 $0x1;
	p0 =	seq.s32 s7, s2  }
0x1e: {  	s7 =	smul.u32 @!p0 $0xF7A, s2;
	p2 =	seq.s32 @!p0 s5, $0x0  }
0x1f: {  	s9 =	smul.u32 $0xF7A, s1;
	s8 =	simm.s32 @!p0 $0x1BF5;
	p2 =	por !p2, p0  }
0x20: {  	[sflag:s8] =	ssyncset.s32 @!p0 $0xFFFFF086;
	s6 =	sadd.s32 @!p0 s3, s7;
	s7 =	simm.s32 @!p0 $0x108  }
0x21: {  	s3 =	sadd.s32 s3, s9;
	s6 =	sadd.s32 @!p0 $0x88, s6;
	s7 =	simm.s32 @p2 $0x1082  }
0x22: {  	[simem:s7], [sflag:s8] =	dma.local @!p0 [hbm:s6], $0xF7A  }
0x23: {  	s9 =	sor.u32 $0xD0000000, s2;
	s6 =	simm.s32 $0x108;
	_ =	swait.ge @!p0 [sflag:s8], $0x0  }
0x24: {  	s3 =	sadd.s32 $0x88, s3;
	s6 =	simm.s32 @!p1 $0x1082;
	[sflag:s4] =	ssyncset.s32 $0xFFFFF086  }
0x25: {  	[simem:s6], [sflag:s4] =	dma.local [hbm:s3], $0xF7A  }
0x26: {  	[smem:$0x3F98] =	sst s1;
	(tag) =	ssettag s2;
	_ =	strace s9  }
0x27: {  	s1 =	sld [smem:$0x3FA8]  }
0x28: {  	s2 =	sld [smem:$0x3FA9]  }
0x29: {  	s4 =	sld [smem:$0x3FAB]  }
0x2a: {  	p0 =	seq.s32 s5, $0x0;
	s5 =	sld [smem:$0x3FAC]  }
0x2b: {  	s6 =	sld [smem:$0x3FAD]  }
0x2c: {  	s7 =	sld [smem:$0x3FAE]  }
0x2d: {  	s3 =	simm.s32 $0x108;
	s8 =	sld [smem:$0x3FAF]  }
0x2e: {  	s3 =	simm.s32 @!p0 $0x1082;
	s9 =	sld [smem:$0x3FB0]  }
0x2f: {  	lr =	sadd.s32 s0, s3;
	s0 =	sld [smem:$0x3FA7]  }
0x30: {  	s3 =	sld [smem:$0x3FAA]  }
0x31: {  	[smem:$0x3FB3] =	sst s10  }
0x32: {  	s10 =	sld [smem:$0x3FB1];
	_ =	sdelay $0x3  }
0x33: {  	p0 =	seq.s32 s10, $0x1;
	s10 =	sld [smem:$0x3FB3];
	_ =	sdelay $0x3  }
0x34: {  	[smem:$0x3FB3] =	sst s10  }
0x35: {  	s10 =	sld [smem:$0x3FB2];
	_ =	sdelay $0x3  }
0x36: {  	p1 =	seq.s32 s10, $0x1;
	s10 =	sld [smem:$0x3FB3];
	_ =	sdelay $0x3  }
0x37: {  	[smem:$0x3FB3] =	sst s10  }
0x38: {  	s10 =	sld [smem:$0x3FB4]  }
0x39: {  	_ = 	snop;
	(pc) =	sbr.ind lr, $3  }
0x3a: {  	_ = 	snop  }
0x3b: {  	_ = 	snop  }
0x3c: {  	p2 =	seq.s32 s10, $0x1;
	s10 =	sld [smem:$0x3FB3]  }
0x3d: {  	_ =	shalt  }
0x3e: {  	_ =	shalt  }
0x3f: {  	_ =	shalt  }
0x40: {  	_ =	shalt  }
0x41: {  	_ =	shalt  }
0x42: {  	_ =	shalt  }
0x43: {  	_ =	shalt  }
0x44: {  	_ =	shalt  }
0x45: {  	_ =	shalt  }
0x46: {  	_ =	shalt  }
0x47: {  	_ =	shalt  }
0x48: {  	_ =	shalt  }
0x49: {  	_ =	shalt  }
0x4a: {  	_ =	shalt  }
0x4b: {  	_ =	shalt  }
0x4c: {  	_ =	shalt  }
0x4d: {  	_ =	shalt  }
0x4e: {  	_ =	shalt  }
0x4f: {  	_ =	shalt  }
0x50: {  	_ =	shalt  }
0x51: {  	_ =	shalt  }
0x52: {  	_ =	shalt  }
0x53: {  	_ =	shalt  }
0x54: {  	_ =	shalt  }
0x55: {  	_ =	shalt  }
0x56: {  	_ =	shalt  }
0x57: {  	_ =	shalt  }
0x58: {  	_ =	shalt  }
0x59: {  	_ =	shalt  }
0x5a: {  	_ =	shalt  }
0x5b: {  	_ =	shalt  }
0x5c: {  	_ =	shalt  }
0x5d: {  	_ =	shalt  }
0x5e: {  	_ =	shalt  }
0x5f: {  	_ =	shalt  }
0x60: {  	_ =	shalt  }
0x61: {  	_ =	shalt  }
0x62: {  	_ =	shalt  }
0x63: {  	_ =	shalt  }
0x64: {  	_ =	shalt  }
0x65: {  	_ =	shalt  }
0x66: {  	_ =	shalt  }
0x67: {  	_ =	shalt  }
0x68: {  	_ =	shalt  }
0x69: {  	_ =	shalt  }
0x6a: {  	_ =	shalt  }
0x6b: {  	_ =	shalt  }
0x6c: {  	_ =	shalt  }
0x6d: {  	_ =	shalt  }
0x6e: {  	_ =	shalt  }
0x6f: {  	_ =	shalt  }
0x70: {  	_ =	shalt  }
0x71: {  	_ =	shalt  }
0x72: {  	_ =	shalt  }
0x73: {  	_ =	shalt  }
0x74: {  	_ =	shalt  }
0x75: {  	_ =	shalt  }
0x76: {  	_ =	shalt  }
0x77: {  	_ =	shalt  }
0x78: {  	_ =	shalt  }
0x79: {  	_ =	shalt  }
0x7a: {  	_ =	shalt  }
0x7b: {  	_ =	shalt  }
0x7c: {  	_ =	shalt  }
0x7d: {  	_ =	shalt  }
0x7e: {  	_ =	shalt  }
0x7f: {  	_ =	shalt  }
0x80: {  	_ =	shalt  }
0x81: {  	_ =	shalt  }
0x82: {  	_ =	shalt  }
0x83: {  	_ =	shalt  }
0x84: {  	_ =	shalt  }
0x85: {  	_ =	shalt  }
0x86: {  	_ =	shalt  }
0x87: {  	_ =	shalt  }
.Lfunc_end0:
.L_simem_size_0:
called_computation_lowered:
.L_overlay_start_0:
0x88: {  	s2 =	sld [smem:$0x3FD9]  }
0x89: {  	s3 =	sld [smem:$0x3FFE];
	_ =	sdelay $0x1  }
0x8a: {  	s1 =	srdreg.scid  }
0x8b: {  	s0 =	sand.u32 $0x1, s1  }
0x8c: {  	s17 =	sshll.u32 s0, $0xA;
	s2 =	sadd.s32 s3, s2  }
0x8d: {  	s2 =	sadd.s32 s2, s17  }
0x8e: {  	[smem:$0x3FBF] =	sst s2  }
0x8f: {  	_ = 	snop  }
0x90: {  	s2 =	sld [smem:$0x3FD0];
	(tm) =	ssettm $0x1  }
0x91: {  	s18 =	sld [smem:$0x3FFB];
	_ =	sdelay $0x3  }
0x92: {  	_ =	strace s18  }
0x93: {  	s3 =	sld [smem:$0x3FFC];
	_ =	sdelay $0x3  }
0x94: {  	_ =	strace s3  }
0x95: {  	s3 =	sld [smem:$0x3FFD];
	_ =	sdelay $0x3  }
0x96: {  	_ =	strace s3  }
0x97: {  	_ =	strace $0x8FFFFFFF  }
0x98: {  	s19 =	sld [smem:$0x3FDB];
	_ =	sdelay $0x1  }
0x99: {  	s4 =	simm.s32 $_scs_section_size  }
0x9a: {  	s5 =	simm.s32 $_size__tile_overlayer_lowered;
	s6 =	simm.s32 $_tile_overlayer_lowered  }
0x9b: {  	s22 =	simm.s32 $0x1BFF;
	s21 =	sshll.u32 s6, $0x1;
	s3 =	sadd.s32 s4, s19  }
0x9c: {  	s7 =	simm.s32 $0x0;
	s20 =	sshll.u32 s5, $0x1;
	s5 =	sadd.s32 s21, s3  }
0x9d: {  	[timem:s7], [sflag:s22] =	dma.local [hbm:s5], s20  }
0x9e: {  	_ =	swait.ge [sflag:s22], s20  }
0x9f: {  	s4 =	ssub.s32 $0x0, s20;
	[sflag:s22] =	ssyncset.done $0x0  }
0xa0: {  	[sflag:s22] =	ssyncadd.s32 s4;
	_ =	sdelay $0x1  }
0xa1: {  	s23 =	simm.s32 $0x1B8B  }
0xa2: {  	_ =	swait.ge [sflag:s23], $0x1  }
0xa3: {  	[sflag:s23] =	ssyncset.done $0x0  }
0xa4: {  	s25 =	simm.s32 $0x1B8E;
	s24 =	sld [smem:$0x3FFE];
	[sflag:s23] =	ssyncadd.s32 $0xFFFFFFFF  }
0xa5: {  	s26 =	simm.s32 $execute0_lowered;
	[smem:$0x3FD2] =	sst s25  }
0xa6: {  	s5 =	sshll.u32 s26, $0x1;
	_ =	strace $0x80000046;
	[dreg:$0x1] =	wrdreg $0xFFFFFFFF  }
0xa7: {  	s28 =	simm.s32 $_size_execute0_lowered;
	s3 =	sadd.s32 s3, s5;
	[dreg:$0x0] =	wrdreg $0x0  }
0xa8: {  	s5 =	sshll.u32 s28, $0x1;
	[dreg:$0x2] =	wrdreg s3  }
0xa9: {  	[dreg:$0x3] =	wrdreg s5  }
0xaa: {  	[dreg:$0x4] =	wrdreg $0xC0  }
0xab: {  	_ =	task [dreg:s7], $0x5FFFF  }
0xac: {  	[dreg:$0x1] =	wrdreg $0xFFFFFFFF  }
0xad: {  	[dreg:$0x0] =	wrdreg $0x60  }
0xae: {  	[dreg:$0x2] =	wrdreg s24  }
0xaf: {  	[dreg:$0x3] =	wrdreg s2  }
0xb0: {  	[dreg:$0x4] =	wrdreg $0x68000  }
0xb1: {  	[dreg:$0x5] =	wrdreg $0x9  }
0xb2: {  	_ =	task.clear_ibuf [dreg:s7], $0x6FFFF;
	_ =	strace $0x90000046  }
0xb3: {  	s29 =	simm.s32 $0x9;
	_ =	strace $0x80000048  }
0xb4: {  	_ =	swait.ge [sflag:s29], $0x1  }
0xb5: {  	[sflag:s29] =	ssyncadd.s32 $0xFFFFFFFF  }
0xb6: {  	_ =	strace $0x90000048  }
0xb7: {  	_ =	sfence  }
0xb8: {  	s30 =	sld [smem:$0x0];
	_ =	sdelay $0x2  }
0xb9: {  	s31 =	sshll.u32 s1, $0xD;
	s1 =	sshrl.u32 s1, $0x2  }
0xba: {  	s3 =	sand.u32 $0x4000, s31;
	s1 =	sadd.s32 s1, s30  }
0xbb: {  	s0 =	sor.u32 s3, s0;
	s1 =	sshll.u32 s1, $0x11  }
0xbc: {  	s0 =	sor.u32 s1, s0  }
0xbd: {  	s0 =	sadd.s32 $0x8F2B, s0  }
0xbe: {  	[sflag:s0] =	ssyncadd.remote.s32 $0x1  }
0xbf: {  	_ =	sfence.sel $0xFFFF  }
0xc0: {  	[dreg:$0x0] =	wrdreg $0xFFFFFFFF;
	(pc) =	sbr.abs _section_cstart, $3  }
0xc1: {  	[dreg:$0x1] =	wrdreg $0xFFFFFFFF  }
0xc2: {  	_ =	task.clear_ibuf [dreg:s7], $0x2FFFF;
	_ =	strace $0x9FFFFFFF  }
0xc3: {  	(tm) =	ssettm $0x7FFFFFFF  }
tec
execute0_lowered:
.L_overlay_start_1:
0x0: {  	(tag) =	ssettag $0x1  }
0x1: {  	s0 =	rddreg [dreg:$0x0]  }
0x2: {  	s2 =	rddreg [dreg:$0x2];
	s1 =	srdreg.scid  }
0x3: {  	s5 =	simm.s32 $0x0;
	s3 =	stileid.u32;
	s21 =	simm.s32 $0x2800  }
0x4: {  	s22 =	simm.s32 $0x3;
	s23 =	simm.s32 $0x1400;
	s28 =	simm.s32 $0x2  }
0x5: {  	s29 =	simm.s32 $0x1380;
	s30 =	simm.s32 $0x2700;
	s8 =	smul.u32 $0x14000, s3  }
0x6: {  	s31 =	simm.s32 $0x2780;
	s1 =	sand.u32 $0x1, s1;
	s9 =	smul.u32 $0x50000, s3  }
0x7: {  	[smem:$0x7FF] =	sst s5;
	s5 =	sadd.s32 $0x2BC00, s0;
	s10 =	smul.u32 $0x28, s3  }
0x8: {  	s6 =	sadd.s32 $0x3C00, s0;
	s7 =	sadd.s32 $0x17C00, s0;
	s11 =	smul.u32 $0x118, s3  }
0x9: {  	s4 =	smul.u32 $0x140000, s1;
	_ =	strace $0x80000047;
	s24 =	ssub.s32 $0x2, s1  }
0xa: {  	p0 =	seq.s32 s1, $0x0;
	s25 =	sshrl.u32 s24, $0x1;
	s26 =	sshrl.u32 s9, $0x2  }
0xb: {  	s9 =	sadd.s32 $0x1180, s10;
	s4 =	sadd.s32 s8, s4;
	s8 =	sadd.s32 s26, s2  }
0xc: {  	s9 =	smov.u32 @p0 s11;
	p0 =	sne.s32 s1, $0x0;
	s26 =	simm.s32 $0x4800  }
0xd: {  	s4 =	sshrl.u32 s4, $0x3;
	s12 =	sadd.s32 $0x2000, s8;
	s13 =	sadd.s32 $0x4000, s8  }
0xe: {  	s14 =	sadd.s32 $0x6000, s8;
	s15 =	sadd.s32 $0x8000, s8;
	s16 =	sadd.s32 $0xA000, s8  }
0xf: {  	s17 =	sadd.s32 $0xC000, s8;
	s18 =	sadd.s32 $0xE000, s8;
	s19 =	sadd.s32 $0x10000, s8  }
0x10: {  	s20 =	sadd.s32 $0x12000, s8;
	s0 =	sadd.s32 s4, s0;
	s4 =	ssub.s32 s24, s25  }
0x11: {  	s24 =	simm.s32 $0x40;
	s25 =	simm.s32 $0x1;
	s0 =	sadd.s32 $0xCBC00, s0  }
0x12: {  	s11 =	smax.u32 s4, $0x1;
	[dreg:$0x4] =	wrdreg s0;
	s0 =	simm.s32 $0x0  }
.LBB2_1:
0x13: {  	s1 =	rddreg [dreg:$0x1];
	s3 =	simm.s32 $0x0  }
0x14: {  	[tilespmem:s21], [sflag:$0x3] =	stream.linear.gather [hbm4b:s1+s3], $0x2000, $0x38;
	[tilespmem:$0x1A800] =	vst v63  }
0x15: {  	_ =	swait.ge [sflag:s22], $0x2000  }
0x16: {  	[sflag:s22] =	ssyncset.done $0x0  }
0x17: {  	[sflag:s22] =	ssyncadd.s32 $0xFFFFE000  }
0x18: {  	[spmem:s8] =	stream.linear.scatter [tilespmem:s21], [sflag:$0x3], $0x2000, $0x38;
	[tilespmem:$0x1A800] =	vst v63  }
0x19: {  	_ =	swait.ge [sflag:s22], $0x2000  }
0x1a: {  	[sflag:s22] =	ssyncset.done $0x0  }
0x1b: {  	[sflag:s22] =	ssyncadd.s32 $0xFFFFE000  }
0x1c: {  	[spmem:s12] =	stream.linear.scatter [tilespmem:s21], [sflag:$0x3], $0x2000, $0x38;
	[tilespmem:$0x1A800] =	vst v63  }
0x1d: {  	_ =	swait.ge [sflag:s22], $0x2000  }
0x1e: {  	[sflag:s22] =	ssyncset.done $0x0  }
0x1f: {  	[sflag:s22] =	ssyncadd.s32 $0xFFFFE000  }
0x20: {  	[spmem:s13] =	stream.linear.scatter [tilespmem:s21], [sflag:$0x3], $0x2000, $0x38;
	[tilespmem:$0x1A800] =	vst v63  }
0x21: {  	_ =	swait.ge [sflag:s22], $0x2000  }
0x22: {  	[sflag:s22] =	ssyncset.done $0x0  }
0x23: {  	[sflag:s22] =	ssyncadd.s32 $0xFFFFE000  }
0x24: {  	[spmem:s14] =	stream.linear.scatter [tilespmem:s21], [sflag:$0x3], $0x2000, $0x38;
	[tilespmem:$0x1A800] =	vst v63  }
0x25: {  	_ =	swait.ge [sflag:s22], $0x2000  }
0x26: {  	[sflag:s22] =	ssyncset.done $0x0  }
0x27: {  	[sflag:s22] =	ssyncadd.s32 $0xFFFFE000  }
0x28: {  	[spmem:s15] =	stream.linear.scatter [tilespmem:s21], [sflag:$0x3], $0x2000, $0x38;
	[tilespmem:$0x1A800] =	vst v63  }
0x29: {  	_ =	swait.ge [sflag:s22], $0x2000  }
0x2a: {  	[sflag:s22] =	ssyncset.done $0x0  }
0x2b: {  	[sflag:s22] =	ssyncadd.s32 $0xFFFFE000  }
0x2c: {  	[spmem:s16] =	stream.linear.scatter [tilespmem:s21], [sflag:$0x3], $0x2000, $0x38;
	[tilespmem:$0x1A800] =	vst v63  }
0x2d: {  	_ =	swait.ge [sflag:s22], $0x2000  }
0x2e: {  	[sflag:s22] =	ssyncset.done $0x0  }
0x2f: {  	[sflag:s22] =	ssyncadd.s32 $0xFFFFE000  }
0x30: {  	[spmem:s17] =	stream.linear.scatter [tilespmem:s21], [sflag:$0x3], $0x2000, $0x38;
	[tilespmem:$0x1A800] =	vst v63  }
0x31: {  	_ =	swait.ge [sflag:s22], $0x2000  }
0x32: {  	[sflag:s22] =	ssyncset.done $0x0  }
0x33: {  	[sflag:s22] =	ssyncadd.s32 $0xFFFFE000  }
0x34: {  	[spmem:s18] =	stream.linear.scatter [tilespmem:s21], [sflag:$0x3], $0x2000, $0x38;
	[tilespmem:$0x1A800] =	vst v63  }
0x35: {  	_ =	swait.ge [sflag:s22], $0x2000  }
0x36: {  	[sflag:s22] =	ssyncset.done $0x0  }
0x37: {  	[sflag:s22] =	ssyncadd.s32 $0xFFFFE000  }
0x38: {  	[spmem:s19] =	stream.linear.scatter [tilespmem:s21], [sflag:$0x3], $0x2000, $0x38;
	[tilespmem:$0x1A800] =	vst v63  }
0x39: {  	_ =	swait.ge [sflag:s22], $0x2000  }
0x3a: {  	[sflag:s22] =	ssyncset.done $0x0  }
0x3b: {  	[sflag:s22] =	ssyncadd.s32 $0xFFFFE000  }
0x3c: {  	[spmem:s20] =	stream.linear.scatter [tilespmem:s21], [sflag:$0x3], $0x2000, $0x38;
	[tilespmem:$0x1A800] =	vst v63  }
0x3d: {  	_ =	swait.ge [sflag:s22], $0x2000  }
0x3e: {  	[sflag:s22] =	ssyncset.done $0x0  }
0x3f: {  	[sflag:s22] =	ssyncadd.s32 $0xFFFFE000  }
0x40: {  	s1 =	simm.s32 $0x0;
	[bflag:$0x0] =	sbarrier.arrive $0xFFFF  }
.LBB2_2:
0x41: {  	s4 =	smul.u32 $0x28, s1;
	_ =	sdelay $0x1  }
0x42: {  	s4 =	sadd.s32 s9, s4  }
0x43: {  	s4 =	sshll.u32 s4, $0x4  }
0x44: {  	s10 =	simm.s32 $0x0;
	s3 =	sadd.s32 s6, s4  }
0x45: {  	[tilespmem:s10], [sflag:$0x3] =	stream.linear.gather [hbm4b:s3+s10], $0x1400, $0x38;
	[tilespmem:$0x1A800] =	vst v63  }
0x46: {  	_ =	swait.ge [sflag:s22], $0x1400  }
0x47: {  	[sflag:s22] =	ssyncset.done $0x0  }
0x48: {  	s4 =	sadd.s32 s7, s4;
	[sflag:s22] =	ssyncadd.s32 $0xFFFFEC00  }
0x49: {  	[tilespmem:s23], [sflag:$0x3] =	stream.linear.gather [hbm4b:s4+s10], $0x1400, $0x38;
	[tilespmem:$0x1A800] =	vst v63  }
0x4a: {  	_ =	swait.ge [sflag:s22], $0x1400  }
0x4b: {  	[sflag:s22] =	ssyncset.done $0x0  }
0x4c: {  	[sflag:s22] =	ssyncadd.s32 $0xFFFFEC00  }
0x4d: {  	[tilespmem:s21], [sflag:$0x1] =	stream.indirect.gather [hbm4b:s5+s24], $0x80, s10, s24, $0xb8;
	[tilespmem:$0x1A800] =	vst v63  }
0x4e: {  	_ =	swait.ge [sflag:s25], $0x2000  }
0x4f: {  	[sflag:s25] =	ssyncset.done $0x0  }
0x50: {  	s4 =	simm.s32 $0x80;
	[sflag:s25] =	ssyncadd.s32 $0xFFFFE000  }
0x51: {  	[tilespmem:s26], [sflag:$0x2] =	stream.indirect.gather [hbm4b:s5+s24], $0x80, s4, s24, $0xb8;
	[tilespmem:$0x1A800] =	vst v63  }
0x52: {  	s10 =	simm.s32 $0x1400  }
0x53: {  	[spmem:s2] =	stream.indirect.scatter.add.f32 [tilespmem:s21], [sflag:$0x3], $0x80, s10, s24, $0xb8;
	[tilespmem:$0x1A800] =	vst v63  }
0x54: {  	_ =	swait.ge [sflag:s22], $0x2000  }
0x55: {  	[sflag:s22] =	ssyncset.done $0x0  }
0x56: {  	[sflag:s22] =	ssyncadd.s32 $0xFFFFE000  }
0x57: {  	_ =	swait.ge [sflag:s28], $0x2000  }
0x58: {  	[sflag:s28] =	ssyncset.done $0x0  }
0x59: {  	s4 =	simm.s32 $0x100;
	[sflag:s28] =	ssyncadd.s32 $0xFFFFE000  }
0x5a: {  	[tilespmem:s21], [sflag:$0x1] =	stream.indirect.gather [hbm4b:s5+s24], $0x80, s4, s24, $0xb8;
	[tilespmem:$0x1A800] =	vst v63  }
0x5b: {  	s10 =	simm.s32 $0x1480  }
0x5c: {  	[spmem:s2] =	stream.indirect.scatter.add.f32 [tilespmem:s26], [sflag:$0x3], $0x80, s10, s24, $0xb8;
	[tilespmem:$0x1A800] =	vst v63  }
0x5d: {  	_ =	swait.ge [sflag:s22], $0x2000  }
0x5e: {  	s4 =	simm.s32 $0x400;
	[sflag:s22] =	ssyncset.done $0x0  }
.LBB2_3:
0x5f: {  	p1 =	sne.s32 s4, $0x4800  }
0x60: {  	[sflag:s22] =	ssyncadd.s32 $0xFFFFE000;
	s3 =	smov.u32 s4;
	s4 =	sadd.s32 $0x400, s4  }
0x61: {  	_ = 	snop  }
0x62: {  	_ =	swait.ge [sflag:s25], $0x2000  }
0x63: {  	s3 =	sshra.s32 s3, $0x2;
	[sflag:s25] =	ssyncset.done $0x0  }
0x64: {  	s10 =	sadd.s32 $0x80, s3;
	[sflag:s25] =	ssyncadd.s32 $0xFFFFE000  }
0x65: {  	[tilespmem:s26], [sflag:$0x2] =	stream.indirect.gather [hbm4b:s5+s24], $0x80, s10, s24, $0xb8;
	[tilespmem:$0x1A800] =	vst v63  }
0x66: {  	s10 =	sadd.s32 $0x1400, s3  }
0x67: {  	[spmem:s2] =	stream.indirect.scatter.add.f32 [tilespmem:s21], [sflag:$0x3], $0x80, s10, s24, $0xb8;
	[tilespmem:$0x1A800] =	vst v63  }
0x68: {  	_ =	swait.ge [sflag:s22], $0x2000  }
0x69: {  	[sflag:s22] =	ssyncset.done $0x0  }
0x6a: {  	[sflag:s22] =	ssyncadd.s32 $0xFFFFE000  }
0x6b: {  	_ =	swait.ge [sflag:s28], $0x2000  }
0x6c: {  	[sflag:s28] =	ssyncset.done $0x0  }
0x6d: {  	s10 =	sadd.s32 $0x100, s3;
	[sflag:s28] =	ssyncadd.s32 $0xFFFFE000  }
0x6e: {  	[tilespmem:s21], [sflag:$0x1] =	stream.indirect.gather [hbm4b:s5+s24], $0x80, s10, s24, $0xb8;
	[tilespmem:$0x1A800] =	vst v63  }
.Ltmp0:
0x6f: {  	_ = 	snop;
	(pc) =	sbr.rel @p1 .LBB2_3-.Ltmp0, $4  }
0x70: {  	s3 =	sadd.s32 $0x1480, s3  }
0x71: {  	[spmem:s2] =	stream.indirect.scatter.add.f32 [tilespmem:s26], [sflag:$0x3], $0x80, s3, s24, $0xb8;
	[tilespmem:$0x1A800] =	vst v63  }
0x72: {  	_ =	swait.ge [sflag:s22], $0x2000  }
0x73: {  	[sflag:s22] =	ssyncset.done $0x0  }
0x74: {  	[sflag:s22] =	ssyncadd.s32 $0xFFFFE000  }
0x75: {  	_ =	swait.ge [sflag:s25], $0x2000  }
0x76: {  	[sflag:s25] =	ssyncset.done $0x0  }
0x77: {  	[sflag:s25] =	ssyncadd.s32 $0xFFFFE000  }
0x78: {  	[tilespmem:s26], [sflag:$0x2] =	stream.indirect.gather [hbm4b:s5+s24], $0x80, s29, s24, $0xb8;
	[tilespmem:$0x1A800] =	vst v63  }
0x79: {  	_ = 	snop  }
0x7a: {  	[spmem:s2] =	stream.indirect.scatter.add.f32 [tilespmem:s21], [sflag:$0x3], $0x80, s30, s24, $0xb8;
	[tilespmem:$0x1A800] =	vst v63  }
0x7b: {  	_ =	swait.ge [sflag:s22], $0x2000  }
0x7c: {  	[sflag:s22] =	ssyncset.done $0x0  }
0x7d: {  	[sflag:s22] =	ssyncadd.s32 $0xFFFFE000  }
0x7e: {  	p1 =	slt.u32 @!p0 s1, $0x6;
	_ =	swait.ge [sflag:s28], $0x2000  }
0x7f: {  	p1 =	por p0, !p1;
	[sflag:s28] =	ssyncset.done $0x0  }
.Ltmp1:
0x80: {  	[sflag:s28] =	ssyncadd.s32 $0xFFFFE000;
	(pc) =	sbr.rel @!p1 .LBB2_2-.Ltmp1, $4  }
0x81: {  	[spmem:s2] =	stream.indirect.scatter.add.f32 [tilespmem:s26], [sflag:$0x3], $0x80, s31, s24, $0xb8;
	[tilespmem:$0x1A800] =	vst v63  }
0x82: {  	_ =	swait.ge [sflag:s22], $0x2000  }
0x83: {  	[sflag:s22] =	ssyncset.done $0x0  }
0x84: {  	s1 =	sadd.s32 $0x1, s1;
	[sflag:s22] =	ssyncadd.s32 $0xFFFFE000  }
0x85: {  	s1 =	stileid.u32;
	[bflag:$0x0] =	sbarrier.arrive $0xFFFF;
	s0 =	sadd.s32 $0x1, s0  }
0x86: {  	s3 =	sshrl.u32 s8, $0x3;
	s1 =	sshll.u32 s1, $0x6;
	p1 =	sne.s32 s0, s11  }
.Ltmp2:
0x87: {  	s4 =	rddreg [dreg:$0x4];
	s1 =	sor.u32 $0x1C03, s1;
	(pc) =	sbr.rel @p1 .LBB2_1-.Ltmp2, $4  }
0x88: {  	[hbm:s4], [sflag:s1] =	dma.local [spmem:s3], $0x2800  }
0x89: {  	_ =	swait.ge [sflag:s22], $0x2800  }
0x8a: {  	[sflag:s22] =	ssyncset.done $0x0  }
0x8b: {  	[sflag:s22] =	ssyncadd.s32 $0xFFFFD800  }
0x8c: {  	_ =	sfence.sel $0x180000  }
0x8d: {  	[bflag:$0x0] =	sbarrier.arrive $0xFFFF  }
0x8e: {  	_ =	strace $0x90000047  }
0x8f: {  	s0 =	stileid.u32;
	[bflag:$0x2] =	sbarrier.arrive $0xFFFF  }
0x90: {  	p0 =	sne.s32 s0, $0x0;
	s0 =	rddreg [dreg:$0x3]  }
0x91: {  	s0 =	sadd.s32 @!p0 $0x100000, s0  }
0x92: {  	[sflag:s0] =	ssyncadd.tile.s32 @!p0 $0x1;
	_ =	shalt  }
.Lfunc_end2:
_tile_overlayer_lowered:
.L_overlay_start_2:
0x93: {  	(tag) =	ssettag $0x2  }
0x94: {  	s0 =	rddreg [dreg:$0x0];
	s2 =	stileid.u32  }
0x95: {  	s1 =	rddreg [dreg:$0x1];
	p0 =	sne.s32 s2, $0x0  }
0x96: {  	s3 =	rddreg [dreg:$0x2];
	[bflag:$0x3] =	sbarrier.arrive $0xFFFF;
	s2 =	simm.s32 @!p0 $0x1C03  }
0x97: {  	[timem:s3], [sflag:s2] =	dma.local @!p0 [hbm:s0], s1  }
0x98: {  	s0 =	simm.s32 @!p0 $0x3  }
0x99: {  	_ =	swait.ge @!p0 [sflag:s0], s1  }
0x9a: {  	s1 =	ssub.s32 @!p0 $0x0, s1;
	[sflag:s0] =	ssyncset.done @!p0 $0x0  }
0x9b: {  	[sflag:s0] =	ssyncadd.s32 @!p0 s1  }
0x9c: {  	[bflag:$0x3] =	sbarrier.arrive $0xFFFF  }
0x9d: {  	_ =	shalt  }

// kernel: kernel.19.cloned.1.call-start
scs
__scs_entry_jumppad:
0x0: {  	(pc) =	sbr.rel $0x88, $3  }
0x1: {  	(tag) =	ssettag $0x0;
	lr =	simm.s32 $0x1  }
0x2: {  	[smem:$0x3F98] =	sst lr;
	_ =	strace $0xD0000000  }
0x3: {  	_ = 	snop  }
0x4: {  	_ = 	snop  }
0x5: {  	_ = 	snop  }
0x6: {  	_ = 	snop  }
0x7: {  	_ = 	snop  }
__scs_overlays_trampoline_lowered:
0x8: {  	[smem:$0x3FA7] =	sst s0  }
0x9: {  	[smem:$0x3FA8] =	sst s1  }
0xa: {  	[smem:$0x3FA9] =	sst s2  }
0xb: {  	[smem:$0x3FAA] =	sst s3  }
0xc: {  	[smem:$0x3FAB] =	sst s4  }
0xd: {  	[smem:$0x3FAC] =	sst s5  }
0xe: {  	[smem:$0x3FAD] =	sst s6  }
0xf: {  	[smem:$0x3FAE] =	sst s7  }
0x10: {  	[smem:$0x3FAF] =	sst s8  }
0x11: {  	[smem:$0x3FB0] =	sst s9;
	s0 =	simm.s32 @!p0 $0x0  }
0x12: {  	s1 =	sld [smem:$0x3F96];
	s0 =	simm.s32 @p0 $0x1  }
0x13: {  	[smem:$0x3FB1] =	sst s0;
	s0 =	simm.s32 @!p1 $0x0  }
0x14: {  	s2 =	sld [smem:$0x3F95];
	s0 =	simm.s32 @p1 $0x1  }
0x15: {  	[smem:$0x3FB2] =	sst s0;
	s0 =	simm.s32 @!p2 $0x0  }
0x16: {  	s3 =	sld [smem:$0x3FDB];
	s0 =	simm.s32 @p2 $0x1  }
0x17: {  	s4 =	simm.s32 $0x1BF5;
	[smem:$0x3FB4] =	sst s0  }
0x18: {  	s0 =	sld [smem:$0x3F97];
	_ =	swait.ge [sflag:s4], $0x0  }
0x19: {  	s7 =	sld [smem:$0x3F98]  }
0x1a: {  	s8 =	sadd.s32 $0xFFFFE003, lr  }
0x1b: {  	s9 =	sadd.s32 $0xFFFFFEF7, lr;
	s5 =	simm.s32 $0xFFFFFFFF;
	p2 =	slt.u32 s8, $0xFFFFF086  }
0x1c: {  	p1 =	slt.u32 s9, $0xF7A;
	s5 =	simm.s32 @!p2 $0x0  }
0x1d: {  	s5 =	simm.s32 @p1 $0x1;
	p0 =	seq.s32 s7, s2  }
0x1e: {  	s7 =	smul.u32 @!p0 $0xF7A, s2;
	p2 =	seq.s32 @!p0 s5, $0x0  }
0x1f: {  	s9 =	smul.u32 $0xF7A, s1;
	s8 =	simm.s32 @!p0 $0x1BF5;
	p2 =	por !p2, p0  }
0x20: {  	[sflag:s8] =	ssyncset.s32 @!p0 $0xFFFFF086;
	s6 =	sadd.s32 @!p0 s3, s7;
	s7 =	simm.s32 @!p0 $0x108  }
0x21: {  	s3 =	sadd.s32 s3, s9;
	s6 =	sadd.s32 @!p0 $0x88, s6;
	s7 =	simm.s32 @p2 $0x1082  }
0x22: {  	[simem:s7], [sflag:s8] =	dma.local @!p0 [hbm:s6], $0xF7A  }
0x23: {  	s9 =	sor.u32 $0xD0000000, s2;
	s6 =	simm.s32 $0x108;
	_ =	swait.ge @!p0 [sflag:s8], $0x0  }
0x24: {  	s3 =	sadd.s32 $0x88, s3;
	s6 =	simm.s32 @!p1 $0x1082;
	[sflag:s4] =	ssyncset.s32 $0xFFFFF086  }
0x25: {  	[simem:s6], [sflag:s4] =	dma.local [hbm:s3], $0xF7A  }
0x26: {  	[smem:$0x3F98] =	sst s1;
	(tag) =	ssettag s2;
	_ =	strace s9  }
0x27: {  	s1 =	sld [smem:$0x3FA8]  }
0x28: {  	s2 =	sld [smem:$0x3FA9]  }
0x29: {  	s4 =	sld [smem:$0x3FAB]  }
0x2a: {  	p0 =	seq.s32 s5, $0x0;
	s5 =	sld [smem:$0x3FAC]  }
0x2b: {  	s6 =	sld [smem:$0x3FAD]  }
0x2c: {  	s7 =	sld [smem:$0x3FAE]  }
0x2d: {  	s3 =	simm.s32 $0x108;
	s8 =	sld [smem:$0x3FAF]  }
0x2e: {  	s3 =	simm.s32 @!p0 $0x1082;
	s9 =	sld [smem:$0x3FB0]  }
0x2f: {  	lr =	sadd.s32 s0, s3;
	s0 =	sld [smem:$0x3FA7]  }
0x30: {  	s3 =	sld [smem:$0x3FAA]  }
0x31: {  	[smem:$0x3FB3] =	sst s10  }
0x32: {  	s10 =	sld [smem:$0x3FB1];
	_ =	sdelay $0x3  }
0x33: {  	p0 =	seq.s32 s10, $0x1;
	s10 =	sld [smem:$0x3FB3];
	_ =	sdelay $0x3  }
0x34: {  	[smem:$0x3FB3] =	sst s10  }
0x35: {  	s10 =	sld [smem:$0x3FB2];
	_ =	sdelay $0x3  }
0x36: {  	p1 =	seq.s32 s10, $0x1;
	s10 =	sld [smem:$0x3FB3];
	_ =	sdelay $0x3  }
0x37: {  	[smem:$0x3FB3] =	sst s10  }
0x38: {  	s10 =	sld [smem:$0x3FB4]  }
0x39: {  	_ = 	snop;
	(pc) =	sbr.ind lr, $3  }
0x3a: {  	_ = 	snop  }
0x3b: {  	_ = 	snop  }
0x3c: {  	p2 =	seq.s32 s10, $0x1;
	s10 =	sld [smem:$0x3FB3]  }
0x3d: {  	_ =	shalt  }
0x3e: {  	_ =	shalt  }
0x3f: {  	_ =	shalt  }
0x40: {  	_ =	shalt  }
0x41: {  	_ =	shalt  }
0x42: {  	_ =	shalt  }
0x43: {  	_ =	shalt  }
0x44: {  	_ =	shalt  }
0x45: {  	_ =	shalt  }
0x46: {  	_ =	shalt  }
0x47: {  	_ =	shalt  }
0x48: {  	_ =	shalt  }
0x49: {  	_ =	shalt  }
0x4a: {  	_ =	shalt  }
0x4b: {  	_ =	shalt  }
0x4c: {  	_ =	shalt  }
0x4d: {  	_ =	shalt  }
0x4e: {  	_ =	shalt  }
0x4f: {  	_ =	shalt  }
0x50: {  	_ =	shalt  }
0x51: {  	_ =	shalt  }
0x52: {  	_ =	shalt  }
0x53: {  	_ =	shalt  }
0x54: {  	_ =	shalt  }
0x55: {  	_ =	shalt  }
0x56: {  	_ =	shalt  }
0x57: {  	_ =	shalt  }
0x58: {  	_ =	shalt  }
0x59: {  	_ =	shalt  }
0x5a: {  	_ =	shalt  }
0x5b: {  	_ =	shalt  }
0x5c: {  	_ =	shalt  }
0x5d: {  	_ =	shalt  }
0x5e: {  	_ =	shalt  }
0x5f: {  	_ =	shalt  }
0x60: {  	_ =	shalt  }
0x61: {  	_ =	shalt  }
0x62: {  	_ =	shalt  }
0x63: {  	_ =	shalt  }
0x64: {  	_ =	shalt  }
0x65: {  	_ =	shalt  }
0x66: {  	_ =	shalt  }
0x67: {  	_ =	shalt  }
0x68: {  	_ =	shalt  }
0x69: {  	_ =	shalt  }
0x6a: {  	_ =	shalt  }
0x6b: {  	_ =	shalt  }
0x6c: {  	_ =	shalt  }
0x6d: {  	_ =	shalt  }
0x6e: {  	_ =	shalt  }
0x6f: {  	_ =	shalt  }
0x70: {  	_ =	shalt  }
0x71: {  	_ =	shalt  }
0x72: {  	_ =	shalt  }
0x73: {  	_ =	shalt  }
0x74: {  	_ =	shalt  }
0x75: {  	_ =	shalt  }
0x76: {  	_ =	shalt  }
0x77: {  	_ =	shalt  }
0x78: {  	_ =	shalt  }
0x79: {  	_ =	shalt  }
0x7a: {  	_ =	shalt  }
0x7b: {  	_ =	shalt  }
0x7c: {  	_ =	shalt  }
0x7d: {  	_ =	shalt  }
0x7e: {  	_ =	shalt  }
0x7f: {  	_ =	shalt  }
0x80: {  	_ =	shalt  }
0x81: {  	_ =	shalt  }
0x82: {  	_ =	shalt  }
0x83: {  	_ =	shalt  }
0x84: {  	_ =	shalt  }
0x85: {  	_ =	shalt  }
0x86: {  	_ =	shalt  }
0x87: {  	_ =	shalt  }
.Lfunc_end0:
.L_simem_size_0:
called_computation.1_lowered:
.L_overlay_start_0:
0x88: {  	s2 =	sld [smem:$0x3FD9]  }
0x89: {  	s3 =	sld [smem:$0x3FFE];
	_ =	sdelay $0x1  }
0x8a: {  	s1 =	srdreg.scid  }
0x8b: {  	s0 =	sand.u32 $0x1, s1  }
0x8c: {  	s17 =	sshll.u32 s0, $0xA;
	s2 =	sadd.s32 s3, s2  }
0x8d: {  	s2 =	sadd.s32 s2, s17  }
0x8e: {  	[smem:$0x3FBF] =	sst s2  }
0x8f: {  	_ = 	snop  }
0x90: {  	s2 =	sld [smem:$0x3FD0];
	(tm) =	ssettm $0x1  }
0x91: {  	s18 =	sld [smem:$0x3FFB];
	_ =	sdelay $0x3  }
0x92: {  	_ =	strace s18  }
0x93: {  	s3 =	sld [smem:$0x3FFC];
	_ =	sdelay $0x3  }
0x94: {  	_ =	strace s3  }
0x95: {  	s3 =	sld [smem:$0x3FFD];
	_ =	sdelay $0x3  }
0x96: {  	_ =	strace s3  }
0x97: {  	_ =	strace $0x8FFFFFFF  }
0x98: {  	s19 =	sld [smem:$0x3FDB];
	_ =	sdelay $0x1  }
0x99: {  	s4 =	simm.s32 $_scs_section_size  }
0x9a: {  	s5 =	simm.s32 $_size__tile_overlayer_lowered;
	s6 =	simm.s32 $_tile_overlayer_lowered  }
0x9b: {  	s22 =	simm.s32 $0x1BFF;
	s21 =	sshll.u32 s6, $0x1;
	s3 =	sadd.s32 s4, s19  }
0x9c: {  	s7 =	simm.s32 $0x0;
	s20 =	sshll.u32 s5, $0x1;
	s5 =	sadd.s32 s21, s3  }
0x9d: {  	[timem:s7], [sflag:s22] =	dma.local [hbm:s5], s20  }
0x9e: {  	_ =	swait.ge [sflag:s22], s20  }
0x9f: {  	s4 =	ssub.s32 $0x0, s20;
	[sflag:s22] =	ssyncset.done $0x0  }
0xa0: {  	[sflag:s22] =	ssyncadd.s32 s4;
	_ =	sdelay $0x1  }
0xa1: {  	s23 =	simm.s32 $0x1B8B  }
0xa2: {  	_ =	swait.ge [sflag:s23], $0x1  }
0xa3: {  	[sflag:s23] =	ssyncset.done $0x0  }
0xa4: {  	s25 =	simm.s32 $0x1B8E;
	s24 =	sld [smem:$0x3FFE];
	[sflag:s23] =	ssyncadd.s32 $0xFFFFFFFF  }
0xa5: {  	s26 =	simm.s32 $execute0_lowered;
	[smem:$0x3FD2] =	sst s25  }
0xa6: {  	s5 =	sshll.u32 s26, $0x1;
	_ =	strace $0x80000049;
	[dreg:$0x1] =	wrdreg $0xFFFFFFFF  }
0xa7: {  	s28 =	simm.s32 $_size_execute0_lowered;
	s3 =	sadd.s32 s3, s5;
	[dreg:$0x0] =	wrdreg $0x0  }
0xa8: {  	s5 =	sshll.u32 s28, $0x1;
	[dreg:$0x2] =	wrdreg s3  }
0xa9: {  	[dreg:$0x3] =	wrdreg s5  }
0xaa: {  	[dreg:$0x4] =	wrdreg $0xC0  }
0xab: {  	_ =	task [dreg:s7], $0x5FFFF  }
0xac: {  	[dreg:$0x1] =	wrdreg $0xFFFFFFFF  }
0xad: {  	[dreg:$0x0] =	wrdreg $0x60  }
0xae: {  	[dreg:$0x2] =	wrdreg s24  }
0xaf: {  	[dreg:$0x3] =	wrdreg s2  }
0xb0: {  	[dreg:$0x4] =	wrdreg $0x68000  }
0xb1: {  	[dreg:$0x5] =	wrdreg $0x9  }
0xb2: {  	_ =	task.clear_ibuf [dreg:s7], $0x6FFFF;
	_ =	strace $0x90000049  }
0xb3: {  	s29 =	simm.s32 $0x9;
	_ =	strace $0x8000004B  }
0xb4: {  	_ =	swait.ge [sflag:s29], $0x1  }
0xb5: {  	[sflag:s29] =	ssyncadd.s32 $0xFFFFFFFF  }
0xb6: {  	_ =	strace $0x9000004B  }
0xb7: {  	_ =	sfence  }
0xb8: {  	s30 =	sld [smem:$0x0];
	_ =	sdelay $0x2  }
0xb9: {  	s31 =	sshll.u32 s1, $0xD;
	s1 =	sshrl.u32 s1, $0x2  }
0xba: {  	s3 =	sand.u32 $0x4000, s31;
	s1 =	sadd.s32 s1, s30  }
0xbb: {  	s0 =	sor.u32 s3, s0;
	s1 =	sshll.u32 s1, $0x11  }
0xbc: {  	s0 =	sor.u32 s1, s0  }
0xbd: {  	s0 =	sadd.s32 $0x8F2B, s0  }
0xbe: {  	[sflag:s0] =	ssyncadd.remote.s32 $0x1  }
0xbf: {  	_ =	sfence.sel $0xFFFF  }
0xc0: {  	[dreg:$0x0] =	wrdreg $0xFFFFFFFF;
	(pc) =	sbr.abs _section_cstart, $3  }
0xc1: {  	[dreg:$0x1] =	wrdreg $0xFFFFFFFF  }
0xc2: {  	_ =	task.clear_ibuf [dreg:s7], $0x2FFFF;
	_ =	strace $0x9FFFFFFF  }
0xc3: {  	(tm) =	ssettm $0x7FFFFFFF  }
tec
execute0_lowered:
.L_overlay_start_1:
0x0: {  	(tag) =	ssettag $0x1  }
0x1: {  	s0 =	rddreg [dreg:$0x0]  }
0x2: {  	s2 =	rddreg [dreg:$0x2];
	s1 =	srdreg.scid  }
0x3: {  	s5 =	simm.s32 $0x0;
	s3 =	stileid.u32;
	s21 =	simm.s32 $0x2800  }
0x4: {  	s22 =	simm.s32 $0x3;
	s23 =	simm.s32 $0x1400;
	s28 =	simm.s32 $0x2  }
0x5: {  	s29 =	simm.s32 $0x1380;
	s30 =	simm.s32 $0x2700;
	s8 =	smul.u32 $0x14000, s3  }
0x6: {  	s31 =	simm.s32 $0x2780;
	s1 =	sand.u32 $0x1, s1;
	s9 =	smul.u32 $0x50000, s3  }
0x7: {  	[smem:$0x7FF] =	sst s5;
	s5 =	sadd.s32 $0x2BC00, s0;
	s10 =	smul.u32 $0x28, s3  }
0x8: {  	s6 =	sadd.s32 $0x3C00, s0;
	s7 =	sadd.s32 $0x17C00, s0;
	s11 =	smul.u32 $0x118, s3  }
0x9: {  	s4 =	smul.u32 $0x140000, s1;
	_ =	strace $0x8000004A;
	s24 =	ssub.s32 $0x2, s1  }
0xa: {  	p0 =	seq.s32 s1, $0x0;
	s25 =	sshrl.u32 s24, $0x1;
	s26 =	sshrl.u32 s9, $0x2  }
0xb: {  	s9 =	sadd.s32 $0x1180, s10;
	s4 =	sadd.s32 s8, s4;
	s8 =	sadd.s32 s26, s2  }
0xc: {  	s9 =	smov.u32 @p0 s11;
	p0 =	sne.s32 s1, $0x0;
	s26 =	simm.s32 $0x4800  }
0xd: {  	s4 =	sshrl.u32 s4, $0x3;
	s12 =	sadd.s32 $0x2000, s8;
	s13 =	sadd.s32 $0x4000, s8  }
0xe: {  	s14 =	sadd.s32 $0x6000, s8;
	s15 =	sadd.s32 $0x8000, s8;
	s16 =	sadd.s32 $0xA000, s8  }
0xf: {  	s17 =	sadd.s32 $0xC000, s8;
	s18 =	sadd.s32 $0xE000, s8;
	s19 =	sadd.s32 $0x10000, s8  }
0x10: {  	s20 =	sadd.s32 $0x12000, s8;
	s0 =	sadd.s32 s4, s0;
	s4 =	ssub.s32 s24, s25  }
0x11: {  	s24 =	simm.s32 $0x40;
	s25 =	simm.s32 $0x1;
	s0 =	sadd.s32 $0xCBC00, s0  }
0x12: {  	s11 =	smax.u32 s4, $0x1;
	[dreg:$0x4] =	wrdreg s0;
	s0 =	simm.s32 $0x0  }
.LBB2_1:
0x13: {  	s1 =	rddreg [dreg:$0x1];
	s3 =	simm.s32 $0x0  }
0x14: {  	[tilespmem:s21], [sflag:$0x3] =	stream.linear.gather [hbm4b:s1+s3], $0x2000, $0x38;
	[tilespmem:$0x1A800] =	vst v63  }
0x15: {  	_ =	swait.ge [sflag:s22], $0x2000  }
0x16: {  	[sflag:s22] =	ssyncset.done $0x0  }
0x17: {  	[sflag:s22] =	ssyncadd.s32 $0xFFFFE000  }
0x18: {  	[spmem:s8] =	stream.linear.scatter [tilespmem:s21], [sflag:$0x3], $0x2000, $0x38;
	[tilespmem:$0x1A800] =	vst v63  }
0x19: {  	_ =	swait.ge [sflag:s22], $0x2000  }
0x1a: {  	[sflag:s22] =	ssyncset.done $0x0  }
0x1b: {  	[sflag:s22] =	ssyncadd.s32 $0xFFFFE000  }
0x1c: {  	[spmem:s12] =	stream.linear.scatter [tilespmem:s21], [sflag:$0x3], $0x2000, $0x38;
	[tilespmem:$0x1A800] =	vst v63  }
0x1d: {  	_ =	swait.ge [sflag:s22], $0x2000  }
0x1e: {  	[sflag:s22] =	ssyncset.done $0x0  }
0x1f: {  	[sflag:s22] =	ssyncadd.s32 $0xFFFFE000  }
0x20: {  	[spmem:s13] =	stream.linear.scatter [tilespmem:s21], [sflag:$0x3], $0x2000, $0x38;
	[tilespmem:$0x1A800] =	vst v63  }
0x21: {  	_ =	swait.ge [sflag:s22], $0x2000  }
0x22: {  	[sflag:s22] =	ssyncset.done $0x0  }
0x23: {  	[sflag:s22] =	ssyncadd.s32 $0xFFFFE000  }
0x24: {  	[spmem:s14] =	stream.linear.scatter [tilespmem:s21], [sflag:$0x3], $0x2000, $0x38;
	[tilespmem:$0x1A800] =	vst v63  }
0x25: {  	_ =	swait.ge [sflag:s22], $0x2000  }
0x26: {  	[sflag:s22] =	ssyncset.done $0x0  }
0x27: {  	[sflag:s22] =	ssyncadd.s32 $0xFFFFE000  }
0x28: {  	[spmem:s15] =	stream.linear.scatter [tilespmem:s21], [sflag:$0x3], $0x2000, $0x38;
	[tilespmem:$0x1A800] =	vst v63  }
0x29: {  	_ =	swait.ge [sflag:s22], $0x2000  }
0x2a: {  	[sflag:s22] =	ssyncset.done $0x0  }
0x2b: {  	[sflag:s22] =	ssyncadd.s32 $0xFFFFE000  }
0x2c: {  	[spmem:s16] =	stream.linear.scatter [tilespmem:s21], [sflag:$0x3], $0x2000, $0x38;
	[tilespmem:$0x1A800] =	vst v63  }
0x2d: {  	_ =	swait.ge [sflag:s22], $0x2000  }
0x2e: {  	[sflag:s22] =	ssyncset.done $0x0  }
0x2f: {  	[sflag:s22] =	ssyncadd.s32 $0xFFFFE000  }
0x30: {  	[spmem:s17] =	stream.linear.scatter [tilespmem:s21], [sflag:$0x3], $0x2000, $0x38;
	[tilespmem:$0x1A800] =	vst v63  }
0x31: {  	_ =	swait.ge [sflag:s22], $0x2000  }
0x32: {  	[sflag:s22] =	ssyncset.done $0x0  }
0x33: {  	[sflag:s22] =	ssyncadd.s32 $0xFFFFE000  }
0x34: {  	[spmem:s18] =	stream.linear.scatter [tilespmem:s21], [sflag:$0x3], $0x2000, $0x38;
	[tilespmem:$0x1A800] =	vst v63  }
0x35: {  	_ =	swait.ge [sflag:s22], $0x2000  }
0x36: {  	[sflag:s22] =	ssyncset.done $0x0  }
0x37: {  	[sflag:s22] =	ssyncadd.s32 $0xFFFFE000  }
0x38: {  	[spmem:s19] =	stream.linear.scatter [tilespmem:s21], [sflag:$0x3], $0x2000, $0x38;
	[tilespmem:$0x1A800] =	vst v63  }
0x39: {  	_ =	swait.ge [sflag:s22], $0x2000  }
0x3a: {  	[sflag:s22] =	ssyncset.done $0x0  }
0x3b: {  	[sflag:s22] =	ssyncadd.s32 $0xFFFFE000  }
0x3c: {  	[spmem:s20] =	stream.linear.scatter [tilespmem:s21], [sflag:$0x3], $0x2000, $0x38;
	[tilespmem:$0x1A800] =	vst v63  }
0x3d: {  	_ =	swait.ge [sflag:s22], $0x2000  }
0x3e: {  	[sflag:s22] =	ssyncset.done $0x0  }
0x3f: {  	[sflag:s22] =	ssyncadd.s32 $0xFFFFE000  }
0x40: {  	s1 =	simm.s32 $0x0;
	[bflag:$0x0] =	sbarrier.arrive $0xFFFF  }
.LBB2_2:
0x41: {  	s4 =	smul.u32 $0x28, s1;
	_ =	sdelay $0x1  }
0x42: {  	s4 =	sadd.s32 s9, s4  }
0x43: {  	s4 =	sshll.u32 s4, $0x4  }
0x44: {  	s10 =	simm.s32 $0x0;
	s3 =	sadd.s32 s6, s4  }
0x45: {  	[tilespmem:s10], [sflag:$0x3] =	stream.linear.gather [hbm4b:s3+s10], $0x1400, $0x38;
	[tilespmem:$0x1A800] =	vst v63  }
0x46: {  	_ =	swait.ge [sflag:s22], $0x1400  }
0x47: {  	[sflag:s22] =	ssyncset.done $0x0  }
0x48: {  	s4 =	sadd.s32 s7, s4;
	[sflag:s22] =	ssyncadd.s32 $0xFFFFEC00  }
0x49: {  	[tilespmem:s23], [sflag:$0x3] =	stream.linear.gather [hbm4b:s4+s10], $0x1400, $0x38;
	[tilespmem:$0x1A800] =	vst v63  }
0x4a: {  	_ =	swait.ge [sflag:s22], $0x1400  }
0x4b: {  	[sflag:s22] =	ssyncset.done $0x0  }
0x4c: {  	[sflag:s22] =	ssyncadd.s32 $0xFFFFEC00  }
0x4d: {  	[tilespmem:s21], [sflag:$0x1] =	stream.indirect.gather [hbm4b:s5+s24], $0x80, s10, s24, $0xb8;
	[tilespmem:$0x1A800] =	vst v63  }
0x4e: {  	_ =	swait.ge [sflag:s25], $0x2000  }
0x4f: {  	[sflag:s25] =	ssyncset.done $0x0  }
0x50: {  	s4 =	simm.s32 $0x80;
	[sflag:s25] =	ssyncadd.s32 $0xFFFFE000  }
0x51: {  	[tilespmem:s26], [sflag:$0x2] =	stream.indirect.gather [hbm4b:s5+s24], $0x80, s4, s24, $0xb8;
	[tilespmem:$0x1A800] =	vst v63  }
0x52: {  	s10 =	simm.s32 $0x1400  }
0x53: {  	[spmem:s2] =	stream.indirect.scatter.add.f32 [tilespmem:s21], [sflag:$0x3], $0x80, s10, s24, $0xb8;
	[tilespmem:$0x1A800] =	vst v63  }
0x54: {  	_ =	swait.ge [sflag:s22], $0x2000  }
0x55: {  	[sflag:s22] =	ssyncset.done $0x0  }
0x56: {  	[sflag:s22] =	ssyncadd.s32 $0xFFFFE000  }
0x57: {  	_ =	swait.ge [sflag:s28], $0x2000  }
0x58: {  	[sflag:s28] =	ssyncset.done $0x0  }
0x59: {  	s4 =	simm.s32 $0x100;
	[sflag:s28] =	ssyncadd.s32 $0xFFFFE000  }
0x5a: {  	[tilespmem:s21], [sflag:$0x1] =	stream.indirect.gather [hbm4b:s5+s24], $0x80, s4, s24, $0xb8;
	[tilespmem:$0x1A800] =	vst v63  }
0x5b: {  	s10 =	simm.s32 $0x1480  }
0x5c: {  	[spmem:s2] =	stream.indirect.scatter.add.f32 [tilespmem:s26], [sflag:$0x3], $0x80, s10, s24, $0xb8;
	[tilespmem:$0x1A800] =	vst v63  }
0x5d: {  	_ =	swait.ge [sflag:s22], $0x2000  }
0x5e: {  	s4 =	simm.s32 $0x400;
	[sflag:s22] =	ssyncset.done $0x0  }
.LBB2_3:
0x5f: {  	p1 =	sne.s32 s4, $0x4800  }
0x60: {  	[sflag:s22] =	ssyncadd.s32 $0xFFFFE000;
	s3 =	smov.u32 s4;
	s4 =	sadd.s32 $0x400, s4  }
0x61: {  	_ = 	snop  }
0x62: {  	_ =	swait.ge [sflag:s25], $0x2000  }
0x63: {  	s3 =	sshra.s32 s3, $0x2;
	[sflag:s25] =	ssyncset.done $0x0  }
0x64: {  	s10 =	sadd.s32 $0x80, s3;
	[sflag:s25] =	ssyncadd.s32 $0xFFFFE000  }
0x65: {  	[tilespmem:s26], [sflag:$0x2] =	stream.indirect.gather [hbm4b:s5+s24], $0x80, s10, s24, $0xb8;
	[tilespmem:$0x1A800] =	vst v63  }
0x66: {  	s10 =	sadd.s32 $0x1400, s3  }
0x67: {  	[spmem:s2] =	stream.indirect.scatter.add.f32 [tilespmem:s21], [sflag:$0x3], $0x80, s10, s24, $0xb8;
	[tilespmem:$0x1A800] =	vst v63  }
0x68: {  	_ =	swait.ge [sflag:s22], $0x2000  }
0x69: {  	[sflag:s22] =	ssyncset.done $0x0  }
0x6a: {  	[sflag:s22] =	ssyncadd.s32 $0xFFFFE000  }
0x6b: {  	_ =	swait.ge [sflag:s28], $0x2000  }
0x6c: {  	[sflag:s28] =	ssyncset.done $0x0  }
0x6d: {  	s10 =	sadd.s32 $0x100, s3;
	[sflag:s28] =	ssyncadd.s32 $0xFFFFE000  }
0x6e: {  	[tilespmem:s21], [sflag:$0x1] =	stream.indirect.gather [hbm4b:s5+s24], $0x80, s10, s24, $0xb8;
	[tilespmem:$0x1A800] =	vst v63  }
.Ltmp0:
0x6f: {  	_ = 	snop;
	(pc) =	sbr.rel @p1 .LBB2_3-.Ltmp0, $4  }
0x70: {  	s3 =	sadd.s32 $0x1480, s3  }
0x71: {  	[spmem:s2] =	stream.indirect.scatter.add.f32 [tilespmem:s26], [sflag:$0x3], $0x80, s3, s24, $0xb8;
	[tilespmem:$0x1A800] =	vst v63  }
0x72: {  	_ =	swait.ge [sflag:s22], $0x2000  }
0x73: {  	[sflag:s22] =	ssyncset.done $0x0  }
0x74: {  	[sflag:s22] =	ssyncadd.s32 $0xFFFFE000  }
0x75: {  	_ =	swait.ge [sflag:s25], $0x2000  }
0x76: {  	[sflag:s25] =	ssyncset.done $0x0  }
0x77: {  	[sflag:s25] =	ssyncadd.s32 $0xFFFFE000  }
0x78: {  	[tilespmem:s26], [sflag:$0x2] =	stream.indirect.gather [hbm4b:s5+s24], $0x80, s29, s24, $0xb8;
	[tilespmem:$0x1A800] =	vst v63  }
0x79: {  	_ = 	snop  }
0x7a: {  	[spmem:s2] =	stream.indirect.scatter.add.f32 [tilespmem:s21], [sflag:$0x3], $0x80, s30, s24, $0xb8;
	[tilespmem:$0x1A800] =	vst v63  }
0x7b: {  	_ =	swait.ge [sflag:s22], $0x2000  }
0x7c: {  	[sflag:s22] =	ssyncset.done $0x0  }
0x7d: {  	[sflag:s22] =	ssyncadd.s32 $0xFFFFE000  }
0x7e: {  	p1 =	slt.u32 @!p0 s1, $0x6;
	_ =	swait.ge [sflag:s28], $0x2000  }
0x7f: {  	p1 =	por p0, !p1;
	[sflag:s28] =	ssyncset.done $0x0  }
.Ltmp1:
0x80: {  	[sflag:s28] =	ssyncadd.s32 $0xFFFFE000;
	(pc) =	sbr.rel @!p1 .LBB2_2-.Ltmp1, $4  }
0x81: {  	[spmem:s2] =	stream.indirect.scatter.add.f32 [tilespmem:s26], [sflag:$0x3], $0x80, s31, s24, $0xb8;
	[tilespmem:$0x1A800] =	vst v63  }
0x82: {  	_ =	swait.ge [sflag:s22], $0x2000  }
0x83: {  	[sflag:s22] =	ssyncset.done $0x0  }
0x84: {  	s1 =	sadd.s32 $0x1, s1;
	[sflag:s22] =	ssyncadd.s32 $0xFFFFE000  }
0x85: {  	s1 =	stileid.u32;
	[bflag:$0x0] =	sbarrier.arrive $0xFFFF;
	s0 =	sadd.s32 $0x1, s0  }
0x86: {  	s3 =	sshrl.u32 s8, $0x3;
	s1 =	sshll.u32 s1, $0x6;
	p1 =	sne.s32 s0, s11  }
.Ltmp2:
0x87: {  	s4 =	rddreg [dreg:$0x4];
	s1 =	sor.u32 $0x1C03, s1;
	(pc) =	sbr.rel @p1 .LBB2_1-.Ltmp2, $4  }
0x88: {  	[hbm:s4], [sflag:s1] =	dma.local [spmem:s3], $0x2800  }
0x89: {  	_ =	swait.ge [sflag:s22], $0x2800  }
0x8a: {  	[sflag:s22] =	ssyncset.done $0x0  }
0x8b: {  	[sflag:s22] =	ssyncadd.s32 $0xFFFFD800  }
0x8c: {  	_ =	sfence.sel $0x180000  }
0x8d: {  	[bflag:$0x0] =	sbarrier.arrive $0xFFFF  }
0x8e: {  	_ =	strace $0x9000004A  }
0x8f: {  	s0 =	stileid.u32;
	[bflag:$0x2] =	sbarrier.arrive $0xFFFF  }
0x90: {  	p0 =	sne.s32 s0, $0x0;
	s0 =	rddreg [dreg:$0x3]  }
0x91: {  	s0 =	sadd.s32 @!p0 $0x100000, s0  }
0x92: {  	[sflag:s0] =	ssyncadd.tile.s32 @!p0 $0x1;
	_ =	shalt  }
.Lfunc_end2:
_tile_overlayer_lowered:
.L_overlay_start_2:
0x93: {  	(tag) =	ssettag $0x2  }
0x94: {  	s0 =	rddreg [dreg:$0x0];
	s2 =	stileid.u32  }
0x95: {  	s1 =	rddreg [dreg:$0x1];
	p0 =	sne.s32 s2, $0x0  }
0x96: {  	s3 =	rddreg [dreg:$0x2];
	[bflag:$0x3] =	sbarrier.arrive $0xFFFF;
	s2 =	simm.s32 @!p0 $0x1C03  }
0x97: {  	[timem:s3], [sflag:s2] =	dma.local @!p0 [hbm:s0], s1  }
0x98: {  	s0 =	simm.s32 @!p0 $0x3  }
0x99: {  	_ =	swait.ge @!p0 [sflag:s0], s1  }
0x9a: {  	s1 =	ssub.s32 @!p0 $0x0, s1;
	[sflag:s0] =	ssyncset.done @!p0 $0x0  }
0x9b: {  	[sflag:s0] =	ssyncadd.s32 @!p0 s1  }
0x9c: {  	[bflag:$0x3] =	sbarrier.arrive $0xFFFF  }
0x9d: {  	_ =	shalt  }

// kernel: kernel.22.cloned.1.call-start
scs
__scs_entry_jumppad:
0x0: {  	(pc) =	sbr.rel $0x88, $3  }
0x1: {  	(tag) =	ssettag $0x0;
	lr =	simm.s32 $0x1  }
0x2: {  	[smem:$0x3F98] =	sst lr;
	_ =	strace $0xD0000000  }
0x3: {  	_ = 	snop  }
0x4: {  	_ = 	snop  }
0x5: {  	_ = 	snop  }
0x6: {  	_ = 	snop  }
0x7: {  	_ = 	snop  }
__scs_overlays_trampoline_lowered:
0x8: {  	[smem:$0x3FA7] =	sst s0  }
0x9: {  	[smem:$0x3FA8] =	sst s1  }
0xa: {  	[smem:$0x3FA9] =	sst s2  }
0xb: {  	[smem:$0x3FAA] =	sst s3  }
0xc: {  	[smem:$0x3FAB] =	sst s4  }
0xd: {  	[smem:$0x3FAC] =	sst s5  }
0xe: {  	[smem:$0x3FAD] =	sst s6  }
0xf: {  	[smem:$0x3FAE] =	sst s7  }
0x10: {  	[smem:$0x3FAF] =	sst s8  }
0x11: {  	[smem:$0x3FB0] =	sst s9;
	s0 =	simm.s32 @!p0 $0x0  }
0x12: {  	s1 =	sld [smem:$0x3F96];
	s0 =	simm.s32 @p0 $0x1  }
0x13: {  	[smem:$0x3FB1] =	sst s0;
	s0 =	simm.s32 @!p1 $0x0  }
0x14: {  	s2 =	sld [smem:$0x3F95];
	s0 =	simm.s32 @p1 $0x1  }
0x15: {  	[smem:$0x3FB2] =	sst s0;
	s0 =	simm.s32 @!p2 $0x0  }
0x16: {  	s3 =	sld [smem:$0x3FDB];
	s0 =	simm.s32 @p2 $0x1  }
0x17: {  	s4 =	simm.s32 $0x1BF5;
	[smem:$0x3FB4] =	sst s0  }
0x18: {  	s0 =	sld [smem:$0x3F97];
	_ =	swait.ge [sflag:s4], $0x0  }
0x19: {  	s7 =	sld [smem:$0x3F98]  }
0x1a: {  	s8 =	sadd.s32 $0xFFFFE003, lr  }
0x1b: {  	s9 =	sadd.s32 $0xFFFFFEF7, lr;
	s5 =	simm.s32 $0xFFFFFFFF;
	p2 =	slt.u32 s8, $0xFFFFF086  }
0x1c: {  	p1 =	slt.u32 s9, $0xF7A;
	s5 =	simm.s32 @!p2 $0x0  }
0x1d: {  	s5 =	simm.s32 @p1 $0x1;
	p0 =	seq.s32 s7, s2  }
0x1e: {  	s7 =	smul.u32 @!p0 $0xF7A, s2;
	p2 =	seq.s32 @!p0 s5, $0x0  }
0x1f: {  	s9 =	smul.u32 $0xF7A, s1;
	s8 =	simm.s32 @!p0 $0x1BF5;
	p2 =	por !p2, p0  }
0x20: {  	[sflag:s8] =	ssyncset.s32 @!p0 $0xFFFFF086;
	s6 =	sadd.s32 @!p0 s3, s7;
	s7 =	simm.s32 @!p0 $0x108  }
0x21: {  	s3 =	sadd.s32 s3, s9;
	s6 =	sadd.s32 @!p0 $0x88, s6;
	s7 =	simm.s32 @p2 $0x1082  }
0x22: {  	[simem:s7], [sflag:s8] =	dma.local @!p0 [hbm:s6], $0xF7A  }
0x23: {  	s9 =	sor.u32 $0xD0000000, s2;
	s6 =	simm.s32 $0x108;
	_ =	swait.ge @!p0 [sflag:s8], $0x0  }
0x24: {  	s3 =	sadd.s32 $0x88, s3;
	s6 =	simm.s32 @!p1 $0x1082;
	[sflag:s4] =	ssyncset.s32 $0xFFFFF086  }
0x25: {  	[simem:s6], [sflag:s4] =	dma.local [hbm:s3], $0xF7A  }
0x26: {  	[smem:$0x3F98] =	sst s1;
	(tag) =	ssettag s2;
	_ =	strace s9  }
0x27: {  	s1 =	sld [smem:$0x3FA8]  }
0x28: {  	s2 =	sld [smem:$0x3FA9]  }
0x29: {  	s4 =	sld [smem:$0x3FAB]  }
0x2a: {  	p0 =	seq.s32 s5, $0x0;
	s5 =	sld [smem:$0x3FAC]  }
0x2b: {  	s6 =	sld [smem:$0x3FAD]  }
0x2c: {  	s7 =	sld [smem:$0x3FAE]  }
0x2d: {  	s3 =	simm.s32 $0x108;
	s8 =	sld [smem:$0x3FAF]  }
0x2e: {  	s3 =	simm.s32 @!p0 $0x1082;
	s9 =	sld [smem:$0x3FB0]  }
0x2f: {  	lr =	sadd.s32 s0, s3;
	s0 =	sld [smem:$0x3FA7]  }
0x30: {  	s3 =	sld [smem:$0x3FAA]  }
0x31: {  	[smem:$0x3FB3] =	sst s10  }
0x32: {  	s10 =	sld [smem:$0x3FB1];
	_ =	sdelay $0x3  }
0x33: {  	p0 =	seq.s32 s10, $0x1;
	s10 =	sld [smem:$0x3FB3];
	_ =	sdelay $0x3  }
0x34: {  	[smem:$0x3FB3] =	sst s10  }
0x35: {  	s10 =	sld [smem:$0x3FB2];
	_ =	sdelay $0x3  }
0x36: {  	p1 =	seq.s32 s10, $0x1;
	s10 =	sld [smem:$0x3FB3];
	_ =	sdelay $0x3  }
0x37: {  	[smem:$0x3FB3] =	sst s10  }
0x38: {  	s10 =	sld [smem:$0x3FB4]  }
0x39: {  	_ = 	snop;
	(pc) =	sbr.ind lr, $3  }
0x3a: {  	_ = 	snop  }
0x3b: {  	_ = 	snop  }
0x3c: {  	p2 =	seq.s32 s10, $0x1;
	s10 =	sld [smem:$0x3FB3]  }
0x3d: {  	_ =	shalt  }
0x3e: {  	_ =	shalt  }
0x3f: {  	_ =	shalt  }
0x40: {  	_ =	shalt  }
0x41: {  	_ =	shalt  }
0x42: {  	_ =	shalt  }
0x43: {  	_ =	shalt  }
0x44: {  	_ =	shalt  }
0x45: {  	_ =	shalt  }
0x46: {  	_ =	shalt  }
0x47: {  	_ =	shalt  }
0x48: {  	_ =	shalt  }
0x49: {  	_ =	shalt  }
0x4a: {  	_ =	shalt  }
0x4b: {  	_ =	shalt  }
0x4c: {  	_ =	shalt  }
0x4d: {  	_ =	shalt  }
0x4e: {  	_ =	shalt  }
0x4f: {  	_ =	shalt  }
0x50: {  	_ =	shalt  }
0x51: {  	_ =	shalt  }
0x52: {  	_ =	shalt  }
0x53: {  	_ =	shalt  }
0x54: {  	_ =	shalt  }
0x55: {  	_ =	shalt  }
0x56: {  	_ =	shalt  }
0x57: {  	_ =	shalt  }
0x58: {  	_ =	shalt  }
0x59: {  	_ =	shalt  }
0x5a: {  	_ =	shalt  }
0x5b: {  	_ =	shalt  }
0x5c: {  	_ =	shalt  }
0x5d: {  	_ =	shalt  }
0x5e: {  	_ =	shalt  }
0x5f: {  	_ =	shalt  }
0x60: {  	_ =	shalt  }
0x61: {  	_ =	shalt  }
0x62: {  	_ =	shalt  }
0x63: {  	_ =	shalt  }
0x64: {  	_ =	shalt  }
0x65: {  	_ =	shalt  }
0x66: {  	_ =	shalt  }
0x67: {  	_ =	shalt  }
0x68: {  	_ =	shalt  }
0x69: {  	_ =	shalt  }
0x6a: {  	_ =	shalt  }
0x6b: {  	_ =	shalt  }
0x6c: {  	_ =	shalt  }
0x6d: {  	_ =	shalt  }
0x6e: {  	_ =	shalt  }
0x6f: {  	_ =	shalt  }
0x70: {  	_ =	shalt  }
0x71: {  	_ =	shalt  }
0x72: {  	_ =	shalt  }
0x73: {  	_ =	shalt  }
0x74: {  	_ =	shalt  }
0x75: {  	_ =	shalt  }
0x76: {  	_ =	shalt  }
0x77: {  	_ =	shalt  }
0x78: {  	_ =	shalt  }
0x79: {  	_ =	shalt  }
0x7a: {  	_ =	shalt  }
0x7b: {  	_ =	shalt  }
0x7c: {  	_ =	shalt  }
0x7d: {  	_ =	shalt  }
0x7e: {  	_ =	shalt  }
0x7f: {  	_ =	shalt  }
0x80: {  	_ =	shalt  }
0x81: {  	_ =	shalt  }
0x82: {  	_ =	shalt  }
0x83: {  	_ =	shalt  }
0x84: {  	_ =	shalt  }
0x85: {  	_ =	shalt  }
0x86: {  	_ =	shalt  }
0x87: {  	_ =	shalt  }
.Lfunc_end0:
.L_simem_size_0:
called_computation.2_lowered:
.L_overlay_start_0:
0x88: {  	s2 =	sld [smem:$0x3FD9]  }
0x89: {  	s3 =	sld [smem:$0x3FFE];
	_ =	sdelay $0x1  }
0x8a: {  	s1 =	srdreg.scid  }
0x8b: {  	s0 =	sand.u32 $0x1, s1  }
0x8c: {  	s17 =	sshll.u32 s0, $0xA;
	s2 =	sadd.s32 s3, s2  }
0x8d: {  	s2 =	sadd.s32 s2, s17  }
0x8e: {  	[smem:$0x3FBF] =	sst s2  }
0x8f: {  	_ = 	snop  }
0x90: {  	s2 =	sld [smem:$0x3FD0];
	(tm) =	ssettm $0x1  }
0x91: {  	s18 =	sld [smem:$0x3FFB];
	_ =	sdelay $0x3  }
0x92: {  	_ =	strace s18  }
0x93: {  	s3 =	sld [smem:$0x3FFC];
	_ =	sdelay $0x3  }
0x94: {  	_ =	strace s3  }
0x95: {  	s3 =	sld [smem:$0x3FFD];
	_ =	sdelay $0x3  }
0x96: {  	_ =	strace s3  }
0x97: {  	_ =	strace $0x8FFFFFFF  }
0x98: {  	s19 =	sld [smem:$0x3FDB];
	_ =	sdelay $0x1  }
0x99: {  	s4 =	simm.s32 $_scs_section_size  }
0x9a: {  	s5 =	simm.s32 $_size__tile_overlayer_lowered;
	s6 =	simm.s32 $_tile_overlayer_lowered  }
0x9b: {  	s22 =	simm.s32 $0x1BFF;
	s21 =	sshll.u32 s6, $0x1;
	s3 =	sadd.s32 s4, s19  }
0x9c: {  	s7 =	simm.s32 $0x0;
	s20 =	sshll.u32 s5, $0x1;
	s5 =	sadd.s32 s21, s3  }
0x9d: {  	[timem:s7], [sflag:s22] =	dma.local [hbm:s5], s20  }
0x9e: {  	_ =	swait.ge [sflag:s22], s20  }
0x9f: {  	s4 =	ssub.s32 $0x0, s20;
	[sflag:s22] =	ssyncset.done $0x0  }
0xa0: {  	[sflag:s22] =	ssyncadd.s32 s4;
	_ =	sdelay $0x1  }
0xa1: {  	s23 =	simm.s32 $0x1B8B  }
0xa2: {  	_ =	swait.ge [sflag:s23], $0x1  }
0xa3: {  	[sflag:s23] =	ssyncset.done $0x0  }
0xa4: {  	s25 =	simm.s32 $0x1B8E;
	s24 =	sld [smem:$0x3FFE];
	[sflag:s23] =	ssyncadd.s32 $0xFFFFFFFF  }
0xa5: {  	s26 =	simm.s32 $execute0_lowered;
	[smem:$0x3FD2] =	sst s25  }
0xa6: {  	s5 =	sshll.u32 s26, $0x1;
	_ =	strace $0x8000004C;
	[dreg:$0x1] =	wrdreg $0xFFFFFFFF  }
0xa7: {  	s28 =	simm.s32 $_size_execute0_lowered;
	s3 =	sadd.s32 s3, s5;
	[dreg:$0x0] =	wrdreg $0x0  }
0xa8: {  	s5 =	sshll.u32 s28, $0x1;
	[dreg:$0x2] =	wrdreg s3  }
0xa9: {  	[dreg:$0x3] =	wrdreg s5  }
0xaa: {  	[dreg:$0x4] =	wrdreg $0xC0  }
0xab: {  	_ =	task [dreg:s7], $0x5FFFF  }
0xac: {  	[dreg:$0x1] =	wrdreg $0xFFFFFFFF  }
0xad: {  	[dreg:$0x0] =	wrdreg $0x60  }
0xae: {  	[dreg:$0x2] =	wrdreg s24  }
0xaf: {  	[dreg:$0x3] =	wrdreg s2  }
0xb0: {  	[dreg:$0x4] =	wrdreg $0x68000  }
0xb1: {  	[dreg:$0x5] =	wrdreg $0x9  }
0xb2: {  	_ =	task.clear_ibuf [dreg:s7], $0x6FFFF;
	_ =	strace $0x9000004C  }
0xb3: {  	s29 =	simm.s32 $0x9;
	_ =	strace $0x8000004E  }
0xb4: {  	_ =	swait.ge [sflag:s29], $0x1  }
0xb5: {  	[sflag:s29] =	ssyncadd.s32 $0xFFFFFFFF  }
0xb6: {  	_ =	strace $0x9000004E  }
0xb7: {  	_ =	sfence  }
0xb8: {  	s30 =	sld [smem:$0x0];
	_ =	sdelay $0x2  }
0xb9: {  	s31 =	sshll.u32 s1, $0xD;
	s1 =	sshrl.u32 s1, $0x2  }
0xba: {  	s3 =	sand.u32 $0x4000, s31;
	s1 =	sadd.s32 s1, s30  }
0xbb: {  	s0 =	sor.u32 s3, s0;
	s1 =	sshll.u32 s1, $0x11  }
0xbc: {  	s0 =	sor.u32 s1, s0  }
0xbd: {  	s0 =	sadd.s32 $0x8F2B, s0  }
0xbe: {  	[sflag:s0] =	ssyncadd.remote.s32 $0x1  }
0xbf: {  	_ =	sfence.sel $0xFFFF  }
0xc0: {  	[dreg:$0x0] =	wrdreg $0xFFFFFFFF;
	(pc) =	sbr.abs _section_cstart, $3  }
0xc1: {  	[dreg:$0x1] =	wrdreg $0xFFFFFFFF  }
0xc2: {  	_ =	task.clear_ibuf [dreg:s7], $0x2FFFF;
	_ =	strace $0x9FFFFFFF  }
0xc3: {  	(tm) =	ssettm $0x7FFFFFFF  }
tec
execute0_lowered:
.L_overlay_start_1:
0x0: {  	(tag) =	ssettag $0x1  }
0x1: {  	s0 =	rddreg [dreg:$0x0]  }
0x2: {  	s2 =	rddreg [dreg:$0x2];
	s1 =	srdreg.scid  }
0x3: {  	s5 =	simm.s32 $0x0;
	s3 =	stileid.u32;
	s21 =	simm.s32 $0x2800  }
0x4: {  	s22 =	simm.s32 $0x3;
	s23 =	simm.s32 $0x1400;
	s28 =	simm.s32 $0x2  }
0x5: {  	s29 =	simm.s32 $0x1380;
	s30 =	simm.s32 $0x2700;
	s8 =	smul.u32 $0x14000, s3  }
0x6: {  	s31 =	simm.s32 $0x2780;
	s1 =	sand.u32 $0x1, s1;
	s9 =	smul.u32 $0x50000, s3  }
0x7: {  	[smem:$0x7FF] =	sst s5;
	s5 =	sadd.s32 $0x2BC00, s0;
	s10 =	smul.u32 $0x28, s3  }
0x8: {  	s6 =	sadd.s32 $0x3C00, s0;
	s7 =	sadd.s32 $0x17C00, s0;
	s11 =	smul.u32 $0x118, s3  }
0x9: {  	s4 =	smul.u32 $0x140000, s1;
	_ =	strace $0x8000004D;
	s24 =	ssub.s32 $0x2, s1  }
0xa: {  	p0 =	seq.s32 s1, $0x0;
	s25 =	sshrl.u32 s24, $0x1;
	s26 =	sshrl.u32 s9, $0x2  }
0xb: {  	s9 =	sadd.s32 $0x1180, s10;
	s4 =	sadd.s32 s8, s4;
	s8 =	sadd.s32 s26, s2  }
0xc: {  	s9 =	smov.u32 @p0 s11;
	p0 =	sne.s32 s1, $0x0;
	s26 =	simm.s32 $0x4800  }
0xd: {  	s4 =	sshrl.u32 s4, $0x3;
	s12 =	sadd.s32 $0x2000, s8;
	s13 =	sadd.s32 $0x4000, s8  }
0xe: {  	s14 =	sadd.s32 $0x6000, s8;
	s15 =	sadd.s32 $0x8000, s8;
	s16 =	sadd.s32 $0xA000, s8  }
0xf: {  	s17 =	sadd.s32 $0xC000, s8;
	s18 =	sadd.s32 $0xE000, s8;
	s19 =	sadd.s32 $0x10000, s8  }
0x10: {  	s20 =	sadd.s32 $0x12000, s8;
	s0 =	sadd.s32 s4, s0;
	s4 =	ssub.s32 s24, s25  }
0x11: {  	s24 =	simm.s32 $0x40;
	s25 =	simm.s32 $0x1;
	s0 =	sadd.s32 $0xCBC00, s0  }
0x12: {  	s11 =	smax.u32 s4, $0x1;
	[dreg:$0x4] =	wrdreg s0;
	s0 =	simm.s32 $0x0  }
.LBB2_1:
0x13: {  	s1 =	rddreg [dreg:$0x1];
	s3 =	simm.s32 $0x0  }
0x14: {  	[tilespmem:s21], [sflag:$0x3] =	stream.linear.gather [hbm4b:s1+s3], $0x2000, $0x38;
	[tilespmem:$0x1A800] =	vst v63  }
0x15: {  	_ =	swait.ge [sflag:s22], $0x2000  }
0x16: {  	[sflag:s22] =	ssyncset.done $0x0  }
0x17: {  	[sflag:s22] =	ssyncadd.s32 $0xFFFFE000  }
0x18: {  	[spmem:s8] =	stream.linear.scatter [tilespmem:s21], [sflag:$0x3], $0x2000, $0x38;
	[tilespmem:$0x1A800] =	vst v63  }
0x19: {  	_ =	swait.ge [sflag:s22], $0x2000  }
0x1a: {  	[sflag:s22] =	ssyncset.done $0x0  }
0x1b: {  	[sflag:s22] =	ssyncadd.s32 $0xFFFFE000  }
0x1c: {  	[spmem:s12] =	stream.linear.scatter [tilespmem:s21], [sflag:$0x3], $0x2000, $0x38;
	[tilespmem:$0x1A800] =	vst v63  }
0x1d: {  	_ =	swait.ge [sflag:s22], $0x2000  }
0x1e: {  	[sflag:s22] =	ssyncset.done $0x0  }
0x1f: {  	[sflag:s22] =	ssyncadd.s32 $0xFFFFE000  }
0x20: {  	[spmem:s13] =	stream.linear.scatter [tilespmem:s21], [sflag:$0x3], $0x2000, $0x38;
	[tilespmem:$0x1A800] =	vst v63  }
0x21: {  	_ =	swait.ge [sflag:s22], $0x2000  }
0x22: {  	[sflag:s22] =	ssyncset.done $0x0  }
0x23: {  	[sflag:s22] =	ssyncadd.s32 $0xFFFFE000  }
0x24: {  	[spmem:s14] =	stream.linear.scatter [tilespmem:s21], [sflag:$0x3], $0x2000, $0x38;
	[tilespmem:$0x1A800] =	vst v63  }
0x25: {  	_ =	swait.ge [sflag:s22], $0x2000  }
0x26: {  	[sflag:s22] =	ssyncset.done $0x0  }
0x27: {  	[sflag:s22] =	ssyncadd.s32 $0xFFFFE000  }
0x28: {  	[spmem:s15] =	stream.linear.scatter [tilespmem:s21], [sflag:$0x3], $0x2000, $0x38;
	[tilespmem:$0x1A800] =	vst v63  }
0x29: {  	_ =	swait.ge [sflag:s22], $0x2000  }
0x2a: {  	[sflag:s22] =	ssyncset.done $0x0  }
0x2b: {  	[sflag:s22] =	ssyncadd.s32 $0xFFFFE000  }
0x2c: {  	[spmem:s16] =	stream.linear.scatter [tilespmem:s21], [sflag:$0x3], $0x2000, $0x38;
	[tilespmem:$0x1A800] =	vst v63  }
0x2d: {  	_ =	swait.ge [sflag:s22], $0x2000  }
0x2e: {  	[sflag:s22] =	ssyncset.done $0x0  }
0x2f: {  	[sflag:s22] =	ssyncadd.s32 $0xFFFFE000  }
0x30: {  	[spmem:s17] =	stream.linear.scatter [tilespmem:s21], [sflag:$0x3], $0x2000, $0x38;
	[tilespmem:$0x1A800] =	vst v63  }
0x31: {  	_ =	swait.ge [sflag:s22], $0x2000  }
0x32: {  	[sflag:s22] =	ssyncset.done $0x0  }
0x33: {  	[sflag:s22] =	ssyncadd.s32 $0xFFFFE000  }
0x34: {  	[spmem:s18] =	stream.linear.scatter [tilespmem:s21], [sflag:$0x3], $0x2000, $0x38;
	[tilespmem:$0x1A800] =	vst v63  }
0x35: {  	_ =	swait.ge [sflag:s22], $0x2000  }
0x36: {  	[sflag:s22] =	ssyncset.done $0x0  }
0x37: {  	[sflag:s22] =	ssyncadd.s32 $0xFFFFE000  }
0x38: {  	[spmem:s19] =	stream.linear.scatter [tilespmem:s21], [sflag:$0x3], $0x2000, $0x38;
	[tilespmem:$0x1A800] =	vst v63  }
0x39: {  	_ =	swait.ge [sflag:s22], $0x2000  }
0x3a: {  	[sflag:s22] =	ssyncset.done $0x0  }
0x3b: {  	[sflag:s22] =	ssyncadd.s32 $0xFFFFE000  }
0x3c: {  	[spmem:s20] =	stream.linear.scatter [tilespmem:s21], [sflag:$0x3], $0x2000, $0x38;
	[tilespmem:$0x1A800] =	vst v63  }
0x3d: {  	_ =	swait.ge [sflag:s22], $0x2000  }
0x3e: {  	[sflag:s22] =	ssyncset.done $0x0  }
0x3f: {  	[sflag:s22] =	ssyncadd.s32 $0xFFFFE000  }
0x40: {  	s1 =	simm.s32 $0x0;
	[bflag:$0x0] =	sbarrier.arrive $0xFFFF  }
.LBB2_2:
0x41: {  	s4 =	smul.u32 $0x28, s1;
	_ =	sdelay $0x1  }
0x42: {  	s4 =	sadd.s32 s9, s4  }
0x43: {  	s4 =	sshll.u32 s4, $0x4  }
0x44: {  	s10 =	simm.s32 $0x0;
	s3 =	sadd.s32 s6, s4  }
0x45: {  	[tilespmem:s10], [sflag:$0x3] =	stream.linear.gather [hbm4b:s3+s10], $0x1400, $0x38;
	[tilespmem:$0x1A800] =	vst v63  }
0x46: {  	_ =	swait.ge [sflag:s22], $0x1400  }
0x47: {  	[sflag:s22] =	ssyncset.done $0x0  }
0x48: {  	s4 =	sadd.s32 s7, s4;
	[sflag:s22] =	ssyncadd.s32 $0xFFFFEC00  }
0x49: {  	[tilespmem:s23], [sflag:$0x3] =	stream.linear.gather [hbm4b:s4+s10], $0x1400, $0x38;
	[tilespmem:$0x1A800] =	vst v63  }
0x4a: {  	_ =	swait.ge [sflag:s22], $0x1400  }
0x4b: {  	[sflag:s22] =	ssyncset.done $0x0  }
0x4c: {  	[sflag:s22] =	ssyncadd.s32 $0xFFFFEC00  }
0x4d: {  	[tilespmem:s21], [sflag:$0x1] =	stream.indirect.gather [hbm4b:s5+s24], $0x80, s10, s24, $0xb8;
	[tilespmem:$0x1A800] =	vst v63  }
0x4e: {  	_ =	swait.ge [sflag:s25], $0x2000  }
0x4f: {  	[sflag:s25] =	ssyncset.done $0x0  }
0x50: {  	s4 =	simm.s32 $0x80;
	[sflag:s25] =	ssyncadd.s32 $0xFFFFE000  }
0x51: {  	[tilespmem:s26], [sflag:$0x2] =	stream.indirect.gather [hbm4b:s5+s24], $0x80, s4, s24, $0xb8;
	[tilespmem:$0x1A800] =	vst v63  }
0x52: {  	s10 =	simm.s32 $0x1400  }
0x53: {  	[spmem:s2] =	stream.indirect.scatter.add.f32 [tilespmem:s21], [sflag:$0x3], $0x80, s10, s24, $0xb8;
	[tilespmem:$0x1A800] =	vst v63  }
0x54: {  	_ =	swait.ge [sflag:s22], $0x2000  }
0x55: {  	[sflag:s22] =	ssyncset.done $0x0  }
0x56: {  	[sflag:s22] =	ssyncadd.s32 $0xFFFFE000  }
0x57: {  	_ =	swait.ge [sflag:s28], $0x2000  }
0x58: {  	[sflag:s28] =	ssyncset.done $0x0  }
0x59: {  	s4 =	simm.s32 $0x100;
	[sflag:s28] =	ssyncadd.s32 $0xFFFFE000  }
0x5a: {  	[tilespmem:s21], [sflag:$0x1] =	stream.indirect.gather [hbm4b:s5+s24], $0x80, s4, s24, $0xb8;
	[tilespmem:$0x1A800] =	vst v63  }
0x5b: {  	s10 =	simm.s32 $0x1480  }
0x5c: {  	[spmem:s2] =	stream.indirect.scatter.add.f32 [tilespmem:s26], [sflag:$0x3], $0x80, s10, s24, $0xb8;
	[tilespmem:$0x1A800] =	vst v63  }
0x5d: {  	_ =	swait.ge [sflag:s22], $0x2000  }
0x5e: {  	s4 =	simm.s32 $0x400;
	[sflag:s22] =	ssyncset.done $0x0  }
.LBB2_3:
0x5f: {  	p1 =	sne.s32 s4, $0x4800  }
0x60: {  	[sflag:s22] =	ssyncadd.s32 $0xFFFFE000;
	s3 =	smov.u32 s4;
	s4 =	sadd.s32 $0x400, s4  }
0x61: {  	_ = 	snop  }
0x62: {  	_ =	swait.ge [sflag:s25], $0x2000  }
0x63: {  	s3 =	sshra.s32 s3, $0x2;
	[sflag:s25] =	ssyncset.done $0x0  }
0x64: {  	s10 =	sadd.s32 $0x80, s3;
	[sflag:s25] =	ssyncadd.s32 $0xFFFFE000  }
0x65: {  	[tilespmem:s26], [sflag:$0x2] =	stream.indirect.gather [hbm4b:s5+s24], $0x80, s10, s24, $0xb8;
	[tilespmem:$0x1A800] =	vst v63  }
0x66: {  	s10 =	sadd.s32 $0x1400, s3  }
0x67: {  	[spmem:s2] =	stream.indirect.scatter.add.f32 [tilespmem:s21], [sflag:$0x3], $0x80, s10, s24, $0xb8;
	[tilespmem:$0x1A800] =	vst v63  }
0x68: {  	_ =	swait.ge [sflag:s22], $0x2000  }
0x69: {  	[sflag:s22] =	ssyncset.done $0x0  }
0x6a: {  	[sflag:s22] =	ssyncadd.s32 $0xFFFFE000  }
0x6b: {  	_ =	swait.ge [sflag:s28], $0x2000  }
0x6c: {  	[sflag:s28] =	ssyncset.done $0x0  }
0x6d: {  	s10 =	sadd.s32 $0x100, s3;
	[sflag:s28] =	ssyncadd.s32 $0xFFFFE000  }
0x6e: {  	[tilespmem:s21], [sflag:$0x1] =	stream.indirect.gather [hbm4b:s5+s24], $0x80, s10, s24, $0xb8;
	[tilespmem:$0x1A800] =	vst v63  }
.Ltmp0:
0x6f: {  	_ = 	snop;
	(pc) =	sbr.rel @p1 .LBB2_3-.Ltmp0, $4  }
0x70: {  	s3 =	sadd.s32 $0x1480, s3  }
0x71: {  	[spmem:s2] =	stream.indirect.scatter.add.f32 [tilespmem:s26], [sflag:$0x3], $0x80, s3, s24, $0xb8;
	[tilespmem:$0x1A800] =	vst v63  }
0x72: {  	_ =	swait.ge [sflag:s22], $0x2000  }
0x73: {  	[sflag:s22] =	ssyncset.done $0x0  }
0x74: {  	[sflag:s22] =	ssyncadd.s32 $0xFFFFE000  }
0x75: {  	_ =	swait.ge [sflag:s25], $0x2000  }
0x76: {  	[sflag:s25] =	ssyncset.done $0x0  }
0x77: {  	[sflag:s25] =	ssyncadd.s32 $0xFFFFE000  }
0x78: {  	[tilespmem:s26], [sflag:$0x2] =	stream.indirect.gather [hbm4b:s5+s24], $0x80, s29, s24, $0xb8;
	[tilespmem:$0x1A800] =	vst v63  }
0x79: {  	_ = 	snop  }
0x7a: {  	[spmem:s2] =	stream.indirect.scatter.add.f32 [tilespmem:s21], [sflag:$0x3], $0x80, s30, s24, $0xb8;
	[tilespmem:$0x1A800] =	vst v63  }
0x7b: {  	_ =	swait.ge [sflag:s22], $0x2000  }
0x7c: {  	[sflag:s22] =	ssyncset.done $0x0  }
0x7d: {  	[sflag:s22] =	ssyncadd.s32 $0xFFFFE000  }
0x7e: {  	p1 =	slt.u32 @!p0 s1, $0x6;
	_ =	swait.ge [sflag:s28], $0x2000  }
0x7f: {  	p1 =	por p0, !p1;
	[sflag:s28] =	ssyncset.done $0x0  }
.Ltmp1:
0x80: {  	[sflag:s28] =	ssyncadd.s32 $0xFFFFE000;
	(pc) =	sbr.rel @!p1 .LBB2_2-.Ltmp1, $4  }
0x81: {  	[spmem:s2] =	stream.indirect.scatter.add.f32 [tilespmem:s26], [sflag:$0x3], $0x80, s31, s24, $0xb8;
	[tilespmem:$0x1A800] =	vst v63  }
0x82: {  	_ =	swait.ge [sflag:s22], $0x2000  }
0x83: {  	[sflag:s22] =	ssyncset.done $0x0  }
0x84: {  	s1 =	sadd.s32 $0x1, s1;
	[sflag:s22] =	ssyncadd.s32 $0xFFFFE000  }
0x85: {  	s1 =	stileid.u32;
	[bflag:$0x0] =	sbarrier.arrive $0xFFFF;
	s0 =	sadd.s32 $0x1, s0  }
0x86: {  	s3 =	sshrl.u32 s8, $0x3;
	s1 =	sshll.u32 s1, $0x6;
	p1 =	sne.s32 s0, s11  }
.Ltmp2:
0x87: {  	s4 =	rddreg [dreg:$0x4];
	s1 =	sor.u32 $0x1C03, s1;
	(pc) =	sbr.rel @p1 .LBB2_1-.Ltmp2, $4  }
0x88: {  	[hbm:s4], [sflag:s1] =	dma.local [spmem:s3], $0x2800  }
0x89: {  	_ =	swait.ge [sflag:s22], $0x2800  }
0x8a: {  	[sflag:s22] =	ssyncset.done $0x0  }
0x8b: {  	[sflag:s22] =	ssyncadd.s32 $0xFFFFD800  }
0x8c: {  	_ =	sfence.sel $0x180000  }
0x8d: {  	[bflag:$0x0] =	sbarrier.arrive $0xFFFF  }
0x8e: {  	_ =	strace $0x9000004D  }
0x8f: {  	s0 =	stileid.u32;
	[bflag:$0x2] =	sbarrier.arrive $0xFFFF  }
0x90: {  	p0 =	sne.s32 s0, $0x0;
	s0 =	rddreg [dreg:$0x3]  }
0x91: {  	s0 =	sadd.s32 @!p0 $0x100000, s0  }
0x92: {  	[sflag:s0] =	ssyncadd.tile.s32 @!p0 $0x1;
	_ =	shalt  }
.Lfunc_end2:
_tile_overlayer_lowered:
.L_overlay_start_2:
0x93: {  	(tag) =	ssettag $0x2  }
0x94: {  	s0 =	rddreg [dreg:$0x0];
	s2 =	stileid.u32  }
0x95: {  	s1 =	rddreg [dreg:$0x1];
	p0 =	sne.s32 s2, $0x0  }
0x96: {  	s3 =	rddreg [dreg:$0x2];
	[bflag:$0x3] =	sbarrier.arrive $0xFFFF;
	s2 =	simm.s32 @!p0 $0x1C03  }
0x97: {  	[timem:s3], [sflag:s2] =	dma.local @!p0 [hbm:s0], s1  }
0x98: {  	s0 =	simm.s32 @!p0 $0x3  }
0x99: {  	_ =	swait.ge @!p0 [sflag:s0], s1  }
0x9a: {  	s1 =	ssub.s32 @!p0 $0x0, s1;
	[sflag:s0] =	ssyncset.done @!p0 $0x0  }
0x9b: {  	[sflag:s0] =	ssyncadd.s32 @!p0 s1  }
0x9c: {  	[bflag:$0x3] =	sbarrier.arrive $0xFFFF  }
0x9d: {  	_ =	shalt  }

// kernel: kernel.25.cloned.1.call-start
scs
__scs_entry_jumppad:
0x0: {  	(pc) =	sbr.rel $0x88, $3  }
0x1: {  	(tag) =	ssettag $0x0;
	lr =	simm.s32 $0x1  }
0x2: {  	[smem:$0x3F98] =	sst lr;
	_ =	strace $0xD0000000  }
0x3: {  	_ = 	snop  }
0x4: {  	_ = 	snop  }
0x5: {  	_ = 	snop  }
0x6: {  	_ = 	snop  }
0x7: {  	_ = 	snop  }
__scs_overlays_trampoline_lowered:
0x8: {  	[smem:$0x3FA7] =	sst s0  }
0x9: {  	[smem:$0x3FA8] =	sst s1  }
0xa: {  	[smem:$0x3FA9] =	sst s2  }
0xb: {  	[smem:$0x3FAA] =	sst s3  }
0xc: {  	[smem:$0x3FAB] =	sst s4  }
0xd: {  	[smem:$0x3FAC] =	sst s5  }
0xe: {  	[smem:$0x3FAD] =	sst s6  }
0xf: {  	[smem:$0x3FAE] =	sst s7  }
0x10: {  	[smem:$0x3FAF] =	sst s8  }
0x11: {  	[smem:$0x3FB0] =	sst s9;
	s0 =	simm.s32 @!p0 $0x0  }
0x12: {  	s1 =	sld [smem:$0x3F96];
	s0 =	simm.s32 @p0 $0x1  }
0x13: {  	[smem:$0x3FB1] =	sst s0;
	s0 =	simm.s32 @!p1 $0x0  }
0x14: {  	s2 =	sld [smem:$0x3F95];
	s0 =	simm.s32 @p1 $0x1  }
0x15: {  	[smem:$0x3FB2] =	sst s0;
	s0 =	simm.s32 @!p2 $0x0  }
0x16: {  	s3 =	sld [smem:$0x3FDB];
	s0 =	simm.s32 @p2 $0x1  }
0x17: {  	s4 =	simm.s32 $0x1BF5;
	[smem:$0x3FB4] =	sst s0  }
0x18: {  	s0 =	sld [smem:$0x3F97];
	_ =	swait.ge [sflag:s4], $0x0  }
0x19: {  	s7 =	sld [smem:$0x3F98]  }
0x1a: {  	s8 =	sadd.s32 $0xFFFFE003, lr  }
0x1b: {  	s9 =	sadd.s32 $0xFFFFFEF7, lr;
	s5 =	simm.s32 $0xFFFFFFFF;
	p2 =	slt.u32 s8, $0xFFFFF086  }
0x1c: {  	p1 =	slt.u32 s9, $0xF7A;
	s5 =	simm.s32 @!p2 $0x0  }
0x1d: {  	s5 =	simm.s32 @p1 $0x1;
	p0 =	seq.s32 s7, s2  }
0x1e: {  	s7 =	smul.u32 @!p0 $0xF7A, s2;
	p2 =	seq.s32 @!p0 s5, $0x0  }
0x1f: {  	s9 =	smul.u32 $0xF7A, s1;
	s8 =	simm.s32 @!p0 $0x1BF5;
	p2 =	por !p2, p0  }
0x20: {  	[sflag:s8] =	ssyncset.s32 @!p0 $0xFFFFF086;
	s6 =	sadd.s32 @!p0 s3, s7;
	s7 =	simm.s32 @!p0 $0x108  }
0x21: {  	s3 =	sadd.s32 s3, s9;
	s6 =	sadd.s32 @!p0 $0x88, s6;
	s7 =	simm.s32 @p2 $0x1082  }
0x22: {  	[simem:s7], [sflag:s8] =	dma.local @!p0 [hbm:s6], $0xF7A  }
0x23: {  	s9 =	sor.u32 $0xD0000000, s2;
	s6 =	simm.s32 $0x108;
	_ =	swait.ge @!p0 [sflag:s8], $0x0  }
0x24: {  	s3 =	sadd.s32 $0x88, s3;
	s6 =	simm.s32 @!p1 $0x1082;
	[sflag:s4] =	ssyncset.s32 $0xFFFFF086  }
0x25: {  	[simem:s6], [sflag:s4] =	dma.local [hbm:s3], $0xF7A  }
0x26: {  	[smem:$0x3F98] =	sst s1;
	(tag) =	ssettag s2;
	_ =	strace s9  }
0x27: {  	s1 =	sld [smem:$0x3FA8]  }
0x28: {  	s2 =	sld [smem:$0x3FA9]  }
0x29: {  	s4 =	sld [smem:$0x3FAB]  }
0x2a: {  	p0 =	seq.s32 s5, $0x0;
	s5 =	sld [smem:$0x3FAC]  }
0x2b: {  	s6 =	sld [smem:$0x3FAD]  }
0x2c: {  	s7 =	sld [smem:$0x3FAE]  }
0x2d: {  	s3 =	simm.s32 $0x108;
	s8 =	sld [smem:$0x3FAF]  }
0x2e: {  	s3 =	simm.s32 @!p0 $0x1082;
	s9 =	sld [smem:$0x3FB0]  }
0x2f: {  	lr =	sadd.s32 s0, s3;
	s0 =	sld [smem:$0x3FA7]  }
0x30: {  	s3 =	sld [smem:$0x3FAA]  }
0x31: {  	[smem:$0x3FB3] =	sst s10  }
0x32: {  	s10 =	sld [smem:$0x3FB1];
	_ =	sdelay $0x3  }
0x33: {  	p0 =	seq.s32 s10, $0x1;
	s10 =	sld [smem:$0x3FB3];
	_ =	sdelay $0x3  }
0x34: {  	[smem:$0x3FB3] =	sst s10  }
0x35: {  	s10 =	sld [smem:$0x3FB2];
	_ =	sdelay $0x3  }
0x36: {  	p1 =	seq.s32 s10, $0x1;
	s10 =	sld [smem:$0x3FB3];
	_ =	sdelay $0x3  }
0x37: {  	[smem:$0x3FB3] =	sst s10  }
0x38: {  	s10 =	sld [smem:$0x3FB4]  }
0x39: {  	_ = 	snop;
	(pc) =	sbr.ind lr, $3  }
0x3a: {  	_ = 	snop  }
0x3b: {  	_ = 	snop  }
0x3c: {  	p2 =	seq.s32 s10, $0x1;
	s10 =	sld [smem:$0x3FB3]  }
0x3d: {  	_ =	shalt  }
0x3e: {  	_ =	shalt  }
0x3f: {  	_ =	shalt  }
0x40: {  	_ =	shalt  }
0x41: {  	_ =	shalt  }
0x42: {  	_ =	shalt  }
0x43: {  	_ =	shalt  }
0x44: {  	_ =	shalt  }
0x45: {  	_ =	shalt  }
0x46: {  	_ =	shalt  }
0x47: {  	_ =	shalt  }
0x48: {  	_ =	shalt  }
0x49: {  	_ =	shalt  }
0x4a: {  	_ =	shalt  }
0x4b: {  	_ =	shalt  }
0x4c: {  	_ =	shalt  }
0x4d: {  	_ =	shalt  }
0x4e: {  	_ =	shalt  }
0x4f: {  	_ =	shalt  }
0x50: {  	_ =	shalt  }
0x51: {  	_ =	shalt  }
0x52: {  	_ =	shalt  }
0x53: {  	_ =	shalt  }
0x54: {  	_ =	shalt  }
0x55: {  	_ =	shalt  }
0x56: {  	_ =	shalt  }
0x57: {  	_ =	shalt  }
0x58: {  	_ =	shalt  }
0x59: {  	_ =	shalt  }
0x5a: {  	_ =	shalt  }
0x5b: {  	_ =	shalt  }
0x5c: {  	_ =	shalt  }
0x5d: {  	_ =	shalt  }
0x5e: {  	_ =	shalt  }
0x5f: {  	_ =	shalt  }
0x60: {  	_ =	shalt  }
0x61: {  	_ =	shalt  }
0x62: {  	_ =	shalt  }
0x63: {  	_ =	shalt  }
0x64: {  	_ =	shalt  }
0x65: {  	_ =	shalt  }
0x66: {  	_ =	shalt  }
0x67: {  	_ =	shalt  }
0x68: {  	_ =	shalt  }
0x69: {  	_ =	shalt  }
0x6a: {  	_ =	shalt  }
0x6b: {  	_ =	shalt  }
0x6c: {  	_ =	shalt  }
0x6d: {  	_ =	shalt  }
0x6e: {  	_ =	shalt  }
0x6f: {  	_ =	shalt  }
0x70: {  	_ =	shalt  }
0x71: {  	_ =	shalt  }
0x72: {  	_ =	shalt  }
0x73: {  	_ =	shalt  }
0x74: {  	_ =	shalt  }
0x75: {  	_ =	shalt  }
0x76: {  	_ =	shalt  }
0x77: {  	_ =	shalt  }
0x78: {  	_ =	shalt  }
0x79: {  	_ =	shalt  }
0x7a: {  	_ =	shalt  }
0x7b: {  	_ =	shalt  }
0x7c: {  	_ =	shalt  }
0x7d: {  	_ =	shalt  }
0x7e: {  	_ =	shalt  }
0x7f: {  	_ =	shalt  }
0x80: {  	_ =	shalt  }
0x81: {  	_ =	shalt  }
0x82: {  	_ =	shalt  }
0x83: {  	_ =	shalt  }
0x84: {  	_ =	shalt  }
0x85: {  	_ =	shalt  }
0x86: {  	_ =	shalt  }
0x87: {  	_ =	shalt  }
.Lfunc_end0:
.L_simem_size_0:
called_computation.3_lowered:
.L_overlay_start_0:
0x88: {  	s2 =	sld [smem:$0x3FD9]  }
0x89: {  	s3 =	sld [smem:$0x3FFE];
	_ =	sdelay $0x1  }
0x8a: {  	s1 =	srdreg.scid  }
0x8b: {  	s0 =	sand.u32 $0x1, s1  }
0x8c: {  	s17 =	sshll.u32 s0, $0xA;
	s2 =	sadd.s32 s3, s2  }
0x8d: {  	s2 =	sadd.s32 s2, s17  }
0x8e: {  	[smem:$0x3FBF] =	sst s2  }
0x8f: {  	_ = 	snop  }
0x90: {  	s2 =	sld [smem:$0x3FD0];
	(tm) =	ssettm $0x1  }
0x91: {  	s18 =	sld [smem:$0x3FFB];
	_ =	sdelay $0x3  }
0x92: {  	_ =	strace s18  }
0x93: {  	s3 =	sld [smem:$0x3FFC];
	_ =	sdelay $0x3  }
0x94: {  	_ =	strace s3  }
0x95: {  	s3 =	sld [smem:$0x3FFD];
	_ =	sdelay $0x3  }
0x96: {  	_ =	strace s3  }
0x97: {  	_ =	strace $0x8FFFFFFF  }
0x98: {  	s19 =	sld [smem:$0x3FDB];
	_ =	sdelay $0x1  }
0x99: {  	s4 =	simm.s32 $_scs_section_size  }
0x9a: {  	s5 =	simm.s32 $_size__tile_overlayer_lowered;
	s6 =	simm.s32 $_tile_overlayer_lowered  }
0x9b: {  	s22 =	simm.s32 $0x1BFF;
	s21 =	sshll.u32 s6, $0x1;
	s3 =	sadd.s32 s4, s19  }
0x9c: {  	s7 =	simm.s32 $0x0;
	s20 =	sshll.u32 s5, $0x1;
	s5 =	sadd.s32 s21, s3  }
0x9d: {  	[timem:s7], [sflag:s22] =	dma.local [hbm:s5], s20  }
0x9e: {  	_ =	swait.ge [sflag:s22], s20  }
0x9f: {  	s4 =	ssub.s32 $0x0, s20;
	[sflag:s22] =	ssyncset.done $0x0  }
0xa0: {  	[sflag:s22] =	ssyncadd.s32 s4;
	_ =	sdelay $0x1  }
0xa1: {  	s23 =	simm.s32 $0x1B8B  }
0xa2: {  	_ =	swait.ge [sflag:s23], $0x1  }
0xa3: {  	[sflag:s23] =	ssyncset.done $0x0  }
0xa4: {  	s25 =	simm.s32 $0x1B8E;
	s24 =	sld [smem:$0x3FFE];
	[sflag:s23] =	ssyncadd.s32 $0xFFFFFFFF  }
0xa5: {  	s26 =	simm.s32 $execute0_lowered;
	[smem:$0x3FD2] =	sst s25  }
0xa6: {  	s5 =	sshll.u32 s26, $0x1;
	_ =	strace $0x8000004F;
	[dreg:$0x1] =	wrdreg $0xFFFFFFFF  }
0xa7: {  	s28 =	simm.s32 $_size_execute0_lowered;
	s3 =	sadd.s32 s3, s5;
	[dreg:$0x0] =	wrdreg $0x0  }
0xa8: {  	s5 =	sshll.u32 s28, $0x1;
	[dreg:$0x2] =	wrdreg s3  }
0xa9: {  	[dreg:$0x3] =	wrdreg s5  }
0xaa: {  	[dreg:$0x4] =	wrdreg $0xC0  }
0xab: {  	_ =	task [dreg:s7], $0x5FFFF  }
0xac: {  	[dreg:$0x1] =	wrdreg $0xFFFFFFFF  }
0xad: {  	[dreg:$0x0] =	wrdreg $0x60  }
0xae: {  	[dreg:$0x2] =	wrdreg s24  }
0xaf: {  	[dreg:$0x3] =	wrdreg s2  }
0xb0: {  	[dreg:$0x4] =	wrdreg $0x68000  }
0xb1: {  	[dreg:$0x5] =	wrdreg $0x9  }
0xb2: {  	_ =	task.clear_ibuf [dreg:s7], $0x6FFFF;
	_ =	strace $0x9000004F  }
0xb3: {  	s29 =	simm.s32 $0x9;
	_ =	strace $0x80000051  }
0xb4: {  	_ =	swait.ge [sflag:s29], $0x1  }
0xb5: {  	[sflag:s29] =	ssyncadd.s32 $0xFFFFFFFF  }
0xb6: {  	_ =	strace $0x90000051  }
0xb7: {  	_ =	sfence  }
0xb8: {  	s30 =	sld [smem:$0x0];
	_ =	sdelay $0x2  }
0xb9: {  	s31 =	sshll.u32 s1, $0xD;
	s1 =	sshrl.u32 s1, $0x2  }
0xba: {  	s3 =	sand.u32 $0x4000, s31;
	s1 =	sadd.s32 s1, s30  }
0xbb: {  	s0 =	sor.u32 s3, s0;
	s1 =	sshll.u32 s1, $0x11  }
0xbc: {  	s0 =	sor.u32 s1, s0  }
0xbd: {  	s0 =	sadd.s32 $0x8F2B, s0  }
0xbe: {  	[sflag:s0] =	ssyncadd.remote.s32 $0x1  }
0xbf: {  	_ =	sfence.sel $0xFFFF  }
0xc0: {  	[dreg:$0x0] =	wrdreg $0xFFFFFFFF;
	(pc) =	sbr.abs _section_cstart, $3  }
0xc1: {  	[dreg:$0x1] =	wrdreg $0xFFFFFFFF  }
0xc2: {  	_ =	task.clear_ibuf [dreg:s7], $0x2FFFF;
	_ =	strace $0x9FFFFFFF  }
0xc3: {  	(tm) =	ssettm $0x7FFFFFFF  }
tec
execute0_lowered:
.L_overlay_start_1:
0x0: {  	(tag) =	ssettag $0x1  }
0x1: {  	s0 =	rddreg [dreg:$0x0]  }
0x2: {  	s2 =	rddreg [dreg:$0x2];
	s1 =	srdreg.scid  }
0x3: {  	s5 =	simm.s32 $0x0;
	s3 =	stileid.u32;
	s21 =	simm.s32 $0x2800  }
0x4: {  	s22 =	simm.s32 $0x3;
	s23 =	simm.s32 $0x1400;
	s28 =	simm.s32 $0x2  }
0x5: {  	s29 =	simm.s32 $0x1380;
	s30 =	simm.s32 $0x2700;
	s8 =	smul.u32 $0x14000, s3  }
0x6: {  	s31 =	simm.s32 $0x2780;
	s1 =	sand.u32 $0x1, s1;
	s9 =	smul.u32 $0x50000, s3  }
0x7: {  	[smem:$0x7FF] =	sst s5;
	s5 =	sadd.s32 $0x2BC00, s0;
	s10 =	smul.u32 $0x28, s3  }
0x8: {  	s6 =	sadd.s32 $0x3C00, s0;
	s7 =	sadd.s32 $0x17C00, s0;
	s11 =	smul.u32 $0x118, s3  }
0x9: {  	s4 =	smul.u32 $0x140000, s1;
	_ =	strace $0x80000050;
	s24 =	ssub.s32 $0x2, s1  }
0xa: {  	p0 =	seq.s32 s1, $0x0;
	s25 =	sshrl.u32 s24, $0x1;
	s26 =	sshrl.u32 s9, $0x2  }
0xb: {  	s9 =	sadd.s32 $0x1180, s10;
	s4 =	sadd.s32 s8, s4;
	s8 =	sadd.s32 s26, s2  }
0xc: {  	s9 =	smov.u32 @p0 s11;
	p0 =	sne.s32 s1, $0x0;
	s26 =	simm.s32 $0x4800  }
0xd: {  	s4 =	sshrl.u32 s4, $0x3;
	s12 =	sadd.s32 $0x2000, s8;
	s13 =	sadd.s32 $0x4000, s8  }
0xe: {  	s14 =	sadd.s32 $0x6000, s8;
	s15 =	sadd.s32 $0x8000, s8;
	s16 =	sadd.s32 $0xA000, s8  }
0xf: {  	s17 =	sadd.s32 $0xC000, s8;
	s18 =	sadd.s32 $0xE000, s8;
	s19 =	sadd.s32 $0x10000, s8  }
0x10: {  	s20 =	sadd.s32 $0x12000, s8;
	s0 =	sadd.s32 s4, s0;
	s4 =	ssub.s32 s24, s25  }
0x11: {  	s24 =	simm.s32 $0x40;
	s25 =	simm.s32 $0x1;
	s0 =	sadd.s32 $0xCBC00, s0  }
0x12: {  	s11 =	smax.u32 s4, $0x1;
	[dreg:$0x4] =	wrdreg s0;
	s0 =	simm.s32 $0x0  }
.LBB2_1:
0x13: {  	s1 =	rddreg [dreg:$0x1];
	s3 =	simm.s32 $0x0  }
0x14: {  	[tilespmem:s21], [sflag:$0x3] =	stream.linear.gather [hbm4b:s1+s3], $0x2000, $0x38;
	[tilespmem:$0x1A800] =	vst v63  }
0x15: {  	_ =	swait.ge [sflag:s22], $0x2000  }
0x16: {  	[sflag:s22] =	ssyncset.done $0x0  }
0x17: {  	[sflag:s22] =	ssyncadd.s32 $0xFFFFE000  }
0x18: {  	[spmem:s8] =	stream.linear.scatter [tilespmem:s21], [sflag:$0x3], $0x2000, $0x38;
	[tilespmem:$0x1A800] =	vst v63  }
0x19: {  	_ =	swait.ge [sflag:s22], $0x2000  }
0x1a: {  	[sflag:s22] =	ssyncset.done $0x0  }
0x1b: {  	[sflag:s22] =	ssyncadd.s32 $0xFFFFE000  }
0x1c: {  	[spmem:s12] =	stream.linear.scatter [tilespmem:s21], [sflag:$0x3], $0x2000, $0x38;
	[tilespmem:$0x1A800] =	vst v63  }
0x1d: {  	_ =	swait.ge [sflag:s22], $0x2000  }
0x1e: {  	[sflag:s22] =	ssyncset.done $0x0  }
0x1f: {  	[sflag:s22] =	ssyncadd.s32 $0xFFFFE000  }
0x20: {  	[spmem:s13] =	stream.linear.scatter [tilespmem:s21], [sflag:$0x3], $0x2000, $0x38;
	[tilespmem:$0x1A800] =	vst v63  }
0x21: {  	_ =	swait.ge [sflag:s22], $0x2000  }
0x22: {  	[sflag:s22] =	ssyncset.done $0x0  }
0x23: {  	[sflag:s22] =	ssyncadd.s32 $0xFFFFE000  }
0x24: {  	[spmem:s14] =	stream.linear.scatter [tilespmem:s21], [sflag:$0x3], $0x2000, $0x38;
	[tilespmem:$0x1A800] =	vst v63  }
0x25: {  	_ =	swait.ge [sflag:s22], $0x2000  }
0x26: {  	[sflag:s22] =	ssyncset.done $0x0  }
0x27: {  	[sflag:s22] =	ssyncadd.s32 $0xFFFFE000  }
0x28: {  	[spmem:s15] =	stream.linear.scatter [tilespmem:s21], [sflag:$0x3], $0x2000, $0x38;
	[tilespmem:$0x1A800] =	vst v63  }
0x29: {  	_ =	swait.ge [sflag:s22], $0x2000  }
0x2a: {  	[sflag:s22] =	ssyncset.done $0x0  }
0x2b: {  	[sflag:s22] =	ssyncadd.s32 $0xFFFFE000  }
0x2c: {  	[spmem:s16] =	stream.linear.scatter [tilespmem:s21], [sflag:$0x3], $0x2000, $0x38;
	[tilespmem:$0x1A800] =	vst v63  }
0x2d: {  	_ =	swait.ge [sflag:s22], $0x2000  }
0x2e: {  	[sflag:s22] =	ssyncset.done $0x0  }
0x2f: {  	[sflag:s22] =	ssyncadd.s32 $0xFFFFE000  }
0x30: {  	[spmem:s17] =	stream.linear.scatter [tilespmem:s21], [sflag:$0x3], $0x2000, $0x38;
	[tilespmem:$0x1A800] =	vst v63  }
0x31: {  	_ =	swait.ge [sflag:s22], $0x2000  }
0x32: {  	[sflag:s22] =	ssyncset.done $0x0  }
0x33: {  	[sflag:s22] =	ssyncadd.s32 $0xFFFFE000  }
0x34: {  	[spmem:s18] =	stream.linear.scatter [tilespmem:s21], [sflag:$0x3], $0x2000, $0x38;
	[tilespmem:$0x1A800] =	vst v63  }
0x35: {  	_ =	swait.ge [sflag:s22], $0x2000  }
0x36: {  	[sflag:s22] =	ssyncset.done $0x0  }
0x37: {  	[sflag:s22] =	ssyncadd.s32 $0xFFFFE000  }
0x38: {  	[spmem:s19] =	stream.linear.scatter [tilespmem:s21], [sflag:$0x3], $0x2000, $0x38;
	[tilespmem:$0x1A800] =	vst v63  }
0x39: {  	_ =	swait.ge [sflag:s22], $0x2000  }
0x3a: {  	[sflag:s22] =	ssyncset.done $0x0  }
0x3b: {  	[sflag:s22] =	ssyncadd.s32 $0xFFFFE000  }
0x3c: {  	[spmem:s20] =	stream.linear.scatter [tilespmem:s21], [sflag:$0x3], $0x2000, $0x38;
	[tilespmem:$0x1A800] =	vst v63  }
0x3d: {  	_ =	swait.ge [sflag:s22], $0x2000  }
0x3e: {  	[sflag:s22] =	ssyncset.done $0x0  }
0x3f: {  	[sflag:s22] =	ssyncadd.s32 $0xFFFFE000  }
0x40: {  	s1 =	simm.s32 $0x0;
	[bflag:$0x0] =	sbarrier.arrive $0xFFFF  }
.LBB2_2:
0x41: {  	s4 =	smul.u32 $0x28, s1;
	_ =	sdelay $0x1  }
0x42: {  	s4 =	sadd.s32 s9, s4  }
0x43: {  	s4 =	sshll.u32 s4, $0x4  }
0x44: {  	s10 =	simm.s32 $0x0;
	s3 =	sadd.s32 s6, s4  }
0x45: {  	[tilespmem:s10], [sflag:$0x3] =	stream.linear.gather [hbm4b:s3+s10], $0x1400, $0x38;
	[tilespmem:$0x1A800] =	vst v63  }
0x46: {  	_ =	swait.ge [sflag:s22], $0x1400  }
0x47: {  	[sflag:s22] =	ssyncset.done $0x0  }
0x48: {  	s4 =	sadd.s32 s7, s4;
	[sflag:s22] =	ssyncadd.s32 $0xFFFFEC00  }
0x49: {  	[tilespmem:s23], [sflag:$0x3] =	stream.linear.gather [hbm4b:s4+s10], $0x1400, $0x38;
	[tilespmem:$0x1A800] =	vst v63  }
0x4a: {  	_ =	swait.ge [sflag:s22], $0x1400  }
0x4b: {  	[sflag:s22] =	ssyncset.done $0x0  }
0x4c: {  	[sflag:s22] =	ssyncadd.s32 $0xFFFFEC00  }
0x4d: {  	[tilespmem:s21], [sflag:$0x1] =	stream.indirect.gather [hbm4b:s5+s24], $0x80, s10, s24, $0xb8;
	[tilespmem:$0x1A800] =	vst v63  }
0x4e: {  	_ =	swait.ge [sflag:s25], $0x2000  }
0x4f: {  	[sflag:s25] =	ssyncset.done $0x0  }
0x50: {  	s4 =	simm.s32 $0x80;
	[sflag:s25] =	ssyncadd.s32 $0xFFFFE000  }
0x51: {  	[tilespmem:s26], [sflag:$0x2] =	stream.indirect.gather [hbm4b:s5+s24], $0x80, s4, s24, $0xb8;
	[tilespmem:$0x1A800] =	vst v63  }
0x52: {  	s10 =	simm.s32 $0x1400  }
0x53: {  	[spmem:s2] =	stream.indirect.scatter.add.f32 [tilespmem:s21], [sflag:$0x3], $0x80, s10, s24, $0xb8;
	[tilespmem:$0x1A800] =	vst v63  }
0x54: {  	_ =	swait.ge [sflag:s22], $0x2000  }
0x55: {  	[sflag:s22] =	ssyncset.done $0x0  }
0x56: {  	[sflag:s22] =	ssyncadd.s32 $0xFFFFE000  }
0x57: {  	_ =	swait.ge [sflag:s28], $0x2000  }
0x58: {  	[sflag:s28] =	ssyncset.done $0x0  }
0x59: {  	s4 =	simm.s32 $0x100;
	[sflag:s28] =	ssyncadd.s32 $0xFFFFE000  }
0x5a: {  	[tilespmem:s21], [sflag:$0x1] =	stream.indirect.gather [hbm4b:s5+s24], $0x80, s4, s24, $0xb8;
	[tilespmem:$0x1A800] =	vst v63  }
0x5b: {  	s10 =	simm.s32 $0x1480  }
0x5c: {  	[spmem:s2] =	stream.indirect.scatter.add.f32 [tilespmem:s26], [sflag:$0x3], $0x80, s10, s24, $0xb8;
	[tilespmem:$0x1A800] =	vst v63  }
0x5d: {  	_ =	swait.ge [sflag:s22], $0x2000  }
0x5e: {  	s4 =	simm.s32 $0x400;
	[sflag:s22] =	ssyncset.done $0x0  }
.LBB2_3:
0x5f: {  	p1 =	sne.s32 s4, $0x4800  }
0x60: {  	[sflag:s22] =	ssyncadd.s32 $0xFFFFE000;
	s3 =	smov.u32 s4;
	s4 =	sadd.s32 $0x400, s4  }
0x61: {  	_ = 	snop  }
0x62: {  	_ =	swait.ge [sflag:s25], $0x2000  }
0x63: {  	s3 =	sshra.s32 s3, $0x2;
	[sflag:s25] =	ssyncset.done $0x0  }
0x64: {  	s10 =	sadd.s32 $0x80, s3;
	[sflag:s25] =	ssyncadd.s32 $0xFFFFE000  }
0x65: {  	[tilespmem:s26], [sflag:$0x2] =	stream.indirect.gather [hbm4b:s5+s24], $0x80, s10, s24, $0xb8;
	[tilespmem:$0x1A800] =	vst v63  }
0x66: {  	s10 =	sadd.s32 $0x1400, s3  }
0x67: {  	[spmem:s2] =	stream.indirect.scatter.add.f32 [tilespmem:s21], [sflag:$0x3], $0x80, s10, s24, $0xb8;
	[tilespmem:$0x1A800] =	vst v63  }
0x68: {  	_ =	swait.ge [sflag:s22], $0x2000  }
0x69: {  	[sflag:s22] =	ssyncset.done $0x0  }
0x6a: {  	[sflag:s22] =	ssyncadd.s32 $0xFFFFE000  }
0x6b: {  	_ =	swait.ge [sflag:s28], $0x2000  }
0x6c: {  	[sflag:s28] =	ssyncset.done $0x0  }
0x6d: {  	s10 =	sadd.s32 $0x100, s3;
	[sflag:s28] =	ssyncadd.s32 $0xFFFFE000  }
0x6e: {  	[tilespmem:s21], [sflag:$0x1] =	stream.indirect.gather [hbm4b:s5+s24], $0x80, s10, s24, $0xb8;
	[tilespmem:$0x1A800] =	vst v63  }
.Ltmp0:
0x6f: {  	_ = 	snop;
	(pc) =	sbr.rel @p1 .LBB2_3-.Ltmp0, $4  }
0x70: {  	s3 =	sadd.s32 $0x1480, s3  }
0x71: {  	[spmem:s2] =	stream.indirect.scatter.add.f32 [tilespmem:s26], [sflag:$0x3], $0x80, s3, s24, $0xb8;
	[tilespmem:$0x1A800] =	vst v63  }
0x72: {  	_ =	swait.ge [sflag:s22], $0x2000  }
0x73: {  	[sflag:s22] =	ssyncset.done $0x0  }
0x74: {  	[sflag:s22] =	ssyncadd.s32 $0xFFFFE000  }
0x75: {  	_ =	swait.ge [sflag:s25], $0x2000  }
0x76: {  	[sflag:s25] =	ssyncset.done $0x0  }
0x77: {  	[sflag:s25] =	ssyncadd.s32 $0xFFFFE000  }
0x78: {  	[tilespmem:s26], [sflag:$0x2] =	stream.indirect.gather [hbm4b:s5+s24], $0x80, s29, s24, $0xb8;
	[tilespmem:$0x1A800] =	vst v63  }
0x79: {  	_ = 	snop  }
0x7a: {  	[spmem:s2] =	stream.indirect.scatter.add.f32 [tilespmem:s21], [sflag:$0x3], $0x80, s30, s24, $0xb8;
	[tilespmem:$0x1A800] =	vst v63  }
0x7b: {  	_ =	swait.ge [sflag:s22], $0x2000  }
0x7c: {  	[sflag:s22] =	ssyncset.done $0x0  }
0x7d: {  	[sflag:s22] =	ssyncadd.s32 $0xFFFFE000  }
0x7e: {  	p1 =	slt.u32 @!p0 s1, $0x6;
	_ =	swait.ge [sflag:s28], $0x2000  }
0x7f: {  	p1 =	por p0, !p1;
	[sflag:s28] =	ssyncset.done $0x0  }
.Ltmp1:
0x80: {  	[sflag:s28] =	ssyncadd.s32 $0xFFFFE000;
	(pc) =	sbr.rel @!p1 .LBB2_2-.Ltmp1, $4  }
0x81: {  	[spmem:s2] =	stream.indirect.scatter.add.f32 [tilespmem:s26], [sflag:$0x3], $0x80, s31, s24, $0xb8;
	[tilespmem:$0x1A800] =	vst v63  }
0x82: {  	_ =	swait.ge [sflag:s22], $0x2000  }
0x83: {  	[sflag:s22] =	ssyncset.done $0x0  }
0x84: {  	s1 =	sadd.s32 $0x1, s1;
	[sflag:s22] =	ssyncadd.s32 $0xFFFFE000  }
0x85: {  	s1 =	stileid.u32;
	[bflag:$0x0] =	sbarrier.arrive $0xFFFF;
	s0 =	sadd.s32 $0x1, s0  }
0x86: {  	s3 =	sshrl.u32 s8, $0x3;
	s1 =	sshll.u32 s1, $0x6;
	p1 =	sne.s32 s0, s11  }
.Ltmp2:
0x87: {  	s4 =	rddreg [dreg:$0x4];
	s1 =	sor.u32 $0x1C03, s1;
	(pc) =	sbr.rel @p1 .LBB2_1-.Ltmp2, $4  }
0x88: {  	[hbm:s4], [sflag:s1] =	dma.local [spmem:s3], $0x2800  }
0x89: {  	_ =	swait.ge [sflag:s22], $0x2800  }
0x8a: {  	[sflag:s22] =	ssyncset.done $0x0  }
0x8b: {  	[sflag:s22] =	ssyncadd.s32 $0xFFFFD800  }
0x8c: {  	_ =	sfence.sel $0x180000  }
0x8d: {  	[bflag:$0x0] =	sbarrier.arrive $0xFFFF  }
0x8e: {  	_ =	strace $0x90000050  }
0x8f: {  	s0 =	stileid.u32;
	[bflag:$0x2] =	sbarrier.arrive $0xFFFF  }
0x90: {  	p0 =	sne.s32 s0, $0x0;
	s0 =	rddreg [dreg:$0x3]  }
0x91: {  	s0 =	sadd.s32 @!p0 $0x100000, s0  }
0x92: {  	[sflag:s0] =	ssyncadd.tile.s32 @!p0 $0x1;
	_ =	shalt  }
.Lfunc_end2:
_tile_overlayer_lowered:
.L_overlay_start_2:
0x93: {  	(tag) =	ssettag $0x2  }
0x94: {  	s0 =	rddreg [dreg:$0x0];
	s2 =	stileid.u32  }
0x95: {  	s1 =	rddreg [dreg:$0x1];
	p0 =	sne.s32 s2, $0x0  }
0x96: {  	s3 =	rddreg [dreg:$0x2];
	[bflag:$0x3] =	sbarrier.arrive $0xFFFF;
	s2 =	simm.s32 @!p0 $0x1C03  }
0x97: {  	[timem:s3], [sflag:s2] =	dma.local @!p0 [hbm:s0], s1  }
0x98: {  	s0 =	simm.s32 @!p0 $0x3  }
0x99: {  	_ =	swait.ge @!p0 [sflag:s0], s1  }
0x9a: {  	s1 =	ssub.s32 @!p0 $0x0, s1;
	[sflag:s0] =	ssyncset.done @!p0 $0x0  }
0x9b: {  	[sflag:s0] =	ssyncadd.s32 @!p0 s1  }
0x9c: {  	[bflag:$0x3] =	sbarrier.arrive $0xFFFF  }
0x9d: {  	_ =	shalt  }

// kernel: kernel.28.cloned.1.call-start
scs
__scs_entry_jumppad:
0x0: {  	(pc) =	sbr.rel $0x88, $3  }
0x1: {  	(tag) =	ssettag $0x0;
	lr =	simm.s32 $0x1  }
0x2: {  	[smem:$0x3F98] =	sst lr;
	_ =	strace $0xD0000000  }
0x3: {  	_ = 	snop  }
0x4: {  	_ = 	snop  }
0x5: {  	_ = 	snop  }
0x6: {  	_ = 	snop  }
0x7: {  	_ = 	snop  }
__scs_overlays_trampoline_lowered:
0x8: {  	[smem:$0x3FA7] =	sst s0  }
0x9: {  	[smem:$0x3FA8] =	sst s1  }
0xa: {  	[smem:$0x3FA9] =	sst s2  }
0xb: {  	[smem:$0x3FAA] =	sst s3  }
0xc: {  	[smem:$0x3FAB] =	sst s4  }
0xd: {  	[smem:$0x3FAC] =	sst s5  }
0xe: {  	[smem:$0x3FAD] =	sst s6  }
0xf: {  	[smem:$0x3FAE] =	sst s7  }
0x10: {  	[smem:$0x3FAF] =	sst s8  }
0x11: {  	[smem:$0x3FB0] =	sst s9;
	s0 =	simm.s32 @!p0 $0x0  }
0x12: {  	s1 =	sld [smem:$0x3F96];
	s0 =	simm.s32 @p0 $0x1  }
0x13: {  	[smem:$0x3FB1] =	sst s0;
	s0 =	simm.s32 @!p1 $0x0  }
0x14: {  	s2 =	sld [smem:$0x3F95];
	s0 =	simm.s32 @p1 $0x1  }
0x15: {  	[smem:$0x3FB2] =	sst s0;
	s0 =	simm.s32 @!p2 $0x0  }
0x16: {  	s3 =	sld [smem:$0x3FDB];
	s0 =	simm.s32 @p2 $0x1  }
0x17: {  	s4 =	simm.s32 $0x1BF5;
	[smem:$0x3FB4] =	sst s0  }
0x18: {  	s0 =	sld [smem:$0x3F97];
	_ =	swait.ge [sflag:s4], $0x0  }
0x19: {  	s7 =	sld [smem:$0x3F98]  }
0x1a: {  	s8 =	sadd.s32 $0xFFFFE003, lr  }
0x1b: {  	s9 =	sadd.s32 $0xFFFFFEF7, lr;
	s5 =	simm.s32 $0xFFFFFFFF;
	p2 =	slt.u32 s8, $0xFFFFF086  }
0x1c: {  	p1 =	slt.u32 s9, $0xF7A;
	s5 =	simm.s32 @!p2 $0x0  }
0x1d: {  	s5 =	simm.s32 @p1 $0x1;
	p0 =	seq.s32 s7, s2  }
0x1e: {  	s7 =	smul.u32 @!p0 $0xF7A, s2;
	p2 =	seq.s32 @!p0 s5, $0x0  }
0x1f: {  	s9 =	smul.u32 $0xF7A, s1;
	s8 =	simm.s32 @!p0 $0x1BF5;
	p2 =	por !p2, p0  }
0x20: {  	[sflag:s8] =	ssyncset.s32 @!p0 $0xFFFFF086;
	s6 =	sadd.s32 @!p0 s3, s7;
	s7 =	simm.s32 @!p0 $0x108  }
0x21: {  	s3 =	sadd.s32 s3, s9;
	s6 =	sadd.s32 @!p0 $0x88, s6;
	s7 =	simm.s32 @p2 $0x1082  }
0x22: {  	[simem:s7], [sflag:s8] =	dma.local @!p0 [hbm:s6], $0xF7A  }
0x23: {  	s9 =	sor.u32 $0xD0000000, s2;
	s6 =	simm.s32 $0x108;
	_ =	swait.ge @!p0 [sflag:s8], $0x0  }
0x24: {  	s3 =	sadd.s32 $0x88, s3;
	s6 =	simm.s32 @!p1 $0x1082;
	[sflag:s4] =	ssyncset.s32 $0xFFFFF086  }
0x25: {  	[simem:s6], [sflag:s4] =	dma.local [hbm:s3], $0xF7A  }
0x26: {  	[smem:$0x3F98] =	sst s1;
	(tag) =	ssettag s2;
	_ =	strace s9  }
0x27: {  	s1 =	sld [smem:$0x3FA8]  }
0x28: {  	s2 =	sld [smem:$0x3FA9]  }
0x29: {  	s4 =	sld [smem:$0x3FAB]  }
0x2a: {  	p0 =	seq.s32 s5, $0x0;
	s5 =	sld [smem:$0x3FAC]  }
0x2b: {  	s6 =	sld [smem:$0x3FAD]  }
0x2c: {  	s7 =	sld [smem:$0x3FAE]  }
0x2d: {  	s3 =	simm.s32 $0x108;
	s8 =	sld [smem:$0x3FAF]  }
0x2e: {  	s3 =	simm.s32 @!p0 $0x1082;
	s9 =	sld [smem:$0x3FB0]  }
0x2f: {  	lr =	sadd.s32 s0, s3;
	s0 =	sld [smem:$0x3FA7]  }
0x30: {  	s3 =	sld [smem:$0x3FAA]  }
0x31: {  	[smem:$0x3FB3] =	sst s10  }
0x32: {  	s10 =	sld [smem:$0x3FB1];
	_ =	sdelay $0x3  }
0x33: {  	p0 =	seq.s32 s10, $0x1;
	s10 =	sld [smem:$0x3FB3];
	_ =	sdelay $0x3  }
0x34: {  	[smem:$0x3FB3] =	sst s10  }
0x35: {  	s10 =	sld [smem:$0x3FB2];
	_ =	sdelay $0x3  }
0x36: {  	p1 =	seq.s32 s10, $0x1;
	s10 =	sld [smem:$0x3FB3];
	_ =	sdelay $0x3  }
0x37: {  	[smem:$0x3FB3] =	sst s10  }
0x38: {  	s10 =	sld [smem:$0x3FB4]  }
0x39: {  	_ = 	snop;
	(pc) =	sbr.ind lr, $3  }
0x3a: {  	_ = 	snop  }
0x3b: {  	_ = 	snop  }
0x3c: {  	p2 =	seq.s32 s10, $0x1;
	s10 =	sld [smem:$0x3FB3]  }
0x3d: {  	_ =	shalt  }
0x3e: {  	_ =	shalt  }
0x3f: {  	_ =	shalt  }
0x40: {  	_ =	shalt  }
0x41: {  	_ =	shalt  }
0x42: {  	_ =	shalt  }
0x43: {  	_ =	shalt  }
0x44: {  	_ =	shalt  }
0x45: {  	_ =	shalt  }
0x46: {  	_ =	shalt  }
0x47: {  	_ =	shalt  }
0x48: {  	_ =	shalt  }
0x49: {  	_ =	shalt  }
0x4a: {  	_ =	shalt  }
0x4b: {  	_ =	shalt  }
0x4c: {  	_ =	shalt  }
0x4d: {  	_ =	shalt  }
0x4e: {  	_ =	shalt  }
0x4f: {  	_ =	shalt  }
0x50: {  	_ =	shalt  }
0x51: {  	_ =	shalt  }
0x52: {  	_ =	shalt  }
0x53: {  	_ =	shalt  }
0x54: {  	_ =	shalt  }
0x55: {  	_ =	shalt  }
0x56: {  	_ =	shalt  }
0x57: {  	_ =	shalt  }
0x58: {  	_ =	shalt  }
0x59: {  	_ =	shalt  }
0x5a: {  	_ =	shalt  }
0x5b: {  	_ =	shalt  }
0x5c: {  	_ =	shalt  }
0x5d: {  	_ =	shalt  }
0x5e: {  	_ =	shalt  }
0x5f: {  	_ =	shalt  }
0x60: {  	_ =	shalt  }
0x61: {  	_ =	shalt  }
0x62: {  	_ =	shalt  }
0x63: {  	_ =	shalt  }
0x64: {  	_ =	shalt  }
0x65: {  	_ =	shalt  }
0x66: {  	_ =	shalt  }
0x67: {  	_ =	shalt  }
0x68: {  	_ =	shalt  }
0x69: {  	_ =	shalt  }
0x6a: {  	_ =	shalt  }
0x6b: {  	_ =	shalt  }
0x6c: {  	_ =	shalt  }
0x6d: {  	_ =	shalt  }
0x6e: {  	_ =	shalt  }
0x6f: {  	_ =	shalt  }
0x70: {  	_ =	shalt  }
0x71: {  	_ =	shalt  }
0x72: {  	_ =	shalt  }
0x73: {  	_ =	shalt  }
0x74: {  	_ =	shalt  }
0x75: {  	_ =	shalt  }
0x76: {  	_ =	shalt  }
0x77: {  	_ =	shalt  }
0x78: {  	_ =	shalt  }
0x79: {  	_ =	shalt  }
0x7a: {  	_ =	shalt  }
0x7b: {  	_ =	shalt  }
0x7c: {  	_ =	shalt  }
0x7d: {  	_ =	shalt  }
0x7e: {  	_ =	shalt  }
0x7f: {  	_ =	shalt  }
0x80: {  	_ =	shalt  }
0x81: {  	_ =	shalt  }
0x82: {  	_ =	shalt  }
0x83: {  	_ =	shalt  }
0x84: {  	_ =	shalt  }
0x85: {  	_ =	shalt  }
0x86: {  	_ =	shalt  }
0x87: {  	_ =	shalt  }
.Lfunc_end0:
.L_simem_size_0:
called_computation.4_lowered:
.L_overlay_start_0:
0x88: {  	s2 =	sld [smem:$0x3FD9]  }
0x89: {  	s3 =	sld [smem:$0x3FFE];
	_ =	sdelay $0x1  }
0x8a: {  	s1 =	srdreg.scid  }
0x8b: {  	s0 =	sand.u32 $0x1, s1  }
0x8c: {  	s17 =	sshll.u32 s0, $0xA;
	s2 =	sadd.s32 s3, s2  }
0x8d: {  	s2 =	sadd.s32 s2, s17  }
0x8e: {  	[smem:$0x3FBF] =	sst s2  }
0x8f: {  	_ = 	snop  }
0x90: {  	s2 =	sld [smem:$0x3FD0];
	(tm) =	ssettm $0x1  }
0x91: {  	s18 =	sld [smem:$0x3FFB];
	_ =	sdelay $0x3  }
0x92: {  	_ =	strace s18  }
0x93: {  	s3 =	sld [smem:$0x3FFC];
	_ =	sdelay $0x3  }
0x94: {  	_ =	strace s3  }
0x95: {  	s3 =	sld [smem:$0x3FFD];
	_ =	sdelay $0x3  }
0x96: {  	_ =	strace s3  }
0x97: {  	_ =	strace $0x8FFFFFFF  }
0x98: {  	s19 =	sld [smem:$0x3FDB];
	_ =	sdelay $0x1  }
0x99: {  	s4 =	simm.s32 $_scs_section_size  }
0x9a: {  	s5 =	simm.s32 $_size__tile_overlayer_lowered;
	s6 =	simm.s32 $_tile_overlayer_lowered  }
0x9b: {  	s22 =	simm.s32 $0x1BFF;
	s21 =	sshll.u32 s6, $0x1;
	s3 =	sadd.s32 s4, s19  }
0x9c: {  	s7 =	simm.s32 $0x0;
	s20 =	sshll.u32 s5, $0x1;
	s5 =	sadd.s32 s21, s3  }
0x9d: {  	[timem:s7], [sflag:s22] =	dma.local [hbm:s5], s20  }
0x9e: {  	_ =	swait.ge [sflag:s22], s20  }
0x9f: {  	s4 =	ssub.s32 $0x0, s20;
	[sflag:s22] =	ssyncset.done $0x0  }
0xa0: {  	[sflag:s22] =	ssyncadd.s32 s4;
	_ =	sdelay $0x1  }
0xa1: {  	s23 =	simm.s32 $0x1B8B  }
0xa2: {  	_ =	swait.ge [sflag:s23], $0x1  }
0xa3: {  	[sflag:s23] =	ssyncset.done $0x0  }
0xa4: {  	s25 =	simm.s32 $0x1B8E;
	s24 =	sld [smem:$0x3FFE];
	[sflag:s23] =	ssyncadd.s32 $0xFFFFFFFF  }
0xa5: {  	s26 =	simm.s32 $execute0_lowered;
	[smem:$0x3FD2] =	sst s25  }
0xa6: {  	s5 =	sshll.u32 s26, $0x1;
	_ =	strace $0x80000052;
	[dreg:$0x1] =	wrdreg $0xFFFFFFFF  }
0xa7: {  	s28 =	simm.s32 $_size_execute0_lowered;
	s3 =	sadd.s32 s3, s5;
	[dreg:$0x0] =	wrdreg $0x0  }
0xa8: {  	s5 =	sshll.u32 s28, $0x1;
	[dreg:$0x2] =	wrdreg s3  }
0xa9: {  	[dreg:$0x3] =	wrdreg s5  }
0xaa: {  	[dreg:$0x4] =	wrdreg $0xC0  }
0xab: {  	_ =	task [dreg:s7], $0x5FFFF  }
0xac: {  	[dreg:$0x1] =	wrdreg $0xFFFFFFFF  }
0xad: {  	[dreg:$0x0] =	wrdreg $0x60  }
0xae: {  	[dreg:$0x2] =	wrdreg s24  }
0xaf: {  	[dreg:$0x3] =	wrdreg s2  }
0xb0: {  	[dreg:$0x4] =	wrdreg $0x68000  }
0xb1: {  	[dreg:$0x5] =	wrdreg $0x9  }
0xb2: {  	_ =	task.clear_ibuf [dreg:s7], $0x6FFFF;
	_ =	strace $0x90000052  }
0xb3: {  	s29 =	simm.s32 $0x9;
	_ =	strace $0x80000054  }
0xb4: {  	_ =	swait.ge [sflag:s29], $0x1  }
0xb5: {  	[sflag:s29] =	ssyncadd.s32 $0xFFFFFFFF  }
0xb6: {  	_ =	strace $0x90000054  }
0xb7: {  	_ =	sfence  }
0xb8: {  	s30 =	sld [smem:$0x0];
	_ =	sdelay $0x2  }
0xb9: {  	s31 =	sshll.u32 s1, $0xD;
	s1 =	sshrl.u32 s1, $0x2  }
0xba: {  	s3 =	sand.u32 $0x4000, s31;
	s1 =	sadd.s32 s1, s30  }
0xbb: {  	s0 =	sor.u32 s3, s0;
	s1 =	sshll.u32 s1, $0x11  }
0xbc: {  	s0 =	sor.u32 s1, s0  }
0xbd: {  	s0 =	sadd.s32 $0x8F2B, s0  }
0xbe: {  	[sflag:s0] =	ssyncadd.remote.s32 $0x1  }
0xbf: {  	_ =	sfence.sel $0xFFFF  }
0xc0: {  	[dreg:$0x0] =	wrdreg $0xFFFFFFFF;
	(pc) =	sbr.abs _section_cstart, $3  }
0xc1: {  	[dreg:$0x1] =	wrdreg $0xFFFFFFFF  }
0xc2: {  	_ =	task.clear_ibuf [dreg:s7], $0x2FFFF;
	_ =	strace $0x9FFFFFFF  }
0xc3: {  	(tm) =	ssettm $0x7FFFFFFF  }
tec
execute0_lowered:
.L_overlay_start_1:
0x0: {  	(tag) =	ssettag $0x1  }
0x1: {  	s0 =	rddreg [dreg:$0x0]  }
0x2: {  	s2 =	rddreg [dreg:$0x2];
	s1 =	srdreg.scid  }
0x3: {  	s5 =	simm.s32 $0x0;
	s3 =	stileid.u32;
	s21 =	simm.s32 $0x2800  }
0x4: {  	s22 =	simm.s32 $0x3;
	s23 =	simm.s32 $0x1400;
	s28 =	simm.s32 $0x2  }
0x5: {  	s29 =	simm.s32 $0x1380;
	s30 =	simm.s32 $0x2700;
	s8 =	smul.u32 $0x14000, s3  }
0x6: {  	s31 =	simm.s32 $0x2780;
	s1 =	sand.u32 $0x1, s1;
	s9 =	smul.u32 $0x50000, s3  }
0x7: {  	[smem:$0x7FF] =	sst s5;
	s5 =	sadd.s32 $0x2BC00, s0;
	s10 =	smul.u32 $0x28, s3  }
0x8: {  	s6 =	sadd.s32 $0x3C00, s0;
	s7 =	sadd.s32 $0x17C00, s0;
	s11 =	smul.u32 $0x118, s3  }
0x9: {  	s4 =	smul.u32 $0x140000, s1;
	_ =	strace $0x80000053;
	s24 =	ssub.s32 $0x2, s1  }
0xa: {  	p0 =	seq.s32 s1, $0x0;
	s25 =	sshrl.u32 s24, $0x1;
	s26 =	sshrl.u32 s9, $0x2  }
0xb: {  	s9 =	sadd.s32 $0x1180, s10;
	s4 =	sadd.s32 s8, s4;
	s8 =	sadd.s32 s26, s2  }
0xc: {  	s9 =	smov.u32 @p0 s11;
	p0 =	sne.s32 s1, $0x0;
	s26 =	simm.s32 $0x4800  }
0xd: {  	s4 =	sshrl.u32 s4, $0x3;
	s12 =	sadd.s32 $0x2000, s8;
	s13 =	sadd.s32 $0x4000, s8  }
0xe: {  	s14 =	sadd.s32 $0x6000, s8;
	s15 =	sadd.s32 $0x8000, s8;
	s16 =	sadd.s32 $0xA000, s8  }
0xf: {  	s17 =	sadd.s32 $0xC000, s8;
	s18 =	sadd.s32 $0xE000, s8;
	s19 =	sadd.s32 $0x10000, s8  }
0x10: {  	s20 =	sadd.s32 $0x12000, s8;
	s0 =	sadd.s32 s4, s0;
	s4 =	ssub.s32 s24, s25  }
0x11: {  	s24 =	simm.s32 $0x40;
	s25 =	simm.s32 $0x1;
	s0 =	sadd.s32 $0xCBC00, s0  }
0x12: {  	s11 =	smax.u32 s4, $0x1;
	[dreg:$0x4] =	wrdreg s0;
	s0 =	simm.s32 $0x0  }
.LBB2_1:
0x13: {  	s1 =	rddreg [dreg:$0x1];
	s3 =	simm.s32 $0x0  }
0x14: {  	[tilespmem:s21], [sflag:$0x3] =	stream.linear.gather [hbm4b:s1+s3], $0x2000, $0x38;
	[tilespmem:$0x1A800] =	vst v63  }
0x15: {  	_ =	swait.ge [sflag:s22], $0x2000  }
0x16: {  	[sflag:s22] =	ssyncset.done $0x0  }
0x17: {  	[sflag:s22] =	ssyncadd.s32 $0xFFFFE000  }
0x18: {  	[spmem:s8] =	stream.linear.scatter [tilespmem:s21], [sflag:$0x3], $0x2000, $0x38;
	[tilespmem:$0x1A800] =	vst v63  }
0x19: {  	_ =	swait.ge [sflag:s22], $0x2000  }
0x1a: {  	[sflag:s22] =	ssyncset.done $0x0  }
0x1b: {  	[sflag:s22] =	ssyncadd.s32 $0xFFFFE000  }
0x1c: {  	[spmem:s12] =	stream.linear.scatter [tilespmem:s21], [sflag:$0x3], $0x2000, $0x38;
	[tilespmem:$0x1A800] =	vst v63  }
0x1d: {  	_ =	swait.ge [sflag:s22], $0x2000  }
0x1e: {  	[sflag:s22] =	ssyncset.done $0x0  }
0x1f: {  	[sflag:s22] =	ssyncadd.s32 $0xFFFFE000  }
0x20: {  	[spmem:s13] =	stream.linear.scatter [tilespmem:s21], [sflag:$0x3], $0x2000, $0x38;
	[tilespmem:$0x1A800] =	vst v63  }
0x21: {  	_ =	swait.ge [sflag:s22], $0x2000  }
0x22: {  	[sflag:s22] =	ssyncset.done $0x0  }
0x23: {  	[sflag:s22] =	ssyncadd.s32 $0xFFFFE000  }
0x24: {  	[spmem:s14] =	stream.linear.scatter [tilespmem:s21], [sflag:$0x3], $0x2000, $0x38;
	[tilespmem:$0x1A800] =	vst v63  }
0x25: {  	_ =	swait.ge [sflag:s22], $0x2000  }
0x26: {  	[sflag:s22] =	ssyncset.done $0x0  }
0x27: {  	[sflag:s22] =	ssyncadd.s32 $0xFFFFE000  }
0x28: {  	[spmem:s15] =	stream.linear.scatter [tilespmem:s21], [sflag:$0x3], $0x2000, $0x38;
	[tilespmem:$0x1A800] =	vst v63  }
0x29: {  	_ =	swait.ge [sflag:s22], $0x2000  }
0x2a: {  	[sflag:s22] =	ssyncset.done $0x0  }
0x2b: {  	[sflag:s22] =	ssyncadd.s32 $0xFFFFE000  }
0x2c: {  	[spmem:s16] =	stream.linear.scatter [tilespmem:s21], [sflag:$0x3], $0x2000, $0x38;
	[tilespmem:$0x1A800] =	vst v63  }
0x2d: {  	_ =	swait.ge [sflag:s22], $0x2000  }
0x2e: {  	[sflag:s22] =	ssyncset.done $0x0  }
0x2f: {  	[sflag:s22] =	ssyncadd.s32 $0xFFFFE000  }
0x30: {  	[spmem:s17] =	stream.linear.scatter [tilespmem:s21], [sflag:$0x3], $0x2000, $0x38;
	[tilespmem:$0x1A800] =	vst v63  }
0x31: {  	_ =	swait.ge [sflag:s22], $0x2000  }
0x32: {  	[sflag:s22] =	ssyncset.done $0x0  }
0x33: {  	[sflag:s22] =	ssyncadd.s32 $0xFFFFE000  }
0x34: {  	[spmem:s18] =	stream.linear.scatter [tilespmem:s21], [sflag:$0x3], $0x2000, $0x38;
	[tilespmem:$0x1A800] =	vst v63  }
0x35: {  	_ =	swait.ge [sflag:s22], $0x2000  }
0x36: {  	[sflag:s22] =	ssyncset.done $0x0  }
0x37: {  	[sflag:s22] =	ssyncadd.s32 $0xFFFFE000  }
0x38: {  	[spmem:s19] =	stream.linear.scatter [tilespmem:s21], [sflag:$0x3], $0x2000, $0x38;
	[tilespmem:$0x1A800] =	vst v63  }
0x39: {  	_ =	swait.ge [sflag:s22], $0x2000  }
0x3a: {  	[sflag:s22] =	ssyncset.done $0x0  }
0x3b: {  	[sflag:s22] =	ssyncadd.s32 $0xFFFFE000  }
0x3c: {  	[spmem:s20] =	stream.linear.scatter [tilespmem:s21], [sflag:$0x3], $0x2000, $0x38;
	[tilespmem:$0x1A800] =	vst v63  }
0x3d: {  	_ =	swait.ge [sflag:s22], $0x2000  }
0x3e: {  	[sflag:s22] =	ssyncset.done $0x0  }
0x3f: {  	[sflag:s22] =	ssyncadd.s32 $0xFFFFE000  }
0x40: {  	s1 =	simm.s32 $0x0;
	[bflag:$0x0] =	sbarrier.arrive $0xFFFF  }
.LBB2_2:
0x41: {  	s4 =	smul.u32 $0x28, s1;
	_ =	sdelay $0x1  }
0x42: {  	s4 =	sadd.s32 s9, s4  }
0x43: {  	s4 =	sshll.u32 s4, $0x4  }
0x44: {  	s10 =	simm.s32 $0x0;
	s3 =	sadd.s32 s6, s4  }
0x45: {  	[tilespmem:s10], [sflag:$0x3] =	stream.linear.gather [hbm4b:s3+s10], $0x1400, $0x38;
	[tilespmem:$0x1A800] =	vst v63  }
0x46: {  	_ =	swait.ge [sflag:s22], $0x1400  }
0x47: {  	[sflag:s22] =	ssyncset.done $0x0  }
0x48: {  	s4 =	sadd.s32 s7, s4;
	[sflag:s22] =	ssyncadd.s32 $0xFFFFEC00  }
0x49: {  	[tilespmem:s23], [sflag:$0x3] =	stream.linear.gather [hbm4b:s4+s10], $0x1400, $0x38;
	[tilespmem:$0x1A800] =	vst v63  }
0x4a: {  	_ =	swait.ge [sflag:s22], $0x1400  }
0x4b: {  	[sflag:s22] =	ssyncset.done $0x0  }
0x4c: {  	[sflag:s22] =	ssyncadd.s32 $0xFFFFEC00  }
0x4d: {  	[tilespmem:s21], [sflag:$0x1] =	stream.indirect.gather [hbm4b:s5+s24], $0x80, s10, s24, $0xb8;
	[tilespmem:$0x1A800] =	vst v63  }
0x4e: {  	_ =	swait.ge [sflag:s25], $0x2000  }
0x4f: {  	[sflag:s25] =	ssyncset.done $0x0  }
0x50: {  	s4 =	simm.s32 $0x80;
	[sflag:s25] =	ssyncadd.s32 $0xFFFFE000  }
0x51: {  	[tilespmem:s26], [sflag:$0x2] =	stream.indirect.gather [hbm4b:s5+s24], $0x80, s4, s24, $0xb8;
	[tilespmem:$0x1A800] =	vst v63  }
0x52: {  	s10 =	simm.s32 $0x1400  }
0x53: {  	[spmem:s2] =	stream.indirect.scatter.add.f32 [tilespmem:s21], [sflag:$0x3], $0x80, s10, s24, $0xb8;
	[tilespmem:$0x1A800] =	vst v63  }
0x54: {  	_ =	swait.ge [sflag:s22], $0x2000  }
0x55: {  	[sflag:s22] =	ssyncset.done $0x0  }
0x56: {  	[sflag:s22] =	ssyncadd.s32 $0xFFFFE000  }
0x57: {  	_ =	swait.ge [sflag:s28], $0x2000  }
0x58: {  	[sflag:s28] =	ssyncset.done $0x0  }
0x59: {  	s4 =	simm.s32 $0x100;
	[sflag:s28] =	ssyncadd.s32 $0xFFFFE000  }
0x5a: {  	[tilespmem:s21], [sflag:$0x1] =	stream.indirect.gather [hbm4b:s5+s24], $0x80, s4, s24, $0xb8;
	[tilespmem:$0x1A800] =	vst v63  }
0x5b: {  	s10 =	simm.s32 $0x1480  }
0x5c: {  	[spmem:s2] =	stream.indirect.scatter.add.f32 [tilespmem:s26], [sflag:$0x3], $0x80, s10, s24, $0xb8;
	[tilespmem:$0x1A800] =	vst v63  }
0x5d: {  	_ =	swait.ge [sflag:s22], $0x2000  }
0x5e: {  	s4 =	simm.s32 $0x400;
	[sflag:s22] =	ssyncset.done $0x0  }
.LBB2_3:
0x5f: {  	p1 =	sne.s32 s4, $0x4800  }
0x60: {  	[sflag:s22] =	ssyncadd.s32 $0xFFFFE000;
	s3 =	smov.u32 s4;
	s4 =	sadd.s32 $0x400, s4  }
0x61: {  	_ = 	snop  }
0x62: {  	_ =	swait.ge [sflag:s25], $0x2000  }
0x63: {  	s3 =	sshra.s32 s3, $0x2;
	[sflag:s25] =	ssyncset.done $0x0  }
0x64: {  	s10 =	sadd.s32 $0x80, s3;
	[sflag:s25] =	ssyncadd.s32 $0xFFFFE000  }
0x65: {  	[tilespmem:s26], [sflag:$0x2] =	stream.indirect.gather [hbm4b:s5+s24], $0x80, s10, s24, $0xb8;
	[tilespmem:$0x1A800] =	vst v63  }
0x66: {  	s10 =	sadd.s32 $0x1400, s3  }
0x67: {  	[spmem:s2] =	stream.indirect.scatter.add.f32 [tilespmem:s21], [sflag:$0x3], $0x80, s10, s24, $0xb8;
	[tilespmem:$0x1A800] =	vst v63  }
0x68: {  	_ =	swait.ge [sflag:s22], $0x2000  }
0x69: {  	[sflag:s22] =	ssyncset.done $0x0  }
0x6a: {  	[sflag:s22] =	ssyncadd.s32 $0xFFFFE000  }
0x6b: {  	_ =	swait.ge [sflag:s28], $0x2000  }
0x6c: {  	[sflag:s28] =	ssyncset.done $0x0  }
0x6d: {  	s10 =	sadd.s32 $0x100, s3;
	[sflag:s28] =	ssyncadd.s32 $0xFFFFE000  }
0x6e: {  	[tilespmem:s21], [sflag:$0x1] =	stream.indirect.gather [hbm4b:s5+s24], $0x80, s10, s24, $0xb8;
	[tilespmem:$0x1A800] =	vst v63  }
.Ltmp0:
0x6f: {  	_ = 	snop;
	(pc) =	sbr.rel @p1 .LBB2_3-.Ltmp0, $4  }
0x70: {  	s3 =	sadd.s32 $0x1480, s3  }
0x71: {  	[spmem:s2] =	stream.indirect.scatter.add.f32 [tilespmem:s26], [sflag:$0x3], $0x80, s3, s24, $0xb8;
	[tilespmem:$0x1A800] =	vst v63  }
0x72: {  	_ =	swait.ge [sflag:s22], $0x2000  }
0x73: {  	[sflag:s22] =	ssyncset.done $0x0  }
0x74: {  	[sflag:s22] =	ssyncadd.s32 $0xFFFFE000  }
0x75: {  	_ =	swait.ge [sflag:s25], $0x2000  }
0x76: {  	[sflag:s25] =	ssyncset.done $0x0  }
0x77: {  	[sflag:s25] =	ssyncadd.s32 $0xFFFFE000  }
0x78: {  	[tilespmem:s26], [sflag:$0x2] =	stream.indirect.gather [hbm4b:s5+s24], $0x80, s29, s24, $0xb8;
	[tilespmem:$0x1A800] =	vst v63  }
0x79: {  	_ = 	snop  }
0x7a: {  	[spmem:s2] =	stream.indirect.scatter.add.f32 [tilespmem:s21], [sflag:$0x3], $0x80, s30, s24, $0xb8;
	[tilespmem:$0x1A800] =	vst v63  }
0x7b: {  	_ =	swait.ge [sflag:s22], $0x2000  }
0x7c: {  	[sflag:s22] =	ssyncset.done $0x0  }
0x7d: {  	[sflag:s22] =	ssyncadd.s32 $0xFFFFE000  }
0x7e: {  	p1 =	slt.u32 @!p0 s1, $0x6;
	_ =	swait.ge [sflag:s28], $0x2000  }
0x7f: {  	p1 =	por p0, !p1;
	[sflag:s28] =	ssyncset.done $0x0  }
.Ltmp1:
0x80: {  	[sflag:s28] =	ssyncadd.s32 $0xFFFFE000;
	(pc) =	sbr.rel @!p1 .LBB2_2-.Ltmp1, $4  }
0x81: {  	[spmem:s2] =	stream.indirect.scatter.add.f32 [tilespmem:s26], [sflag:$0x3], $0x80, s31, s24, $0xb8;
	[tilespmem:$0x1A800] =	vst v63  }
0x82: {  	_ =	swait.ge [sflag:s22], $0x2000  }
0x83: {  	[sflag:s22] =	ssyncset.done $0x0  }
0x84: {  	s1 =	sadd.s32 $0x1, s1;
	[sflag:s22] =	ssyncadd.s32 $0xFFFFE000  }
0x85: {  	s1 =	stileid.u32;
	[bflag:$0x0] =	sbarrier.arrive $0xFFFF;
	s0 =	sadd.s32 $0x1, s0  }
0x86: {  	s3 =	sshrl.u32 s8, $0x3;
	s1 =	sshll.u32 s1, $0x6;
	p1 =	sne.s32 s0, s11  }
.Ltmp2:
0x87: {  	s4 =	rddreg [dreg:$0x4];
	s1 =	sor.u32 $0x1C03, s1;
	(pc) =	sbr.rel @p1 .LBB2_1-.Ltmp2, $4  }
0x88: {  	[hbm:s4], [sflag:s1] =	dma.local [spmem:s3], $0x2800  }
0x89: {  	_ =	swait.ge [sflag:s22], $0x2800  }
0x8a: {  	[sflag:s22] =	ssyncset.done $0x0  }
0x8b: {  	[sflag:s22] =	ssyncadd.s32 $0xFFFFD800  }
0x8c: {  	_ =	sfence.sel $0x180000  }
0x8d: {  	[bflag:$0x0] =	sbarrier.arrive $0xFFFF  }
0x8e: {  	_ =	strace $0x90000053  }
0x8f: {  	s0 =	stileid.u32;
	[bflag:$0x2] =	sbarrier.arrive $0xFFFF  }
0x90: {  	p0 =	sne.s32 s0, $0x0;
	s0 =	rddreg [dreg:$0x3]  }
0x91: {  	s0 =	sadd.s32 @!p0 $0x100000, s0  }
0x92: {  	[sflag:s0] =	ssyncadd.tile.s32 @!p0 $0x1;
	_ =	shalt  }
.Lfunc_end2:
_tile_overlayer_lowered:
.L_overlay_start_2:
0x93: {  	(tag) =	ssettag $0x2  }
0x94: {  	s0 =	rddreg [dreg:$0x0];
	s2 =	stileid.u32  }
0x95: {  	s1 =	rddreg [dreg:$0x1];
	p0 =	sne.s32 s2, $0x0  }
0x96: {  	s3 =	rddreg [dreg:$0x2];
	[bflag:$0x3] =	sbarrier.arrive $0xFFFF;
	s2 =	simm.s32 @!p0 $0x1C03  }
0x97: {  	[timem:s3], [sflag:s2] =	dma.local @!p0 [hbm:s0], s1  }
0x98: {  	s0 =	simm.s32 @!p0 $0x3  }
0x99: {  	_ =	swait.ge @!p0 [sflag:s0], s1  }
0x9a: {  	s1 =	ssub.s32 @!p0 $0x0, s1;
	[sflag:s0] =	ssyncset.done @!p0 $0x0  }
0x9b: {  	[sflag:s0] =	ssyncadd.s32 @!p0 s1  }
0x9c: {  	[bflag:$0x3] =	sbarrier.arrive $0xFFFF  }
0x9d: {  	_ =	shalt  }

// kernel: kernel.31.cloned.1.call-start
scs
__scs_entry_jumppad:
0x0: {  	(pc) =	sbr.rel $0x88, $3  }
0x1: {  	(tag) =	ssettag $0x0;
	lr =	simm.s32 $0x1  }
0x2: {  	[smem:$0x3F98] =	sst lr;
	_ =	strace $0xD0000000  }
0x3: {  	_ = 	snop  }
0x4: {  	_ = 	snop  }
0x5: {  	_ = 	snop  }
0x6: {  	_ = 	snop  }
0x7: {  	_ = 	snop  }
__scs_overlays_trampoline_lowered:
0x8: {  	[smem:$0x3FA7] =	sst s0  }
0x9: {  	[smem:$0x3FA8] =	sst s1  }
0xa: {  	[smem:$0x3FA9] =	sst s2  }
0xb: {  	[smem:$0x3FAA] =	sst s3  }
0xc: {  	[smem:$0x3FAB] =	sst s4  }
0xd: {  	[smem:$0x3FAC] =	sst s5  }
0xe: {  	[smem:$0x3FAD] =	sst s6  }
0xf: {  	[smem:$0x3FAE] =	sst s7  }
0x10: {  	[smem:$0x3FAF] =	sst s8  }
0x11: {  	[smem:$0x3FB0] =	sst s9;
	s0 =	simm.s32 @!p0 $0x0  }
0x12: {  	s1 =	sld [smem:$0x3F96];
	s0 =	simm.s32 @p0 $0x1  }
0x13: {  	[smem:$0x3FB1] =	sst s0;
	s0 =	simm.s32 @!p1 $0x0  }
0x14: {  	s2 =	sld [smem:$0x3F95];
	s0 =	simm.s32 @p1 $0x1  }
0x15: {  	[smem:$0x3FB2] =	sst s0;
	s0 =	simm.s32 @!p2 $0x0  }
0x16: {  	s3 =	sld [smem:$0x3FDB];
	s0 =	simm.s32 @p2 $0x1  }
0x17: {  	s4 =	simm.s32 $0x1BF5;
	[smem:$0x3FB4] =	sst s0  }
0x18: {  	s0 =	sld [smem:$0x3F97];
	_ =	swait.ge [sflag:s4], $0x0  }
0x19: {  	s7 =	sld [smem:$0x3F98]  }
0x1a: {  	s8 =	sadd.s32 $0xFFFFE003, lr  }
0x1b: {  	s9 =	sadd.s32 $0xFFFFFEF7, lr;
	s5 =	simm.s32 $0xFFFFFFFF;
	p2 =	slt.u32 s8, $0xFFFFF086  }
0x1c: {  	p1 =	slt.u32 s9, $0xF7A;
	s5 =	simm.s32 @!p2 $0x0  }
0x1d: {  	s5 =	simm.s32 @p1 $0x1;
	p0 =	seq.s32 s7, s2  }
0x1e: {  	s7 =	smul.u32 @!p0 $0xF7A, s2;
	p2 =	seq.s32 @!p0 s5, $0x0  }
0x1f: {  	s9 =	smul.u32 $0xF7A, s1;
	s8 =	simm.s32 @!p0 $0x1BF5;
	p2 =	por !p2, p0  }
0x20: {  	[sflag:s8] =	ssyncset.s32 @!p0 $0xFFFFF086;
	s6 =	sadd.s32 @!p0 s3, s7;
	s7 =	simm.s32 @!p0 $0x108  }
0x21: {  	s3 =	sadd.s32 s3, s9;
	s6 =	sadd.s32 @!p0 $0x88, s6;
	s7 =	simm.s32 @p2 $0x1082  }
0x22: {  	[simem:s7], [sflag:s8] =	dma.local @!p0 [hbm:s6], $0xF7A  }
0x23: {  	s9 =	sor.u32 $0xD0000000, s2;
	s6 =	simm.s32 $0x108;
	_ =	swait.ge @!p0 [sflag:s8], $0x0  }
0x24: {  	s3 =	sadd.s32 $0x88, s3;
	s6 =	simm.s32 @!p1 $0x1082;
	[sflag:s4] =	ssyncset.s32 $0xFFFFF086  }
0x25: {  	[simem:s6], [sflag:s4] =	dma.local [hbm:s3], $0xF7A  }
0x26: {  	[smem:$0x3F98] =	sst s1;
	(tag) =	ssettag s2;
	_ =	strace s9  }
0x27: {  	s1 =	sld [smem:$0x3FA8]  }
0x28: {  	s2 =	sld [smem:$0x3FA9]  }
0x29: {  	s4 =	sld [smem:$0x3FAB]  }
0x2a: {  	p0 =	seq.s32 s5, $0x0;
	s5 =	sld [smem:$0x3FAC]  }
0x2b: {  	s6 =	sld [smem:$0x3FAD]  }
0x2c: {  	s7 =	sld [smem:$0x3FAE]  }
0x2d: {  	s3 =	simm.s32 $0x108;
	s8 =	sld [smem:$0x3FAF]  }
0x2e: {  	s3 =	simm.s32 @!p0 $0x1082;
	s9 =	sld [smem:$0x3FB0]  }
0x2f: {  	lr =	sadd.s32 s0, s3;
	s0 =	sld [smem:$0x3FA7]  }
0x30: {  	s3 =	sld [smem:$0x3FAA]  }
0x31: {  	[smem:$0x3FB3] =	sst s10  }
0x32: {  	s10 =	sld [smem:$0x3FB1];
	_ =	sdelay $0x3  }
0x33: {  	p0 =	seq.s32 s10, $0x1;
	s10 =	sld [smem:$0x3FB3];
	_ =	sdelay $0x3  }
0x34: {  	[smem:$0x3FB3] =	sst s10  }
0x35: {  	s10 =	sld [smem:$0x3FB2];
	_ =	sdelay $0x3  }
0x36: {  	p1 =	seq.s32 s10, $0x1;
	s10 =	sld [smem:$0x3FB3];
	_ =	sdelay $0x3  }
0x37: {  	[smem:$0x3FB3] =	sst s10  }
0x38: {  	s10 =	sld [smem:$0x3FB4]  }
0x39: {  	_ = 	snop;
	(pc) =	sbr.ind lr, $3  }
0x3a: {  	_ = 	snop  }
0x3b: {  	_ = 	snop  }
0x3c: {  	p2 =	seq.s32 s10, $0x1;
	s10 =	sld [smem:$0x3FB3]  }
0x3d: {  	_ =	shalt  }
0x3e: {  	_ =	shalt  }
0x3f: {  	_ =	shalt  }
0x40: {  	_ =	shalt  }
0x41: {  	_ =	shalt  }
0x42: {  	_ =	shalt  }
0x43: {  	_ =	shalt  }
0x44: {  	_ =	shalt  }
0x45: {  	_ =	shalt  }
0x46: {  	_ =	shalt  }
0x47: {  	_ =	shalt  }
0x48: {  	_ =	shalt  }
0x49: {  	_ =	shalt  }
0x4a: {  	_ =	shalt  }
0x4b: {  	_ =	shalt  }
0x4c: {  	_ =	shalt  }
0x4d: {  	_ =	shalt  }
0x4e: {  	_ =	shalt  }
0x4f: {  	_ =	shalt  }
0x50: {  	_ =	shalt  }
0x51: {  	_ =	shalt  }
0x52: {  	_ =	shalt  }
0x53: {  	_ =	shalt  }
0x54: {  	_ =	shalt  }
0x55: {  	_ =	shalt  }
0x56: {  	_ =	shalt  }
0x57: {  	_ =	shalt  }
0x58: {  	_ =	shalt  }
0x59: {  	_ =	shalt  }
0x5a: {  	_ =	shalt  }
0x5b: {  	_ =	shalt  }
0x5c: {  	_ =	shalt  }
0x5d: {  	_ =	shalt  }
0x5e: {  	_ =	shalt  }
0x5f: {  	_ =	shalt  }
0x60: {  	_ =	shalt  }
0x61: {  	_ =	shalt  }
0x62: {  	_ =	shalt  }
0x63: {  	_ =	shalt  }
0x64: {  	_ =	shalt  }
0x65: {  	_ =	shalt  }
0x66: {  	_ =	shalt  }
0x67: {  	_ =	shalt  }
0x68: {  	_ =	shalt  }
0x69: {  	_ =	shalt  }
0x6a: {  	_ =	shalt  }
0x6b: {  	_ =	shalt  }
0x6c: {  	_ =	shalt  }
0x6d: {  	_ =	shalt  }
0x6e: {  	_ =	shalt  }
0x6f: {  	_ =	shalt  }
0x70: {  	_ =	shalt  }
0x71: {  	_ =	shalt  }
0x72: {  	_ =	shalt  }
0x73: {  	_ =	shalt  }
0x74: {  	_ =	shalt  }
0x75: {  	_ =	shalt  }
0x76: {  	_ =	shalt  }
0x77: {  	_ =	shalt  }
0x78: {  	_ =	shalt  }
0x79: {  	_ =	shalt  }
0x7a: {  	_ =	shalt  }
0x7b: {  	_ =	shalt  }
0x7c: {  	_ =	shalt  }
0x7d: {  	_ =	shalt  }
0x7e: {  	_ =	shalt  }
0x7f: {  	_ =	shalt  }
0x80: {  	_ =	shalt  }
0x81: {  	_ =	shalt  }
0x82: {  	_ =	shalt  }
0x83: {  	_ =	shalt  }
0x84: {  	_ =	shalt  }
0x85: {  	_ =	shalt  }
0x86: {  	_ =	shalt  }
0x87: {  	_ =	shalt  }
.Lfunc_end0:
.L_simem_size_0:
called_computation.5_lowered:
.L_overlay_start_0:
0x88: {  	s2 =	sld [smem:$0x3FD9]  }
0x89: {  	s3 =	sld [smem:$0x3FFE];
	_ =	sdelay $0x1  }
0x8a: {  	s1 =	srdreg.scid  }
0x8b: {  	s0 =	sand.u32 $0x1, s1  }
0x8c: {  	s17 =	sshll.u32 s0, $0xA;
	s2 =	sadd.s32 s3, s2  }
0x8d: {  	s2 =	sadd.s32 s2, s17  }
0x8e: {  	[smem:$0x3FBF] =	sst s2  }
0x8f: {  	_ = 	snop  }
0x90: {  	s2 =	sld [smem:$0x3FD0];
	(tm) =	ssettm $0x1  }
0x91: {  	s18 =	sld [smem:$0x3FFB];
	_ =	sdelay $0x3  }
0x92: {  	_ =	strace s18  }
0x93: {  	s3 =	sld [smem:$0x3FFC];
	_ =	sdelay $0x3  }
0x94: {  	_ =	strace s3  }
0x95: {  	s3 =	sld [smem:$0x3FFD];
	_ =	sdelay $0x3  }
0x96: {  	_ =	strace s3  }
0x97: {  	_ =	strace $0x8FFFFFFF  }
0x98: {  	s19 =	sld [smem:$0x3FDB];
	_ =	sdelay $0x1  }
0x99: {  	s4 =	simm.s32 $_scs_section_size  }
0x9a: {  	s5 =	simm.s32 $_size__tile_overlayer_lowered;
	s6 =	simm.s32 $_tile_overlayer_lowered  }
0x9b: {  	s22 =	simm.s32 $0x1BFF;
	s21 =	sshll.u32 s6, $0x1;
	s3 =	sadd.s32 s4, s19  }
0x9c: {  	s7 =	simm.s32 $0x0;
	s20 =	sshll.u32 s5, $0x1;
	s5 =	sadd.s32 s21, s3  }
0x9d: {  	[timem:s7], [sflag:s22] =	dma.local [hbm:s5], s20  }
0x9e: {  	_ =	swait.ge [sflag:s22], s20  }
0x9f: {  	s4 =	ssub.s32 $0x0, s20;
	[sflag:s22] =	ssyncset.done $0x0  }
0xa0: {  	[sflag:s22] =	ssyncadd.s32 s4;
	_ =	sdelay $0x1  }
0xa1: {  	s23 =	simm.s32 $0x1B8B  }
0xa2: {  	_ =	swait.ge [sflag:s23], $0x1  }
0xa3: {  	[sflag:s23] =	ssyncset.done $0x0  }
0xa4: {  	s25 =	simm.s32 $0x1B8E;
	s24 =	sld [smem:$0x3FFE];
	[sflag:s23] =	ssyncadd.s32 $0xFFFFFFFF  }
0xa5: {  	s26 =	simm.s32 $execute0_lowered;
	[smem:$0x3FD2] =	sst s25  }
0xa6: {  	s5 =	sshll.u32 s26, $0x1;
	_ =	strace $0x80000055;
	[dreg:$0x1] =	wrdreg $0xFFFFFFFF  }
0xa7: {  	s28 =	simm.s32 $_size_execute0_lowered;
	s3 =	sadd.s32 s3, s5;
	[dreg:$0x0] =	wrdreg $0x0  }
0xa8: {  	s5 =	sshll.u32 s28, $0x1;
	[dreg:$0x2] =	wrdreg s3  }
0xa9: {  	[dreg:$0x3] =	wrdreg s5  }
0xaa: {  	[dreg:$0x4] =	wrdreg $0xC0  }
0xab: {  	_ =	task [dreg:s7], $0x5FFFF  }
0xac: {  	[dreg:$0x1] =	wrdreg $0xFFFFFFFF  }
0xad: {  	[dreg:$0x0] =	wrdreg $0x60  }
0xae: {  	[dreg:$0x2] =	wrdreg s24  }
0xaf: {  	[dreg:$0x3] =	wrdreg s2  }
0xb0: {  	[dreg:$0x4] =	wrdreg $0x68000  }
0xb1: {  	[dreg:$0x5] =	wrdreg $0x9  }
0xb2: {  	_ =	task.clear_ibuf [dreg:s7], $0x6FFFF;
	_ =	strace $0x90000055  }
0xb3: {  	s29 =	simm.s32 $0x9;
	_ =	strace $0x80000057  }
0xb4: {  	_ =	swait.ge [sflag:s29], $0x1  }
0xb5: {  	[sflag:s29] =	ssyncadd.s32 $0xFFFFFFFF  }
0xb6: {  	_ =	strace $0x90000057  }
0xb7: {  	_ =	sfence  }
0xb8: {  	s30 =	sld [smem:$0x0];
	_ =	sdelay $0x2  }
0xb9: {  	s31 =	sshll.u32 s1, $0xD;
	s1 =	sshrl.u32 s1, $0x2  }
0xba: {  	s3 =	sand.u32 $0x4000, s31;
	s1 =	sadd.s32 s1, s30  }
0xbb: {  	s0 =	sor.u32 s3, s0;
	s1 =	sshll.u32 s1, $0x11  }
0xbc: {  	s0 =	sor.u32 s1, s0  }
0xbd: {  	s0 =	sadd.s32 $0x8F2B, s0  }
0xbe: {  	[sflag:s0] =	ssyncadd.remote.s32 $0x1  }
0xbf: {  	_ =	sfence.sel $0xFFFF  }
0xc0: {  	[dreg:$0x0] =	wrdreg $0xFFFFFFFF;
	(pc) =	sbr.abs _section_cstart, $3  }
0xc1: {  	[dreg:$0x1] =	wrdreg $0xFFFFFFFF  }
0xc2: {  	_ =	task.clear_ibuf [dreg:s7], $0x2FFFF;
	_ =	strace $0x9FFFFFFF  }
0xc3: {  	(tm) =	ssettm $0x7FFFFFFF  }
tec
execute0_lowered:
.L_overlay_start_1:
0x0: {  	(tag) =	ssettag $0x1  }
0x1: {  	s0 =	rddreg [dreg:$0x0]  }
0x2: {  	s2 =	rddreg [dreg:$0x2];
	s1 =	srdreg.scid  }
0x3: {  	s5 =	simm.s32 $0x0;
	s3 =	stileid.u32;
	s21 =	simm.s32 $0x2800  }
0x4: {  	s22 =	simm.s32 $0x3;
	s23 =	simm.s32 $0x1400;
	s28 =	simm.s32 $0x2  }
0x5: {  	s29 =	simm.s32 $0x1380;
	s30 =	simm.s32 $0x2700;
	s8 =	smul.u32 $0x14000, s3  }
0x6: {  	s31 =	simm.s32 $0x2780;
	s1 =	sand.u32 $0x1, s1;
	s9 =	smul.u32 $0x50000, s3  }
0x7: {  	[smem:$0x7FF] =	sst s5;
	s5 =	sadd.s32 $0x2BC00, s0;
	s10 =	smul.u32 $0x28, s3  }
0x8: {  	s6 =	sadd.s32 $0x3C00, s0;
	s7 =	sadd.s32 $0x17C00, s0;
	s11 =	smul.u32 $0x118, s3  }
0x9: {  	s4 =	smul.u32 $0x140000, s1;
	_ =	strace $0x80000056;
	s24 =	ssub.s32 $0x2, s1  }
0xa: {  	p0 =	seq.s32 s1, $0x0;
	s25 =	sshrl.u32 s24, $0x1;
	s26 =	sshrl.u32 s9, $0x2  }
0xb: {  	s9 =	sadd.s32 $0x1180, s10;
	s4 =	sadd.s32 s8, s4;
	s8 =	sadd.s32 s26, s2  }
0xc: {  	s9 =	smov.u32 @p0 s11;
	p0 =	sne.s32 s1, $0x0;
	s26 =	simm.s32 $0x4800  }
0xd: {  	s4 =	sshrl.u32 s4, $0x3;
	s12 =	sadd.s32 $0x2000, s8;
	s13 =	sadd.s32 $0x4000, s8  }
0xe: {  	s14 =	sadd.s32 $0x6000, s8;
	s15 =	sadd.s32 $0x8000, s8;
	s16 =	sadd.s32 $0xA000, s8  }
0xf: {  	s17 =	sadd.s32 $0xC000, s8;
	s18 =	sadd.s32 $0xE000, s8;
	s19 =	sadd.s32 $0x10000, s8  }
0x10: {  	s20 =	sadd.s32 $0x12000, s8;
	s0 =	sadd.s32 s4, s0;
	s4 =	ssub.s32 s24, s25  }
0x11: {  	s24 =	simm.s32 $0x40;
	s25 =	simm.s32 $0x1;
	s0 =	sadd.s32 $0xCBC00, s0  }
0x12: {  	s11 =	smax.u32 s4, $0x1;
	[dreg:$0x4] =	wrdreg s0;
	s0 =	simm.s32 $0x0  }
.LBB2_1:
0x13: {  	s1 =	rddreg [dreg:$0x1];
	s3 =	simm.s32 $0x0  }
0x14: {  	[tilespmem:s21], [sflag:$0x3] =	stream.linear.gather [hbm4b:s1+s3], $0x2000, $0x38;
	[tilespmem:$0x1A800] =	vst v63  }
0x15: {  	_ =	swait.ge [sflag:s22], $0x2000  }
0x16: {  	[sflag:s22] =	ssyncset.done $0x0  }
0x17: {  	[sflag:s22] =	ssyncadd.s32 $0xFFFFE000  }
0x18: {  	[spmem:s8] =	stream.linear.scatter [tilespmem:s21], [sflag:$0x3], $0x2000, $0x38;
	[tilespmem:$0x1A800] =	vst v63  }
0x19: {  	_ =	swait.ge [sflag:s22], $0x2000  }
0x1a: {  	[sflag:s22] =	ssyncset.done $0x0  }
0x1b: {  	[sflag:s22] =	ssyncadd.s32 $0xFFFFE000  }
0x1c: {  	[spmem:s12] =	stream.linear.scatter [tilespmem:s21], [sflag:$0x3], $0x2000, $0x38;
	[tilespmem:$0x1A800] =	vst v63  }
0x1d: {  	_ =	swait.ge [sflag:s22], $0x2000  }
0x1e: {  	[sflag:s22] =	ssyncset.done $0x0  }
0x1f: {  	[sflag:s22] =	ssyncadd.s32 $0xFFFFE000  }
0x20: {  	[spmem:s13] =	stream.linear.scatter [tilespmem:s21], [sflag:$0x3], $0x2000, $0x38;
	[tilespmem:$0x1A800] =	vst v63  }
0x21: {  	_ =	swait.ge [sflag:s22], $0x2000  }
0x22: {  	[sflag:s22] =	ssyncset.done $0x0  }
0x23: {  	[sflag:s22] =	ssyncadd.s32 $0xFFFFE000  }
0x24: {  	[spmem:s14] =	stream.linear.scatter [tilespmem:s21], [sflag:$0x3], $0x2000, $0x38;
	[tilespmem:$0x1A800] =	vst v63  }
0x25: {  	_ =	swait.ge [sflag:s22], $0x2000  }
0x26: {  	[sflag:s22] =	ssyncset.done $0x0  }
0x27: {  	[sflag:s22] =	ssyncadd.s32 $0xFFFFE000  }
0x28: {  	[spmem:s15] =	stream.linear.scatter [tilespmem:s21], [sflag:$0x3], $0x2000, $0x38;
	[tilespmem:$0x1A800] =	vst v63  }
0x29: {  	_ =	swait.ge [sflag:s22], $0x2000  }
0x2a: {  	[sflag:s22] =	ssyncset.done $0x0  }
0x2b: {  	[sflag:s22] =	ssyncadd.s32 $0xFFFFE000  }
0x2c: {  	[spmem:s16] =	stream.linear.scatter [tilespmem:s21], [sflag:$0x3], $0x2000, $0x38;
	[tilespmem:$0x1A800] =	vst v63  }
0x2d: {  	_ =	swait.ge [sflag:s22], $0x2000  }
0x2e: {  	[sflag:s22] =	ssyncset.done $0x0  }
0x2f: {  	[sflag:s22] =	ssyncadd.s32 $0xFFFFE000  }
0x30: {  	[spmem:s17] =	stream.linear.scatter [tilespmem:s21], [sflag:$0x3], $0x2000, $0x38;
	[tilespmem:$0x1A800] =	vst v63  }
0x31: {  	_ =	swait.ge [sflag:s22], $0x2000  }
0x32: {  	[sflag:s22] =	ssyncset.done $0x0  }
0x33: {  	[sflag:s22] =	ssyncadd.s32 $0xFFFFE000  }
0x34: {  	[spmem:s18] =	stream.linear.scatter [tilespmem:s21], [sflag:$0x3], $0x2000, $0x38;
	[tilespmem:$0x1A800] =	vst v63  }
0x35: {  	_ =	swait.ge [sflag:s22], $0x2000  }
0x36: {  	[sflag:s22] =	ssyncset.done $0x0  }
0x37: {  	[sflag:s22] =	ssyncadd.s32 $0xFFFFE000  }
0x38: {  	[spmem:s19] =	stream.linear.scatter [tilespmem:s21], [sflag:$0x3], $0x2000, $0x38;
	[tilespmem:$0x1A800] =	vst v63  }
0x39: {  	_ =	swait.ge [sflag:s22], $0x2000  }
0x3a: {  	[sflag:s22] =	ssyncset.done $0x0  }
0x3b: {  	[sflag:s22] =	ssyncadd.s32 $0xFFFFE000  }
0x3c: {  	[spmem:s20] =	stream.linear.scatter [tilespmem:s21], [sflag:$0x3], $0x2000, $0x38;
	[tilespmem:$0x1A800] =	vst v63  }
0x3d: {  	_ =	swait.ge [sflag:s22], $0x2000  }
0x3e: {  	[sflag:s22] =	ssyncset.done $0x0  }
0x3f: {  	[sflag:s22] =	ssyncadd.s32 $0xFFFFE000  }
0x40: {  	s1 =	simm.s32 $0x0;
	[bflag:$0x0] =	sbarrier.arrive $0xFFFF  }
.LBB2_2:
0x41: {  	s4 =	smul.u32 $0x28, s1;
	_ =	sdelay $0x1  }
0x42: {  	s4 =	sadd.s32 s9, s4  }
0x43: {  	s4 =	sshll.u32 s4, $0x4  }
0x44: {  	s10 =	simm.s32 $0x0;
	s3 =	sadd.s32 s6, s4  }
0x45: {  	[tilespmem:s10], [sflag:$0x3] =	stream.linear.gather [hbm4b:s3+s10], $0x1400, $0x38;
	[tilespmem:$0x1A800] =	vst v63  }
0x46: {  	_ =	swait.ge [sflag:s22], $0x1400  }
0x47: {  	[sflag:s22] =	ssyncset.done $0x0  }
0x48: {  	s4 =	sadd.s32 s7, s4;
	[sflag:s22] =	ssyncadd.s32 $0xFFFFEC00  }
0x49: {  	[tilespmem:s23], [sflag:$0x3] =	stream.linear.gather [hbm4b:s4+s10], $0x1400, $0x38;
	[tilespmem:$0x1A800] =	vst v63  }
0x4a: {  	_ =	swait.ge [sflag:s22], $0x1400  }
0x4b: {  	[sflag:s22] =	ssyncset.done $0x0  }
0x4c: {  	[sflag:s22] =	ssyncadd.s32 $0xFFFFEC00  }
0x4d: {  	[tilespmem:s21], [sflag:$0x1] =	stream.indirect.gather [hbm4b:s5+s24], $0x80, s10, s24, $0xb8;
	[tilespmem:$0x1A800] =	vst v63  }
0x4e: {  	_ =	swait.ge [sflag:s25], $0x2000  }
0x4f: {  	[sflag:s25] =	ssyncset.done $0x0  }
0x50: {  	s4 =	simm.s32 $0x80;
	[sflag:s25] =	ssyncadd.s32 $0xFFFFE000  }
0x51: {  	[tilespmem:s26], [sflag:$0x2] =	stream.indirect.gather [hbm4b:s5+s24], $0x80, s4, s24, $0xb8;
	[tilespmem:$0x1A800] =	vst v63  }
0x52: {  	s10 =	simm.s32 $0x1400  }
0x53: {  	[spmem:s2] =	stream.indirect.scatter.add.f32 [tilespmem:s21], [sflag:$0x3], $0x80, s10, s24, $0xb8;
	[tilespmem:$0x1A800] =	vst v63  }
0x54: {  	_ =	swait.ge [sflag:s22], $0x2000  }
0x55: {  	[sflag:s22] =	ssyncset.done $0x0  }
0x56: {  	[sflag:s22] =	ssyncadd.s32 $0xFFFFE000  }
0x57: {  	_ =	swait.ge [sflag:s28], $0x2000  }
0x58: {  	[sflag:s28] =	ssyncset.done $0x0  }
0x59: {  	s4 =	simm.s32 $0x100;
	[sflag:s28] =	ssyncadd.s32 $0xFFFFE000  }
0x5a: {  	[tilespmem:s21], [sflag:$0x1] =	stream.indirect.gather [hbm4b:s5+s24], $0x80, s4, s24, $0xb8;
	[tilespmem:$0x1A800] =	vst v63  }
0x5b: {  	s10 =	simm.s32 $0x1480  }
0x5c: {  	[spmem:s2] =	stream.indirect.scatter.add.f32 [tilespmem:s26], [sflag:$0x3], $0x80, s10, s24, $0xb8;
	[tilespmem:$0x1A800] =	vst v63  }
0x5d: {  	_ =	swait.ge [sflag:s22], $0x2000  }
0x5e: {  	s4 =	simm.s32 $0x400;
	[sflag:s22] =	ssyncset.done $0x0  }
.LBB2_3:
0x5f: {  	p1 =	sne.s32 s4, $0x4800  }
0x60: {  	[sflag:s22] =	ssyncadd.s32 $0xFFFFE000;
	s3 =	smov.u32 s4;
	s4 =	sadd.s32 $0x400, s4  }
0x61: {  	_ = 	snop  }
0x62: {  	_ =	swait.ge [sflag:s25], $0x2000  }
0x63: {  	s3 =	sshra.s32 s3, $0x2;
	[sflag:s25] =	ssyncset.done $0x0  }
0x64: {  	s10 =	sadd.s32 $0x80, s3;
	[sflag:s25] =	ssyncadd.s32 $0xFFFFE000  }
0x65: {  	[tilespmem:s26], [sflag:$0x2] =	stream.indirect.gather [hbm4b:s5+s24], $0x80, s10, s24, $0xb8;
	[tilespmem:$0x1A800] =	vst v63  }
0x66: {  	s10 =	sadd.s32 $0x1400, s3  }
0x67: {  	[spmem:s2] =	stream.indirect.scatter.add.f32 [tilespmem:s21], [sflag:$0x3], $0x80, s10, s24, $0xb8;
	[tilespmem:$0x1A800] =	vst v63  }
0x68: {  	_ =	swait.ge [sflag:s22], $0x2000  }
0x69: {  	[sflag:s22] =	ssyncset.done $0x0  }
0x6a: {  	[sflag:s22] =	ssyncadd.s32 $0xFFFFE000  }
0x6b: {  	_ =	swait.ge [sflag:s28], $0x2000  }
0x6c: {  	[sflag:s28] =	ssyncset.done $0x0  }
0x6d: {  	s10 =	sadd.s32 $0x100, s3;
	[sflag:s28] =	ssyncadd.s32 $0xFFFFE000  }
0x6e: {  	[tilespmem:s21], [sflag:$0x1] =	stream.indirect.gather [hbm4b:s5+s24], $0x80, s10, s24, $0xb8;
	[tilespmem:$0x1A800] =	vst v63  }
.Ltmp0:
0x6f: {  	_ = 	snop;
	(pc) =	sbr.rel @p1 .LBB2_3-.Ltmp0, $4  }
0x70: {  	s3 =	sadd.s32 $0x1480, s3  }
0x71: {  	[spmem:s2] =	stream.indirect.scatter.add.f32 [tilespmem:s26], [sflag:$0x3], $0x80, s3, s24, $0xb8;
	[tilespmem:$0x1A800] =	vst v63  }
0x72: {  	_ =	swait.ge [sflag:s22], $0x2000  }
0x73: {  	[sflag:s22] =	ssyncset.done $0x0  }
0x74: {  	[sflag:s22] =	ssyncadd.s32 $0xFFFFE000  }
0x75: {  	_ =	swait.ge [sflag:s25], $0x2000  }
0x76: {  	[sflag:s25] =	ssyncset.done $0x0  }
0x77: {  	[sflag:s25] =	ssyncadd.s32 $0xFFFFE000  }
0x78: {  	[tilespmem:s26], [sflag:$0x2] =	stream.indirect.gather [hbm4b:s5+s24], $0x80, s29, s24, $0xb8;
	[tilespmem:$0x1A800] =	vst v63  }
0x79: {  	_ = 	snop  }
0x7a: {  	[spmem:s2] =	stream.indirect.scatter.add.f32 [tilespmem:s21], [sflag:$0x3], $0x80, s30, s24, $0xb8;
	[tilespmem:$0x1A800] =	vst v63  }
0x7b: {  	_ =	swait.ge [sflag:s22], $0x2000  }
0x7c: {  	[sflag:s22] =	ssyncset.done $0x0  }
0x7d: {  	[sflag:s22] =	ssyncadd.s32 $0xFFFFE000  }
0x7e: {  	p1 =	slt.u32 @!p0 s1, $0x6;
	_ =	swait.ge [sflag:s28], $0x2000  }
0x7f: {  	p1 =	por p0, !p1;
	[sflag:s28] =	ssyncset.done $0x0  }
.Ltmp1:
0x80: {  	[sflag:s28] =	ssyncadd.s32 $0xFFFFE000;
	(pc) =	sbr.rel @!p1 .LBB2_2-.Ltmp1, $4  }
0x81: {  	[spmem:s2] =	stream.indirect.scatter.add.f32 [tilespmem:s26], [sflag:$0x3], $0x80, s31, s24, $0xb8;
	[tilespmem:$0x1A800] =	vst v63  }
0x82: {  	_ =	swait.ge [sflag:s22], $0x2000  }
0x83: {  	[sflag:s22] =	ssyncset.done $0x0  }
0x84: {  	s1 =	sadd.s32 $0x1, s1;
	[sflag:s22] =	ssyncadd.s32 $0xFFFFE000  }
0x85: {  	s1 =	stileid.u32;
	[bflag:$0x0] =	sbarrier.arrive $0xFFFF;
	s0 =	sadd.s32 $0x1, s0  }
0x86: {  	s3 =	sshrl.u32 s8, $0x3;
	s1 =	sshll.u32 s1, $0x6;
	p1 =	sne.s32 s0, s11  }
.Ltmp2:
0x87: {  	s4 =	rddreg [dreg:$0x4];
	s1 =	sor.u32 $0x1C03, s1;
	(pc) =	sbr.rel @p1 .LBB2_1-.Ltmp2, $4  }
0x88: {  	[hbm:s4], [sflag:s1] =	dma.local [spmem:s3], $0x2800  }
0x89: {  	_ =	swait.ge [sflag:s22], $0x2800  }
0x8a: {  	[sflag:s22] =	ssyncset.done $0x0  }
0x8b: {  	[sflag:s22] =	ssyncadd.s32 $0xFFFFD800  }
0x8c: {  	_ =	sfence.sel $0x180000  }
0x8d: {  	[bflag:$0x0] =	sbarrier.arrive $0xFFFF  }
0x8e: {  	_ =	strace $0x90000056  }
0x8f: {  	s0 =	stileid.u32;
	[bflag:$0x2] =	sbarrier.arrive $0xFFFF  }
0x90: {  	p0 =	sne.s32 s0, $0x0;
	s0 =	rddreg [dreg:$0x3]  }
0x91: {  	s0 =	sadd.s32 @!p0 $0x100000, s0  }
0x92: {  	[sflag:s0] =	ssyncadd.tile.s32 @!p0 $0x1;
	_ =	shalt  }
.Lfunc_end2:
_tile_overlayer_lowered:
.L_overlay_start_2:
0x93: {  	(tag) =	ssettag $0x2  }
0x94: {  	s0 =	rddreg [dreg:$0x0];
	s2 =	stileid.u32  }
0x95: {  	s1 =	rddreg [dreg:$0x1];
	p0 =	sne.s32 s2, $0x0  }
0x96: {  	s3 =	rddreg [dreg:$0x2];
	[bflag:$0x3] =	sbarrier.arrive $0xFFFF;
	s2 =	simm.s32 @!p0 $0x1C03  }
0x97: {  	[timem:s3], [sflag:s2] =	dma.local @!p0 [hbm:s0], s1  }
0x98: {  	s0 =	simm.s32 @!p0 $0x3  }
0x99: {  	_ =	swait.ge @!p0 [sflag:s0], s1  }
0x9a: {  	s1 =	ssub.s32 @!p0 $0x0, s1;
	[sflag:s0] =	ssyncset.done @!p0 $0x0  }
0x9b: {  	[sflag:s0] =	ssyncadd.s32 @!p0 s1  }
0x9c: {  	[bflag:$0x3] =	sbarrier.arrive $0xFFFF  }
0x9d: {  	_ =	shalt  }

</sc_bundles>
